<compile_context>
chip_gen: v7x
topology: tpu7x:2x2x1
jax: 0.10.2.dev20260603
libtpu: 0.0.44.dev20260713+nightly
codegen_flags: <defaults>
</compile_context>

<pallas_src>
import functools

import jax
import jax.numpy as jnp
from jax import lax
from jax.experimental import pallas as pl
from jax.experimental.pallas import tpu as pltpu
from jax.experimental.pallas import tpu_sc as plsc

N_REAL = 10000
N_PAD = 10240
D = 128
E = 320000
NC = 2
NS = 16
NW = NC * NS
CHUNK = 128
CPT = 80
E_PAD = NW * CPT * CHUNK
RPT = N_PAD // NS
ZR = 64
BLK = 1024

_MESH = plsc.VectorSubcoreMesh(core_axis_name="c", subcore_axis_name="s")


G2 = 8


@functools.partial(
    pl.kernel,
    mesh=_MESH,
    out_type=jax.ShapeDtypeStruct((NC * N_PAD, D), jnp.float32),
    scratch_types=[
        pltpu.VMEM((G2, CHUNK), jnp.int32),
        pltpu.VMEM((CHUNK, D), jnp.float32),
        pltpu.VMEM((ZR, D), jnp.float32),
        pltpu.VMEM_SHARED((N_PAD, D), jnp.float32),
        pltpu.SemaphoreType.DMA,
        pltpu.SemaphoreType.DMA,
    ],
)
def _deg_kernel(dst_hbm, ones_hbm, zeros_hbm, out_hbm,
                dstg, ones_v, zbuf, acc_sh, ss0, ss1):
    c = lax.axis_index("c")
    s = lax.axis_index("s")
    wid = s * NC + c
    base = s * RPT
    half = G2 // 2

    pltpu.sync_copy(ones_hbm, ones_v)
    pltpu.sync_copy(zeros_hbm, zbuf)
    for k in range(RPT // ZR):
        pltpu.sync_copy(zbuf, acc_sh.at[pl.ds(base + k * ZR, ZR)])
    plsc.subcore_barrier()

    def pair(j, _):
        @pl.when(j > 0)
        def _():
            pltpu.make_async_copy(ones_v, acc_sh.at[dstg.at[0]], ss0).wait()
            pltpu.make_async_copy(ones_v, acc_sh.at[dstg.at[1]], ss1).wait()

        @pl.when(j % half == 0)
        def _():
            row0 = wid * CPT + (j // half) * G2
            pltpu.sync_copy(dst_hbm.at[pl.ds(row0, G2)], dstg)

        r0 = (2 * j) % G2
        r1 = r0 + 1
        pltpu.async_copy(ones_v, acc_sh.at[dstg.at[r0]], ss0, add=True)
        pltpu.async_copy(ones_v, acc_sh.at[dstg.at[r1]], ss1, add=True)
        return 0

    lax.fori_loop(0, CPT // 2, pair, 0)
    pltpu.make_async_copy(ones_v, acc_sh.at[dstg.at[0]], ss0).wait()
    pltpu.make_async_copy(ones_v, acc_sh.at[dstg.at[1]], ss1).wait()
    plsc.subcore_barrier()
    for k in range(RPT // ZR):
        pltpu.sync_copy(acc_sh.at[pl.ds(base + k * ZR, ZR)], zbuf)
        pltpu.sync_copy(zbuf, out_hbm.at[pl.ds(c * N_PAD + base + k * ZR, ZR)])


@functools.partial(
    pl.kernel,
    mesh=_MESH,
    out_type=jax.ShapeDtypeStruct((NC * N_PAD, D), jnp.float32),
    scratch_types=[
        pltpu.VMEM((G2, CHUNK), jnp.int32),
        pltpu.VMEM((G2, CHUNK), jnp.int32),
        pltpu.VMEM((CHUNK, D), jnp.float32),
        pltpu.VMEM((CHUNK, D), jnp.float32),
        pltpu.VMEM((ZR, D), jnp.float32),
        pltpu.VMEM_SHARED((N_PAD, D), jnp.float32),
        pltpu.SemaphoreType.DMA,
        pltpu.SemaphoreType.DMA,
        pltpu.SemaphoreType.DMA,
        pltpu.SemaphoreType.DMA,
    ],
)
def _prop_kernel(g_hbm, src_hbm, dst_hbm, zeros_hbm, out_hbm,
                 srcg, dstg, buf0, buf1, zbuf,
                 acc_sh, gs0, gs1, ss0, ss1):
    c = lax.axis_index("c")
    s = lax.axis_index("s")
    wid = s * NC + c
    base = s * RPT
    half = G2 // 2

    pltpu.sync_copy(zeros_hbm, zbuf)
    for k in range(RPT // ZR):
        pltpu.sync_copy(zbuf, acc_sh.at[pl.ds(base + k * ZR, ZR)])
    plsc.subcore_barrier()

    def pair(j, _):
        @pl.when(j > 0)
        def _():
            pltpu.make_async_copy(buf0, acc_sh.at[dstg.at[0]], ss0).wait()
            pltpu.make_async_copy(buf1, acc_sh.at[dstg.at[1]], ss1).wait()

        @pl.when(j % half == 0)
        def _():
            row0 = wid * CPT + (j // half) * G2
            pltpu.sync_copy(src_hbm.at[pl.ds(row0, G2)], srcg)
            pltpu.sync_copy(dst_hbm.at[pl.ds(row0, G2)], dstg)

        r0 = (2 * j) % G2
        r1 = r0 + 1
        h0 = pltpu.async_copy(g_hbm.at[srcg.at[r0]], buf0, gs0)
        h1 = pltpu.async_copy(g_hbm.at[srcg.at[r1]], buf1, gs1)
        h0.wait()
        pltpu.async_copy(buf0, acc_sh.at[dstg.at[r0]], ss0, add=True)
        h1.wait()
        pltpu.async_copy(buf1, acc_sh.at[dstg.at[r1]], ss1, add=True)
        return 0

    lax.fori_loop(0, CPT // 2, pair, 0)
    pltpu.make_async_copy(buf0, acc_sh.at[dstg.at[0]], ss0).wait()
    pltpu.make_async_copy(buf1, acc_sh.at[dstg.at[1]], ss1).wait()
    plsc.subcore_barrier()
    for k in range(RPT // ZR):
        pltpu.sync_copy(acc_sh.at[pl.ds(base + k * ZR, ZR)], zbuf)
        pltpu.sync_copy(zbuf, out_hbm.at[pl.ds(c * N_PAD + base + k * ZR, ZR)])


def _stage_a(x_pad, deg, W1):
    def body(x_ref, deg_ref, w_ref, g_ref, dinv_ref):
        i = pl.program_id(0)
        deg_tot = deg_ref[0, :, 0:1] + deg_ref[1, :, 0:1] + 1.0
        rows = i * BLK + lax.broadcasted_iota(jnp.int32, (BLK, 1), 0)
        dinv = jnp.where(rows < N_REAL, lax.rsqrt(deg_tot), 0.0)
        g_ref[...] = jnp.dot(x_ref[...], w_ref[...],
                             preferred_element_type=jnp.float32) * dinv
        dinv_ref[...] = dinv

    return pl.pallas_call(
        body,
        grid=(N_PAD // BLK,),
        in_specs=[
            pl.BlockSpec((BLK, D), lambda i: (i, 0)),
            pl.BlockSpec((NC, BLK, D), lambda i: (0, i, 0)),
            pl.BlockSpec((D, D), lambda i: (0, 0)),
        ],
        out_specs=[
            pl.BlockSpec((BLK, D), lambda i: (i, 0)),
            pl.BlockSpec((BLK, 1), lambda i: (i, 0)),
        ],
        out_shape=[
            jax.ShapeDtypeStruct((N_PAD, D), jnp.float32),
            jax.ShapeDtypeStruct((N_PAD, 1), jnp.float32),
        ],
    )(x_pad, deg, W1)


def _stage_c(acc, g1, dinv, b1, W2):
    def body(acc_ref, g_ref, dinv_ref, b_ref, w_ref, out_ref):
        dv = dinv_ref[...]
        t = jnp.tanh((acc_ref[0] + acc_ref[1] + g_ref[...]) * dv + b_ref[...])
        out_ref[...] = jnp.dot(t, w_ref[...],
                               preferred_element_type=jnp.float32) * dv

    return pl.pallas_call(
        body,
        grid=(N_PAD // BLK,),
        in_specs=[
            pl.BlockSpec((NC, BLK, D), lambda i: (0, i, 0)),
            pl.BlockSpec((BLK, D), lambda i: (i, 0)),
            pl.BlockSpec((BLK, 1), lambda i: (i, 0)),
            pl.BlockSpec((1, D), lambda i: (0, 0)),
            pl.BlockSpec((D, D), lambda i: (0, 0)),
        ],
        out_specs=pl.BlockSpec((BLK, D), lambda i: (i, 0)),
        out_shape=jax.ShapeDtypeStruct((N_PAD, D), jnp.float32),
    )(acc, g1, dinv, b1, W2)


def _head(acc, g2, dinv, b2, Wf1, bf1, Wf2, bf2):
    def body(acc_ref, g_ref, dinv_ref, b2_ref, wf1_ref, bf1_ref,
             wf2_ref, bf2_ref, out_ref):
        dv = dinv_ref[...]
        t = jnp.tanh((acc_ref[0] + acc_ref[1] + g_ref[...]) * dv + b2_ref[...])
        f = jnp.tanh(jnp.dot(t, wf1_ref[...],
                             preferred_element_type=jnp.float32) + bf1_ref[...])
        out_ref[...] = jnp.dot(f, wf2_ref[...],
                               preferred_element_type=jnp.float32) + bf2_ref[...]

    return pl.pallas_call(
        body,
        grid=(N_PAD // BLK,),
        in_specs=[
            pl.BlockSpec((NC, BLK, D), lambda i: (0, i, 0)),
            pl.BlockSpec((BLK, D), lambda i: (i, 0)),
            pl.BlockSpec((BLK, 1), lambda i: (i, 0)),
            pl.BlockSpec((1, D), lambda i: (0, 0)),
            pl.BlockSpec((D, 64), lambda i: (0, 0)),
            pl.BlockSpec((1, 64), lambda i: (0, 0)),
            pl.BlockSpec((64, 1), lambda i: (0, 0)),
            pl.BlockSpec((1, 1), lambda i: (0, 0)),
        ],
        out_specs=pl.BlockSpec((BLK, 1), lambda i: (i, 0)),
        out_shape=jax.ShapeDtypeStruct((N_PAD, 1), jnp.float32),
    )(acc, g2, dinv, b2, Wf1, bf1, Wf2, bf2)


def kernel(x, edge_index, W1, b1, W2, b2, Wf1, bf1, Wf2, bf2):
    ei = edge_index.astype(jnp.int32)
    pad_idx = N_REAL + (jnp.arange(E_PAD - E, dtype=jnp.int32) % (N_PAD - N_REAL))
    src = jnp.concatenate([ei[0], pad_idx])
    dst = jnp.concatenate([ei[1], pad_idx])
    x_pad = jnp.pad(x, ((0, N_PAD - N_REAL), (0, 0)))
    ones128 = jnp.ones((CHUNK, D), jnp.float32)
    zerosd = jnp.zeros((ZR, D), jnp.float32)

    src2 = src.reshape(E_PAD // CHUNK, CHUNK)
    dst2 = dst.reshape(E_PAD // CHUNK, CHUNK)

    deg = _deg_kernel(dst2, ones128, zerosd).reshape(NC, N_PAD, D)
    g1, dinv = _stage_a(x_pad, deg, W1)
    acc1 = _prop_kernel(g1, src2, dst2, zerosd).reshape(NC, N_PAD, D)
    g2 = _stage_c(acc1, g1, dinv, b1.reshape(1, D), W2)
    acc2 = _prop_kernel(g2, src2, dst2, zerosd).reshape(NC, N_PAD, D)
    out = _head(acc2, g2, dinv, b2.reshape(1, D),
                Wf1, bf1.reshape(1, 64), Wf2, bf2.reshape(1, 1))
    return out[:N_REAL]

# --- scband reference (transcript-rebuilt; emitter-appended) ---
"""Pipeline reference for scband-brain-gcn-8289286882026 (READ-ONLY COPY).

The authoritative reference and input builder live on the scoring server;
editing this copy changes nothing except your own understanding.
"""

import jax, jax.numpy as jnp
import numpy as np

N_NODES = 10000
N_EDGES = 320000
D_FEAT = 128


def setup_inputs(seed: int = 0) -> dict:
    key = jax.random.key(seed)
    ks = jax.random.split(key, 12)
    x = jax.random.normal(ks[0], (N_NODES, D_FEAT), dtype=jnp.float32)
    edge_index = jax.random.randint(ks[1], (2, N_EDGES), 0, N_NODES, dtype=jnp.int64)
    # GCNConv layer 1: 128 -> 128
    W1 = jax.random.normal(ks[2], (D_FEAT, 128), dtype=jnp.float32) * 0.05
    b1 = jnp.zeros((128,), dtype=jnp.float32)
    # GCNConv layer 2: 128 -> 128
    W2 = jax.random.normal(ks[3], (128, 128), dtype=jnp.float32) * 0.05
    b2 = jnp.zeros((128,), dtype=jnp.float32)
    # FC layer 1: 128 -> 64 (tanh)
    Wf1 = jax.random.normal(ks[4], (128, 64), dtype=jnp.float32) * 0.05
    bf1 = jnp.zeros((64,), dtype=jnp.float32)
    # FC layer 2 (final, no activation): 64 -> 1
    Wf2 = jax.random.normal(ks[5], (64, 1), dtype=jnp.float32) * 0.05
    bf2 = jnp.zeros((1,), dtype=jnp.float32)
    return {
        "x": x, "edge_index": edge_index,
        "W1": W1, "b1": b1, "W2": W2, "b2": b2,
        "Wf1": Wf1, "bf1": bf1, "Wf2": Wf2, "bf2": bf2,
    }


def _gcn_conv(x, edge_index, W, b, num_nodes):
    # PyG GCNConv: x' = D^{-1/2} (A + I) D^{-1/2} X W + b
    h = x @ W
    src = edge_index[0]
    dst = edge_index[1]
    loops = jnp.arange(num_nodes, dtype=edge_index.dtype)
    src = jnp.concatenate([src, loops])
    dst = jnp.concatenate([dst, loops])
    deg = jnp.zeros((num_nodes,), dtype=h.dtype).at[dst].add(1.0)
    dinv = jnp.where(deg > 0, deg ** -0.5, 0.0)
    norm = dinv[src] * dinv[dst]
    msg = h[src] * norm[:, None]
    out = jnp.zeros_like(h).at[dst].add(msg)
    return out + b


def reference(x, edge_index, W1, b1, W2, b2, Wf1, bf1, Wf2, bf2):
    n = x.shape[0]
    h = jnp.tanh(_gcn_conv(x, edge_index, W1, b1, n))
    h = jnp.tanh(_gcn_conv(h, edge_index, W2, b2, n))
    # fc layers: all but last get tanh
    h = jnp.tanh(h @ Wf1 + bf1)
    out = h @ Wf2 + bf2
    return out

if __name__ == "__main__":
    import jax
    _d = setup_inputs()
    print(jax.jit(kernel)(*tuple(_d.values())))

</pallas_src>

<mosaic_0001>
#map = affine_map<(d0, d1) -> (0, 0)>
module attributes {stable_mosaic.version = 14 : i64} {
  func.func @_prop_kernel(%arg0: i32, %arg1: i32, %arg2: memref<10240x128xf32, #tpu.memory_space<hbm>>, %arg3: memref<2560x128xi32, #tpu.memory_space<hbm>>, %arg4: memref<2560x128xi32, #tpu.memory_space<hbm>>, %arg5: memref<64x128xf32, #tpu.memory_space<hbm>>, %arg6: memref<20480x128xf32, #tpu.memory_space<hbm>>, %arg7: memref<8x128xi32, #tpu.memory_space<vmem>>, %arg8: memref<8x128xi32, #tpu.memory_space<vmem>>, %arg9: memref<128x128xf32, #tpu.memory_space<vmem>>, %arg10: memref<128x128xf32, #tpu.memory_space<vmem>>, %arg11: memref<64x128xf32, #tpu.memory_space<vmem>>, %arg12: memref<10240x128xf32, #tpu.memory_space<vmem_shared>>, %arg13: memref<!tpu.dma_semaphore, #tpu.memory_space<semaphore_mem>>, %arg14: memref<!tpu.dma_semaphore, #tpu.memory_space<semaphore_mem>>, %arg15: memref<!tpu.dma_semaphore, #tpu.memory_space<semaphore_mem>>, %arg16: memref<!tpu.dma_semaphore, #tpu.memory_space<semaphore_mem>>) attributes {dimension_semantics = [#tpu.dimension_semantics<core_parallel>, #tpu.dimension_semantics<subcore_parallel>], iteration_bounds = array<i64: 2, 16>, scalar_prefetch = 0 : i64, scratch_operands = 10 : i64, tpu.core_type = #tpu.core_type<sc_vector_subcore>, window_params = [{transform_indices = #map}, {transform_indices = #map}, {transform_indices = #map}, {transform_indices = #map}, {transform_indices = #map}]} {
    %mul3A = arith.constant 2 : i32
    %mul3A_0 = arith.muli %arg1, %mul3A : i32
    %add3A = arith.addi %mul3A_0, %arg0 : i32
    %mul3A_1 = arith.constant 640 : i32
    %mul3A_2 = arith.muli %arg1, %mul3A_1 : i32
    "tpu.region"() ({
      %run_scoped3A = tpu.sem_alloc : memref<!tpu.dma_semaphore, #tpu.memory_space<semaphore_mem>>
      tpu.enqueue_dma source(%arg5 : memref<64x128xf32, #tpu.memory_space<hbm>>) target(%arg11 : memref<64x128xf32, #tpu.memory_space<vmem>>) target_semaphore(%run_scoped3A : memref<!tpu.dma_semaphore, #tpu.memory_space<semaphore_mem>>)
      tpu.wait_dma2 semaphore(%run_scoped3A : memref<!tpu.dma_semaphore, #tpu.memory_space<semaphore_mem>>) src(%arg5 : memref<64x128xf32, #tpu.memory_space<hbm>>) dst(%arg11 : memref<64x128xf32, #tpu.memory_space<vmem>>)
      tpu.yield
    }) : () -> ()
    %add3A_3 = arith.constant 0 : i32
    %add3A_4 = arith.addi %mul3A_2, %add3A_3 : i32
    "tpu.region"() ({
      %run_scoped3A = tpu.sem_alloc : memref<!tpu.dma_semaphore, #tpu.memory_space<semaphore_mem>>
      %dma_start3A = arith.constant 0 : i32
      %dma_start3A_113 = tpu.memref_slice %arg12[%add3A_4, %dma_start3A] : memref<10240x128xf32, #tpu.memory_space<vmem_shared>> -> memref<64x128xf32, #tpu.memory_space<vmem_shared>>
      %dma_start3A_114 = arith.constant 0 : i32
      %dma_start3A_115 = tpu.memref_slice %arg12[%add3A_4, %dma_start3A_114] : memref<10240x128xf32, #tpu.memory_space<vmem_shared>> -> memref<64x128xf32, #tpu.memory_space<vmem_shared>>
      tpu.enqueue_dma source(%arg11 : memref<64x128xf32, #tpu.memory_space<vmem>>) target(%dma_start3A_115 : memref<64x128xf32, #tpu.memory_space<vmem_shared>>) target_semaphore(%run_scoped3A : memref<!tpu.dma_semaphore, #tpu.memory_space<semaphore_mem>>)
      %dma_wait3A_116 = arith.constant 0 : i32
      %dma_wait3A_117 = tpu.memref_slice %arg12[%add3A_4, %dma_wait3A_116] : memref<10240x128xf32, #tpu.memory_space<vmem_shared>> -> memref<64x128xf32, #tpu.memory_space<vmem_shared>>
      %dma_wait3A_118 = arith.constant 0 : i32
      %dma_wait3A_119 = tpu.memref_slice %arg12[%add3A_4, %dma_wait3A_118] : memref<10240x128xf32, #tpu.memory_space<vmem_shared>> -> memref<64x128xf32, #tpu.memory_space<vmem_shared>>
      tpu.wait_dma2 semaphore(%run_scoped3A : memref<!tpu.dma_semaphore, #tpu.memory_space<semaphore_mem>>) src(%arg11 : memref<64x128xf32, #tpu.memory_space<vmem>>) dst(%dma_wait3A_119 : memref<64x128xf32, #tpu.memory_space<vmem_shared>>)
      tpu.yield
    }) : () -> ()
    %add3A_5 = arith.constant 64 : i32
    %add3A_6 = arith.addi %mul3A_2, %add3A_5 : i32
    "tpu.region"() ({
      %run_scoped3A = tpu.sem_alloc : memref<!tpu.dma_semaphore, #tpu.memory_space<semaphore_mem>>
      %dma_start3A = arith.constant 0 : i32
      %dma_start3A_113 = tpu.memref_slice %arg12[%add3A_6, %dma_start3A] : memref<10240x128xf32, #tpu.memory_space<vmem_shared>> -> memref<64x128xf32, #tpu.memory_space<vmem_shared>>
      %dma_start3A_114 = arith.constant 0 : i32
      %dma_start3A_115 = tpu.memref_slice %arg12[%add3A_6, %dma_start3A_114] : memref<10240x128xf32, #tpu.memory_space<vmem_shared>> -> memref<64x128xf32, #tpu.memory_space<vmem_shared>>
      tpu.enqueue_dma source(%arg11 : memref<64x128xf32, #tpu.memory_space<vmem>>) target(%dma_start3A_115 : memref<64x128xf32, #tpu.memory_space<vmem_shared>>) target_semaphore(%run_scoped3A : memref<!tpu.dma_semaphore, #tpu.memory_space<semaphore_mem>>)
      %dma_wait3A_116 = arith.constant 0 : i32
      %dma_wait3A_117 = tpu.memref_slice %arg12[%add3A_6, %dma_wait3A_116] : memref<10240x128xf32, #tpu.memory_space<vmem_shared>> -> memref<64x128xf32, #tpu.memory_space<vmem_shared>>
      %dma_wait3A_118 = arith.constant 0 : i32
      %dma_wait3A_119 = tpu.memref_slice %arg12[%add3A_6, %dma_wait3A_118] : memref<10240x128xf32, #tpu.memory_space<vmem_shared>> -> memref<64x128xf32, #tpu.memory_space<vmem_shared>>
      tpu.wait_dma2 semaphore(%run_scoped3A : memref<!tpu.dma_semaphore, #tpu.memory_space<semaphore_mem>>) src(%arg11 : memref<64x128xf32, #tpu.memory_space<vmem>>) dst(%dma_wait3A_119 : memref<64x128xf32, #tpu.memory_space<vmem_shared>>)
      tpu.yield
    }) : () -> ()
    %add3A_7 = arith.constant 128 : i32
    %add3A_8 = arith.addi %mul3A_2, %add3A_7 : i32
    "tpu.region"() ({
      %run_scoped3A = tpu.sem_alloc : memref<!tpu.dma_semaphore, #tpu.memory_space<semaphore_mem>>
      %dma_start3A = arith.constant 0 : i32
      %dma_start3A_113 = tpu.memref_slice %arg12[%add3A_8, %dma_start3A] : memref<10240x128xf32, #tpu.memory_space<vmem_shared>> -> memref<64x128xf32, #tpu.memory_space<vmem_shared>>
      %dma_start3A_114 = arith.constant 0 : i32
      %dma_start3A_115 = tpu.memref_slice %arg12[%add3A_8, %dma_start3A_114] : memref<10240x128xf32, #tpu.memory_space<vmem_shared>> -> memref<64x128xf32, #tpu.memory_space<vmem_shared>>
      tpu.enqueue_dma source(%arg11 : memref<64x128xf32, #tpu.memory_space<vmem>>) target(%dma_start3A_115 : memref<64x128xf32, #tpu.memory_space<vmem_shared>>) target_semaphore(%run_scoped3A : memref<!tpu.dma_semaphore, #tpu.memory_space<semaphore_mem>>)
      %dma_wait3A_116 = arith.constant 0 : i32
      %dma_wait3A_117 = tpu.memref_slice %arg12[%add3A_8, %dma_wait3A_116] : memref<10240x128xf32, #tpu.memory_space<vmem_shared>> -> memref<64x128xf32, #tpu.memory_space<vmem_shared>>
      %dma_wait3A_118 = arith.constant 0 : i32
      %dma_wait3A_119 = tpu.memref_slice %arg12[%add3A_8, %dma_wait3A_118] : memref<10240x128xf32, #tpu.memory_space<vmem_shared>> -> memref<64x128xf32, #tpu.memory_space<vmem_shared>>
      tpu.wait_dma2 semaphore(%run_scoped3A : memref<!tpu.dma_semaphore, #tpu.memory_space<semaphore_mem>>) src(%arg11 : memref<64x128xf32, #tpu.memory_space<vmem>>) dst(%dma_wait3A_119 : memref<64x128xf32, #tpu.memory_space<vmem_shared>>)
      tpu.yield
    }) : () -> ()
    %add3A_9 = arith.constant 192 : i32
    %add3A_10 = arith.addi %mul3A_2, %add3A_9 : i32
    "tpu.region"() ({
      %run_scoped3A = tpu.sem_alloc : memref<!tpu.dma_semaphore, #tpu.memory_space<semaphore_mem>>
      %dma_start3A = arith.constant 0 : i32
      %dma_start3A_113 = tpu.memref_slice %arg12[%add3A_10, %dma_start3A] : memref<10240x128xf32, #tpu.memory_space<vmem_shared>> -> memref<64x128xf32, #tpu.memory_space<vmem_shared>>
      %dma_start3A_114 = arith.constant 0 : i32
      %dma_start3A_115 = tpu.memref_slice %arg12[%add3A_10, %dma_start3A_114] : memref<10240x128xf32, #tpu.memory_space<vmem_shared>> -> memref<64x128xf32, #tpu.memory_space<vmem_shared>>
      tpu.enqueue_dma source(%arg11 : memref<64x128xf32, #tpu.memory_space<vmem>>) target(%dma_start3A_115 : memref<64x128xf32, #tpu.memory_space<vmem_shared>>) target_semaphore(%run_scoped3A : memref<!tpu.dma_semaphore, #tpu.memory_space<semaphore_mem>>)
      %dma_wait3A_116 = arith.constant 0 : i32
      %dma_wait3A_117 = tpu.memref_slice %arg12[%add3A_10, %dma_wait3A_116] : memref<10240x128xf32, #tpu.memory_space<vmem_shared>> -> memref<64x128xf32, #tpu.memory_space<vmem_shared>>
      %dma_wait3A_118 = arith.constant 0 : i32
      %dma_wait3A_119 = tpu.memref_slice %arg12[%add3A_10, %dma_wait3A_118] : memref<10240x128xf32, #tpu.memory_space<vmem_shared>> -> memref<64x128xf32, #tpu.memory_space<vmem_shared>>
      tpu.wait_dma2 semaphore(%run_scoped3A : memref<!tpu.dma_semaphore, #tpu.memory_space<semaphore_mem>>) src(%arg11 : memref<64x128xf32, #tpu.memory_space<vmem>>) dst(%dma_wait3A_119 : memref<64x128xf32, #tpu.memory_space<vmem_shared>>)
      tpu.yield
    }) : () -> ()
    %add3A_11 = arith.constant 256 : i32
    %add3A_12 = arith.addi %mul3A_2, %add3A_11 : i32
    "tpu.region"() ({
      %run_scoped3A = tpu.sem_alloc : memref<!tpu.dma_semaphore, #tpu.memory_space<semaphore_mem>>
      %dma_start3A = arith.constant 0 : i32
      %dma_start3A_113 = tpu.memref_slice %arg12[%add3A_12, %dma_start3A] : memref<10240x128xf32, #tpu.memory_space<vmem_shared>> -> memref<64x128xf32, #tpu.memory_space<vmem_shared>>
      %dma_start3A_114 = arith.constant 0 : i32
      %dma_start3A_115 = tpu.memref_slice %arg12[%add3A_12, %dma_start3A_114] : memref<10240x128xf32, #tpu.memory_space<vmem_shared>> -> memref<64x128xf32, #tpu.memory_space<vmem_shared>>
      tpu.enqueue_dma source(%arg11 : memref<64x128xf32, #tpu.memory_space<vmem>>) target(%dma_start3A_115 : memref<64x128xf32, #tpu.memory_space<vmem_shared>>) target_semaphore(%run_scoped3A : memref<!tpu.dma_semaphore, #tpu.memory_space<semaphore_mem>>)
      %dma_wait3A_116 = arith.constant 0 : i32
      %dma_wait3A_117 = tpu.memref_slice %arg12[%add3A_12, %dma_wait3A_116] : memref<10240x128xf32, #tpu.memory_space<vmem_shared>> -> memref<64x128xf32, #tpu.memory_space<vmem_shared>>
      %dma_wait3A_118 = arith.constant 0 : i32
      %dma_wait3A_119 = tpu.memref_slice %arg12[%add3A_12, %dma_wait3A_118] : memref<10240x128xf32, #tpu.memory_space<vmem_shared>> -> memref<64x128xf32, #tpu.memory_space<vmem_shared>>
      tpu.wait_dma2 semaphore(%run_scoped3A : memref<!tpu.dma_semaphore, #tpu.memory_space<semaphore_mem>>) src(%arg11 : memref<64x128xf32, #tpu.memory_space<vmem>>) dst(%dma_wait3A_119 : memref<64x128xf32, #tpu.memory_space<vmem_shared>>)
      tpu.yield
    }) : () -> ()
    %add3A_13 = arith.constant 320 : i32
    %add3A_14 = arith.addi %mul3A_2, %add3A_13 : i32
    "tpu.region"() ({
      %run_scoped3A = tpu.sem_alloc : memref<!tpu.dma_semaphore, #tpu.memory_space<semaphore_mem>>
      %dma_start3A = arith.constant 0 : i32
      %dma_start3A_113 = tpu.memref_slice %arg12[%add3A_14, %dma_start3A] : memref<10240x128xf32, #tpu.memory_space<vmem_shared>> -> memref<64x128xf32, #tpu.memory_space<vmem_shared>>
      %dma_start3A_114 = arith.constant 0 : i32
      %dma_start3A_115 = tpu.memref_slice %arg12[%add3A_14, %dma_start3A_114] : memref<10240x128xf32, #tpu.memory_space<vmem_shared>> -> memref<64x128xf32, #tpu.memory_space<vmem_shared>>
      tpu.enqueue_dma source(%arg11 : memref<64x128xf32, #tpu.memory_space<vmem>>) target(%dma_start3A_115 : memref<64x128xf32, #tpu.memory_space<vmem_shared>>) target_semaphore(%run_scoped3A : memref<!tpu.dma_semaphore, #tpu.memory_space<semaphore_mem>>)
      %dma_wait3A_116 = arith.constant 0 : i32
      %dma_wait3A_117 = tpu.memref_slice %arg12[%add3A_14, %dma_wait3A_116] : memref<10240x128xf32, #tpu.memory_space<vmem_shared>> -> memref<64x128xf32, #tpu.memory_space<vmem_shared>>
      %dma_wait3A_118 = arith.constant 0 : i32
      %dma_wait3A_119 = tpu.memref_slice %arg12[%add3A_14, %dma_wait3A_118] : memref<10240x128xf32, #tpu.memory_space<vmem_shared>> -> memref<64x128xf32, #tpu.memory_space<vmem_shared>>
      tpu.wait_dma2 semaphore(%run_scoped3A : memref<!tpu.dma_semaphore, #tpu.memory_space<semaphore_mem>>) src(%arg11 : memref<64x128xf32, #tpu.memory_space<vmem>>) dst(%dma_wait3A_119 : memref<64x128xf32, #tpu.memory_space<vmem_shared>>)
      tpu.yield
    }) : () -> ()
    %add3A_15 = arith.constant 384 : i32
    %add3A_16 = arith.addi %mul3A_2, %add3A_15 : i32
    "tpu.region"() ({
      %run_scoped3A = tpu.sem_alloc : memref<!tpu.dma_semaphore, #tpu.memory_space<semaphore_mem>>
      %dma_start3A = arith.constant 0 : i32
      %dma_start3A_113 = tpu.memref_slice %arg12[%add3A_16, %dma_start3A] : memref<10240x128xf32, #tpu.memory_space<vmem_shared>> -> memref<64x128xf32, #tpu.memory_space<vmem_shared>>
      %dma_start3A_114 = arith.constant 0 : i32
      %dma_start3A_115 = tpu.memref_slice %arg12[%add3A_16, %dma_start3A_114] : memref<10240x128xf32, #tpu.memory_space<vmem_shared>> -> memref<64x128xf32, #tpu.memory_space<vmem_shared>>
      tpu.enqueue_dma source(%arg11 : memref<64x128xf32, #tpu.memory_space<vmem>>) target(%dma_start3A_115 : memref<64x128xf32, #tpu.memory_space<vmem_shared>>) target_semaphore(%run_scoped3A : memref<!tpu.dma_semaphore, #tpu.memory_space<semaphore_mem>>)
      %dma_wait3A_116 = arith.constant 0 : i32
      %dma_wait3A_117 = tpu.memref_slice %arg12[%add3A_16, %dma_wait3A_116] : memref<10240x128xf32, #tpu.memory_space<vmem_shared>> -> memref<64x128xf32, #tpu.memory_space<vmem_shared>>
      %dma_wait3A_118 = arith.constant 0 : i32
      %dma_wait3A_119 = tpu.memref_slice %arg12[%add3A_16, %dma_wait3A_118] : memref<10240x128xf32, #tpu.memory_space<vmem_shared>> -> memref<64x128xf32, #tpu.memory_space<vmem_shared>>
      tpu.wait_dma2 semaphore(%run_scoped3A : memref<!tpu.dma_semaphore, #tpu.memory_space<semaphore_mem>>) src(%arg11 : memref<64x128xf32, #tpu.memory_space<vmem>>) dst(%dma_wait3A_119 : memref<64x128xf32, #tpu.memory_space<vmem_shared>>)
      tpu.yield
    }) : () -> ()
    %add3A_17 = arith.constant 448 : i32
    %add3A_18 = arith.addi %mul3A_2, %add3A_17 : i32
    "tpu.region"() ({
      %run_scoped3A = tpu.sem_alloc : memref<!tpu.dma_semaphore, #tpu.memory_space<semaphore_mem>>
      %dma_start3A = arith.constant 0 : i32
      %dma_start3A_113 = tpu.memref_slice %arg12[%add3A_18, %dma_start3A] : memref<10240x128xf32, #tpu.memory_space<vmem_shared>> -> memref<64x128xf32, #tpu.memory_space<vmem_shared>>
      %dma_start3A_114 = arith.constant 0 : i32
      %dma_start3A_115 = tpu.memref_slice %arg12[%add3A_18, %dma_start3A_114] : memref<10240x128xf32, #tpu.memory_space<vmem_shared>> -> memref<64x128xf32, #tpu.memory_space<vmem_shared>>
      tpu.enqueue_dma source(%arg11 : memref<64x128xf32, #tpu.memory_space<vmem>>) target(%dma_start3A_115 : memref<64x128xf32, #tpu.memory_space<vmem_shared>>) target_semaphore(%run_scoped3A : memref<!tpu.dma_semaphore, #tpu.memory_space<semaphore_mem>>)
      %dma_wait3A_116 = arith.constant 0 : i32
      %dma_wait3A_117 = tpu.memref_slice %arg12[%add3A_18, %dma_wait3A_116] : memref<10240x128xf32, #tpu.memory_space<vmem_shared>> -> memref<64x128xf32, #tpu.memory_space<vmem_shared>>
      %dma_wait3A_118 = arith.constant 0 : i32
      %dma_wait3A_119 = tpu.memref_slice %arg12[%add3A_18, %dma_wait3A_118] : memref<10240x128xf32, #tpu.memory_space<vmem_shared>> -> memref<64x128xf32, #tpu.memory_space<vmem_shared>>
      tpu.wait_dma2 semaphore(%run_scoped3A : memref<!tpu.dma_semaphore, #tpu.memory_space<semaphore_mem>>) src(%arg11 : memref<64x128xf32, #tpu.memory_space<vmem>>) dst(%dma_wait3A_119 : memref<64x128xf32, #tpu.memory_space<vmem_shared>>)
      tpu.yield
    }) : () -> ()
    %add3A_19 = arith.constant 512 : i32
    %add3A_20 = arith.addi %mul3A_2, %add3A_19 : i32
    "tpu.region"() ({
      %run_scoped3A = tpu.sem_alloc : memref<!tpu.dma_semaphore, #tpu.memory_space<semaphore_mem>>
      %dma_start3A = arith.constant 0 : i32
      %dma_start3A_113 = tpu.memref_slice %arg12[%add3A_20, %dma_start3A] : memref<10240x128xf32, #tpu.memory_space<vmem_shared>> -> memref<64x128xf32, #tpu.memory_space<vmem_shared>>
      %dma_start3A_114 = arith.constant 0 : i32
      %dma_start3A_115 = tpu.memref_slice %arg12[%add3A_20, %dma_start3A_114] : memref<10240x128xf32, #tpu.memory_space<vmem_shared>> -> memref<64x128xf32, #tpu.memory_space<vmem_shared>>
      tpu.enqueue_dma source(%arg11 : memref<64x128xf32, #tpu.memory_space<vmem>>) target(%dma_start3A_115 : memref<64x128xf32, #tpu.memory_space<vmem_shared>>) target_semaphore(%run_scoped3A : memref<!tpu.dma_semaphore, #tpu.memory_space<semaphore_mem>>)
      %dma_wait3A_116 = arith.constant 0 : i32
      %dma_wait3A_117 = tpu.memref_slice %arg12[%add3A_20, %dma_wait3A_116] : memref<10240x128xf32, #tpu.memory_space<vmem_shared>> -> memref<64x128xf32, #tpu.memory_space<vmem_shared>>
      %dma_wait3A_118 = arith.constant 0 : i32
      %dma_wait3A_119 = tpu.memref_slice %arg12[%add3A_20, %dma_wait3A_118] : memref<10240x128xf32, #tpu.memory_space<vmem_shared>> -> memref<64x128xf32, #tpu.memory_space<vmem_shared>>
      tpu.wait_dma2 semaphore(%run_scoped3A : memref<!tpu.dma_semaphore, #tpu.memory_space<semaphore_mem>>) src(%arg11 : memref<64x128xf32, #tpu.memory_space<vmem>>) dst(%dma_wait3A_119 : memref<64x128xf32, #tpu.memory_space<vmem_shared>>)
      tpu.yield
    }) : () -> ()
    %add3A_21 = arith.constant 576 : i32
    %add3A_22 = arith.addi %mul3A_2, %add3A_21 : i32
    "tpu.region"() ({
      %run_scoped3A = tpu.sem_alloc : memref<!tpu.dma_semaphore, #tpu.memory_space<semaphore_mem>>
      %dma_start3A = arith.constant 0 : i32
      %dma_start3A_113 = tpu.memref_slice %arg12[%add3A_22, %dma_start3A] : memref<10240x128xf32, #tpu.memory_space<vmem_shared>> -> memref<64x128xf32, #tpu.memory_space<vmem_shared>>
      %dma_start3A_114 = arith.constant 0 : i32
      %dma_start3A_115 = tpu.memref_slice %arg12[%add3A_22, %dma_start3A_114] : memref<10240x128xf32, #tpu.memory_space<vmem_shared>> -> memref<64x128xf32, #tpu.memory_space<vmem_shared>>
      tpu.enqueue_dma source(%arg11 : memref<64x128xf32, #tpu.memory_space<vmem>>) target(%dma_start3A_115 : memref<64x128xf32, #tpu.memory_space<vmem_shared>>) target_semaphore(%run_scoped3A : memref<!tpu.dma_semaphore, #tpu.memory_space<semaphore_mem>>)
      %dma_wait3A_116 = arith.constant 0 : i32
      %dma_wait3A_117 = tpu.memref_slice %arg12[%add3A_22, %dma_wait3A_116] : memref<10240x128xf32, #tpu.memory_space<vmem_shared>> -> memref<64x128xf32, #tpu.memory_space<vmem_shared>>
      %dma_wait3A_118 = arith.constant 0 : i32
      %dma_wait3A_119 = tpu.memref_slice %arg12[%add3A_22, %dma_wait3A_118] : memref<10240x128xf32, #tpu.memory_space<vmem_shared>> -> memref<64x128xf32, #tpu.memory_space<vmem_shared>>
      tpu.wait_dma2 semaphore(%run_scoped3A : memref<!tpu.dma_semaphore, #tpu.memory_space<semaphore_mem>>) src(%arg11 : memref<64x128xf32, #tpu.memory_space<vmem>>) dst(%dma_wait3A_119 : memref<64x128xf32, #tpu.memory_space<vmem_shared>>)
      tpu.yield
    }) : () -> ()
    %barrier3A = arith.constant 0 : index
    tpu.barrier barrier_id(%barrier3A)
    %scan3A = arith.constant 0 : i32
    %scan3A_23 = arith.constant 0 : i32
    %scan3A_24 = arith.constant 40 : i32
    %scan3A_25 = arith.addi %scan3A_23, %scan3A_24 : i32
    %scan3A_26 = arith.constant 1 : i32
    %scan3A_27 = scf.for %scan3A_113 = %scan3A_23 to %scan3A_25 step %scan3A_26 iter_args(%scan3A_114 = %scan3A) -> (i32)  : i32 {
      %gt3A = arith.constant 0 : i32
      %gt3A_115 = arith.cmpi sgt, %scan3A_113, %gt3A : i32
      %convert_element_type3A = arith.extui %gt3A_115 : i1 to i32
      %cond3A = arith.constant 0 : i32
      %cond3A_116 = arith.cmpi ne, %convert_element_type3A, %cond3A : i32
      scf.if %cond3A_116 {
        %dma_wait3A_187 = arith.constant 0 : i32
        %dma_wait3A_188 = arith.constant 0 : i32
        %dma_wait3A_189 = tpu.memref_slice %arg8[%dma_wait3A_187, %dma_wait3A_188] : memref<8x128xi32, #tpu.memory_space<vmem>> -> memref<1x128xi32, #tpu.memory_space<vmem>>
        %dma_wait3A_190 = tpu.memref_squeeze %dma_wait3A_189 : memref<1x128xi32, #tpu.memory_space<vmem>> -> memref<128xi32, #tpu.memory_space<vmem>>
        %dma_wait3A_191 = arith.constant 0 : i32
        %dma_wait3A_192 = arith.constant 0 : i32
        %dma_wait3A_193 = tpu.memref_slice %arg12[%dma_wait3A_191, %dma_wait3A_192] : memref<10240x128xf32, #tpu.memory_space<vmem_shared>> -> memref<10240x128xf32, #tpu.memory_space<vmem_shared>>
        tpu.wait_indirect_dma semaphore(%arg15 : memref<!tpu.dma_semaphore, #tpu.memory_space<semaphore_mem>>) src(%arg9 : memref<128x128xf32, #tpu.memory_space<vmem>>) dst(%dma_wait3A_193 : memref<10240x128xf32, #tpu.memory_space<vmem_shared>>)
        %dma_wait3A_194 = arith.constant 1 : i32
        %dma_wait3A_195 = arith.constant 0 : i32
        %dma_wait3A_196 = tpu.memref_slice %arg8[%dma_wait3A_194, %dma_wait3A_195] : memref<8x128xi32, #tpu.memory_space<vmem>> -> memref<1x128xi32, #tpu.memory_space<vmem>>
        %dma_wait3A_197 = tpu.memref_squeeze %dma_wait3A_196 : memref<1x128xi32, #tpu.memory_space<vmem>> -> memref<128xi32, #tpu.memory_space<vmem>>
        %dma_wait3A_198 = arith.constant 0 : i32
        %dma_wait3A_199 = arith.constant 0 : i32
        %dma_wait3A_200 = tpu.memref_slice %arg12[%dma_wait3A_198, %dma_wait3A_199] : memref<10240x128xf32, #tpu.memory_space<vmem_shared>> -> memref<10240x128xf32, #tpu.memory_space<vmem_shared>>
        tpu.wait_indirect_dma semaphore(%arg16 : memref<!tpu.dma_semaphore, #tpu.memory_space<semaphore_mem>>) src(%arg10 : memref<128x128xf32, #tpu.memory_space<vmem>>) dst(%dma_wait3A_200 : memref<10240x128xf32, #tpu.memory_space<vmem_shared>>)
      } else {
      }
      %jit3A = arith.constant 4 : i32
      %eq3A = arith.constant 0 : i32
      %eq3A_117 = arith.cmpi eq, %jit3A, %eq3A : i32
      %jit3A_118 = arith.constant 1 : i32
      %select_n3A = arith.select %eq3A_117, %jit3A_118, %jit3A : i32
      %rem3A = arith.remsi %scan3A_113, %select_n3A : i32
      %ne3A = arith.constant 0 : i32
      %ne3A_119 = arith.cmpi ne, %rem3A, %ne3A : i32
      %lt3A = arith.constant 0 : i32
      %lt3A_120 = arith.cmpi slt, %rem3A, %lt3A : i32
      %lt3A_121 = arith.constant 0 : i32
      %lt3A_122 = arith.cmpi slt, %select_n3A, %lt3A_121 : i32
      %ne3A_123 = arith.xori %lt3A_120, %lt3A_122 : i1
      %and3A = arith.andi %ne3A_123, %ne3A_119 : i1
      %add3A_124 = arith.addi %rem3A, %select_n3A : i32
      %select_n3A_125 = arith.select %and3A, %add3A_124, %rem3A : i32
      %eq3A_126 = arith.constant 0 : i32
      %eq3A_127 = arith.cmpi eq, %select_n3A_125, %eq3A_126 : i32
      %convert_element_type3A_128 = arith.extui %eq3A_127 : i1 to i32
      %cond3A_129 = arith.constant 0 : i32
      %cond3A_130 = arith.cmpi ne, %convert_element_type3A_128, %cond3A_129 : i32
      scf.if %cond3A_130 {
        %mul3A_187 = arith.constant 80 : i32
        %mul3A_188 = arith.muli %add3A, %mul3A_187 : i32
        %jit3A_189 = arith.constant 4 : i32
        %div3A = arith.divsi %scan3A_113, %jit3A_189 : i32
        %sign3A = arith.constant 0 : i32
        %sign3A_190 = arith.cmpi sgt, %scan3A_113, %sign3A : i32
        %sign3A_191 = arith.extui %sign3A_190 : i1 to i32
        %sign3A_192 = arith.constant 0 : i32
        %sign3A_193 = arith.cmpi slt, %scan3A_113, %sign3A_192 : i32
        %sign3A_194 = arith.extui %sign3A_193 : i1 to i32
        %sign3A_195 = arith.subi %sign3A_191, %sign3A_194 : i32
        %sign3A_196 = arith.constant 0 : i32
        %sign3A_197 = arith.cmpi sgt, %jit3A_189, %sign3A_196 : i32
        %sign3A_198 = arith.extui %sign3A_197 : i1 to i32
        %sign3A_199 = arith.constant 0 : i32
        %sign3A_200 = arith.cmpi slt, %jit3A_189, %sign3A_199 : i32
        %sign3A_201 = arith.extui %sign3A_200 : i1 to i32
        %sign3A_202 = arith.subi %sign3A_198, %sign3A_201 : i32
        %ne3A_203 = arith.cmpi ne, %sign3A_195, %sign3A_202 : i32
        %rem3A_204 = arith.remsi %scan3A_113, %jit3A_189 : i32
        %ne3A_205 = arith.constant 0 : i32
        %ne3A_206 = arith.cmpi ne, %rem3A_204, %ne3A_205 : i32
        %and3A_207 = arith.andi %ne3A_203, %ne3A_206 : i1
        %sub3A = arith.constant 1 : i32
        %sub3A_208 = arith.subi %div3A, %sub3A : i32
        %select_n3A_209 = arith.select %and3A_207, %sub3A_208, %div3A : i32
        %mul3A_210 = arith.constant 8 : i32
        %mul3A_211 = arith.muli %select_n3A_209, %mul3A_210 : i32
        %add3A_212 = arith.addi %mul3A_188, %mul3A_211 : i32
        "tpu.region"() ({
          %run_scoped3A = tpu.sem_alloc : memref<!tpu.dma_semaphore, #tpu.memory_space<semaphore_mem>>
          %dma_start3A_213 = arith.constant 0 : i32
          %dma_start3A_214 = tpu.memref_slice %arg3[%add3A_212, %dma_start3A_213] : memref<2560x128xi32, #tpu.memory_space<hbm>> -> memref<8x128xi32, #tpu.memory_space<hbm>>
          %dma_start3A_215 = arith.constant 0 : i32
          %dma_start3A_216 = tpu.memref_slice %arg3[%add3A_212, %dma_start3A_215] : memref<2560x128xi32, #tpu.memory_space<hbm>> -> memref<8x128xi32, #tpu.memory_space<hbm>>
          tpu.enqueue_dma source(%dma_start3A_216 : memref<8x128xi32, #tpu.memory_space<hbm>>) target(%arg7 : memref<8x128xi32, #tpu.memory_space<vmem>>) target_semaphore(%run_scoped3A : memref<!tpu.dma_semaphore, #tpu.memory_space<semaphore_mem>>)
          %dma_wait3A_217 = arith.constant 0 : i32
          %dma_wait3A_218 = tpu.memref_slice %arg3[%add3A_212, %dma_wait3A_217] : memref<2560x128xi32, #tpu.memory_space<hbm>> -> memref<8x128xi32, #tpu.memory_space<hbm>>
          %dma_wait3A_219 = arith.constant 0 : i32
          %dma_wait3A_220 = tpu.memref_slice %arg3[%add3A_212, %dma_wait3A_219] : memref<2560x128xi32, #tpu.memory_space<hbm>> -> memref<8x128xi32, #tpu.memory_space<hbm>>
          tpu.wait_dma2 semaphore(%run_scoped3A : memref<!tpu.dma_semaphore, #tpu.memory_space<semaphore_mem>>) src(%dma_wait3A_220 : memref<8x128xi32, #tpu.memory_space<hbm>>) dst(%arg7 : memref<8x128xi32, #tpu.memory_space<vmem>>)
          tpu.yield
        }) : () -> ()
        "tpu.region"() ({
          %run_scoped3A = tpu.sem_alloc : memref<!tpu.dma_semaphore, #tpu.memory_space<semaphore_mem>>
          %dma_start3A_213 = arith.constant 0 : i32
          %dma_start3A_214 = tpu.memref_slice %arg4[%add3A_212, %dma_start3A_213] : memref<2560x128xi32, #tpu.memory_space<hbm>> -> memref<8x128xi32, #tpu.memory_space<hbm>>
          %dma_start3A_215 = arith.constant 0 : i32
          %dma_start3A_216 = tpu.memref_slice %arg4[%add3A_212, %dma_start3A_215] : memref<2560x128xi32, #tpu.memory_space<hbm>> -> memref<8x128xi32, #tpu.memory_space<hbm>>
          tpu.enqueue_dma source(%dma_start3A_216 : memref<8x128xi32, #tpu.memory_space<hbm>>) target(%arg8 : memref<8x128xi32, #tpu.memory_space<vmem>>) target_semaphore(%run_scoped3A : memref<!tpu.dma_semaphore, #tpu.memory_space<semaphore_mem>>)
          %dma_wait3A_217 = arith.constant 0 : i32
          %dma_wait3A_218 = tpu.memref_slice %arg4[%add3A_212, %dma_wait3A_217] : memref<2560x128xi32, #tpu.memory_space<hbm>> -> memref<8x128xi32, #tpu.memory_space<hbm>>
          %dma_wait3A_219 = arith.constant 0 : i32
          %dma_wait3A_220 = tpu.memref_slice %arg4[%add3A_212, %dma_wait3A_219] : memref<2560x128xi32, #tpu.memory_space<hbm>> -> memref<8x128xi32, #tpu.memory_space<hbm>>
          tpu.wait_dma2 semaphore(%run_scoped3A : memref<!tpu.dma_semaphore, #tpu.memory_space<semaphore_mem>>) src(%dma_wait3A_220 : memref<8x128xi32, #tpu.memory_space<hbm>>) dst(%arg8 : memref<8x128xi32, #tpu.memory_space<vmem>>)
          tpu.yield
        }) : () -> ()
      } else {
      }
      %mul3A_131 = arith.constant 2 : i32
      %mul3A_132 = arith.muli %mul3A_131, %scan3A_113 : i32
      %jit3A_133 = arith.constant 8 : i32
      %eq3A_134 = arith.constant 0 : i32
      %eq3A_135 = arith.cmpi eq, %jit3A_133, %eq3A_134 : i32
      %jit3A_136 = arith.constant 1 : i32
      %select_n3A_137 = arith.select %eq3A_135, %jit3A_136, %jit3A_133 : i32
      %rem3A_138 = arith.remsi %mul3A_132, %select_n3A_137 : i32
      %ne3A_139 = arith.constant 0 : i32
      %ne3A_140 = arith.cmpi ne, %rem3A_138, %ne3A_139 : i32
      %lt3A_141 = arith.constant 0 : i32
      %lt3A_142 = arith.cmpi slt, %rem3A_138, %lt3A_141 : i32
      %lt3A_143 = arith.constant 0 : i32
      %lt3A_144 = arith.cmpi slt, %select_n3A_137, %lt3A_143 : i32
      %ne3A_145 = arith.xori %lt3A_142, %lt3A_144 : i1
      %and3A_146 = arith.andi %ne3A_145, %ne3A_140 : i1
      %add3A_147 = arith.addi %rem3A_138, %select_n3A_137 : i32
      %select_n3A_148 = arith.select %and3A_146, %add3A_147, %rem3A_138 : i32
      %add3A_149 = arith.constant 1 : i32
      %add3A_150 = arith.addi %select_n3A_148, %add3A_149 : i32
      %dma_start3A = arith.constant 0 : i32
      %dma_start3A_151 = tpu.memref_slice %arg7[%select_n3A_148, %dma_start3A] : memref<8x128xi32, #tpu.memory_space<vmem>> -> memref<1x128xi32, #tpu.memory_space<vmem>>
      %dma_start3A_152 = tpu.memref_squeeze %dma_start3A_151 : memref<1x128xi32, #tpu.memory_space<vmem>> -> memref<128xi32, #tpu.memory_space<vmem>>
      %dma_start3A_153 = arith.constant 0 : i32
      %dma_start3A_154 = arith.constant 0 : i32
      %dma_start3A_155 = tpu.memref_slice %arg2[%dma_start3A_153, %dma_start3A_154] : memref<10240x128xf32, #tpu.memory_space<hbm>> -> memref<10240x128xf32, #tpu.memory_space<hbm>>
      tpu.enqueue_indirect_dma source(%dma_start3A_155 : memref<10240x128xf32, #tpu.memory_space<hbm>>) target(%arg9 : memref<128x128xf32, #tpu.memory_space<vmem>>) offsets(%dma_start3A_152 : memref<128xi32, #tpu.memory_space<vmem>>) semaphore(%arg13 : memref<!tpu.dma_semaphore, #tpu.memory_space<semaphore_mem>>)
      %dma_start3A_156 = arith.constant 0 : i32
      %dma_start3A_157 = tpu.memref_slice %arg7[%add3A_150, %dma_start3A_156] : memref<8x128xi32, #tpu.memory_space<vmem>> -> memref<1x128xi32, #tpu.memory_space<vmem>>
      %dma_start3A_158 = tpu.memref_squeeze %dma_start3A_157 : memref<1x128xi32, #tpu.memory_space<vmem>> -> memref<128xi32, #tpu.memory_space<vmem>>
      %dma_start3A_159 = arith.constant 0 : i32
      %dma_start3A_160 = arith.constant 0 : i32
      %dma_start3A_161 = tpu.memref_slice %arg2[%dma_start3A_159, %dma_start3A_160] : memref<10240x128xf32, #tpu.memory_space<hbm>> -> memref<10240x128xf32, #tpu.memory_space<hbm>>
      tpu.enqueue_indirect_dma source(%dma_start3A_161 : memref<10240x128xf32, #tpu.memory_space<hbm>>) target(%arg10 : memref<128x128xf32, #tpu.memory_space<vmem>>) offsets(%dma_start3A_158 : memref<128xi32, #tpu.memory_space<vmem>>) semaphore(%arg14 : memref<!tpu.dma_semaphore, #tpu.memory_space<semaphore_mem>>)
      %dma_wait3A_162 = arith.constant 0 : i32
      %dma_wait3A_163 = tpu.memref_slice %arg7[%select_n3A_148, %dma_wait3A_162] : memref<8x128xi32, #tpu.memory_space<vmem>> -> memref<1x128xi32, #tpu.memory_space<vmem>>
      %dma_wait3A_164 = tpu.memref_squeeze %dma_wait3A_163 : memref<1x128xi32, #tpu.memory_space<vmem>> -> memref<128xi32, #tpu.memory_space<vmem>>
      %dma_wait3A_165 = arith.constant 0 : i32
      %dma_wait3A_166 = arith.constant 0 : i32
      %dma_wait3A_167 = tpu.memref_slice %arg2[%dma_wait3A_165, %dma_wait3A_166] : memref<10240x128xf32, #tpu.memory_space<hbm>> -> memref<10240x128xf32, #tpu.memory_space<hbm>>
      tpu.wait_indirect_dma semaphore(%arg13 : memref<!tpu.dma_semaphore, #tpu.memory_space<semaphore_mem>>) src(%dma_wait3A_167 : memref<10240x128xf32, #tpu.memory_space<hbm>>) dst(%arg9 : memref<128x128xf32, #tpu.memory_space<vmem>>)
      %dma_start3A_168 = arith.constant 0 : i32
      %dma_start3A_169 = tpu.memref_slice %arg8[%select_n3A_148, %dma_start3A_168] : memref<8x128xi32, #tpu.memory_space<vmem>> -> memref<1x128xi32, #tpu.memory_space<vmem>>
      %dma_start3A_170 = tpu.memref_squeeze %dma_start3A_169 : memref<1x128xi32, #tpu.memory_space<vmem>> -> memref<128xi32, #tpu.memory_space<vmem>>
      %dma_start3A_171 = arith.constant 0 : i32
      %dma_start3A_172 = arith.constant 0 : i32
      %dma_start3A_173 = tpu.memref_slice %arg12[%dma_start3A_171, %dma_start3A_172] : memref<10240x128xf32, #tpu.memory_space<vmem_shared>> -> memref<10240x128xf32, #tpu.memory_space<vmem_shared>>
      tpu.enqueue_indirect_dma source(%arg9 : memref<128x128xf32, #tpu.memory_space<vmem>>) target(%dma_start3A_173 : memref<10240x128xf32, #tpu.memory_space<vmem_shared>>) offsets(%dma_start3A_170 : memref<128xi32, #tpu.memory_space<vmem>>) semaphore(%arg15 : memref<!tpu.dma_semaphore, #tpu.memory_space<semaphore_mem>>) {add = true}
      %dma_wait3A_174 = arith.constant 0 : i32
      %dma_wait3A_175 = tpu.memref_slice %arg7[%add3A_150, %dma_wait3A_174] : memref<8x128xi32, #tpu.memory_space<vmem>> -> memref<1x128xi32, #tpu.memory_space<vmem>>
      %dma_wait3A_176 = tpu.memref_squeeze %dma_wait3A_175 : memref<1x128xi32, #tpu.memory_space<vmem>> -> memref<128xi32, #tpu.memory_space<vmem>>
      %dma_wait3A_177 = arith.constant 0 : i32
      %dma_wait3A_178 = arith.constant 0 : i32
      %dma_wait3A_179 = tpu.memref_slice %arg2[%dma_wait3A_177, %dma_wait3A_178] : memref<10240x128xf32, #tpu.memory_space<hbm>> -> memref<10240x128xf32, #tpu.memory_space<hbm>>
      tpu.wait_indirect_dma semaphore(%arg14 : memref<!tpu.dma_semaphore, #tpu.memory_space<semaphore_mem>>) src(%dma_wait3A_179 : memref<10240x128xf32, #tpu.memory_space<hbm>>) dst(%arg10 : memref<128x128xf32, #tpu.memory_space<vmem>>)
      %dma_start3A_180 = arith.constant 0 : i32
      %dma_start3A_181 = tpu.memref_slice %arg8[%add3A_150, %dma_start3A_180] : memref<8x128xi32, #tpu.memory_space<vmem>> -> memref<1x128xi32, #tpu.memory_space<vmem>>
      %dma_start3A_182 = tpu.memref_squeeze %dma_start3A_181 : memref<1x128xi32, #tpu.memory_space<vmem>> -> memref<128xi32, #tpu.memory_space<vmem>>
      %dma_start3A_183 = arith.constant 0 : i32
      %dma_start3A_184 = arith.constant 0 : i32
      %dma_start3A_185 = tpu.memref_slice %arg12[%dma_start3A_183, %dma_start3A_184] : memref<10240x128xf32, #tpu.memory_space<vmem_shared>> -> memref<10240x128xf32, #tpu.memory_space<vmem_shared>>
      tpu.enqueue_indirect_dma source(%arg10 : memref<128x128xf32, #tpu.memory_space<vmem>>) target(%dma_start3A_185 : memref<10240x128xf32, #tpu.memory_space<vmem_shared>>) offsets(%dma_start3A_182 : memref<128xi32, #tpu.memory_space<vmem>>) semaphore(%arg16 : memref<!tpu.dma_semaphore, #tpu.memory_space<semaphore_mem>>) {add = true}
      %scan3A_186 = arith.constant 0 : i32
      scf.yield %scan3A_186 : i32
    }
    %scan3A_28 = arith.constant 40 : i32
    %dma_wait3A = arith.constant 0 : i32
    %dma_wait3A_29 = arith.constant 0 : i32
    %dma_wait3A_30 = tpu.memref_slice %arg8[%dma_wait3A, %dma_wait3A_29] : memref<8x128xi32, #tpu.memory_space<vmem>> -> memref<1x128xi32, #tpu.memory_space<vmem>>
    %dma_wait3A_31 = tpu.memref_squeeze %dma_wait3A_30 : memref<1x128xi32, #tpu.memory_space<vmem>> -> memref<128xi32, #tpu.memory_space<vmem>>
    %dma_wait3A_32 = arith.constant 0 : i32
    %dma_wait3A_33 = arith.constant 0 : i32
    %dma_wait3A_34 = tpu.memref_slice %arg12[%dma_wait3A_32, %dma_wait3A_33] : memref<10240x128xf32, #tpu.memory_space<vmem_shared>> -> memref<10240x128xf32, #tpu.memory_space<vmem_shared>>
    tpu.wait_indirect_dma semaphore(%arg15 : memref<!tpu.dma_semaphore, #tpu.memory_space<semaphore_mem>>) src(%arg9 : memref<128x128xf32, #tpu.memory_space<vmem>>) dst(%dma_wait3A_34 : memref<10240x128xf32, #tpu.memory_space<vmem_shared>>)
    %dma_wait3A_35 = arith.constant 1 : i32
    %dma_wait3A_36 = arith.constant 0 : i32
    %dma_wait3A_37 = tpu.memref_slice %arg8[%dma_wait3A_35, %dma_wait3A_36] : memref<8x128xi32, #tpu.memory_space<vmem>> -> memref<1x128xi32, #tpu.memory_space<vmem>>
    %dma_wait3A_38 = tpu.memref_squeeze %dma_wait3A_37 : memref<1x128xi32, #tpu.memory_space<vmem>> -> memref<128xi32, #tpu.memory_space<vmem>>
    %dma_wait3A_39 = arith.constant 0 : i32
    %dma_wait3A_40 = arith.constant 0 : i32
    %dma_wait3A_41 = tpu.memref_slice %arg12[%dma_wait3A_39, %dma_wait3A_40] : memref<10240x128xf32, #tpu.memory_space<vmem_shared>> -> memref<10240x128xf32, #tpu.memory_space<vmem_shared>>
    tpu.wait_indirect_dma semaphore(%arg16 : memref<!tpu.dma_semaphore, #tpu.memory_space<semaphore_mem>>) src(%arg10 : memref<128x128xf32, #tpu.memory_space<vmem>>) dst(%dma_wait3A_41 : memref<10240x128xf32, #tpu.memory_space<vmem_shared>>)
    %barrier3A_42 = arith.constant 0 : index
    tpu.barrier barrier_id(%barrier3A_42)
    %add3A_43 = arith.constant 0 : i32
    %add3A_44 = arith.addi %mul3A_2, %add3A_43 : i32
    "tpu.region"() ({
      %run_scoped3A = tpu.sem_alloc : memref<!tpu.dma_semaphore, #tpu.memory_space<semaphore_mem>>
      %dma_start3A = arith.constant 0 : i32
      %dma_start3A_113 = tpu.memref_slice %arg12[%add3A_44, %dma_start3A] : memref<10240x128xf32, #tpu.memory_space<vmem_shared>> -> memref<64x128xf32, #tpu.memory_space<vmem_shared>>
      %dma_start3A_114 = arith.constant 0 : i32
      %dma_start3A_115 = tpu.memref_slice %arg12[%add3A_44, %dma_start3A_114] : memref<10240x128xf32, #tpu.memory_space<vmem_shared>> -> memref<64x128xf32, #tpu.memory_space<vmem_shared>>
      tpu.enqueue_dma source(%dma_start3A_115 : memref<64x128xf32, #tpu.memory_space<vmem_shared>>) target(%arg11 : memref<64x128xf32, #tpu.memory_space<vmem>>) target_semaphore(%run_scoped3A : memref<!tpu.dma_semaphore, #tpu.memory_space<semaphore_mem>>)
      %dma_wait3A_116 = arith.constant 0 : i32
      %dma_wait3A_117 = tpu.memref_slice %arg12[%add3A_44, %dma_wait3A_116] : memref<10240x128xf32, #tpu.memory_space<vmem_shared>> -> memref<64x128xf32, #tpu.memory_space<vmem_shared>>
      %dma_wait3A_118 = arith.constant 0 : i32
      %dma_wait3A_119 = tpu.memref_slice %arg12[%add3A_44, %dma_wait3A_118] : memref<10240x128xf32, #tpu.memory_space<vmem_shared>> -> memref<64x128xf32, #tpu.memory_space<vmem_shared>>
      tpu.wait_dma2 semaphore(%run_scoped3A : memref<!tpu.dma_semaphore, #tpu.memory_space<semaphore_mem>>) src(%dma_wait3A_119 : memref<64x128xf32, #tpu.memory_space<vmem_shared>>) dst(%arg11 : memref<64x128xf32, #tpu.memory_space<vmem>>)
      tpu.yield
    }) : () -> ()
    %mul3A_45 = arith.constant 10240 : i32
    %mul3A_46 = arith.muli %arg0, %mul3A_45 : i32
    %add3A_47 = arith.addi %mul3A_46, %mul3A_2 : i32
    %add3A_48 = arith.constant 0 : i32
    %add3A_49 = arith.addi %add3A_47, %add3A_48 : i32
    "tpu.region"() ({
      %run_scoped3A = tpu.sem_alloc : memref<!tpu.dma_semaphore, #tpu.memory_space<semaphore_mem>>
      %dma_start3A = arith.constant 0 : i32
      %dma_start3A_113 = tpu.memref_slice %arg6[%add3A_49, %dma_start3A] : memref<20480x128xf32, #tpu.memory_space<hbm>> -> memref<64x128xf32, #tpu.memory_space<hbm>>
      %dma_start3A_114 = arith.constant 0 : i32
      %dma_start3A_115 = tpu.memref_slice %arg6[%add3A_49, %dma_start3A_114] : memref<20480x128xf32, #tpu.memory_space<hbm>> -> memref<64x128xf32, #tpu.memory_space<hbm>>
      tpu.enqueue_dma source(%arg11 : memref<64x128xf32, #tpu.memory_space<vmem>>) target(%dma_start3A_115 : memref<64x128xf32, #tpu.memory_space<hbm>>) target_semaphore(%run_scoped3A : memref<!tpu.dma_semaphore, #tpu.memory_space<semaphore_mem>>)
      %dma_wait3A_116 = arith.constant 0 : i32
      %dma_wait3A_117 = tpu.memref_slice %arg6[%add3A_49, %dma_wait3A_116] : memref<20480x128xf32, #tpu.memory_space<hbm>> -> memref<64x128xf32, #tpu.memory_space<hbm>>
      %dma_wait3A_118 = arith.constant 0 : i32
      %dma_wait3A_119 = tpu.memref_slice %arg6[%add3A_49, %dma_wait3A_118] : memref<20480x128xf32, #tpu.memory_space<hbm>> -> memref<64x128xf32, #tpu.memory_space<hbm>>
      tpu.wait_dma2 semaphore(%run_scoped3A : memref<!tpu.dma_semaphore, #tpu.memory_space<semaphore_mem>>) src(%arg11 : memref<64x128xf32, #tpu.memory_space<vmem>>) dst(%dma_wait3A_119 : memref<64x128xf32, #tpu.memory_space<hbm>>)
      tpu.yield
    }) : () -> ()
    %add3A_50 = arith.constant 64 : i32
    %add3A_51 = arith.addi %mul3A_2, %add3A_50 : i32
    "tpu.region"() ({
      %run_scoped3A = tpu.sem_alloc : memref<!tpu.dma_semaphore, #tpu.memory_space<semaphore_mem>>
      %dma_start3A = arith.constant 0 : i32
      %dma_start3A_113 = tpu.memref_slice %arg12[%add3A_51, %dma_start3A] : memref<10240x128xf32, #tpu.memory_space<vmem_shared>> -> memref<64x128xf32, #tpu.memory_space<vmem_shared>>
      %dma_start3A_114 = arith.constant 0 : i32
      %dma_start3A_115 = tpu.memref_slice %arg12[%add3A_51, %dma_start3A_114] : memref<10240x128xf32, #tpu.memory_space<vmem_shared>> -> memref<64x128xf32, #tpu.memory_space<vmem_shared>>
      tpu.enqueue_dma source(%dma_start3A_115 : memref<64x128xf32, #tpu.memory_space<vmem_shared>>) target(%arg11 : memref<64x128xf32, #tpu.memory_space<vmem>>) target_semaphore(%run_scoped3A : memref<!tpu.dma_semaphore, #tpu.memory_space<semaphore_mem>>)
      %dma_wait3A_116 = arith.constant 0 : i32
      %dma_wait3A_117 = tpu.memref_slice %arg12[%add3A_51, %dma_wait3A_116] : memref<10240x128xf32, #tpu.memory_space<vmem_shared>> -> memref<64x128xf32, #tpu.memory_space<vmem_shared>>
      %dma_wait3A_118 = arith.constant 0 : i32
      %dma_wait3A_119 = tpu.memref_slice %arg12[%add3A_51, %dma_wait3A_118] : memref<10240x128xf32, #tpu.memory_space<vmem_shared>> -> memref<64x128xf32, #tpu.memory_space<vmem_shared>>
      tpu.wait_dma2 semaphore(%run_scoped3A : memref<!tpu.dma_semaphore, #tpu.memory_space<semaphore_mem>>) src(%dma_wait3A_119 : memref<64x128xf32, #tpu.memory_space<vmem_shared>>) dst(%arg11 : memref<64x128xf32, #tpu.memory_space<vmem>>)
      tpu.yield
    }) : () -> ()
    %mul3A_52 = arith.constant 10240 : i32
    %mul3A_53 = arith.muli %arg0, %mul3A_52 : i32
    %add3A_54 = arith.addi %mul3A_53, %mul3A_2 : i32
    %add3A_55 = arith.constant 64 : i32
    %add3A_56 = arith.addi %add3A_54, %add3A_55 : i32
    "tpu.region"() ({
      %run_scoped3A = tpu.sem_alloc : memref<!tpu.dma_semaphore, #tpu.memory_space<semaphore_mem>>
      %dma_start3A = arith.constant 0 : i32
      %dma_start3A_113 = tpu.memref_slice %arg6[%add3A_56, %dma_start3A] : memref<20480x128xf32, #tpu.memory_space<hbm>> -> memref<64x128xf32, #tpu.memory_space<hbm>>
      %dma_start3A_114 = arith.constant 0 : i32
      %dma_start3A_115 = tpu.memref_slice %arg6[%add3A_56, %dma_start3A_114] : memref<20480x128xf32, #tpu.memory_space<hbm>> -> memref<64x128xf32, #tpu.memory_space<hbm>>
      tpu.enqueue_dma source(%arg11 : memref<64x128xf32, #tpu.memory_space<vmem>>) target(%dma_start3A_115 : memref<64x128xf32, #tpu.memory_space<hbm>>) target_semaphore(%run_scoped3A : memref<!tpu.dma_semaphore, #tpu.memory_space<semaphore_mem>>)
      %dma_wait3A_116 = arith.constant 0 : i32
      %dma_wait3A_117 = tpu.memref_slice %arg6[%add3A_56, %dma_wait3A_116] : memref<20480x128xf32, #tpu.memory_space<hbm>> -> memref<64x128xf32, #tpu.memory_space<hbm>>
      %dma_wait3A_118 = arith.constant 0 : i32
      %dma_wait3A_119 = tpu.memref_slice %arg6[%add3A_56, %dma_wait3A_118] : memref<20480x128xf32, #tpu.memory_space<hbm>> -> memref<64x128xf32, #tpu.memory_space<hbm>>
      tpu.wait_dma2 semaphore(%run_scoped3A : memref<!tpu.dma_semaphore, #tpu.memory_space<semaphore_mem>>) src(%arg11 : memref<64x128xf32, #tpu.memory_space<vmem>>) dst(%dma_wait3A_119 : memref<64x128xf32, #tpu.memory_space<hbm>>)
      tpu.yield
    }) : () -> ()
    %add3A_57 = arith.constant 128 : i32
    %add3A_58 = arith.addi %mul3A_2, %add3A_57 : i32
    "tpu.region"() ({
      %run_scoped3A = tpu.sem_alloc : memref<!tpu.dma_semaphore, #tpu.memory_space<semaphore_mem>>
      %dma_start3A = arith.constant 0 : i32
      %dma_start3A_113 = tpu.memref_slice %arg12[%add3A_58, %dma_start3A] : memref<10240x128xf32, #tpu.memory_space<vmem_shared>> -> memref<64x128xf32, #tpu.memory_space<vmem_shared>>
      %dma_start3A_114 = arith.constant 0 : i32
      %dma_start3A_115 = tpu.memref_slice %arg12[%add3A_58, %dma_start3A_114] : memref<10240x128xf32, #tpu.memory_space<vmem_shared>> -> memref<64x128xf32, #tpu.memory_space<vmem_shared>>
      tpu.enqueue_dma source(%dma_start3A_115 : memref<64x128xf32, #tpu.memory_space<vmem_shared>>) target(%arg11 : memref<64x128xf32, #tpu.memory_space<vmem>>) target_semaphore(%run_scoped3A : memref<!tpu.dma_semaphore, #tpu.memory_space<semaphore_mem>>)
      %dma_wait3A_116 = arith.constant 0 : i32
      %dma_wait3A_117 = tpu.memref_slice %arg12[%add3A_58, %dma_wait3A_116] : memref<10240x128xf32, #tpu.memory_space<vmem_shared>> -> memref<64x128xf32, #tpu.memory_space<vmem_shared>>
      %dma_wait3A_118 = arith.constant 0 : i32
      %dma_wait3A_119 = tpu.memref_slice %arg12[%add3A_58, %dma_wait3A_118] : memref<10240x128xf32, #tpu.memory_space<vmem_shared>> -> memref<64x128xf32, #tpu.memory_space<vmem_shared>>
      tpu.wait_dma2 semaphore(%run_scoped3A : memref<!tpu.dma_semaphore, #tpu.memory_space<semaphore_mem>>) src(%dma_wait3A_119 : memref<64x128xf32, #tpu.memory_space<vmem_shared>>) dst(%arg11 : memref<64x128xf32, #tpu.memory_space<vmem>>)
      tpu.yield
    }) : () -> ()
    %mul3A_59 = arith.constant 10240 : i32
    %mul3A_60 = arith.muli %arg0, %mul3A_59 : i32
    %add3A_61 = arith.addi %mul3A_60, %mul3A_2 : i32
    %add3A_62 = arith.constant 128 : i32
    %add3A_63 = arith.addi %add3A_61, %add3A_62 : i32
    "tpu.region"() ({
      %run_scoped3A = tpu.sem_alloc : memref<!tpu.dma_semaphore, #tpu.memory_space<semaphore_mem>>
      %dma_start3A = arith.constant 0 : i32
      %dma_start3A_113 = tpu.memref_slice %arg6[%add3A_63, %dma_start3A] : memref<20480x128xf32, #tpu.memory_space<hbm>> -> memref<64x128xf32, #tpu.memory_space<hbm>>
      %dma_start3A_114 = arith.constant 0 : i32
      %dma_start3A_115 = tpu.memref_slice %arg6[%add3A_63, %dma_start3A_114] : memref<20480x128xf32, #tpu.memory_space<hbm>> -> memref<64x128xf32, #tpu.memory_space<hbm>>
      tpu.enqueue_dma source(%arg11 : memref<64x128xf32, #tpu.memory_space<vmem>>) target(%dma_start3A_115 : memref<64x128xf32, #tpu.memory_space<hbm>>) target_semaphore(%run_scoped3A : memref<!tpu.dma_semaphore, #tpu.memory_space<semaphore_mem>>)
      %dma_wait3A_116 = arith.constant 0 : i32
      %dma_wait3A_117 = tpu.memref_slice %arg6[%add3A_63, %dma_wait3A_116] : memref<20480x128xf32, #tpu.memory_space<hbm>> -> memref<64x128xf32, #tpu.memory_space<hbm>>
      %dma_wait3A_118 = arith.constant 0 : i32
      %dma_wait3A_119 = tpu.memref_slice %arg6[%add3A_63, %dma_wait3A_118] : memref<20480x128xf32, #tpu.memory_space<hbm>> -> memref<64x128xf32, #tpu.memory_space<hbm>>
      tpu.wait_dma2 semaphore(%run_scoped3A : memref<!tpu.dma_semaphore, #tpu.memory_space<semaphore_mem>>) src(%arg11 : memref<64x128xf32, #tpu.memory_space<vmem>>) dst(%dma_wait3A_119 : memref<64x128xf32, #tpu.memory_space<hbm>>)
      tpu.yield
    }) : () -> ()
    %add3A_64 = arith.constant 192 : i32
    %add3A_65 = arith.addi %mul3A_2, %add3A_64 : i32
    "tpu.region"() ({
      %run_scoped3A = tpu.sem_alloc : memref<!tpu.dma_semaphore, #tpu.memory_space<semaphore_mem>>
      %dma_start3A = arith.constant 0 : i32
      %dma_start3A_113 = tpu.memref_slice %arg12[%add3A_65, %dma_start3A] : memref<10240x128xf32, #tpu.memory_space<vmem_shared>> -> memref<64x128xf32, #tpu.memory_space<vmem_shared>>
      %dma_start3A_114 = arith.constant 0 : i32
      %dma_start3A_115 = tpu.memref_slice %arg12[%add3A_65, %dma_start3A_114] : memref<10240x128xf32, #tpu.memory_space<vmem_shared>> -> memref<64x128xf32, #tpu.memory_space<vmem_shared>>
      tpu.enqueue_dma source(%dma_start3A_115 : memref<64x128xf32, #tpu.memory_space<vmem_shared>>) target(%arg11 : memref<64x128xf32, #tpu.memory_space<vmem>>) target_semaphore(%run_scoped3A : memref<!tpu.dma_semaphore, #tpu.memory_space<semaphore_mem>>)
      %dma_wait3A_116 = arith.constant 0 : i32
      %dma_wait3A_117 = tpu.memref_slice %arg12[%add3A_65, %dma_wait3A_116] : memref<10240x128xf32, #tpu.memory_space<vmem_shared>> -> memref<64x128xf32, #tpu.memory_space<vmem_shared>>
      %dma_wait3A_118 = arith.constant 0 : i32
      %dma_wait3A_119 = tpu.memref_slice %arg12[%add3A_65, %dma_wait3A_118] : memref<10240x128xf32, #tpu.memory_space<vmem_shared>> -> memref<64x128xf32, #tpu.memory_space<vmem_shared>>
      tpu.wait_dma2 semaphore(%run_scoped3A : memref<!tpu.dma_semaphore, #tpu.memory_space<semaphore_mem>>) src(%dma_wait3A_119 : memref<64x128xf32, #tpu.memory_space<vmem_shared>>) dst(%arg11 : memref<64x128xf32, #tpu.memory_space<vmem>>)
      tpu.yield
    }) : () -> ()
    %mul3A_66 = arith.constant 10240 : i32
    %mul3A_67 = arith.muli %arg0, %mul3A_66 : i32
    %add3A_68 = arith.addi %mul3A_67, %mul3A_2 : i32
    %add3A_69 = arith.constant 192 : i32
    %add3A_70 = arith.addi %add3A_68, %add3A_69 : i32
    "tpu.region"() ({
      %run_scoped3A = tpu.sem_alloc : memref<!tpu.dma_semaphore, #tpu.memory_space<semaphore_mem>>
      %dma_start3A = arith.constant 0 : i32
      %dma_start3A_113 = tpu.memref_slice %arg6[%add3A_70, %dma_start3A] : memref<20480x128xf32, #tpu.memory_space<hbm>> -> memref<64x128xf32, #tpu.memory_space<hbm>>
      %dma_start3A_114 = arith.constant 0 : i32
      %dma_start3A_115 = tpu.memref_slice %arg6[%add3A_70, %dma_start3A_114] : memref<20480x128xf32, #tpu.memory_space<hbm>> -> memref<64x128xf32, #tpu.memory_space<hbm>>
      tpu.enqueue_dma source(%arg11 : memref<64x128xf32, #tpu.memory_space<vmem>>) target(%dma_start3A_115 : memref<64x128xf32, #tpu.memory_space<hbm>>) target_semaphore(%run_scoped3A : memref<!tpu.dma_semaphore, #tpu.memory_space<semaphore_mem>>)
      %dma_wait3A_116 = arith.constant 0 : i32
      %dma_wait3A_117 = tpu.memref_slice %arg6[%add3A_70, %dma_wait3A_116] : memref<20480x128xf32, #tpu.memory_space<hbm>> -> memref<64x128xf32, #tpu.memory_space<hbm>>
      %dma_wait3A_118 = arith.constant 0 : i32
      %dma_wait3A_119 = tpu.memref_slice %arg6[%add3A_70, %dma_wait3A_118] : memref<20480x128xf32, #tpu.memory_space<hbm>> -> memref<64x128xf32, #tpu.memory_space<hbm>>
      tpu.wait_dma2 semaphore(%run_scoped3A : memref<!tpu.dma_semaphore, #tpu.memory_space<semaphore_mem>>) src(%arg11 : memref<64x128xf32, #tpu.memory_space<vmem>>) dst(%dma_wait3A_119 : memref<64x128xf32, #tpu.memory_space<hbm>>)
      tpu.yield
    }) : () -> ()
    %add3A_71 = arith.constant 256 : i32
    %add3A_72 = arith.addi %mul3A_2, %add3A_71 : i32
    "tpu.region"() ({
      %run_scoped3A = tpu.sem_alloc : memref<!tpu.dma_semaphore, #tpu.memory_space<semaphore_mem>>
      %dma_start3A = arith.constant 0 : i32
      %dma_start3A_113 = tpu.memref_slice %arg12[%add3A_72, %dma_start3A] : memref<10240x128xf32, #tpu.memory_space<vmem_shared>> -> memref<64x128xf32, #tpu.memory_space<vmem_shared>>
      %dma_start3A_114 = arith.constant 0 : i32
      %dma_start3A_115 = tpu.memref_slice %arg12[%add3A_72, %dma_start3A_114] : memref<10240x128xf32, #tpu.memory_space<vmem_shared>> -> memref<64x128xf32, #tpu.memory_space<vmem_shared>>
      tpu.enqueue_dma source(%dma_start3A_115 : memref<64x128xf32, #tpu.memory_space<vmem_shared>>) target(%arg11 : memref<64x128xf32, #tpu.memory_space<vmem>>) target_semaphore(%run_scoped3A : memref<!tpu.dma_semaphore, #tpu.memory_space<semaphore_mem>>)
      %dma_wait3A_116 = arith.constant 0 : i32
      %dma_wait3A_117 = tpu.memref_slice %arg12[%add3A_72, %dma_wait3A_116] : memref<10240x128xf32, #tpu.memory_space<vmem_shared>> -> memref<64x128xf32, #tpu.memory_space<vmem_shared>>
      %dma_wait3A_118 = arith.constant 0 : i32
      %dma_wait3A_119 = tpu.memref_slice %arg12[%add3A_72, %dma_wait3A_118] : memref<10240x128xf32, #tpu.memory_space<vmem_shared>> -> memref<64x128xf32, #tpu.memory_space<vmem_shared>>
      tpu.wait_dma2 semaphore(%run_scoped3A : memref<!tpu.dma_semaphore, #tpu.memory_space<semaphore_mem>>) src(%dma_wait3A_119 : memref<64x128xf32, #tpu.memory_space<vmem_shared>>) dst(%arg11 : memref<64x128xf32, #tpu.memory_space<vmem>>)
      tpu.yield
    }) : () -> ()
    %mul3A_73 = arith.constant 10240 : i32
    %mul3A_74 = arith.muli %arg0, %mul3A_73 : i32
    %add3A_75 = arith.addi %mul3A_74, %mul3A_2 : i32
    %add3A_76 = arith.constant 256 : i32
    %add3A_77 = arith.addi %add3A_75, %add3A_76 : i32
    "tpu.region"() ({
      %run_scoped3A = tpu.sem_alloc : memref<!tpu.dma_semaphore, #tpu.memory_space<semaphore_mem>>
      %dma_start3A = arith.constant 0 : i32
      %dma_start3A_113 = tpu.memref_slice %arg6[%add3A_77, %dma_start3A] : memref<20480x128xf32, #tpu.memory_space<hbm>> -> memref<64x128xf32, #tpu.memory_space<hbm>>
      %dma_start3A_114 = arith.constant 0 : i32
      %dma_start3A_115 = tpu.memref_slice %arg6[%add3A_77, %dma_start3A_114] : memref<20480x128xf32, #tpu.memory_space<hbm>> -> memref<64x128xf32, #tpu.memory_space<hbm>>
      tpu.enqueue_dma source(%arg11 : memref<64x128xf32, #tpu.memory_space<vmem>>) target(%dma_start3A_115 : memref<64x128xf32, #tpu.memory_space<hbm>>) target_semaphore(%run_scoped3A : memref<!tpu.dma_semaphore, #tpu.memory_space<semaphore_mem>>)
      %dma_wait3A_116 = arith.constant 0 : i32
      %dma_wait3A_117 = tpu.memref_slice %arg6[%add3A_77, %dma_wait3A_116] : memref<20480x128xf32, #tpu.memory_space<hbm>> -> memref<64x128xf32, #tpu.memory_space<hbm>>
      %dma_wait3A_118 = arith.constant 0 : i32
      %dma_wait3A_119 = tpu.memref_slice %arg6[%add3A_77, %dma_wait3A_118] : memref<20480x128xf32, #tpu.memory_space<hbm>> -> memref<64x128xf32, #tpu.memory_space<hbm>>
      tpu.wait_dma2 semaphore(%run_scoped3A : memref<!tpu.dma_semaphore, #tpu.memory_space<semaphore_mem>>) src(%arg11 : memref<64x128xf32, #tpu.memory_space<vmem>>) dst(%dma_wait3A_119 : memref<64x128xf32, #tpu.memory_space<hbm>>)
      tpu.yield
    }) : () -> ()
    %add3A_78 = arith.constant 320 : i32
    %add3A_79 = arith.addi %mul3A_2, %add3A_78 : i32
    "tpu.region"() ({
      %run_scoped3A = tpu.sem_alloc : memref<!tpu.dma_semaphore, #tpu.memory_space<semaphore_mem>>
      %dma_start3A = arith.constant 0 : i32
      %dma_start3A_113 = tpu.memref_slice %arg12[%add3A_79, %dma_start3A] : memref<10240x128xf32, #tpu.memory_space<vmem_shared>> -> memref<64x128xf32, #tpu.memory_space<vmem_shared>>
      %dma_start3A_114 = arith.constant 0 : i32
      %dma_start3A_115 = tpu.memref_slice %arg12[%add3A_79, %dma_start3A_114] : memref<10240x128xf32, #tpu.memory_space<vmem_shared>> -> memref<64x128xf32, #tpu.memory_space<vmem_shared>>
      tpu.enqueue_dma source(%dma_start3A_115 : memref<64x128xf32, #tpu.memory_space<vmem_shared>>) target(%arg11 : memref<64x128xf32, #tpu.memory_space<vmem>>) target_semaphore(%run_scoped3A : memref<!tpu.dma_semaphore, #tpu.memory_space<semaphore_mem>>)
      %dma_wait3A_116 = arith.constant 0 : i32
      %dma_wait3A_117 = tpu.memref_slice %arg12[%add3A_79, %dma_wait3A_116] : memref<10240x128xf32, #tpu.memory_space<vmem_shared>> -> memref<64x128xf32, #tpu.memory_space<vmem_shared>>
      %dma_wait3A_118 = arith.constant 0 : i32
      %dma_wait3A_119 = tpu.memref_slice %arg12[%add3A_79, %dma_wait3A_118] : memref<10240x128xf32, #tpu.memory_space<vmem_shared>> -> memref<64x128xf32, #tpu.memory_space<vmem_shared>>
      tpu.wait_dma2 semaphore(%run_scoped3A : memref<!tpu.dma_semaphore, #tpu.memory_space<semaphore_mem>>) src(%dma_wait3A_119 : memref<64x128xf32, #tpu.memory_space<vmem_shared>>) dst(%arg11 : memref<64x128xf32, #tpu.memory_space<vmem>>)
      tpu.yield
    }) : () -> ()
    %mul3A_80 = arith.constant 10240 : i32
    %mul3A_81 = arith.muli %arg0, %mul3A_80 : i32
    %add3A_82 = arith.addi %mul3A_81, %mul3A_2 : i32
    %add3A_83 = arith.constant 320 : i32
    %add3A_84 = arith.addi %add3A_82, %add3A_83 : i32
    "tpu.region"() ({
      %run_scoped3A = tpu.sem_alloc : memref<!tpu.dma_semaphore, #tpu.memory_space<semaphore_mem>>
      %dma_start3A = arith.constant 0 : i32
      %dma_start3A_113 = tpu.memref_slice %arg6[%add3A_84, %dma_start3A] : memref<20480x128xf32, #tpu.memory_space<hbm>> -> memref<64x128xf32, #tpu.memory_space<hbm>>
      %dma_start3A_114 = arith.constant 0 : i32
      %dma_start3A_115 = tpu.memref_slice %arg6[%add3A_84, %dma_start3A_114] : memref<20480x128xf32, #tpu.memory_space<hbm>> -> memref<64x128xf32, #tpu.memory_space<hbm>>
      tpu.enqueue_dma source(%arg11 : memref<64x128xf32, #tpu.memory_space<vmem>>) target(%dma_start3A_115 : memref<64x128xf32, #tpu.memory_space<hbm>>) target_semaphore(%run_scoped3A : memref<!tpu.dma_semaphore, #tpu.memory_space<semaphore_mem>>)
      %dma_wait3A_116 = arith.constant 0 : i32
      %dma_wait3A_117 = tpu.memref_slice %arg6[%add3A_84, %dma_wait3A_116] : memref<20480x128xf32, #tpu.memory_space<hbm>> -> memref<64x128xf32, #tpu.memory_space<hbm>>
      %dma_wait3A_118 = arith.constant 0 : i32
      %dma_wait3A_119 = tpu.memref_slice %arg6[%add3A_84, %dma_wait3A_118] : memref<20480x128xf32, #tpu.memory_space<hbm>> -> memref<64x128xf32, #tpu.memory_space<hbm>>
      tpu.wait_dma2 semaphore(%run_scoped3A : memref<!tpu.dma_semaphore, #tpu.memory_space<semaphore_mem>>) src(%arg11 : memref<64x128xf32, #tpu.memory_space<vmem>>) dst(%dma_wait3A_119 : memref<64x128xf32, #tpu.memory_space<hbm>>)
      tpu.yield
    }) : () -> ()
    %add3A_85 = arith.constant 384 : i32
    %add3A_86 = arith.addi %mul3A_2, %add3A_85 : i32
    "tpu.region"() ({
      %run_scoped3A = tpu.sem_alloc : memref<!tpu.dma_semaphore, #tpu.memory_space<semaphore_mem>>
      %dma_start3A = arith.constant 0 : i32
      %dma_start3A_113 = tpu.memref_slice %arg12[%add3A_86, %dma_start3A] : memref<10240x128xf32, #tpu.memory_space<vmem_shared>> -> memref<64x128xf32, #tpu.memory_space<vmem_shared>>
      %dma_start3A_114 = arith.constant 0 : i32
      %dma_start3A_115 = tpu.memref_slice %arg12[%add3A_86, %dma_start3A_114] : memref<10240x128xf32, #tpu.memory_space<vmem_shared>> -> memref<64x128xf32, #tpu.memory_space<vmem_shared>>
      tpu.enqueue_dma source(%dma_start3A_115 : memref<64x128xf32, #tpu.memory_space<vmem_shared>>) target(%arg11 : memref<64x128xf32, #tpu.memory_space<vmem>>) target_semaphore(%run_scoped3A : memref<!tpu.dma_semaphore, #tpu.memory_space<semaphore_mem>>)
      %dma_wait3A_116 = arith.constant 0 : i32
      %dma_wait3A_117 = tpu.memref_slice %arg12[%add3A_86, %dma_wait3A_116] : memref<10240x128xf32, #tpu.memory_space<vmem_shared>> -> memref<64x128xf32, #tpu.memory_space<vmem_shared>>
      %dma_wait3A_118 = arith.constant 0 : i32
      %dma_wait3A_119 = tpu.memref_slice %arg12[%add3A_86, %dma_wait3A_118] : memref<10240x128xf32, #tpu.memory_space<vmem_shared>> -> memref<64x128xf32, #tpu.memory_space<vmem_shared>>
      tpu.wait_dma2 semaphore(%run_scoped3A : memref<!tpu.dma_semaphore, #tpu.memory_space<semaphore_mem>>) src(%dma_wait3A_119 : memref<64x128xf32, #tpu.memory_space<vmem_shared>>) dst(%arg11 : memref<64x128xf32, #tpu.memory_space<vmem>>)
      tpu.yield
    }) : () -> ()
    %mul3A_87 = arith.constant 10240 : i32
    %mul3A_88 = arith.muli %arg0, %mul3A_87 : i32
    %add3A_89 = arith.addi %mul3A_88, %mul3A_2 : i32
    %add3A_90 = arith.constant 384 : i32
    %add3A_91 = arith.addi %add3A_89, %add3A_90 : i32
    "tpu.region"() ({
      %run_scoped3A = tpu.sem_alloc : memref<!tpu.dma_semaphore, #tpu.memory_space<semaphore_mem>>
      %dma_start3A = arith.constant 0 : i32
      %dma_start3A_113 = tpu.memref_slice %arg6[%add3A_91, %dma_start3A] : memref<20480x128xf32, #tpu.memory_space<hbm>> -> memref<64x128xf32, #tpu.memory_space<hbm>>
      %dma_start3A_114 = arith.constant 0 : i32
      %dma_start3A_115 = tpu.memref_slice %arg6[%add3A_91, %dma_start3A_114] : memref<20480x128xf32, #tpu.memory_space<hbm>> -> memref<64x128xf32, #tpu.memory_space<hbm>>
      tpu.enqueue_dma source(%arg11 : memref<64x128xf32, #tpu.memory_space<vmem>>) target(%dma_start3A_115 : memref<64x128xf32, #tpu.memory_space<hbm>>) target_semaphore(%run_scoped3A : memref<!tpu.dma_semaphore, #tpu.memory_space<semaphore_mem>>)
      %dma_wait3A_116 = arith.constant 0 : i32
      %dma_wait3A_117 = tpu.memref_slice %arg6[%add3A_91, %dma_wait3A_116] : memref<20480x128xf32, #tpu.memory_space<hbm>> -> memref<64x128xf32, #tpu.memory_space<hbm>>
      %dma_wait3A_118 = arith.constant 0 : i32
      %dma_wait3A_119 = tpu.memref_slice %arg6[%add3A_91, %dma_wait3A_118] : memref<20480x128xf32, #tpu.memory_space<hbm>> -> memref<64x128xf32, #tpu.memory_space<hbm>>
      tpu.wait_dma2 semaphore(%run_scoped3A : memref<!tpu.dma_semaphore, #tpu.memory_space<semaphore_mem>>) src(%arg11 : memref<64x128xf32, #tpu.memory_space<vmem>>) dst(%dma_wait3A_119 : memref<64x128xf32, #tpu.memory_space<hbm>>)
      tpu.yield
    }) : () -> ()
    %add3A_92 = arith.constant 448 : i32
    %add3A_93 = arith.addi %mul3A_2, %add3A_92 : i32
    "tpu.region"() ({
      %run_scoped3A = tpu.sem_alloc : memref<!tpu.dma_semaphore, #tpu.memory_space<semaphore_mem>>
      %dma_start3A = arith.constant 0 : i32
      %dma_start3A_113 = tpu.memref_slice %arg12[%add3A_93, %dma_start3A] : memref<10240x128xf32, #tpu.memory_space<vmem_shared>> -> memref<64x128xf32, #tpu.memory_space<vmem_shared>>
      %dma_start3A_114 = arith.constant 0 : i32
      %dma_start3A_115 = tpu.memref_slice %arg12[%add3A_93, %dma_start3A_114] : memref<10240x128xf32, #tpu.memory_space<vmem_shared>> -> memref<64x128xf32, #tpu.memory_space<vmem_shared>>
      tpu.enqueue_dma source(%dma_start3A_115 : memref<64x128xf32, #tpu.memory_space<vmem_shared>>) target(%arg11 : memref<64x128xf32, #tpu.memory_space<vmem>>) target_semaphore(%run_scoped3A : memref<!tpu.dma_semaphore, #tpu.memory_space<semaphore_mem>>)
      %dma_wait3A_116 = arith.constant 0 : i32
      %dma_wait3A_117 = tpu.memref_slice %arg12[%add3A_93, %dma_wait3A_116] : memref<10240x128xf32, #tpu.memory_space<vmem_shared>> -> memref<64x128xf32, #tpu.memory_space<vmem_shared>>
      %dma_wait3A_118 = arith.constant 0 : i32
      %dma_wait3A_119 = tpu.memref_slice %arg12[%add3A_93, %dma_wait3A_118] : memref<10240x128xf32, #tpu.memory_space<vmem_shared>> -> memref<64x128xf32, #tpu.memory_space<vmem_shared>>
      tpu.wait_dma2 semaphore(%run_scoped3A : memref<!tpu.dma_semaphore, #tpu.memory_space<semaphore_mem>>) src(%dma_wait3A_119 : memref<64x128xf32, #tpu.memory_space<vmem_shared>>) dst(%arg11 : memref<64x128xf32, #tpu.memory_space<vmem>>)
      tpu.yield
    }) : () -> ()
    %mul3A_94 = arith.constant 10240 : i32
    %mul3A_95 = arith.muli %arg0, %mul3A_94 : i32
    %add3A_96 = arith.addi %mul3A_95, %mul3A_2 : i32
    %add3A_97 = arith.constant 448 : i32
    %add3A_98 = arith.addi %add3A_96, %add3A_97 : i32
    "tpu.region"() ({
      %run_scoped3A = tpu.sem_alloc : memref<!tpu.dma_semaphore, #tpu.memory_space<semaphore_mem>>
      %dma_start3A = arith.constant 0 : i32
      %dma_start3A_113 = tpu.memref_slice %arg6[%add3A_98, %dma_start3A] : memref<20480x128xf32, #tpu.memory_space<hbm>> -> memref<64x128xf32, #tpu.memory_space<hbm>>
      %dma_start3A_114 = arith.constant 0 : i32
      %dma_start3A_115 = tpu.memref_slice %arg6[%add3A_98, %dma_start3A_114] : memref<20480x128xf32, #tpu.memory_space<hbm>> -> memref<64x128xf32, #tpu.memory_space<hbm>>
      tpu.enqueue_dma source(%arg11 : memref<64x128xf32, #tpu.memory_space<vmem>>) target(%dma_start3A_115 : memref<64x128xf32, #tpu.memory_space<hbm>>) target_semaphore(%run_scoped3A : memref<!tpu.dma_semaphore, #tpu.memory_space<semaphore_mem>>)
      %dma_wait3A_116 = arith.constant 0 : i32
      %dma_wait3A_117 = tpu.memref_slice %arg6[%add3A_98, %dma_wait3A_116] : memref<20480x128xf32, #tpu.memory_space<hbm>> -> memref<64x128xf32, #tpu.memory_space<hbm>>
      %dma_wait3A_118 = arith.constant 0 : i32
      %dma_wait3A_119 = tpu.memref_slice %arg6[%add3A_98, %dma_wait3A_118] : memref<20480x128xf32, #tpu.memory_space<hbm>> -> memref<64x128xf32, #tpu.memory_space<hbm>>
      tpu.wait_dma2 semaphore(%run_scoped3A : memref<!tpu.dma_semaphore, #tpu.memory_space<semaphore_mem>>) src(%arg11 : memref<64x128xf32, #tpu.memory_space<vmem>>) dst(%dma_wait3A_119 : memref<64x128xf32, #tpu.memory_space<hbm>>)
      tpu.yield
    }) : () -> ()
    %add3A_99 = arith.constant 512 : i32
    %add3A_100 = arith.addi %mul3A_2, %add3A_99 : i32
    "tpu.region"() ({
      %run_scoped3A = tpu.sem_alloc : memref<!tpu.dma_semaphore, #tpu.memory_space<semaphore_mem>>
      %dma_start3A = arith.constant 0 : i32
      %dma_start3A_113 = tpu.memref_slice %arg12[%add3A_100, %dma_start3A] : memref<10240x128xf32, #tpu.memory_space<vmem_shared>> -> memref<64x128xf32, #tpu.memory_space<vmem_shared>>
      %dma_start3A_114 = arith.constant 0 : i32
      %dma_start3A_115 = tpu.memref_slice %arg12[%add3A_100, %dma_start3A_114] : memref<10240x128xf32, #tpu.memory_space<vmem_shared>> -> memref<64x128xf32, #tpu.memory_space<vmem_shared>>
      tpu.enqueue_dma source(%dma_start3A_115 : memref<64x128xf32, #tpu.memory_space<vmem_shared>>) target(%arg11 : memref<64x128xf32, #tpu.memory_space<vmem>>) target_semaphore(%run_scoped3A : memref<!tpu.dma_semaphore, #tpu.memory_space<semaphore_mem>>)
      %dma_wait3A_116 = arith.constant 0 : i32
      %dma_wait3A_117 = tpu.memref_slice %arg12[%add3A_100, %dma_wait3A_116] : memref<10240x128xf32, #tpu.memory_space<vmem_shared>> -> memref<64x128xf32, #tpu.memory_space<vmem_shared>>
      %dma_wait3A_118 = arith.constant 0 : i32
      %dma_wait3A_119 = tpu.memref_slice %arg12[%add3A_100, %dma_wait3A_118] : memref<10240x128xf32, #tpu.memory_space<vmem_shared>> -> memref<64x128xf32, #tpu.memory_space<vmem_shared>>
      tpu.wait_dma2 semaphore(%run_scoped3A : memref<!tpu.dma_semaphore, #tpu.memory_space<semaphore_mem>>) src(%dma_wait3A_119 : memref<64x128xf32, #tpu.memory_space<vmem_shared>>) dst(%arg11 : memref<64x128xf32, #tpu.memory_space<vmem>>)
      tpu.yield
    }) : () -> ()
    %mul3A_101 = arith.constant 10240 : i32
    %mul3A_102 = arith.muli %arg0, %mul3A_101 : i32
    %add3A_103 = arith.addi %mul3A_102, %mul3A_2 : i32
    %add3A_104 = arith.constant 512 : i32
    %add3A_105 = arith.addi %add3A_103, %add3A_104 : i32
    "tpu.region"() ({
      %run_scoped3A = tpu.sem_alloc : memref<!tpu.dma_semaphore, #tpu.memory_space<semaphore_mem>>
      %dma_start3A = arith.constant 0 : i32
      %dma_start3A_113 = tpu.memref_slice %arg6[%add3A_105, %dma_start3A] : memref<20480x128xf32, #tpu.memory_space<hbm>> -> memref<64x128xf32, #tpu.memory_space<hbm>>
      %dma_start3A_114 = arith.constant 0 : i32
      %dma_start3A_115 = tpu.memref_slice %arg6[%add3A_105, %dma_start3A_114] : memref<20480x128xf32, #tpu.memory_space<hbm>> -> memref<64x128xf32, #tpu.memory_space<hbm>>
      tpu.enqueue_dma source(%arg11 : memref<64x128xf32, #tpu.memory_space<vmem>>) target(%dma_start3A_115 : memref<64x128xf32, #tpu.memory_space<hbm>>) target_semaphore(%run_scoped3A : memref<!tpu.dma_semaphore, #tpu.memory_space<semaphore_mem>>)
      %dma_wait3A_116 = arith.constant 0 : i32
      %dma_wait3A_117 = tpu.memref_slice %arg6[%add3A_105, %dma_wait3A_116] : memref<20480x128xf32, #tpu.memory_space<hbm>> -> memref<64x128xf32, #tpu.memory_space<hbm>>
      %dma_wait3A_118 = arith.constant 0 : i32
      %dma_wait3A_119 = tpu.memref_slice %arg6[%add3A_105, %dma_wait3A_118] : memref<20480x128xf32, #tpu.memory_space<hbm>> -> memref<64x128xf32, #tpu.memory_space<hbm>>
      tpu.wait_dma2 semaphore(%run_scoped3A : memref<!tpu.dma_semaphore, #tpu.memory_space<semaphore_mem>>) src(%arg11 : memref<64x128xf32, #tpu.memory_space<vmem>>) dst(%dma_wait3A_119 : memref<64x128xf32, #tpu.memory_space<hbm>>)
      tpu.yield
    }) : () -> ()
    %add3A_106 = arith.constant 576 : i32
    %add3A_107 = arith.addi %mul3A_2, %add3A_106 : i32
    "tpu.region"() ({
      %run_scoped3A = tpu.sem_alloc : memref<!tpu.dma_semaphore, #tpu.memory_space<semaphore_mem>>
      %dma_start3A = arith.constant 0 : i32
      %dma_start3A_113 = tpu.memref_slice %arg12[%add3A_107, %dma_start3A] : memref<10240x128xf32, #tpu.memory_space<vmem_shared>> -> memref<64x128xf32, #tpu.memory_space<vmem_shared>>
      %dma_start3A_114 = arith.constant 0 : i32
      %dma_start3A_115 = tpu.memref_slice %arg12[%add3A_107, %dma_start3A_114] : memref<10240x128xf32, #tpu.memory_space<vmem_shared>> -> memref<64x128xf32, #tpu.memory_space<vmem_shared>>
      tpu.enqueue_dma source(%dma_start3A_115 : memref<64x128xf32, #tpu.memory_space<vmem_shared>>) target(%arg11 : memref<64x128xf32, #tpu.memory_space<vmem>>) target_semaphore(%run_scoped3A : memref<!tpu.dma_semaphore, #tpu.memory_space<semaphore_mem>>)
      %dma_wait3A_116 = arith.constant 0 : i32
      %dma_wait3A_117 = tpu.memref_slice %arg12[%add3A_107, %dma_wait3A_116] : memref<10240x128xf32, #tpu.memory_space<vmem_shared>> -> memref<64x128xf32, #tpu.memory_space<vmem_shared>>
      %dma_wait3A_118 = arith.constant 0 : i32
      %dma_wait3A_119 = tpu.memref_slice %arg12[%add3A_107, %dma_wait3A_118] : memref<10240x128xf32, #tpu.memory_space<vmem_shared>> -> memref<64x128xf32, #tpu.memory_space<vmem_shared>>
      tpu.wait_dma2 semaphore(%run_scoped3A : memref<!tpu.dma_semaphore, #tpu.memory_space<semaphore_mem>>) src(%dma_wait3A_119 : memref<64x128xf32, #tpu.memory_space<vmem_shared>>) dst(%arg11 : memref<64x128xf32, #tpu.memory_space<vmem>>)
      tpu.yield
    }) : () -> ()
    %mul3A_108 = arith.constant 10240 : i32
    %mul3A_109 = arith.muli %arg0, %mul3A_108 : i32
    %add3A_110 = arith.addi %mul3A_109, %mul3A_2 : i32
    %add3A_111 = arith.constant 576 : i32
    %add3A_112 = arith.addi %add3A_110, %add3A_111 : i32
    "tpu.region"() ({
      %run_scoped3A = tpu.sem_alloc : memref<!tpu.dma_semaphore, #tpu.memory_space<semaphore_mem>>
      %dma_start3A = arith.constant 0 : i32
      %dma_start3A_113 = tpu.memref_slice %arg6[%add3A_112, %dma_start3A] : memref<20480x128xf32, #tpu.memory_space<hbm>> -> memref<64x128xf32, #tpu.memory_space<hbm>>
      %dma_start3A_114 = arith.constant 0 : i32
      %dma_start3A_115 = tpu.memref_slice %arg6[%add3A_112, %dma_start3A_114] : memref<20480x128xf32, #tpu.memory_space<hbm>> -> memref<64x128xf32, #tpu.memory_space<hbm>>
      tpu.enqueue_dma source(%arg11 : memref<64x128xf32, #tpu.memory_space<vmem>>) target(%dma_start3A_115 : memref<64x128xf32, #tpu.memory_space<hbm>>) target_semaphore(%run_scoped3A : memref<!tpu.dma_semaphore, #tpu.memory_space<semaphore_mem>>)
      %dma_wait3A_116 = arith.constant 0 : i32
      %dma_wait3A_117 = tpu.memref_slice %arg6[%add3A_112, %dma_wait3A_116] : memref<20480x128xf32, #tpu.memory_space<hbm>> -> memref<64x128xf32, #tpu.memory_space<hbm>>
      %dma_wait3A_118 = arith.constant 0 : i32
      %dma_wait3A_119 = tpu.memref_slice %arg6[%add3A_112, %dma_wait3A_118] : memref<20480x128xf32, #tpu.memory_space<hbm>> -> memref<64x128xf32, #tpu.memory_space<hbm>>
      tpu.wait_dma2 semaphore(%run_scoped3A : memref<!tpu.dma_semaphore, #tpu.memory_space<semaphore_mem>>) src(%arg11 : memref<64x128xf32, #tpu.memory_space<vmem>>) dst(%dma_wait3A_119 : memref<64x128xf32, #tpu.memory_space<hbm>>)
      tpu.yield
    }) : () -> ()
    return
  }
}

#map = affine_map<(d0, d1) -> (0, 0)>
module attributes {stable_mosaic.version = 14 : i64} {
  func.func @_deg_kernel(%arg0: i32, %arg1: i32, %arg2: memref<2560x128xi32, #tpu.memory_space<hbm>>, %arg3: memref<128x128xf32, #tpu.memory_space<hbm>>, %arg4: memref<64x128xf32, #tpu.memory_space<hbm>>, %arg5: memref<20480x128xf32, #tpu.memory_space<hbm>>, %arg6: memref<8x128xi32, #tpu.memory_space<vmem>>, %arg7: memref<128x128xf32, #tpu.memory_space<vmem>>, %arg8: memref<64x128xf32, #tpu.memory_space<vmem>>, %arg9: memref<10240x128xf32, #tpu.memory_space<vmem_shared>>, %arg10: memref<!tpu.dma_semaphore, #tpu.memory_space<semaphore_mem>>, %arg11: memref<!tpu.dma_semaphore, #tpu.memory_space<semaphore_mem>>) attributes {dimension_semantics = [#tpu.dimension_semantics<core_parallel>, #tpu.dimension_semantics<subcore_parallel>], iteration_bounds = array<i64: 2, 16>, scalar_prefetch = 0 : i64, scratch_operands = 6 : i64, tpu.core_type = #tpu.core_type<sc_vector_subcore>, window_params = [{transform_indices = #map}, {transform_indices = #map}, {transform_indices = #map}, {transform_indices = #map}]} {
    %mul3A = arith.constant 2 : i32
    %mul3A_0 = arith.muli %arg1, %mul3A : i32
    %add3A = arith.addi %mul3A_0, %arg0 : i32
    %mul3A_1 = arith.constant 640 : i32
    %mul3A_2 = arith.muli %arg1, %mul3A_1 : i32
    "tpu.region"() ({
      %run_scoped3A = tpu.sem_alloc : memref<!tpu.dma_semaphore, #tpu.memory_space<semaphore_mem>>
      tpu.enqueue_dma source(%arg3 : memref<128x128xf32, #tpu.memory_space<hbm>>) target(%arg7 : memref<128x128xf32, #tpu.memory_space<vmem>>) target_semaphore(%run_scoped3A : memref<!tpu.dma_semaphore, #tpu.memory_space<semaphore_mem>>)
      tpu.wait_dma2 semaphore(%run_scoped3A : memref<!tpu.dma_semaphore, #tpu.memory_space<semaphore_mem>>) src(%arg3 : memref<128x128xf32, #tpu.memory_space<hbm>>) dst(%arg7 : memref<128x128xf32, #tpu.memory_space<vmem>>)
      tpu.yield
    }) : () -> ()
    "tpu.region"() ({
      %run_scoped3A = tpu.sem_alloc : memref<!tpu.dma_semaphore, #tpu.memory_space<semaphore_mem>>
      tpu.enqueue_dma source(%arg4 : memref<64x128xf32, #tpu.memory_space<hbm>>) target(%arg8 : memref<64x128xf32, #tpu.memory_space<vmem>>) target_semaphore(%run_scoped3A : memref<!tpu.dma_semaphore, #tpu.memory_space<semaphore_mem>>)
      tpu.wait_dma2 semaphore(%run_scoped3A : memref<!tpu.dma_semaphore, #tpu.memory_space<semaphore_mem>>) src(%arg4 : memref<64x128xf32, #tpu.memory_space<hbm>>) dst(%arg8 : memref<64x128xf32, #tpu.memory_space<vmem>>)
      tpu.yield
    }) : () -> ()
    %add3A_3 = arith.constant 0 : i32
    %add3A_4 = arith.addi %mul3A_2, %add3A_3 : i32
    "tpu.region"() ({
      %run_scoped3A = tpu.sem_alloc : memref<!tpu.dma_semaphore, #tpu.memory_space<semaphore_mem>>
      %dma_start3A = arith.constant 0 : i32
      %dma_start3A_113 = tpu.memref_slice %arg9[%add3A_4, %dma_start3A] : memref<10240x128xf32, #tpu.memory_space<vmem_shared>> -> memref<64x128xf32, #tpu.memory_space<vmem_shared>>
      %dma_start3A_114 = arith.constant 0 : i32
      %dma_start3A_115 = tpu.memref_slice %arg9[%add3A_4, %dma_start3A_114] : memref<10240x128xf32, #tpu.memory_space<vmem_shared>> -> memref<64x128xf32, #tpu.memory_space<vmem_shared>>
      tpu.enqueue_dma source(%arg8 : memref<64x128xf32, #tpu.memory_space<vmem>>) target(%dma_start3A_115 : memref<64x128xf32, #tpu.memory_space<vmem_shared>>) target_semaphore(%run_scoped3A : memref<!tpu.dma_semaphore, #tpu.memory_space<semaphore_mem>>)
      %dma_wait3A_116 = arith.constant 0 : i32
      %dma_wait3A_117 = tpu.memref_slice %arg9[%add3A_4, %dma_wait3A_116] : memref<10240x128xf32, #tpu.memory_space<vmem_shared>> -> memref<64x128xf32, #tpu.memory_space<vmem_shared>>
      %dma_wait3A_118 = arith.constant 0 : i32
      %dma_wait3A_119 = tpu.memref_slice %arg9[%add3A_4, %dma_wait3A_118] : memref<10240x128xf32, #tpu.memory_space<vmem_shared>> -> memref<64x128xf32, #tpu.memory_space<vmem_shared>>
      tpu.wait_dma2 semaphore(%run_scoped3A : memref<!tpu.dma_semaphore, #tpu.memory_space<semaphore_mem>>) src(%arg8 : memref<64x128xf32, #tpu.memory_space<vmem>>) dst(%dma_wait3A_119 : memref<64x128xf32, #tpu.memory_space<vmem_shared>>)
      tpu.yield
    }) : () -> ()
    %add3A_5 = arith.constant 64 : i32
    %add3A_6 = arith.addi %mul3A_2, %add3A_5 : i32
    "tpu.region"() ({
      %run_scoped3A = tpu.sem_alloc : memref<!tpu.dma_semaphore, #tpu.memory_space<semaphore_mem>>
      %dma_start3A = arith.constant 0 : i32
      %dma_start3A_113 = tpu.memref_slice %arg9[%add3A_6, %dma_start3A] : memref<10240x128xf32, #tpu.memory_space<vmem_shared>> -> memref<64x128xf32, #tpu.memory_space<vmem_shared>>
      %dma_start3A_114 = arith.constant 0 : i32
      %dma_start3A_115 = tpu.memref_slice %arg9[%add3A_6, %dma_start3A_114] : memref<10240x128xf32, #tpu.memory_space<vmem_shared>> -> memref<64x128xf32, #tpu.memory_space<vmem_shared>>
      tpu.enqueue_dma source(%arg8 : memref<64x128xf32, #tpu.memory_space<vmem>>) target(%dma_start3A_115 : memref<64x128xf32, #tpu.memory_space<vmem_shared>>) target_semaphore(%run_scoped3A : memref<!tpu.dma_semaphore, #tpu.memory_space<semaphore_mem>>)
      %dma_wait3A_116 = arith.constant 0 : i32
      %dma_wait3A_117 = tpu.memref_slice %arg9[%add3A_6, %dma_wait3A_116] : memref<10240x128xf32, #tpu.memory_space<vmem_shared>> -> memref<64x128xf32, #tpu.memory_space<vmem_shared>>
      %dma_wait3A_118 = arith.constant 0 : i32
      %dma_wait3A_119 = tpu.memref_slice %arg9[%add3A_6, %dma_wait3A_118] : memref<10240x128xf32, #tpu.memory_space<vmem_shared>> -> memref<64x128xf32, #tpu.memory_space<vmem_shared>>
      tpu.wait_dma2 semaphore(%run_scoped3A : memref<!tpu.dma_semaphore, #tpu.memory_space<semaphore_mem>>) src(%arg8 : memref<64x128xf32, #tpu.memory_space<vmem>>) dst(%dma_wait3A_119 : memref<64x128xf32, #tpu.memory_space<vmem_shared>>)
      tpu.yield
    }) : () -> ()
    %add3A_7 = arith.constant 128 : i32
    %add3A_8 = arith.addi %mul3A_2, %add3A_7 : i32
    "tpu.region"() ({
      %run_scoped3A = tpu.sem_alloc : memref<!tpu.dma_semaphore, #tpu.memory_space<semaphore_mem>>
      %dma_start3A = arith.constant 0 : i32
      %dma_start3A_113 = tpu.memref_slice %arg9[%add3A_8, %dma_start3A] : memref<10240x128xf32, #tpu.memory_space<vmem_shared>> -> memref<64x128xf32, #tpu.memory_space<vmem_shared>>
      %dma_start3A_114 = arith.constant 0 : i32
      %dma_start3A_115 = tpu.memref_slice %arg9[%add3A_8, %dma_start3A_114] : memref<10240x128xf32, #tpu.memory_space<vmem_shared>> -> memref<64x128xf32, #tpu.memory_space<vmem_shared>>
      tpu.enqueue_dma source(%arg8 : memref<64x128xf32, #tpu.memory_space<vmem>>) target(%dma_start3A_115 : memref<64x128xf32, #tpu.memory_space<vmem_shared>>) target_semaphore(%run_scoped3A : memref<!tpu.dma_semaphore, #tpu.memory_space<semaphore_mem>>)
      %dma_wait3A_116 = arith.constant 0 : i32
      %dma_wait3A_117 = tpu.memref_slice %arg9[%add3A_8, %dma_wait3A_116] : memref<10240x128xf32, #tpu.memory_space<vmem_shared>> -> memref<64x128xf32, #tpu.memory_space<vmem_shared>>
      %dma_wait3A_118 = arith.constant 0 : i32
      %dma_wait3A_119 = tpu.memref_slice %arg9[%add3A_8, %dma_wait3A_118] : memref<10240x128xf32, #tpu.memory_space<vmem_shared>> -> memref<64x128xf32, #tpu.memory_space<vmem_shared>>
      tpu.wait_dma2 semaphore(%run_scoped3A : memref<!tpu.dma_semaphore, #tpu.memory_space<semaphore_mem>>) src(%arg8 : memref<64x128xf32, #tpu.memory_space<vmem>>) dst(%dma_wait3A_119 : memref<64x128xf32, #tpu.memory_space<vmem_shared>>)
      tpu.yield
    }) : () -> ()
    %add3A_9 = arith.constant 192 : i32
    %add3A_10 = arith.addi %mul3A_2, %add3A_9 : i32
    "tpu.region"() ({
      %run_scoped3A = tpu.sem_alloc : memref<!tpu.dma_semaphore, #tpu.memory_space<semaphore_mem>>
      %dma_start3A = arith.constant 0 : i32
      %dma_start3A_113 = tpu.memref_slice %arg9[%add3A_10, %dma_start3A] : memref<10240x128xf32, #tpu.memory_space<vmem_shared>> -> memref<64x128xf32, #tpu.memory_space<vmem_shared>>
      %dma_start3A_114 = arith.constant 0 : i32
      %dma_start3A_115 = tpu.memref_slice %arg9[%add3A_10, %dma_start3A_114] : memref<10240x128xf32, #tpu.memory_space<vmem_shared>> -> memref<64x128xf32, #tpu.memory_space<vmem_shared>>
      tpu.enqueue_dma source(%arg8 : memref<64x128xf32, #tpu.memory_space<vmem>>) target(%dma_start3A_115 : memref<64x128xf32, #tpu.memory_space<vmem_shared>>) target_semaphore(%run_scoped3A : memref<!tpu.dma_semaphore, #tpu.memory_space<semaphore_mem>>)
      %dma_wait3A_116 = arith.constant 0 : i32
      %dma_wait3A_117 = tpu.memref_slice %arg9[%add3A_10, %dma_wait3A_116] : memref<10240x128xf32, #tpu.memory_space<vmem_shared>> -> memref<64x128xf32, #tpu.memory_space<vmem_shared>>
      %dma_wait3A_118 = arith.constant 0 : i32
      %dma_wait3A_119 = tpu.memref_slice %arg9[%add3A_10, %dma_wait3A_118] : memref<10240x128xf32, #tpu.memory_space<vmem_shared>> -> memref<64x128xf32, #tpu.memory_space<vmem_shared>>
      tpu.wait_dma2 semaphore(%run_scoped3A : memref<!tpu.dma_semaphore, #tpu.memory_space<semaphore_mem>>) src(%arg8 : memref<64x128xf32, #tpu.memory_space<vmem>>) dst(%dma_wait3A_119 : memref<64x128xf32, #tpu.memory_space<vmem_shared>>)
      tpu.yield
    }) : () -> ()
    %add3A_11 = arith.constant 256 : i32
    %add3A_12 = arith.addi %mul3A_2, %add3A_11 : i32
    "tpu.region"() ({
      %run_scoped3A = tpu.sem_alloc : memref<!tpu.dma_semaphore, #tpu.memory_space<semaphore_mem>>
      %dma_start3A = arith.constant 0 : i32
      %dma_start3A_113 = tpu.memref_slice %arg9[%add3A_12, %dma_start3A] : memref<10240x128xf32, #tpu.memory_space<vmem_shared>> -> memref<64x128xf32, #tpu.memory_space<vmem_shared>>
      %dma_start3A_114 = arith.constant 0 : i32
      %dma_start3A_115 = tpu.memref_slice %arg9[%add3A_12, %dma_start3A_114] : memref<10240x128xf32, #tpu.memory_space<vmem_shared>> -> memref<64x128xf32, #tpu.memory_space<vmem_shared>>
      tpu.enqueue_dma source(%arg8 : memref<64x128xf32, #tpu.memory_space<vmem>>) target(%dma_start3A_115 : memref<64x128xf32, #tpu.memory_space<vmem_shared>>) target_semaphore(%run_scoped3A : memref<!tpu.dma_semaphore, #tpu.memory_space<semaphore_mem>>)
      %dma_wait3A_116 = arith.constant 0 : i32
      %dma_wait3A_117 = tpu.memref_slice %arg9[%add3A_12, %dma_wait3A_116] : memref<10240x128xf32, #tpu.memory_space<vmem_shared>> -> memref<64x128xf32, #tpu.memory_space<vmem_shared>>
      %dma_wait3A_118 = arith.constant 0 : i32
      %dma_wait3A_119 = tpu.memref_slice %arg9[%add3A_12, %dma_wait3A_118] : memref<10240x128xf32, #tpu.memory_space<vmem_shared>> -> memref<64x128xf32, #tpu.memory_space<vmem_shared>>
      tpu.wait_dma2 semaphore(%run_scoped3A : memref<!tpu.dma_semaphore, #tpu.memory_space<semaphore_mem>>) src(%arg8 : memref<64x128xf32, #tpu.memory_space<vmem>>) dst(%dma_wait3A_119 : memref<64x128xf32, #tpu.memory_space<vmem_shared>>)
      tpu.yield
    }) : () -> ()
    %add3A_13 = arith.constant 320 : i32
    %add3A_14 = arith.addi %mul3A_2, %add3A_13 : i32
    "tpu.region"() ({
      %run_scoped3A = tpu.sem_alloc : memref<!tpu.dma_semaphore, #tpu.memory_space<semaphore_mem>>
      %dma_start3A = arith.constant 0 : i32
      %dma_start3A_113 = tpu.memref_slice %arg9[%add3A_14, %dma_start3A] : memref<10240x128xf32, #tpu.memory_space<vmem_shared>> -> memref<64x128xf32, #tpu.memory_space<vmem_shared>>
      %dma_start3A_114 = arith.constant 0 : i32
      %dma_start3A_115 = tpu.memref_slice %arg9[%add3A_14, %dma_start3A_114] : memref<10240x128xf32, #tpu.memory_space<vmem_shared>> -> memref<64x128xf32, #tpu.memory_space<vmem_shared>>
      tpu.enqueue_dma source(%arg8 : memref<64x128xf32, #tpu.memory_space<vmem>>) target(%dma_start3A_115 : memref<64x128xf32, #tpu.memory_space<vmem_shared>>) target_semaphore(%run_scoped3A : memref<!tpu.dma_semaphore, #tpu.memory_space<semaphore_mem>>)
      %dma_wait3A_116 = arith.constant 0 : i32
      %dma_wait3A_117 = tpu.memref_slice %arg9[%add3A_14, %dma_wait3A_116] : memref<10240x128xf32, #tpu.memory_space<vmem_shared>> -> memref<64x128xf32, #tpu.memory_space<vmem_shared>>
      %dma_wait3A_118 = arith.constant 0 : i32
      %dma_wait3A_119 = tpu.memref_slice %arg9[%add3A_14, %dma_wait3A_118] : memref<10240x128xf32, #tpu.memory_space<vmem_shared>> -> memref<64x128xf32, #tpu.memory_space<vmem_shared>>
      tpu.wait_dma2 semaphore(%run_scoped3A : memref<!tpu.dma_semaphore, #tpu.memory_space<semaphore_mem>>) src(%arg8 : memref<64x128xf32, #tpu.memory_space<vmem>>) dst(%dma_wait3A_119 : memref<64x128xf32, #tpu.memory_space<vmem_shared>>)
      tpu.yield
    }) : () -> ()
    %add3A_15 = arith.constant 384 : i32
    %add3A_16 = arith.addi %mul3A_2, %add3A_15 : i32
    "tpu.region"() ({
      %run_scoped3A = tpu.sem_alloc : memref<!tpu.dma_semaphore, #tpu.memory_space<semaphore_mem>>
      %dma_start3A = arith.constant 0 : i32
      %dma_start3A_113 = tpu.memref_slice %arg9[%add3A_16, %dma_start3A] : memref<10240x128xf32, #tpu.memory_space<vmem_shared>> -> memref<64x128xf32, #tpu.memory_space<vmem_shared>>
      %dma_start3A_114 = arith.constant 0 : i32
      %dma_start3A_115 = tpu.memref_slice %arg9[%add3A_16, %dma_start3A_114] : memref<10240x128xf32, #tpu.memory_space<vmem_shared>> -> memref<64x128xf32, #tpu.memory_space<vmem_shared>>
      tpu.enqueue_dma source(%arg8 : memref<64x128xf32, #tpu.memory_space<vmem>>) target(%dma_start3A_115 : memref<64x128xf32, #tpu.memory_space<vmem_shared>>) target_semaphore(%run_scoped3A : memref<!tpu.dma_semaphore, #tpu.memory_space<semaphore_mem>>)
      %dma_wait3A_116 = arith.constant 0 : i32
      %dma_wait3A_117 = tpu.memref_slice %arg9[%add3A_16, %dma_wait3A_116] : memref<10240x128xf32, #tpu.memory_space<vmem_shared>> -> memref<64x128xf32, #tpu.memory_space<vmem_shared>>
      %dma_wait3A_118 = arith.constant 0 : i32
      %dma_wait3A_119 = tpu.memref_slice %arg9[%add3A_16, %dma_wait3A_118] : memref<10240x128xf32, #tpu.memory_space<vmem_shared>> -> memref<64x128xf32, #tpu.memory_space<vmem_shared>>
      tpu.wait_dma2 semaphore(%run_scoped3A : memref<!tpu.dma_semaphore, #tpu.memory_space<semaphore_mem>>) src(%arg8 : memref<64x128xf32, #tpu.memory_space<vmem>>) dst(%dma_wait3A_119 : memref<64x128xf32, #tpu.memory_space<vmem_shared>>)
      tpu.yield
    }) : () -> ()
    %add3A_17 = arith.constant 448 : i32
    %add3A_18 = arith.addi %mul3A_2, %add3A_17 : i32
    "tpu.region"() ({
      %run_scoped3A = tpu.sem_alloc : memref<!tpu.dma_semaphore, #tpu.memory_space<semaphore_mem>>
      %dma_start3A = arith.constant 0 : i32
      %dma_start3A_113 = tpu.memref_slice %arg9[%add3A_18, %dma_start3A] : memref<10240x128xf32, #tpu.memory_space<vmem_shared>> -> memref<64x128xf32, #tpu.memory_space<vmem_shared>>
      %dma_start3A_114 = arith.constant 0 : i32
      %dma_start3A_115 = tpu.memref_slice %arg9[%add3A_18, %dma_start3A_114] : memref<10240x128xf32, #tpu.memory_space<vmem_shared>> -> memref<64x128xf32, #tpu.memory_space<vmem_shared>>
      tpu.enqueue_dma source(%arg8 : memref<64x128xf32, #tpu.memory_space<vmem>>) target(%dma_start3A_115 : memref<64x128xf32, #tpu.memory_space<vmem_shared>>) target_semaphore(%run_scoped3A : memref<!tpu.dma_semaphore, #tpu.memory_space<semaphore_mem>>)
      %dma_wait3A_116 = arith.constant 0 : i32
      %dma_wait3A_117 = tpu.memref_slice %arg9[%add3A_18, %dma_wait3A_116] : memref<10240x128xf32, #tpu.memory_space<vmem_shared>> -> memref<64x128xf32, #tpu.memory_space<vmem_shared>>
      %dma_wait3A_118 = arith.constant 0 : i32
      %dma_wait3A_119 = tpu.memref_slice %arg9[%add3A_18, %dma_wait3A_118] : memref<10240x128xf32, #tpu.memory_space<vmem_shared>> -> memref<64x128xf32, #tpu.memory_space<vmem_shared>>
      tpu.wait_dma2 semaphore(%run_scoped3A : memref<!tpu.dma_semaphore, #tpu.memory_space<semaphore_mem>>) src(%arg8 : memref<64x128xf32, #tpu.memory_space<vmem>>) dst(%dma_wait3A_119 : memref<64x128xf32, #tpu.memory_space<vmem_shared>>)
      tpu.yield
    }) : () -> ()
    %add3A_19 = arith.constant 512 : i32
    %add3A_20 = arith.addi %mul3A_2, %add3A_19 : i32
    "tpu.region"() ({
      %run_scoped3A = tpu.sem_alloc : memref<!tpu.dma_semaphore, #tpu.memory_space<semaphore_mem>>
      %dma_start3A = arith.constant 0 : i32
      %dma_start3A_113 = tpu.memref_slice %arg9[%add3A_20, %dma_start3A] : memref<10240x128xf32, #tpu.memory_space<vmem_shared>> -> memref<64x128xf32, #tpu.memory_space<vmem_shared>>
      %dma_start3A_114 = arith.constant 0 : i32
      %dma_start3A_115 = tpu.memref_slice %arg9[%add3A_20, %dma_start3A_114] : memref<10240x128xf32, #tpu.memory_space<vmem_shared>> -> memref<64x128xf32, #tpu.memory_space<vmem_shared>>
      tpu.enqueue_dma source(%arg8 : memref<64x128xf32, #tpu.memory_space<vmem>>) target(%dma_start3A_115 : memref<64x128xf32, #tpu.memory_space<vmem_shared>>) target_semaphore(%run_scoped3A : memref<!tpu.dma_semaphore, #tpu.memory_space<semaphore_mem>>)
      %dma_wait3A_116 = arith.constant 0 : i32
      %dma_wait3A_117 = tpu.memref_slice %arg9[%add3A_20, %dma_wait3A_116] : memref<10240x128xf32, #tpu.memory_space<vmem_shared>> -> memref<64x128xf32, #tpu.memory_space<vmem_shared>>
      %dma_wait3A_118 = arith.constant 0 : i32
      %dma_wait3A_119 = tpu.memref_slice %arg9[%add3A_20, %dma_wait3A_118] : memref<10240x128xf32, #tpu.memory_space<vmem_shared>> -> memref<64x128xf32, #tpu.memory_space<vmem_shared>>
      tpu.wait_dma2 semaphore(%run_scoped3A : memref<!tpu.dma_semaphore, #tpu.memory_space<semaphore_mem>>) src(%arg8 : memref<64x128xf32, #tpu.memory_space<vmem>>) dst(%dma_wait3A_119 : memref<64x128xf32, #tpu.memory_space<vmem_shared>>)
      tpu.yield
    }) : () -> ()
    %add3A_21 = arith.constant 576 : i32
    %add3A_22 = arith.addi %mul3A_2, %add3A_21 : i32
    "tpu.region"() ({
      %run_scoped3A = tpu.sem_alloc : memref<!tpu.dma_semaphore, #tpu.memory_space<semaphore_mem>>
      %dma_start3A = arith.constant 0 : i32
      %dma_start3A_113 = tpu.memref_slice %arg9[%add3A_22, %dma_start3A] : memref<10240x128xf32, #tpu.memory_space<vmem_shared>> -> memref<64x128xf32, #tpu.memory_space<vmem_shared>>
      %dma_start3A_114 = arith.constant 0 : i32
      %dma_start3A_115 = tpu.memref_slice %arg9[%add3A_22, %dma_start3A_114] : memref<10240x128xf32, #tpu.memory_space<vmem_shared>> -> memref<64x128xf32, #tpu.memory_space<vmem_shared>>
      tpu.enqueue_dma source(%arg8 : memref<64x128xf32, #tpu.memory_space<vmem>>) target(%dma_start3A_115 : memref<64x128xf32, #tpu.memory_space<vmem_shared>>) target_semaphore(%run_scoped3A : memref<!tpu.dma_semaphore, #tpu.memory_space<semaphore_mem>>)
      %dma_wait3A_116 = arith.constant 0 : i32
      %dma_wait3A_117 = tpu.memref_slice %arg9[%add3A_22, %dma_wait3A_116] : memref<10240x128xf32, #tpu.memory_space<vmem_shared>> -> memref<64x128xf32, #tpu.memory_space<vmem_shared>>
      %dma_wait3A_118 = arith.constant 0 : i32
      %dma_wait3A_119 = tpu.memref_slice %arg9[%add3A_22, %dma_wait3A_118] : memref<10240x128xf32, #tpu.memory_space<vmem_shared>> -> memref<64x128xf32, #tpu.memory_space<vmem_shared>>
      tpu.wait_dma2 semaphore(%run_scoped3A : memref<!tpu.dma_semaphore, #tpu.memory_space<semaphore_mem>>) src(%arg8 : memref<64x128xf32, #tpu.memory_space<vmem>>) dst(%dma_wait3A_119 : memref<64x128xf32, #tpu.memory_space<vmem_shared>>)
      tpu.yield
    }) : () -> ()
    %barrier3A = arith.constant 0 : index
    tpu.barrier barrier_id(%barrier3A)
    %scan3A = arith.constant 0 : i32
    %scan3A_23 = arith.constant 0 : i32
    %scan3A_24 = arith.constant 40 : i32
    %scan3A_25 = arith.addi %scan3A_23, %scan3A_24 : i32
    %scan3A_26 = arith.constant 1 : i32
    %scan3A_27 = scf.for %scan3A_113 = %scan3A_23 to %scan3A_25 step %scan3A_26 iter_args(%scan3A_114 = %scan3A) -> (i32)  : i32 {
      %gt3A = arith.constant 0 : i32
      %gt3A_115 = arith.cmpi sgt, %scan3A_113, %gt3A : i32
      %convert_element_type3A = arith.extui %gt3A_115 : i1 to i32
      %cond3A = arith.constant 0 : i32
      %cond3A_116 = arith.cmpi ne, %convert_element_type3A, %cond3A : i32
      scf.if %cond3A_116 {
        %dma_wait3A_163 = arith.constant 0 : i32
        %dma_wait3A_164 = arith.constant 0 : i32
        %dma_wait3A_165 = tpu.memref_slice %arg6[%dma_wait3A_163, %dma_wait3A_164] : memref<8x128xi32, #tpu.memory_space<vmem>> -> memref<1x128xi32, #tpu.memory_space<vmem>>
        %dma_wait3A_166 = tpu.memref_squeeze %dma_wait3A_165 : memref<1x128xi32, #tpu.memory_space<vmem>> -> memref<128xi32, #tpu.memory_space<vmem>>
        %dma_wait3A_167 = arith.constant 0 : i32
        %dma_wait3A_168 = arith.constant 0 : i32
        %dma_wait3A_169 = tpu.memref_slice %arg9[%dma_wait3A_167, %dma_wait3A_168] : memref<10240x128xf32, #tpu.memory_space<vmem_shared>> -> memref<10240x128xf32, #tpu.memory_space<vmem_shared>>
        tpu.wait_indirect_dma semaphore(%arg10 : memref<!tpu.dma_semaphore, #tpu.memory_space<semaphore_mem>>) src(%arg7 : memref<128x128xf32, #tpu.memory_space<vmem>>) dst(%dma_wait3A_169 : memref<10240x128xf32, #tpu.memory_space<vmem_shared>>)
        %dma_wait3A_170 = arith.constant 1 : i32
        %dma_wait3A_171 = arith.constant 0 : i32
        %dma_wait3A_172 = tpu.memref_slice %arg6[%dma_wait3A_170, %dma_wait3A_171] : memref<8x128xi32, #tpu.memory_space<vmem>> -> memref<1x128xi32, #tpu.memory_space<vmem>>
        %dma_wait3A_173 = tpu.memref_squeeze %dma_wait3A_172 : memref<1x128xi32, #tpu.memory_space<vmem>> -> memref<128xi32, #tpu.memory_space<vmem>>
        %dma_wait3A_174 = arith.constant 0 : i32
        %dma_wait3A_175 = arith.constant 0 : i32
        %dma_wait3A_176 = tpu.memref_slice %arg9[%dma_wait3A_174, %dma_wait3A_175] : memref<10240x128xf32, #tpu.memory_space<vmem_shared>> -> memref<10240x128xf32, #tpu.memory_space<vmem_shared>>
        tpu.wait_indirect_dma semaphore(%arg11 : memref<!tpu.dma_semaphore, #tpu.memory_space<semaphore_mem>>) src(%arg7 : memref<128x128xf32, #tpu.memory_space<vmem>>) dst(%dma_wait3A_176 : memref<10240x128xf32, #tpu.memory_space<vmem_shared>>)
      } else {
      }
      %jit3A = arith.constant 4 : i32
      %eq3A = arith.constant 0 : i32
      %eq3A_117 = arith.cmpi eq, %jit3A, %eq3A : i32
      %jit3A_118 = arith.constant 1 : i32
      %select_n3A = arith.select %eq3A_117, %jit3A_118, %jit3A : i32
      %rem3A = arith.remsi %scan3A_113, %select_n3A : i32
      %ne3A = arith.constant 0 : i32
      %ne3A_119 = arith.cmpi ne, %rem3A, %ne3A : i32
      %lt3A = arith.constant 0 : i32
      %lt3A_120 = arith.cmpi slt, %rem3A, %lt3A : i32
      %lt3A_121 = arith.constant 0 : i32
      %lt3A_122 = arith.cmpi slt, %select_n3A, %lt3A_121 : i32
      %ne3A_123 = arith.xori %lt3A_120, %lt3A_122 : i1
      %and3A = arith.andi %ne3A_123, %ne3A_119 : i1
      %add3A_124 = arith.addi %rem3A, %select_n3A : i32
      %select_n3A_125 = arith.select %and3A, %add3A_124, %rem3A : i32
      %eq3A_126 = arith.constant 0 : i32
      %eq3A_127 = arith.cmpi eq, %select_n3A_125, %eq3A_126 : i32
      %convert_element_type3A_128 = arith.extui %eq3A_127 : i1 to i32
      %cond3A_129 = arith.constant 0 : i32
      %cond3A_130 = arith.cmpi ne, %convert_element_type3A_128, %cond3A_129 : i32
      scf.if %cond3A_130 {
        %mul3A_163 = arith.constant 80 : i32
        %mul3A_164 = arith.muli %add3A, %mul3A_163 : i32
        %jit3A_165 = arith.constant 4 : i32
        %div3A = arith.divsi %scan3A_113, %jit3A_165 : i32
        %sign3A = arith.constant 0 : i32
        %sign3A_166 = arith.cmpi sgt, %scan3A_113, %sign3A : i32
        %sign3A_167 = arith.extui %sign3A_166 : i1 to i32
        %sign3A_168 = arith.constant 0 : i32
        %sign3A_169 = arith.cmpi slt, %scan3A_113, %sign3A_168 : i32
        %sign3A_170 = arith.extui %sign3A_169 : i1 to i32
        %sign3A_171 = arith.subi %sign3A_167, %sign3A_170 : i32
        %sign3A_172 = arith.constant 0 : i32
        %sign3A_173 = arith.cmpi sgt, %jit3A_165, %sign3A_172 : i32
        %sign3A_174 = arith.extui %sign3A_173 : i1 to i32
        %sign3A_175 = arith.constant 0 : i32
        %sign3A_176 = arith.cmpi slt, %jit3A_165, %sign3A_175 : i32
        %sign3A_177 = arith.extui %sign3A_176 : i1 to i32
        %sign3A_178 = arith.subi %sign3A_174, %sign3A_177 : i32
        %ne3A_179 = arith.cmpi ne, %sign3A_171, %sign3A_178 : i32
        %rem3A_180 = arith.remsi %scan3A_113, %jit3A_165 : i32
        %ne3A_181 = arith.constant 0 : i32
        %ne3A_182 = arith.cmpi ne, %rem3A_180, %ne3A_181 : i32
        %and3A_183 = arith.andi %ne3A_179, %ne3A_182 : i1
        %sub3A = arith.constant 1 : i32
        %sub3A_184 = arith.subi %div3A, %sub3A : i32
        %select_n3A_185 = arith.select %and3A_183, %sub3A_184, %div3A : i32
        %mul3A_186 = arith.constant 8 : i32
        %mul3A_187 = arith.muli %select_n3A_185, %mul3A_186 : i32
        %add3A_188 = arith.addi %mul3A_164, %mul3A_187 : i32
        "tpu.region"() ({
          %run_scoped3A = tpu.sem_alloc : memref<!tpu.dma_semaphore, #tpu.memory_space<semaphore_mem>>
          %dma_start3A_189 = arith.constant 0 : i32
          %dma_start3A_190 = tpu.memref_slice %arg2[%add3A_188, %dma_start3A_189] : memref<2560x128xi32, #tpu.memory_space<hbm>> -> memref<8x128xi32, #tpu.memory_space<hbm>>
          %dma_start3A_191 = arith.constant 0 : i32
          %dma_start3A_192 = tpu.memref_slice %arg2[%add3A_188, %dma_start3A_191] : memref<2560x128xi32, #tpu.memory_space<hbm>> -> memref<8x128xi32, #tpu.memory_space<hbm>>
          tpu.enqueue_dma source(%dma_start3A_192 : memref<8x128xi32, #tpu.memory_space<hbm>>) target(%arg6 : memref<8x128xi32, #tpu.memory_space<vmem>>) target_semaphore(%run_scoped3A : memref<!tpu.dma_semaphore, #tpu.memory_space<semaphore_mem>>)
          %dma_wait3A_193 = arith.constant 0 : i32
          %dma_wait3A_194 = tpu.memref_slice %arg2[%add3A_188, %dma_wait3A_193] : memref<2560x128xi32, #tpu.memory_space<hbm>> -> memref<8x128xi32, #tpu.memory_space<hbm>>
          %dma_wait3A_195 = arith.constant 0 : i32
          %dma_wait3A_196 = tpu.memref_slice %arg2[%add3A_188, %dma_wait3A_195] : memref<2560x128xi32, #tpu.memory_space<hbm>> -> memref<8x128xi32, #tpu.memory_space<hbm>>
          tpu.wait_dma2 semaphore(%run_scoped3A : memref<!tpu.dma_semaphore, #tpu.memory_space<semaphore_mem>>) src(%dma_wait3A_196 : memref<8x128xi32, #tpu.memory_space<hbm>>) dst(%arg6 : memref<8x128xi32, #tpu.memory_space<vmem>>)
          tpu.yield
        }) : () -> ()
      } else {
      }
      %mul3A_131 = arith.constant 2 : i32
      %mul3A_132 = arith.muli %mul3A_131, %scan3A_113 : i32
      %jit3A_133 = arith.constant 8 : i32
      %eq3A_134 = arith.constant 0 : i32
      %eq3A_135 = arith.cmpi eq, %jit3A_133, %eq3A_134 : i32
      %jit3A_136 = arith.constant 1 : i32
      %select_n3A_137 = arith.select %eq3A_135, %jit3A_136, %jit3A_133 : i32
      %rem3A_138 = arith.remsi %mul3A_132, %select_n3A_137 : i32
      %ne3A_139 = arith.constant 0 : i32
      %ne3A_140 = arith.cmpi ne, %rem3A_138, %ne3A_139 : i32
      %lt3A_141 = arith.constant 0 : i32
      %lt3A_142 = arith.cmpi slt, %rem3A_138, %lt3A_141 : i32
      %lt3A_143 = arith.constant 0 : i32
      %lt3A_144 = arith.cmpi slt, %select_n3A_137, %lt3A_143 : i32
      %ne3A_145 = arith.xori %lt3A_142, %lt3A_144 : i1
      %and3A_146 = arith.andi %ne3A_145, %ne3A_140 : i1
      %add3A_147 = arith.addi %rem3A_138, %select_n3A_137 : i32
      %select_n3A_148 = arith.select %and3A_146, %add3A_147, %rem3A_138 : i32
      %add3A_149 = arith.constant 1 : i32
      %add3A_150 = arith.addi %select_n3A_148, %add3A_149 : i32
      %dma_start3A = arith.constant 0 : i32
      %dma_start3A_151 = tpu.memref_slice %arg6[%select_n3A_148, %dma_start3A] : memref<8x128xi32, #tpu.memory_space<vmem>> -> memref<1x128xi32, #tpu.memory_space<vmem>>
      %dma_start3A_152 = tpu.memref_squeeze %dma_start3A_151 : memref<1x128xi32, #tpu.memory_space<vmem>> -> memref<128xi32, #tpu.memory_space<vmem>>
      %dma_start3A_153 = arith.constant 0 : i32
      %dma_start3A_154 = arith.constant 0 : i32
      %dma_start3A_155 = tpu.memref_slice %arg9[%dma_start3A_153, %dma_start3A_154] : memref<10240x128xf32, #tpu.memory_space<vmem_shared>> -> memref<10240x128xf32, #tpu.memory_space<vmem_shared>>
      tpu.enqueue_indirect_dma source(%arg7 : memref<128x128xf32, #tpu.memory_space<vmem>>) target(%dma_start3A_155 : memref<10240x128xf32, #tpu.memory_space<vmem_shared>>) offsets(%dma_start3A_152 : memref<128xi32, #tpu.memory_space<vmem>>) semaphore(%arg10 : memref<!tpu.dma_semaphore, #tpu.memory_space<semaphore_mem>>) {add = true}
      %dma_start3A_156 = arith.constant 0 : i32
      %dma_start3A_157 = tpu.memref_slice %arg6[%add3A_150, %dma_start3A_156] : memref<8x128xi32, #tpu.memory_space<vmem>> -> memref<1x128xi32, #tpu.memory_space<vmem>>
      %dma_start3A_158 = tpu.memref_squeeze %dma_start3A_157 : memref<1x128xi32, #tpu.memory_space<vmem>> -> memref<128xi32, #tpu.memory_space<vmem>>
      %dma_start3A_159 = arith.constant 0 : i32
      %dma_start3A_160 = arith.constant 0 : i32
      %dma_start3A_161 = tpu.memref_slice %arg9[%dma_start3A_159, %dma_start3A_160] : memref<10240x128xf32, #tpu.memory_space<vmem_shared>> -> memref<10240x128xf32, #tpu.memory_space<vmem_shared>>
      tpu.enqueue_indirect_dma source(%arg7 : memref<128x128xf32, #tpu.memory_space<vmem>>) target(%dma_start3A_161 : memref<10240x128xf32, #tpu.memory_space<vmem_shared>>) offsets(%dma_start3A_158 : memref<128xi32, #tpu.memory_space<vmem>>) semaphore(%arg11 : memref<!tpu.dma_semaphore, #tpu.memory_space<semaphore_mem>>) {add = true}
      %scan3A_162 = arith.constant 0 : i32
      scf.yield %scan3A_162 : i32
    }
    %scan3A_28 = arith.constant 40 : i32
    %dma_wait3A = arith.constant 0 : i32
    %dma_wait3A_29 = arith.constant 0 : i32
    %dma_wait3A_30 = tpu.memref_slice %arg6[%dma_wait3A, %dma_wait3A_29] : memref<8x128xi32, #tpu.memory_space<vmem>> -> memref<1x128xi32, #tpu.memory_space<vmem>>
    %dma_wait3A_31 = tpu.memref_squeeze %dma_wait3A_30 : memref<1x128xi32, #tpu.memory_space<vmem>> -> memref<128xi32, #tpu.memory_space<vmem>>
    %dma_wait3A_32 = arith.constant 0 : i32
    %dma_wait3A_33 = arith.constant 0 : i32
    %dma_wait3A_34 = tpu.memref_slice %arg9[%dma_wait3A_32, %dma_wait3A_33] : memref<10240x128xf32, #tpu.memory_space<vmem_shared>> -> memref<10240x128xf32, #tpu.memory_space<vmem_shared>>
    tpu.wait_indirect_dma semaphore(%arg10 : memref<!tpu.dma_semaphore, #tpu.memory_space<semaphore_mem>>) src(%arg7 : memref<128x128xf32, #tpu.memory_space<vmem>>) dst(%dma_wait3A_34 : memref<10240x128xf32, #tpu.memory_space<vmem_shared>>)
    %dma_wait3A_35 = arith.constant 1 : i32
    %dma_wait3A_36 = arith.constant 0 : i32
    %dma_wait3A_37 = tpu.memref_slice %arg6[%dma_wait3A_35, %dma_wait3A_36] : memref<8x128xi32, #tpu.memory_space<vmem>> -> memref<1x128xi32, #tpu.memory_space<vmem>>
    %dma_wait3A_38 = tpu.memref_squeeze %dma_wait3A_37 : memref<1x128xi32, #tpu.memory_space<vmem>> -> memref<128xi32, #tpu.memory_space<vmem>>
    %dma_wait3A_39 = arith.constant 0 : i32
    %dma_wait3A_40 = arith.constant 0 : i32
    %dma_wait3A_41 = tpu.memref_slice %arg9[%dma_wait3A_39, %dma_wait3A_40] : memref<10240x128xf32, #tpu.memory_space<vmem_shared>> -> memref<10240x128xf32, #tpu.memory_space<vmem_shared>>
    tpu.wait_indirect_dma semaphore(%arg11 : memref<!tpu.dma_semaphore, #tpu.memory_space<semaphore_mem>>) src(%arg7 : memref<128x128xf32, #tpu.memory_space<vmem>>) dst(%dma_wait3A_41 : memref<10240x128xf32, #tpu.memory_space<vmem_shared>>)
    %barrier3A_42 = arith.constant 0 : index
    tpu.barrier barrier_id(%barrier3A_42)
    %add3A_43 = arith.constant 0 : i32
    %add3A_44 = arith.addi %mul3A_2, %add3A_43 : i32
    "tpu.region"() ({
      %run_scoped3A = tpu.sem_alloc : memref<!tpu.dma_semaphore, #tpu.memory_space<semaphore_mem>>
      %dma_start3A = arith.constant 0 : i32
      %dma_start3A_113 = tpu.memref_slice %arg9[%add3A_44, %dma_start3A] : memref<10240x128xf32, #tpu.memory_space<vmem_shared>> -> memref<64x128xf32, #tpu.memory_space<vmem_shared>>
      %dma_start3A_114 = arith.constant 0 : i32
      %dma_start3A_115 = tpu.memref_slice %arg9[%add3A_44, %dma_start3A_114] : memref<10240x128xf32, #tpu.memory_space<vmem_shared>> -> memref<64x128xf32, #tpu.memory_space<vmem_shared>>
      tpu.enqueue_dma source(%dma_start3A_115 : memref<64x128xf32, #tpu.memory_space<vmem_shared>>) target(%arg8 : memref<64x128xf32, #tpu.memory_space<vmem>>) target_semaphore(%run_scoped3A : memref<!tpu.dma_semaphore, #tpu.memory_space<semaphore_mem>>)
      %dma_wait3A_116 = arith.constant 0 : i32
      %dma_wait3A_117 = tpu.memref_slice %arg9[%add3A_44, %dma_wait3A_116] : memref<10240x128xf32, #tpu.memory_space<vmem_shared>> -> memref<64x128xf32, #tpu.memory_space<vmem_shared>>
      %dma_wait3A_118 = arith.constant 0 : i32
      %dma_wait3A_119 = tpu.memref_slice %arg9[%add3A_44, %dma_wait3A_118] : memref<10240x128xf32, #tpu.memory_space<vmem_shared>> -> memref<64x128xf32, #tpu.memory_space<vmem_shared>>
      tpu.wait_dma2 semaphore(%run_scoped3A : memref<!tpu.dma_semaphore, #tpu.memory_space<semaphore_mem>>) src(%dma_wait3A_119 : memref<64x128xf32, #tpu.memory_space<vmem_shared>>) dst(%arg8 : memref<64x128xf32, #tpu.memory_space<vmem>>)
      tpu.yield
    }) : () -> ()
    %mul3A_45 = arith.constant 10240 : i32
    %mul3A_46 = arith.muli %arg0, %mul3A_45 : i32
    %add3A_47 = arith.addi %mul3A_46, %mul3A_2 : i32
    %add3A_48 = arith.constant 0 : i32
    %add3A_49 = arith.addi %add3A_47, %add3A_48 : i32
    "tpu.region"() ({
      %run_scoped3A = tpu.sem_alloc : memref<!tpu.dma_semaphore, #tpu.memory_space<semaphore_mem>>
      %dma_start3A = arith.constant 0 : i32
      %dma_start3A_113 = tpu.memref_slice %arg5[%add3A_49, %dma_start3A] : memref<20480x128xf32, #tpu.memory_space<hbm>> -> memref<64x128xf32, #tpu.memory_space<hbm>>
      %dma_start3A_114 = arith.constant 0 : i32
      %dma_start3A_115 = tpu.memref_slice %arg5[%add3A_49, %dma_start3A_114] : memref<20480x128xf32, #tpu.memory_space<hbm>> -> memref<64x128xf32, #tpu.memory_space<hbm>>
      tpu.enqueue_dma source(%arg8 : memref<64x128xf32, #tpu.memory_space<vmem>>) target(%dma_start3A_115 : memref<64x128xf32, #tpu.memory_space<hbm>>) target_semaphore(%run_scoped3A : memref<!tpu.dma_semaphore, #tpu.memory_space<semaphore_mem>>)
      %dma_wait3A_116 = arith.constant 0 : i32
      %dma_wait3A_117 = tpu.memref_slice %arg5[%add3A_49, %dma_wait3A_116] : memref<20480x128xf32, #tpu.memory_space<hbm>> -> memref<64x128xf32, #tpu.memory_space<hbm>>
      %dma_wait3A_118 = arith.constant 0 : i32
      %dma_wait3A_119 = tpu.memref_slice %arg5[%add3A_49, %dma_wait3A_118] : memref<20480x128xf32, #tpu.memory_space<hbm>> -> memref<64x128xf32, #tpu.memory_space<hbm>>
      tpu.wait_dma2 semaphore(%run_scoped3A : memref<!tpu.dma_semaphore, #tpu.memory_space<semaphore_mem>>) src(%arg8 : memref<64x128xf32, #tpu.memory_space<vmem>>) dst(%dma_wait3A_119 : memref<64x128xf32, #tpu.memory_space<hbm>>)
      tpu.yield
    }) : () -> ()
    %add3A_50 = arith.constant 64 : i32
    %add3A_51 = arith.addi %mul3A_2, %add3A_50 : i32
    "tpu.region"() ({
      %run_scoped3A = tpu.sem_alloc : memref<!tpu.dma_semaphore, #tpu.memory_space<semaphore_mem>>
      %dma_start3A = arith.constant 0 : i32
      %dma_start3A_113 = tpu.memref_slice %arg9[%add3A_51, %dma_start3A] : memref<10240x128xf32, #tpu.memory_space<vmem_shared>> -> memref<64x128xf32, #tpu.memory_space<vmem_shared>>
      %dma_start3A_114 = arith.constant 0 : i32
      %dma_start3A_115 = tpu.memref_slice %arg9[%add3A_51, %dma_start3A_114] : memref<10240x128xf32, #tpu.memory_space<vmem_shared>> -> memref<64x128xf32, #tpu.memory_space<vmem_shared>>
      tpu.enqueue_dma source(%dma_start3A_115 : memref<64x128xf32, #tpu.memory_space<vmem_shared>>) target(%arg8 : memref<64x128xf32, #tpu.memory_space<vmem>>) target_semaphore(%run_scoped3A : memref<!tpu.dma_semaphore, #tpu.memory_space<semaphore_mem>>)
      %dma_wait3A_116 = arith.constant 0 : i32
      %dma_wait3A_117 = tpu.memref_slice %arg9[%add3A_51, %dma_wait3A_116] : memref<10240x128xf32, #tpu.memory_space<vmem_shared>> -> memref<64x128xf32, #tpu.memory_space<vmem_shared>>
      %dma_wait3A_118 = arith.constant 0 : i32
      %dma_wait3A_119 = tpu.memref_slice %arg9[%add3A_51, %dma_wait3A_118] : memref<10240x128xf32, #tpu.memory_space<vmem_shared>> -> memref<64x128xf32, #tpu.memory_space<vmem_shared>>
      tpu.wait_dma2 semaphore(%run_scoped3A : memref<!tpu.dma_semaphore, #tpu.memory_space<semaphore_mem>>) src(%dma_wait3A_119 : memref<64x128xf32, #tpu.memory_space<vmem_shared>>) dst(%arg8 : memref<64x128xf32, #tpu.memory_space<vmem>>)
      tpu.yield
    }) : () -> ()
    %mul3A_52 = arith.constant 10240 : i32
    %mul3A_53 = arith.muli %arg0, %mul3A_52 : i32
    %add3A_54 = arith.addi %mul3A_53, %mul3A_2 : i32
    %add3A_55 = arith.constant 64 : i32
    %add3A_56 = arith.addi %add3A_54, %add3A_55 : i32
    "tpu.region"() ({
      %run_scoped3A = tpu.sem_alloc : memref<!tpu.dma_semaphore, #tpu.memory_space<semaphore_mem>>
      %dma_start3A = arith.constant 0 : i32
      %dma_start3A_113 = tpu.memref_slice %arg5[%add3A_56, %dma_start3A] : memref<20480x128xf32, #tpu.memory_space<hbm>> -> memref<64x128xf32, #tpu.memory_space<hbm>>
      %dma_start3A_114 = arith.constant 0 : i32
      %dma_start3A_115 = tpu.memref_slice %arg5[%add3A_56, %dma_start3A_114] : memref<20480x128xf32, #tpu.memory_space<hbm>> -> memref<64x128xf32, #tpu.memory_space<hbm>>
      tpu.enqueue_dma source(%arg8 : memref<64x128xf32, #tpu.memory_space<vmem>>) target(%dma_start3A_115 : memref<64x128xf32, #tpu.memory_space<hbm>>) target_semaphore(%run_scoped3A : memref<!tpu.dma_semaphore, #tpu.memory_space<semaphore_mem>>)
      %dma_wait3A_116 = arith.constant 0 : i32
      %dma_wait3A_117 = tpu.memref_slice %arg5[%add3A_56, %dma_wait3A_116] : memref<20480x128xf32, #tpu.memory_space<hbm>> -> memref<64x128xf32, #tpu.memory_space<hbm>>
      %dma_wait3A_118 = arith.constant 0 : i32
      %dma_wait3A_119 = tpu.memref_slice %arg5[%add3A_56, %dma_wait3A_118] : memref<20480x128xf32, #tpu.memory_space<hbm>> -> memref<64x128xf32, #tpu.memory_space<hbm>>
      tpu.wait_dma2 semaphore(%run_scoped3A : memref<!tpu.dma_semaphore, #tpu.memory_space<semaphore_mem>>) src(%arg8 : memref<64x128xf32, #tpu.memory_space<vmem>>) dst(%dma_wait3A_119 : memref<64x128xf32, #tpu.memory_space<hbm>>)
      tpu.yield
    }) : () -> ()
    %add3A_57 = arith.constant 128 : i32
    %add3A_58 = arith.addi %mul3A_2, %add3A_57 : i32
    "tpu.region"() ({
      %run_scoped3A = tpu.sem_alloc : memref<!tpu.dma_semaphore, #tpu.memory_space<semaphore_mem>>
      %dma_start3A = arith.constant 0 : i32
      %dma_start3A_113 = tpu.memref_slice %arg9[%add3A_58, %dma_start3A] : memref<10240x128xf32, #tpu.memory_space<vmem_shared>> -> memref<64x128xf32, #tpu.memory_space<vmem_shared>>
      %dma_start3A_114 = arith.constant 0 : i32
      %dma_start3A_115 = tpu.memref_slice %arg9[%add3A_58, %dma_start3A_114] : memref<10240x128xf32, #tpu.memory_space<vmem_shared>> -> memref<64x128xf32, #tpu.memory_space<vmem_shared>>
      tpu.enqueue_dma source(%dma_start3A_115 : memref<64x128xf32, #tpu.memory_space<vmem_shared>>) target(%arg8 : memref<64x128xf32, #tpu.memory_space<vmem>>) target_semaphore(%run_scoped3A : memref<!tpu.dma_semaphore, #tpu.memory_space<semaphore_mem>>)
      %dma_wait3A_116 = arith.constant 0 : i32
      %dma_wait3A_117 = tpu.memref_slice %arg9[%add3A_58, %dma_wait3A_116] : memref<10240x128xf32, #tpu.memory_space<vmem_shared>> -> memref<64x128xf32, #tpu.memory_space<vmem_shared>>
      %dma_wait3A_118 = arith.constant 0 : i32
      %dma_wait3A_119 = tpu.memref_slice %arg9[%add3A_58, %dma_wait3A_118] : memref<10240x128xf32, #tpu.memory_space<vmem_shared>> -> memref<64x128xf32, #tpu.memory_space<vmem_shared>>
      tpu.wait_dma2 semaphore(%run_scoped3A : memref<!tpu.dma_semaphore, #tpu.memory_space<semaphore_mem>>) src(%dma_wait3A_119 : memref<64x128xf32, #tpu.memory_space<vmem_shared>>) dst(%arg8 : memref<64x128xf32, #tpu.memory_space<vmem>>)
      tpu.yield
    }) : () -> ()
    %mul3A_59 = arith.constant 10240 : i32
    %mul3A_60 = arith.muli %arg0, %mul3A_59 : i32
    %add3A_61 = arith.addi %mul3A_60, %mul3A_2 : i32
    %add3A_62 = arith.constant 128 : i32
    %add3A_63 = arith.addi %add3A_61, %add3A_62 : i32
    "tpu.region"() ({
      %run_scoped3A = tpu.sem_alloc : memref<!tpu.dma_semaphore, #tpu.memory_space<semaphore_mem>>
      %dma_start3A = arith.constant 0 : i32
      %dma_start3A_113 = tpu.memref_slice %arg5[%add3A_63, %dma_start3A] : memref<20480x128xf32, #tpu.memory_space<hbm>> -> memref<64x128xf32, #tpu.memory_space<hbm>>
      %dma_start3A_114 = arith.constant 0 : i32
      %dma_start3A_115 = tpu.memref_slice %arg5[%add3A_63, %dma_start3A_114] : memref<20480x128xf32, #tpu.memory_space<hbm>> -> memref<64x128xf32, #tpu.memory_space<hbm>>
      tpu.enqueue_dma source(%arg8 : memref<64x128xf32, #tpu.memory_space<vmem>>) target(%dma_start3A_115 : memref<64x128xf32, #tpu.memory_space<hbm>>) target_semaphore(%run_scoped3A : memref<!tpu.dma_semaphore, #tpu.memory_space<semaphore_mem>>)
      %dma_wait3A_116 = arith.constant 0 : i32
      %dma_wait3A_117 = tpu.memref_slice %arg5[%add3A_63, %dma_wait3A_116] : memref<20480x128xf32, #tpu.memory_space<hbm>> -> memref<64x128xf32, #tpu.memory_space<hbm>>
      %dma_wait3A_118 = arith.constant 0 : i32
      %dma_wait3A_119 = tpu.memref_slice %arg5[%add3A_63, %dma_wait3A_118] : memref<20480x128xf32, #tpu.memory_space<hbm>> -> memref<64x128xf32, #tpu.memory_space<hbm>>
      tpu.wait_dma2 semaphore(%run_scoped3A : memref<!tpu.dma_semaphore, #tpu.memory_space<semaphore_mem>>) src(%arg8 : memref<64x128xf32, #tpu.memory_space<vmem>>) dst(%dma_wait3A_119 : memref<64x128xf32, #tpu.memory_space<hbm>>)
      tpu.yield
    }) : () -> ()
    %add3A_64 = arith.constant 192 : i32
    %add3A_65 = arith.addi %mul3A_2, %add3A_64 : i32
    "tpu.region"() ({
      %run_scoped3A = tpu.sem_alloc : memref<!tpu.dma_semaphore, #tpu.memory_space<semaphore_mem>>
      %dma_start3A = arith.constant 0 : i32
      %dma_start3A_113 = tpu.memref_slice %arg9[%add3A_65, %dma_start3A] : memref<10240x128xf32, #tpu.memory_space<vmem_shared>> -> memref<64x128xf32, #tpu.memory_space<vmem_shared>>
      %dma_start3A_114 = arith.constant 0 : i32
      %dma_start3A_115 = tpu.memref_slice %arg9[%add3A_65, %dma_start3A_114] : memref<10240x128xf32, #tpu.memory_space<vmem_shared>> -> memref<64x128xf32, #tpu.memory_space<vmem_shared>>
      tpu.enqueue_dma source(%dma_start3A_115 : memref<64x128xf32, #tpu.memory_space<vmem_shared>>) target(%arg8 : memref<64x128xf32, #tpu.memory_space<vmem>>) target_semaphore(%run_scoped3A : memref<!tpu.dma_semaphore, #tpu.memory_space<semaphore_mem>>)
      %dma_wait3A_116 = arith.constant 0 : i32
      %dma_wait3A_117 = tpu.memref_slice %arg9[%add3A_65, %dma_wait3A_116] : memref<10240x128xf32, #tpu.memory_space<vmem_shared>> -> memref<64x128xf32, #tpu.memory_space<vmem_shared>>
      %dma_wait3A_118 = arith.constant 0 : i32
      %dma_wait3A_119 = tpu.memref_slice %arg9[%add3A_65, %dma_wait3A_118] : memref<10240x128xf32, #tpu.memory_space<vmem_shared>> -> memref<64x128xf32, #tpu.memory_space<vmem_shared>>
      tpu.wait_dma2 semaphore(%run_scoped3A : memref<!tpu.dma_semaphore, #tpu.memory_space<semaphore_mem>>) src(%dma_wait3A_119 : memref<64x128xf32, #tpu.memory_space<vmem_shared>>) dst(%arg8 : memref<64x128xf32, #tpu.memory_space<vmem>>)
      tpu.yield
    }) : () -> ()
    %mul3A_66 = arith.constant 10240 : i32
    %mul3A_67 = arith.muli %arg0, %mul3A_66 : i32
    %add3A_68 = arith.addi %mul3A_67, %mul3A_2 : i32
    %add3A_69 = arith.constant 192 : i32
    %add3A_70 = arith.addi %add3A_68, %add3A_69 : i32
    "tpu.region"() ({
      %run_scoped3A = tpu.sem_alloc : memref<!tpu.dma_semaphore, #tpu.memory_space<semaphore_mem>>
      %dma_start3A = arith.constant 0 : i32
      %dma_start3A_113 = tpu.memref_slice %arg5[%add3A_70, %dma_start3A] : memref<20480x128xf32, #tpu.memory_space<hbm>> -> memref<64x128xf32, #tpu.memory_space<hbm>>
      %dma_start3A_114 = arith.constant 0 : i32
      %dma_start3A_115 = tpu.memref_slice %arg5[%add3A_70, %dma_start3A_114] : memref<20480x128xf32, #tpu.memory_space<hbm>> -> memref<64x128xf32, #tpu.memory_space<hbm>>
      tpu.enqueue_dma source(%arg8 : memref<64x128xf32, #tpu.memory_space<vmem>>) target(%dma_start3A_115 : memref<64x128xf32, #tpu.memory_space<hbm>>) target_semaphore(%run_scoped3A : memref<!tpu.dma_semaphore, #tpu.memory_space<semaphore_mem>>)
      %dma_wait3A_116 = arith.constant 0 : i32
      %dma_wait3A_117 = tpu.memref_slice %arg5[%add3A_70, %dma_wait3A_116] : memref<20480x128xf32, #tpu.memory_space<hbm>> -> memref<64x128xf32, #tpu.memory_space<hbm>>
      %dma_wait3A_118 = arith.constant 0 : i32
      %dma_wait3A_119 = tpu.memref_slice %arg5[%add3A_70, %dma_wait3A_118] : memref<20480x128xf32, #tpu.memory_space<hbm>> -> memref<64x128xf32, #tpu.memory_space<hbm>>
      tpu.wait_dma2 semaphore(%run_scoped3A : memref<!tpu.dma_semaphore, #tpu.memory_space<semaphore_mem>>) src(%arg8 : memref<64x128xf32, #tpu.memory_space<vmem>>) dst(%dma_wait3A_119 : memref<64x128xf32, #tpu.memory_space<hbm>>)
      tpu.yield
    }) : () -> ()
    %add3A_71 = arith.constant 256 : i32
    %add3A_72 = arith.addi %mul3A_2, %add3A_71 : i32
    "tpu.region"() ({
      %run_scoped3A = tpu.sem_alloc : memref<!tpu.dma_semaphore, #tpu.memory_space<semaphore_mem>>
      %dma_start3A = arith.constant 0 : i32
      %dma_start3A_113 = tpu.memref_slice %arg9[%add3A_72, %dma_start3A] : memref<10240x128xf32, #tpu.memory_space<vmem_shared>> -> memref<64x128xf32, #tpu.memory_space<vmem_shared>>
      %dma_start3A_114 = arith.constant 0 : i32
      %dma_start3A_115 = tpu.memref_slice %arg9[%add3A_72, %dma_start3A_114] : memref<10240x128xf32, #tpu.memory_space<vmem_shared>> -> memref<64x128xf32, #tpu.memory_space<vmem_shared>>
      tpu.enqueue_dma source(%dma_start3A_115 : memref<64x128xf32, #tpu.memory_space<vmem_shared>>) target(%arg8 : memref<64x128xf32, #tpu.memory_space<vmem>>) target_semaphore(%run_scoped3A : memref<!tpu.dma_semaphore, #tpu.memory_space<semaphore_mem>>)
      %dma_wait3A_116 = arith.constant 0 : i32
      %dma_wait3A_117 = tpu.memref_slice %arg9[%add3A_72, %dma_wait3A_116] : memref<10240x128xf32, #tpu.memory_space<vmem_shared>> -> memref<64x128xf32, #tpu.memory_space<vmem_shared>>
      %dma_wait3A_118 = arith.constant 0 : i32
      %dma_wait3A_119 = tpu.memref_slice %arg9[%add3A_72, %dma_wait3A_118] : memref<10240x128xf32, #tpu.memory_space<vmem_shared>> -> memref<64x128xf32, #tpu.memory_space<vmem_shared>>
      tpu.wait_dma2 semaphore(%run_scoped3A : memref<!tpu.dma_semaphore, #tpu.memory_space<semaphore_mem>>) src(%dma_wait3A_119 : memref<64x128xf32, #tpu.memory_space<vmem_shared>>) dst(%arg8 : memref<64x128xf32, #tpu.memory_space<vmem>>)
      tpu.yield
    }) : () -> ()
    %mul3A_73 = arith.constant 10240 : i32
    %mul3A_74 = arith.muli %arg0, %mul3A_73 : i32
    %add3A_75 = arith.addi %mul3A_74, %mul3A_2 : i32
    %add3A_76 = arith.constant 256 : i32
    %add3A_77 = arith.addi %add3A_75, %add3A_76 : i32
    "tpu.region"() ({
      %run_scoped3A = tpu.sem_alloc : memref<!tpu.dma_semaphore, #tpu.memory_space<semaphore_mem>>
      %dma_start3A = arith.constant 0 : i32
      %dma_start3A_113 = tpu.memref_slice %arg5[%add3A_77, %dma_start3A] : memref<20480x128xf32, #tpu.memory_space<hbm>> -> memref<64x128xf32, #tpu.memory_space<hbm>>
      %dma_start3A_114 = arith.constant 0 : i32
      %dma_start3A_115 = tpu.memref_slice %arg5[%add3A_77, %dma_start3A_114] : memref<20480x128xf32, #tpu.memory_space<hbm>> -> memref<64x128xf32, #tpu.memory_space<hbm>>
      tpu.enqueue_dma source(%arg8 : memref<64x128xf32, #tpu.memory_space<vmem>>) target(%dma_start3A_115 : memref<64x128xf32, #tpu.memory_space<hbm>>) target_semaphore(%run_scoped3A : memref<!tpu.dma_semaphore, #tpu.memory_space<semaphore_mem>>)
      %dma_wait3A_116 = arith.constant 0 : i32
      %dma_wait3A_117 = tpu.memref_slice %arg5[%add3A_77, %dma_wait3A_116] : memref<20480x128xf32, #tpu.memory_space<hbm>> -> memref<64x128xf32, #tpu.memory_space<hbm>>
      %dma_wait3A_118 = arith.constant 0 : i32
      %dma_wait3A_119 = tpu.memref_slice %arg5[%add3A_77, %dma_wait3A_118] : memref<20480x128xf32, #tpu.memory_space<hbm>> -> memref<64x128xf32, #tpu.memory_space<hbm>>
      tpu.wait_dma2 semaphore(%run_scoped3A : memref<!tpu.dma_semaphore, #tpu.memory_space<semaphore_mem>>) src(%arg8 : memref<64x128xf32, #tpu.memory_space<vmem>>) dst(%dma_wait3A_119 : memref<64x128xf32, #tpu.memory_space<hbm>>)
      tpu.yield
    }) : () -> ()
    %add3A_78 = arith.constant 320 : i32
    %add3A_79 = arith.addi %mul3A_2, %add3A_78 : i32
    "tpu.region"() ({
      %run_scoped3A = tpu.sem_alloc : memref<!tpu.dma_semaphore, #tpu.memory_space<semaphore_mem>>
      %dma_start3A = arith.constant 0 : i32
      %dma_start3A_113 = tpu.memref_slice %arg9[%add3A_79, %dma_start3A] : memref<10240x128xf32, #tpu.memory_space<vmem_shared>> -> memref<64x128xf32, #tpu.memory_space<vmem_shared>>
      %dma_start3A_114 = arith.constant 0 : i32
      %dma_start3A_115 = tpu.memref_slice %arg9[%add3A_79, %dma_start3A_114] : memref<10240x128xf32, #tpu.memory_space<vmem_shared>> -> memref<64x128xf32, #tpu.memory_space<vmem_shared>>
      tpu.enqueue_dma source(%dma_start3A_115 : memref<64x128xf32, #tpu.memory_space<vmem_shared>>) target(%arg8 : memref<64x128xf32, #tpu.memory_space<vmem>>) target_semaphore(%run_scoped3A : memref<!tpu.dma_semaphore, #tpu.memory_space<semaphore_mem>>)
      %dma_wait3A_116 = arith.constant 0 : i32
      %dma_wait3A_117 = tpu.memref_slice %arg9[%add3A_79, %dma_wait3A_116] : memref<10240x128xf32, #tpu.memory_space<vmem_shared>> -> memref<64x128xf32, #tpu.memory_space<vmem_shared>>
      %dma_wait3A_118 = arith.constant 0 : i32
      %dma_wait3A_119 = tpu.memref_slice %arg9[%add3A_79, %dma_wait3A_118] : memref<10240x128xf32, #tpu.memory_space<vmem_shared>> -> memref<64x128xf32, #tpu.memory_space<vmem_shared>>
      tpu.wait_dma2 semaphore(%run_scoped3A : memref<!tpu.dma_semaphore, #tpu.memory_space<semaphore_mem>>) src(%dma_wait3A_119 : memref<64x128xf32, #tpu.memory_space<vmem_shared>>) dst(%arg8 : memref<64x128xf32, #tpu.memory_space<vmem>>)
      tpu.yield
    }) : () -> ()
    %mul3A_80 = arith.constant 10240 : i32
    %mul3A_81 = arith.muli %arg0, %mul3A_80 : i32
    %add3A_82 = arith.addi %mul3A_81, %mul3A_2 : i32
    %add3A_83 = arith.constant 320 : i32
    %add3A_84 = arith.addi %add3A_82, %add3A_83 : i32
    "tpu.region"() ({
      %run_scoped3A = tpu.sem_alloc : memref<!tpu.dma_semaphore, #tpu.memory_space<semaphore_mem>>
      %dma_start3A = arith.constant 0 : i32
      %dma_start3A_113 = tpu.memref_slice %arg5[%add3A_84, %dma_start3A] : memref<20480x128xf32, #tpu.memory_space<hbm>> -> memref<64x128xf32, #tpu.memory_space<hbm>>
      %dma_start3A_114 = arith.constant 0 : i32
      %dma_start3A_115 = tpu.memref_slice %arg5[%add3A_84, %dma_start3A_114] : memref<20480x128xf32, #tpu.memory_space<hbm>> -> memref<64x128xf32, #tpu.memory_space<hbm>>
      tpu.enqueue_dma source(%arg8 : memref<64x128xf32, #tpu.memory_space<vmem>>) target(%dma_start3A_115 : memref<64x128xf32, #tpu.memory_space<hbm>>) target_semaphore(%run_scoped3A : memref<!tpu.dma_semaphore, #tpu.memory_space<semaphore_mem>>)
      %dma_wait3A_116 = arith.constant 0 : i32
      %dma_wait3A_117 = tpu.memref_slice %arg5[%add3A_84, %dma_wait3A_116] : memref<20480x128xf32, #tpu.memory_space<hbm>> -> memref<64x128xf32, #tpu.memory_space<hbm>>
      %dma_wait3A_118 = arith.constant 0 : i32
      %dma_wait3A_119 = tpu.memref_slice %arg5[%add3A_84, %dma_wait3A_118] : memref<20480x128xf32, #tpu.memory_space<hbm>> -> memref<64x128xf32, #tpu.memory_space<hbm>>
      tpu.wait_dma2 semaphore(%run_scoped3A : memref<!tpu.dma_semaphore, #tpu.memory_space<semaphore_mem>>) src(%arg8 : memref<64x128xf32, #tpu.memory_space<vmem>>) dst(%dma_wait3A_119 : memref<64x128xf32, #tpu.memory_space<hbm>>)
      tpu.yield
    }) : () -> ()
    %add3A_85 = arith.constant 384 : i32
    %add3A_86 = arith.addi %mul3A_2, %add3A_85 : i32
    "tpu.region"() ({
      %run_scoped3A = tpu.sem_alloc : memref<!tpu.dma_semaphore, #tpu.memory_space<semaphore_mem>>
      %dma_start3A = arith.constant 0 : i32
      %dma_start3A_113 = tpu.memref_slice %arg9[%add3A_86, %dma_start3A] : memref<10240x128xf32, #tpu.memory_space<vmem_shared>> -> memref<64x128xf32, #tpu.memory_space<vmem_shared>>
      %dma_start3A_114 = arith.constant 0 : i32
      %dma_start3A_115 = tpu.memref_slice %arg9[%add3A_86, %dma_start3A_114] : memref<10240x128xf32, #tpu.memory_space<vmem_shared>> -> memref<64x128xf32, #tpu.memory_space<vmem_shared>>
      tpu.enqueue_dma source(%dma_start3A_115 : memref<64x128xf32, #tpu.memory_space<vmem_shared>>) target(%arg8 : memref<64x128xf32, #tpu.memory_space<vmem>>) target_semaphore(%run_scoped3A : memref<!tpu.dma_semaphore, #tpu.memory_space<semaphore_mem>>)
      %dma_wait3A_116 = arith.constant 0 : i32
      %dma_wait3A_117 = tpu.memref_slice %arg9[%add3A_86, %dma_wait3A_116] : memref<10240x128xf32, #tpu.memory_space<vmem_shared>> -> memref<64x128xf32, #tpu.memory_space<vmem_shared>>
      %dma_wait3A_118 = arith.constant 0 : i32
      %dma_wait3A_119 = tpu.memref_slice %arg9[%add3A_86, %dma_wait3A_118] : memref<10240x128xf32, #tpu.memory_space<vmem_shared>> -> memref<64x128xf32, #tpu.memory_space<vmem_shared>>
      tpu.wait_dma2 semaphore(%run_scoped3A : memref<!tpu.dma_semaphore, #tpu.memory_space<semaphore_mem>>) src(%dma_wait3A_119 : memref<64x128xf32, #tpu.memory_space<vmem_shared>>) dst(%arg8 : memref<64x128xf32, #tpu.memory_space<vmem>>)
      tpu.yield
    }) : () -> ()
    %mul3A_87 = arith.constant 10240 : i32
    %mul3A_88 = arith.muli %arg0, %mul3A_87 : i32
    %add3A_89 = arith.addi %mul3A_88, %mul3A_2 : i32
    %add3A_90 = arith.constant 384 : i32
    %add3A_91 = arith.addi %add3A_89, %add3A_90 : i32
    "tpu.region"() ({
      %run_scoped3A = tpu.sem_alloc : memref<!tpu.dma_semaphore, #tpu.memory_space<semaphore_mem>>
      %dma_start3A = arith.constant 0 : i32
      %dma_start3A_113 = tpu.memref_slice %arg5[%add3A_91, %dma_start3A] : memref<20480x128xf32, #tpu.memory_space<hbm>> -> memref<64x128xf32, #tpu.memory_space<hbm>>
      %dma_start3A_114 = arith.constant 0 : i32
      %dma_start3A_115 = tpu.memref_slice %arg5[%add3A_91, %dma_start3A_114] : memref<20480x128xf32, #tpu.memory_space<hbm>> -> memref<64x128xf32, #tpu.memory_space<hbm>>
      tpu.enqueue_dma source(%arg8 : memref<64x128xf32, #tpu.memory_space<vmem>>) target(%dma_start3A_115 : memref<64x128xf32, #tpu.memory_space<hbm>>) target_semaphore(%run_scoped3A : memref<!tpu.dma_semaphore, #tpu.memory_space<semaphore_mem>>)
      %dma_wait3A_116 = arith.constant 0 : i32
      %dma_wait3A_117 = tpu.memref_slice %arg5[%add3A_91, %dma_wait3A_116] : memref<20480x128xf32, #tpu.memory_space<hbm>> -> memref<64x128xf32, #tpu.memory_space<hbm>>
      %dma_wait3A_118 = arith.constant 0 : i32
      %dma_wait3A_119 = tpu.memref_slice %arg5[%add3A_91, %dma_wait3A_118] : memref<20480x128xf32, #tpu.memory_space<hbm>> -> memref<64x128xf32, #tpu.memory_space<hbm>>
      tpu.wait_dma2 semaphore(%run_scoped3A : memref<!tpu.dma_semaphore, #tpu.memory_space<semaphore_mem>>) src(%arg8 : memref<64x128xf32, #tpu.memory_space<vmem>>) dst(%dma_wait3A_119 : memref<64x128xf32, #tpu.memory_space<hbm>>)
      tpu.yield
    }) : () -> ()
    %add3A_92 = arith.constant 448 : i32
    %add3A_93 = arith.addi %mul3A_2, %add3A_92 : i32
    "tpu.region"() ({
      %run_scoped3A = tpu.sem_alloc : memref<!tpu.dma_semaphore, #tpu.memory_space<semaphore_mem>>
      %dma_start3A = arith.constant 0 : i32
      %dma_start3A_113 = tpu.memref_slice %arg9[%add3A_93, %dma_start3A] : memref<10240x128xf32, #tpu.memory_space<vmem_shared>> -> memref<64x128xf32, #tpu.memory_space<vmem_shared>>
      %dma_start3A_114 = arith.constant 0 : i32
      %dma_start3A_115 = tpu.memref_slice %arg9[%add3A_93, %dma_start3A_114] : memref<10240x128xf32, #tpu.memory_space<vmem_shared>> -> memref<64x128xf32, #tpu.memory_space<vmem_shared>>
      tpu.enqueue_dma source(%dma_start3A_115 : memref<64x128xf32, #tpu.memory_space<vmem_shared>>) target(%arg8 : memref<64x128xf32, #tpu.memory_space<vmem>>) target_semaphore(%run_scoped3A : memref<!tpu.dma_semaphore, #tpu.memory_space<semaphore_mem>>)
      %dma_wait3A_116 = arith.constant 0 : i32
      %dma_wait3A_117 = tpu.memref_slice %arg9[%add3A_93, %dma_wait3A_116] : memref<10240x128xf32, #tpu.memory_space<vmem_shared>> -> memref<64x128xf32, #tpu.memory_space<vmem_shared>>
      %dma_wait3A_118 = arith.constant 0 : i32
      %dma_wait3A_119 = tpu.memref_slice %arg9[%add3A_93, %dma_wait3A_118] : memref<10240x128xf32, #tpu.memory_space<vmem_shared>> -> memref<64x128xf32, #tpu.memory_space<vmem_shared>>
      tpu.wait_dma2 semaphore(%run_scoped3A : memref<!tpu.dma_semaphore, #tpu.memory_space<semaphore_mem>>) src(%dma_wait3A_119 : memref<64x128xf32, #tpu.memory_space<vmem_shared>>) dst(%arg8 : memref<64x128xf32, #tpu.memory_space<vmem>>)
      tpu.yield
    }) : () -> ()
    %mul3A_94 = arith.constant 10240 : i32
    %mul3A_95 = arith.muli %arg0, %mul3A_94 : i32
    %add3A_96 = arith.addi %mul3A_95, %mul3A_2 : i32
    %add3A_97 = arith.constant 448 : i32
    %add3A_98 = arith.addi %add3A_96, %add3A_97 : i32
    "tpu.region"() ({
      %run_scoped3A = tpu.sem_alloc : memref<!tpu.dma_semaphore, #tpu.memory_space<semaphore_mem>>
      %dma_start3A = arith.constant 0 : i32
      %dma_start3A_113 = tpu.memref_slice %arg5[%add3A_98, %dma_start3A] : memref<20480x128xf32, #tpu.memory_space<hbm>> -> memref<64x128xf32, #tpu.memory_space<hbm>>
      %dma_start3A_114 = arith.constant 0 : i32
      %dma_start3A_115 = tpu.memref_slice %arg5[%add3A_98, %dma_start3A_114] : memref<20480x128xf32, #tpu.memory_space<hbm>> -> memref<64x128xf32, #tpu.memory_space<hbm>>
      tpu.enqueue_dma source(%arg8 : memref<64x128xf32, #tpu.memory_space<vmem>>) target(%dma_start3A_115 : memref<64x128xf32, #tpu.memory_space<hbm>>) target_semaphore(%run_scoped3A : memref<!tpu.dma_semaphore, #tpu.memory_space<semaphore_mem>>)
      %dma_wait3A_116 = arith.constant 0 : i32
      %dma_wait3A_117 = tpu.memref_slice %arg5[%add3A_98, %dma_wait3A_116] : memref<20480x128xf32, #tpu.memory_space<hbm>> -> memref<64x128xf32, #tpu.memory_space<hbm>>
      %dma_wait3A_118 = arith.constant 0 : i32
      %dma_wait3A_119 = tpu.memref_slice %arg5[%add3A_98, %dma_wait3A_118] : memref<20480x128xf32, #tpu.memory_space<hbm>> -> memref<64x128xf32, #tpu.memory_space<hbm>>
      tpu.wait_dma2 semaphore(%run_scoped3A : memref<!tpu.dma_semaphore, #tpu.memory_space<semaphore_mem>>) src(%arg8 : memref<64x128xf32, #tpu.memory_space<vmem>>) dst(%dma_wait3A_119 : memref<64x128xf32, #tpu.memory_space<hbm>>)
      tpu.yield
    }) : () -> ()
    %add3A_99 = arith.constant 512 : i32
    %add3A_100 = arith.addi %mul3A_2, %add3A_99 : i32
    "tpu.region"() ({
      %run_scoped3A = tpu.sem_alloc : memref<!tpu.dma_semaphore, #tpu.memory_space<semaphore_mem>>
      %dma_start3A = arith.constant 0 : i32
      %dma_start3A_113 = tpu.memref_slice %arg9[%add3A_100, %dma_start3A] : memref<10240x128xf32, #tpu.memory_space<vmem_shared>> -> memref<64x128xf32, #tpu.memory_space<vmem_shared>>
      %dma_start3A_114 = arith.constant 0 : i32
      %dma_start3A_115 = tpu.memref_slice %arg9[%add3A_100, %dma_start3A_114] : memref<10240x128xf32, #tpu.memory_space<vmem_shared>> -> memref<64x128xf32, #tpu.memory_space<vmem_shared>>
      tpu.enqueue_dma source(%dma_start3A_115 : memref<64x128xf32, #tpu.memory_space<vmem_shared>>) target(%arg8 : memref<64x128xf32, #tpu.memory_space<vmem>>) target_semaphore(%run_scoped3A : memref<!tpu.dma_semaphore, #tpu.memory_space<semaphore_mem>>)
      %dma_wait3A_116 = arith.constant 0 : i32
      %dma_wait3A_117 = tpu.memref_slice %arg9[%add3A_100, %dma_wait3A_116] : memref<10240x128xf32, #tpu.memory_space<vmem_shared>> -> memref<64x128xf32, #tpu.memory_space<vmem_shared>>
      %dma_wait3A_118 = arith.constant 0 : i32
      %dma_wait3A_119 = tpu.memref_slice %arg9[%add3A_100, %dma_wait3A_118] : memref<10240x128xf32, #tpu.memory_space<vmem_shared>> -> memref<64x128xf32, #tpu.memory_space<vmem_shared>>
      tpu.wait_dma2 semaphore(%run_scoped3A : memref<!tpu.dma_semaphore, #tpu.memory_space<semaphore_mem>>) src(%dma_wait3A_119 : memref<64x128xf32, #tpu.memory_space<vmem_shared>>) dst(%arg8 : memref<64x128xf32, #tpu.memory_space<vmem>>)
      tpu.yield
    }) : () -> ()
    %mul3A_101 = arith.constant 10240 : i32
    %mul3A_102 = arith.muli %arg0, %mul3A_101 : i32
    %add3A_103 = arith.addi %mul3A_102, %mul3A_2 : i32
    %add3A_104 = arith.constant 512 : i32
    %add3A_105 = arith.addi %add3A_103, %add3A_104 : i32
    "tpu.region"() ({
      %run_scoped3A = tpu.sem_alloc : memref<!tpu.dma_semaphore, #tpu.memory_space<semaphore_mem>>
      %dma_start3A = arith.constant 0 : i32
      %dma_start3A_113 = tpu.memref_slice %arg5[%add3A_105, %dma_start3A] : memref<20480x128xf32, #tpu.memory_space<hbm>> -> memref<64x128xf32, #tpu.memory_space<hbm>>
      %dma_start3A_114 = arith.constant 0 : i32
      %dma_start3A_115 = tpu.memref_slice %arg5[%add3A_105, %dma_start3A_114] : memref<20480x128xf32, #tpu.memory_space<hbm>> -> memref<64x128xf32, #tpu.memory_space<hbm>>
      tpu.enqueue_dma source(%arg8 : memref<64x128xf32, #tpu.memory_space<vmem>>) target(%dma_start3A_115 : memref<64x128xf32, #tpu.memory_space<hbm>>) target_semaphore(%run_scoped3A : memref<!tpu.dma_semaphore, #tpu.memory_space<semaphore_mem>>)
      %dma_wait3A_116 = arith.constant 0 : i32
      %dma_wait3A_117 = tpu.memref_slice %arg5[%add3A_105, %dma_wait3A_116] : memref<20480x128xf32, #tpu.memory_space<hbm>> -> memref<64x128xf32, #tpu.memory_space<hbm>>
      %dma_wait3A_118 = arith.constant 0 : i32
      %dma_wait3A_119 = tpu.memref_slice %arg5[%add3A_105, %dma_wait3A_118] : memref<20480x128xf32, #tpu.memory_space<hbm>> -> memref<64x128xf32, #tpu.memory_space<hbm>>
      tpu.wait_dma2 semaphore(%run_scoped3A : memref<!tpu.dma_semaphore, #tpu.memory_space<semaphore_mem>>) src(%arg8 : memref<64x128xf32, #tpu.memory_space<vmem>>) dst(%dma_wait3A_119 : memref<64x128xf32, #tpu.memory_space<hbm>>)
      tpu.yield
    }) : () -> ()
    %add3A_106 = arith.constant 576 : i32
    %add3A_107 = arith.addi %mul3A_2, %add3A_106 : i32
    "tpu.region"() ({
      %run_scoped3A = tpu.sem_alloc : memref<!tpu.dma_semaphore, #tpu.memory_space<semaphore_mem>>
      %dma_start3A = arith.constant 0 : i32
      %dma_start3A_113 = tpu.memref_slice %arg9[%add3A_107, %dma_start3A] : memref<10240x128xf32, #tpu.memory_space<vmem_shared>> -> memref<64x128xf32, #tpu.memory_space<vmem_shared>>
      %dma_start3A_114 = arith.constant 0 : i32
      %dma_start3A_115 = tpu.memref_slice %arg9[%add3A_107, %dma_start3A_114] : memref<10240x128xf32, #tpu.memory_space<vmem_shared>> -> memref<64x128xf32, #tpu.memory_space<vmem_shared>>
      tpu.enqueue_dma source(%dma_start3A_115 : memref<64x128xf32, #tpu.memory_space<vmem_shared>>) target(%arg8 : memref<64x128xf32, #tpu.memory_space<vmem>>) target_semaphore(%run_scoped3A : memref<!tpu.dma_semaphore, #tpu.memory_space<semaphore_mem>>)
      %dma_wait3A_116 = arith.constant 0 : i32
      %dma_wait3A_117 = tpu.memref_slice %arg9[%add3A_107, %dma_wait3A_116] : memref<10240x128xf32, #tpu.memory_space<vmem_shared>> -> memref<64x128xf32, #tpu.memory_space<vmem_shared>>
      %dma_wait3A_118 = arith.constant 0 : i32
      %dma_wait3A_119 = tpu.memref_slice %arg9[%add3A_107, %dma_wait3A_118] : memref<10240x128xf32, #tpu.memory_space<vmem_shared>> -> memref<64x128xf32, #tpu.memory_space<vmem_shared>>
      tpu.wait_dma2 semaphore(%run_scoped3A : memref<!tpu.dma_semaphore, #tpu.memory_space<semaphore_mem>>) src(%dma_wait3A_119 : memref<64x128xf32, #tpu.memory_space<vmem_shared>>) dst(%arg8 : memref<64x128xf32, #tpu.memory_space<vmem>>)
      tpu.yield
    }) : () -> ()
    %mul3A_108 = arith.constant 10240 : i32
    %mul3A_109 = arith.muli %arg0, %mul3A_108 : i32
    %add3A_110 = arith.addi %mul3A_109, %mul3A_2 : i32
    %add3A_111 = arith.constant 576 : i32
    %add3A_112 = arith.addi %add3A_110, %add3A_111 : i32
    "tpu.region"() ({
      %run_scoped3A = tpu.sem_alloc : memref<!tpu.dma_semaphore, #tpu.memory_space<semaphore_mem>>
      %dma_start3A = arith.constant 0 : i32
      %dma_start3A_113 = tpu.memref_slice %arg5[%add3A_112, %dma_start3A] : memref<20480x128xf32, #tpu.memory_space<hbm>> -> memref<64x128xf32, #tpu.memory_space<hbm>>
      %dma_start3A_114 = arith.constant 0 : i32
      %dma_start3A_115 = tpu.memref_slice %arg5[%add3A_112, %dma_start3A_114] : memref<20480x128xf32, #tpu.memory_space<hbm>> -> memref<64x128xf32, #tpu.memory_space<hbm>>
      tpu.enqueue_dma source(%arg8 : memref<64x128xf32, #tpu.memory_space<vmem>>) target(%dma_start3A_115 : memref<64x128xf32, #tpu.memory_space<hbm>>) target_semaphore(%run_scoped3A : memref<!tpu.dma_semaphore, #tpu.memory_space<semaphore_mem>>)
      %dma_wait3A_116 = arith.constant 0 : i32
      %dma_wait3A_117 = tpu.memref_slice %arg5[%add3A_112, %dma_wait3A_116] : memref<20480x128xf32, #tpu.memory_space<hbm>> -> memref<64x128xf32, #tpu.memory_space<hbm>>
      %dma_wait3A_118 = arith.constant 0 : i32
      %dma_wait3A_119 = tpu.memref_slice %arg5[%add3A_112, %dma_wait3A_118] : memref<20480x128xf32, #tpu.memory_space<hbm>> -> memref<64x128xf32, #tpu.memory_space<hbm>>
      tpu.wait_dma2 semaphore(%run_scoped3A : memref<!tpu.dma_semaphore, #tpu.memory_space<semaphore_mem>>) src(%arg8 : memref<64x128xf32, #tpu.memory_space<vmem>>) dst(%dma_wait3A_119 : memref<64x128xf32, #tpu.memory_space<hbm>>)
      tpu.yield
    }) : () -> ()
    return
  }
}

#map = affine_map<(d0, d1) -> (0, 0)>
module attributes {stable_mosaic.version = 14 : i64} {
  func.func @_prop_kernel(%arg0: i32, %arg1: i32, %arg2: memref<10240x128xf32, #tpu.memory_space<hbm>>, %arg3: memref<2560x128xi32, #tpu.memory_space<hbm>>, %arg4: memref<2560x128xi32, #tpu.memory_space<hbm>>, %arg5: memref<64x128xf32, #tpu.memory_space<hbm>>, %arg6: memref<20480x128xf32, #tpu.memory_space<hbm>>, %arg7: memref<8x128xi32, #tpu.memory_space<vmem>>, %arg8: memref<8x128xi32, #tpu.memory_space<vmem>>, %arg9: memref<128x128xf32, #tpu.memory_space<vmem>>, %arg10: memref<128x128xf32, #tpu.memory_space<vmem>>, %arg11: memref<64x128xf32, #tpu.memory_space<vmem>>, %arg12: memref<10240x128xf32, #tpu.memory_space<vmem_shared>>, %arg13: memref<!tpu.dma_semaphore, #tpu.memory_space<semaphore_mem>>, %arg14: memref<!tpu.dma_semaphore, #tpu.memory_space<semaphore_mem>>, %arg15: memref<!tpu.dma_semaphore, #tpu.memory_space<semaphore_mem>>, %arg16: memref<!tpu.dma_semaphore, #tpu.memory_space<semaphore_mem>>) attributes {dimension_semantics = [#tpu.dimension_semantics<core_parallel>, #tpu.dimension_semantics<subcore_parallel>], iteration_bounds = array<i64: 2, 16>, scalar_prefetch = 0 : i64, scratch_operands = 10 : i64, tpu.core_type = #tpu.core_type<sc_vector_subcore>, window_params = [{transform_indices = #map}, {transform_indices = #map}, {transform_indices = #map}, {transform_indices = #map}, {transform_indices = #map}]} {
    %mul3A = arith.constant 2 : i32
    %mul3A_0 = arith.muli %arg1, %mul3A : i32
    %add3A = arith.addi %mul3A_0, %arg0 : i32
    %mul3A_1 = arith.constant 640 : i32
    %mul3A_2 = arith.muli %arg1, %mul3A_1 : i32
    "tpu.region"() ({
      %run_scoped3A = tpu.sem_alloc : memref<!tpu.dma_semaphore, #tpu.memory_space<semaphore_mem>>
      tpu.enqueue_dma source(%arg5 : memref<64x128xf32, #tpu.memory_space<hbm>>) target(%arg11 : memref<64x128xf32, #tpu.memory_space<vmem>>) target_semaphore(%run_scoped3A : memref<!tpu.dma_semaphore, #tpu.memory_space<semaphore_mem>>)
      tpu.wait_dma2 semaphore(%run_scoped3A : memref<!tpu.dma_semaphore, #tpu.memory_space<semaphore_mem>>) src(%arg5 : memref<64x128xf32, #tpu.memory_space<hbm>>) dst(%arg11 : memref<64x128xf32, #tpu.memory_space<vmem>>)
      tpu.yield
    }) : () -> ()
    %add3A_3 = arith.constant 0 : i32
    %add3A_4 = arith.addi %mul3A_2, %add3A_3 : i32
    "tpu.region"() ({
      %run_scoped3A = tpu.sem_alloc : memref<!tpu.dma_semaphore, #tpu.memory_space<semaphore_mem>>
      %dma_start3A = arith.constant 0 : i32
      %dma_start3A_113 = tpu.memref_slice %arg12[%add3A_4, %dma_start3A] : memref<10240x128xf32, #tpu.memory_space<vmem_shared>> -> memref<64x128xf32, #tpu.memory_space<vmem_shared>>
      %dma_start3A_114 = arith.constant 0 : i32
      %dma_start3A_115 = tpu.memref_slice %arg12[%add3A_4, %dma_start3A_114] : memref<10240x128xf32, #tpu.memory_space<vmem_shared>> -> memref<64x128xf32, #tpu.memory_space<vmem_shared>>
      tpu.enqueue_dma source(%arg11 : memref<64x128xf32, #tpu.memory_space<vmem>>) target(%dma_start3A_115 : memref<64x128xf32, #tpu.memory_space<vmem_shared>>) target_semaphore(%run_scoped3A : memref<!tpu.dma_semaphore, #tpu.memory_space<semaphore_mem>>)
      %dma_wait3A_116 = arith.constant 0 : i32
      %dma_wait3A_117 = tpu.memref_slice %arg12[%add3A_4, %dma_wait3A_116] : memref<10240x128xf32, #tpu.memory_space<vmem_shared>> -> memref<64x128xf32, #tpu.memory_space<vmem_shared>>
      %dma_wait3A_118 = arith.constant 0 : i32
      %dma_wait3A_119 = tpu.memref_slice %arg12[%add3A_4, %dma_wait3A_118] : memref<10240x128xf32, #tpu.memory_space<vmem_shared>> -> memref<64x128xf32, #tpu.memory_space<vmem_shared>>
      tpu.wait_dma2 semaphore(%run_scoped3A : memref<!tpu.dma_semaphore, #tpu.memory_space<semaphore_mem>>) src(%arg11 : memref<64x128xf32, #tpu.memory_space<vmem>>) dst(%dma_wait3A_119 : memref<64x128xf32, #tpu.memory_space<vmem_shared>>)
      tpu.yield
    }) : () -> ()
    %add3A_5 = arith.constant 64 : i32
    %add3A_6 = arith.addi %mul3A_2, %add3A_5 : i32
    "tpu.region"() ({
      %run_scoped3A = tpu.sem_alloc : memref<!tpu.dma_semaphore, #tpu.memory_space<semaphore_mem>>
      %dma_start3A = arith.constant 0 : i32
      %dma_start3A_113 = tpu.memref_slice %arg12[%add3A_6, %dma_start3A] : memref<10240x128xf32, #tpu.memory_space<vmem_shared>> -> memref<64x128xf32, #tpu.memory_space<vmem_shared>>
      %dma_start3A_114 = arith.constant 0 : i32
      %dma_start3A_115 = tpu.memref_slice %arg12[%add3A_6, %dma_start3A_114] : memref<10240x128xf32, #tpu.memory_space<vmem_shared>> -> memref<64x128xf32, #tpu.memory_space<vmem_shared>>
      tpu.enqueue_dma source(%arg11 : memref<64x128xf32, #tpu.memory_space<vmem>>) target(%dma_start3A_115 : memref<64x128xf32, #tpu.memory_space<vmem_shared>>) target_semaphore(%run_scoped3A : memref<!tpu.dma_semaphore, #tpu.memory_space<semaphore_mem>>)
      %dma_wait3A_116 = arith.constant 0 : i32
      %dma_wait3A_117 = tpu.memref_slice %arg12[%add3A_6, %dma_wait3A_116] : memref<10240x128xf32, #tpu.memory_space<vmem_shared>> -> memref<64x128xf32, #tpu.memory_space<vmem_shared>>
      %dma_wait3A_118 = arith.constant 0 : i32
      %dma_wait3A_119 = tpu.memref_slice %arg12[%add3A_6, %dma_wait3A_118] : memref<10240x128xf32, #tpu.memory_space<vmem_shared>> -> memref<64x128xf32, #tpu.memory_space<vmem_shared>>
      tpu.wait_dma2 semaphore(%run_scoped3A : memref<!tpu.dma_semaphore, #tpu.memory_space<semaphore_mem>>) src(%arg11 : memref<64x128xf32, #tpu.memory_space<vmem>>) dst(%dma_wait3A_119 : memref<64x128xf32, #tpu.memory_space<vmem_shared>>)
      tpu.yield
    }) : () -> ()
    %add3A_7 = arith.constant 128 : i32
    %add3A_8 = arith.addi %mul3A_2, %add3A_7 : i32
    "tpu.region"() ({
      %run_scoped3A = tpu.sem_alloc : memref<!tpu.dma_semaphore, #tpu.memory_space<semaphore_mem>>
      %dma_start3A = arith.constant 0 : i32
      %dma_start3A_113 = tpu.memref_slice %arg12[%add3A_8, %dma_start3A] : memref<10240x128xf32, #tpu.memory_space<vmem_shared>> -> memref<64x128xf32, #tpu.memory_space<vmem_shared>>
      %dma_start3A_114 = arith.constant 0 : i32
      %dma_start3A_115 = tpu.memref_slice %arg12[%add3A_8, %dma_start3A_114] : memref<10240x128xf32, #tpu.memory_space<vmem_shared>> -> memref<64x128xf32, #tpu.memory_space<vmem_shared>>
      tpu.enqueue_dma source(%arg11 : memref<64x128xf32, #tpu.memory_space<vmem>>) target(%dma_start3A_115 : memref<64x128xf32, #tpu.memory_space<vmem_shared>>) target_semaphore(%run_scoped3A : memref<!tpu.dma_semaphore, #tpu.memory_space<semaphore_mem>>)
      %dma_wait3A_116 = arith.constant 0 : i32
      %dma_wait3A_117 = tpu.memref_slice %arg12[%add3A_8, %dma_wait3A_116] : memref<10240x128xf32, #tpu.memory_space<vmem_shared>> -> memref<64x128xf32, #tpu.memory_space<vmem_shared>>
      %dma_wait3A_118 = arith.constant 0 : i32
      %dma_wait3A_119 = tpu.memref_slice %arg12[%add3A_8, %dma_wait3A_118] : memref<10240x128xf32, #tpu.memory_space<vmem_shared>> -> memref<64x128xf32, #tpu.memory_space<vmem_shared>>
      tpu.wait_dma2 semaphore(%run_scoped3A : memref<!tpu.dma_semaphore, #tpu.memory_space<semaphore_mem>>) src(%arg11 : memref<64x128xf32, #tpu.memory_space<vmem>>) dst(%dma_wait3A_119 : memref<64x128xf32, #tpu.memory_space<vmem_shared>>)
      tpu.yield
    }) : () -> ()
    %add3A_9 = arith.constant 192 : i32
    %add3A_10 = arith.addi %mul3A_2, %add3A_9 : i32
    "tpu.region"() ({
      %run_scoped3A = tpu.sem_alloc : memref<!tpu.dma_semaphore, #tpu.memory_space<semaphore_mem>>
      %dma_start3A = arith.constant 0 : i32
      %dma_start3A_113 = tpu.memref_slice %arg12[%add3A_10, %dma_start3A] : memref<10240x128xf32, #tpu.memory_space<vmem_shared>> -> memref<64x128xf32, #tpu.memory_space<vmem_shared>>
      %dma_start3A_114 = arith.constant 0 : i32
      %dma_start3A_115 = tpu.memref_slice %arg12[%add3A_10, %dma_start3A_114] : memref<10240x128xf32, #tpu.memory_space<vmem_shared>> -> memref<64x128xf32, #tpu.memory_space<vmem_shared>>
      tpu.enqueue_dma source(%arg11 : memref<64x128xf32, #tpu.memory_space<vmem>>) target(%dma_start3A_115 : memref<64x128xf32, #tpu.memory_space<vmem_shared>>) target_semaphore(%run_scoped3A : memref<!tpu.dma_semaphore, #tpu.memory_space<semaphore_mem>>)
      %dma_wait3A_116 = arith.constant 0 : i32
      %dma_wait3A_117 = tpu.memref_slice %arg12[%add3A_10, %dma_wait3A_116] : memref<10240x128xf32, #tpu.memory_space<vmem_shared>> -> memref<64x128xf32, #tpu.memory_space<vmem_shared>>
      %dma_wait3A_118 = arith.constant 0 : i32
      %dma_wait3A_119 = tpu.memref_slice %arg12[%add3A_10, %dma_wait3A_118] : memref<10240x128xf32, #tpu.memory_space<vmem_shared>> -> memref<64x128xf32, #tpu.memory_space<vmem_shared>>
      tpu.wait_dma2 semaphore(%run_scoped3A : memref<!tpu.dma_semaphore, #tpu.memory_space<semaphore_mem>>) src(%arg11 : memref<64x128xf32, #tpu.memory_space<vmem>>) dst(%dma_wait3A_119 : memref<64x128xf32, #tpu.memory_space<vmem_shared>>)
      tpu.yield
    }) : () -> ()
    %add3A_11 = arith.constant 256 : i32
    %add3A_12 = arith.addi %mul3A_2, %add3A_11 : i32
    "tpu.region"() ({
      %run_scoped3A = tpu.sem_alloc : memref<!tpu.dma_semaphore, #tpu.memory_space<semaphore_mem>>
      %dma_start3A = arith.constant 0 : i32
      %dma_start3A_113 = tpu.memref_slice %arg12[%add3A_12, %dma_start3A] : memref<10240x128xf32, #tpu.memory_space<vmem_shared>> -> memref<64x128xf32, #tpu.memory_space<vmem_shared>>
      %dma_start3A_114 = arith.constant 0 : i32
      %dma_start3A_115 = tpu.memref_slice %arg12[%add3A_12, %dma_start3A_114] : memref<10240x128xf32, #tpu.memory_space<vmem_shared>> -> memref<64x128xf32, #tpu.memory_space<vmem_shared>>
      tpu.enqueue_dma source(%arg11 : memref<64x128xf32, #tpu.memory_space<vmem>>) target(%dma_start3A_115 : memref<64x128xf32, #tpu.memory_space<vmem_shared>>) target_semaphore(%run_scoped3A : memref<!tpu.dma_semaphore, #tpu.memory_space<semaphore_mem>>)
      %dma_wait3A_116 = arith.constant 0 : i32
      %dma_wait3A_117 = tpu.memref_slice %arg12[%add3A_12, %dma_wait3A_116] : memref<10240x128xf32, #tpu.memory_space<vmem_shared>> -> memref<64x128xf32, #tpu.memory_space<vmem_shared>>
      %dma_wait3A_118 = arith.constant 0 : i32
      %dma_wait3A_119 = tpu.memref_slice %arg12[%add3A_12, %dma_wait3A_118] : memref<10240x128xf32, #tpu.memory_space<vmem_shared>> -> memref<64x128xf32, #tpu.memory_space<vmem_shared>>
      tpu.wait_dma2 semaphore(%run_scoped3A : memref<!tpu.dma_semaphore, #tpu.memory_space<semaphore_mem>>) src(%arg11 : memref<64x128xf32, #tpu.memory_space<vmem>>) dst(%dma_wait3A_119 : memref<64x128xf32, #tpu.memory_space<vmem_shared>>)
      tpu.yield
    }) : () -> ()
    %add3A_13 = arith.constant 320 : i32
    %add3A_14 = arith.addi %mul3A_2, %add3A_13 : i32
    "tpu.region"() ({
      %run_scoped3A = tpu.sem_alloc : memref<!tpu.dma_semaphore, #tpu.memory_space<semaphore_mem>>
      %dma_start3A = arith.constant 0 : i32
      %dma_start3A_113 = tpu.memref_slice %arg12[%add3A_14, %dma_start3A] : memref<10240x128xf32, #tpu.memory_space<vmem_shared>> -> memref<64x128xf32, #tpu.memory_space<vmem_shared>>
      %dma_start3A_114 = arith.constant 0 : i32
      %dma_start3A_115 = tpu.memref_slice %arg12[%add3A_14, %dma_start3A_114] : memref<10240x128xf32, #tpu.memory_space<vmem_shared>> -> memref<64x128xf32, #tpu.memory_space<vmem_shared>>
      tpu.enqueue_dma source(%arg11 : memref<64x128xf32, #tpu.memory_space<vmem>>) target(%dma_start3A_115 : memref<64x128xf32, #tpu.memory_space<vmem_shared>>) target_semaphore(%run_scoped3A : memref<!tpu.dma_semaphore, #tpu.memory_space<semaphore_mem>>)
      %dma_wait3A_116 = arith.constant 0 : i32
      %dma_wait3A_117 = tpu.memref_slice %arg12[%add3A_14, %dma_wait3A_116] : memref<10240x128xf32, #tpu.memory_space<vmem_shared>> -> memref<64x128xf32, #tpu.memory_space<vmem_shared>>
      %dma_wait3A_118 = arith.constant 0 : i32
      %dma_wait3A_119 = tpu.memref_slice %arg12[%add3A_14, %dma_wait3A_118] : memref<10240x128xf32, #tpu.memory_space<vmem_shared>> -> memref<64x128xf32, #tpu.memory_space<vmem_shared>>
      tpu.wait_dma2 semaphore(%run_scoped3A : memref<!tpu.dma_semaphore, #tpu.memory_space<semaphore_mem>>) src(%arg11 : memref<64x128xf32, #tpu.memory_space<vmem>>) dst(%dma_wait3A_119 : memref<64x128xf32, #tpu.memory_space<vmem_shared>>)
      tpu.yield
    }) : () -> ()
    %add3A_15 = arith.constant 384 : i32
    %add3A_16 = arith.addi %mul3A_2, %add3A_15 : i32
    "tpu.region"() ({
      %run_scoped3A = tpu.sem_alloc : memref<!tpu.dma_semaphore, #tpu.memory_space<semaphore_mem>>
      %dma_start3A = arith.constant 0 : i32
      %dma_start3A_113 = tpu.memref_slice %arg12[%add3A_16, %dma_start3A] : memref<10240x128xf32, #tpu.memory_space<vmem_shared>> -> memref<64x128xf32, #tpu.memory_space<vmem_shared>>
      %dma_start3A_114 = arith.constant 0 : i32
      %dma_start3A_115 = tpu.memref_slice %arg12[%add3A_16, %dma_start3A_114] : memref<10240x128xf32, #tpu.memory_space<vmem_shared>> -> memref<64x128xf32, #tpu.memory_space<vmem_shared>>
      tpu.enqueue_dma source(%arg11 : memref<64x128xf32, #tpu.memory_space<vmem>>) target(%dma_start3A_115 : memref<64x128xf32, #tpu.memory_space<vmem_shared>>) target_semaphore(%run_scoped3A : memref<!tpu.dma_semaphore, #tpu.memory_space<semaphore_mem>>)
      %dma_wait3A_116 = arith.constant 0 : i32
      %dma_wait3A_117 = tpu.memref_slice %arg12[%add3A_16, %dma_wait3A_116] : memref<10240x128xf32, #tpu.memory_space<vmem_shared>> -> memref<64x128xf32, #tpu.memory_space<vmem_shared>>
      %dma_wait3A_118 = arith.constant 0 : i32
      %dma_wait3A_119 = tpu.memref_slice %arg12[%add3A_16, %dma_wait3A_118] : memref<10240x128xf32, #tpu.memory_space<vmem_shared>> -> memref<64x128xf32, #tpu.memory_space<vmem_shared>>
      tpu.wait_dma2 semaphore(%run_scoped3A : memref<!tpu.dma_semaphore, #tpu.memory_space<semaphore_mem>>) src(%arg11 : memref<64x128xf32, #tpu.memory_space<vmem>>) dst(%dma_wait3A_119 : memref<64x128xf32, #tpu.memory_space<vmem_shared>>)
      tpu.yield
    }) : () -> ()
    %add3A_17 = arith.constant 448 : i32
    %add3A_18 = arith.addi %mul3A_2, %add3A_17 : i32
    "tpu.region"() ({
      %run_scoped3A = tpu.sem_alloc : memref<!tpu.dma_semaphore, #tpu.memory_space<semaphore_mem>>
      %dma_start3A = arith.constant 0 : i32
      %dma_start3A_113 = tpu.memref_slice %arg12[%add3A_18, %dma_start3A] : memref<10240x128xf32, #tpu.memory_space<vmem_shared>> -> memref<64x128xf32, #tpu.memory_space<vmem_shared>>
      %dma_start3A_114 = arith.constant 0 : i32
      %dma_start3A_115 = tpu.memref_slice %arg12[%add3A_18, %dma_start3A_114] : memref<10240x128xf32, #tpu.memory_space<vmem_shared>> -> memref<64x128xf32, #tpu.memory_space<vmem_shared>>
      tpu.enqueue_dma source(%arg11 : memref<64x128xf32, #tpu.memory_space<vmem>>) target(%dma_start3A_115 : memref<64x128xf32, #tpu.memory_space<vmem_shared>>) target_semaphore(%run_scoped3A : memref<!tpu.dma_semaphore, #tpu.memory_space<semaphore_mem>>)
      %dma_wait3A_116 = arith.constant 0 : i32
      %dma_wait3A_117 = tpu.memref_slice %arg12[%add3A_18, %dma_wait3A_116] : memref<10240x128xf32, #tpu.memory_space<vmem_shared>> -> memref<64x128xf32, #tpu.memory_space<vmem_shared>>
      %dma_wait3A_118 = arith.constant 0 : i32
      %dma_wait3A_119 = tpu.memref_slice %arg12[%add3A_18, %dma_wait3A_118] : memref<10240x128xf32, #tpu.memory_space<vmem_shared>> -> memref<64x128xf32, #tpu.memory_space<vmem_shared>>
      tpu.wait_dma2 semaphore(%run_scoped3A : memref<!tpu.dma_semaphore, #tpu.memory_space<semaphore_mem>>) src(%arg11 : memref<64x128xf32, #tpu.memory_space<vmem>>) dst(%dma_wait3A_119 : memref<64x128xf32, #tpu.memory_space<vmem_shared>>)
      tpu.yield
    }) : () -> ()
    %add3A_19 = arith.constant 512 : i32
    %add3A_20 = arith.addi %mul3A_2, %add3A_19 : i32
    "tpu.region"() ({
      %run_scoped3A = tpu.sem_alloc : memref<!tpu.dma_semaphore, #tpu.memory_space<semaphore_mem>>
      %dma_start3A = arith.constant 0 : i32
      %dma_start3A_113 = tpu.memref_slice %arg12[%add3A_20, %dma_start3A] : memref<10240x128xf32, #tpu.memory_space<vmem_shared>> -> memref<64x128xf32, #tpu.memory_space<vmem_shared>>
      %dma_start3A_114 = arith.constant 0 : i32
      %dma_start3A_115 = tpu.memref_slice %arg12[%add3A_20, %dma_start3A_114] : memref<10240x128xf32, #tpu.memory_space<vmem_shared>> -> memref<64x128xf32, #tpu.memory_space<vmem_shared>>
      tpu.enqueue_dma source(%arg11 : memref<64x128xf32, #tpu.memory_space<vmem>>) target(%dma_start3A_115 : memref<64x128xf32, #tpu.memory_space<vmem_shared>>) target_semaphore(%run_scoped3A : memref<!tpu.dma_semaphore, #tpu.memory_space<semaphore_mem>>)
      %dma_wait3A_116 = arith.constant 0 : i32
      %dma_wait3A_117 = tpu.memref_slice %arg12[%add3A_20, %dma_wait3A_116] : memref<10240x128xf32, #tpu.memory_space<vmem_shared>> -> memref<64x128xf32, #tpu.memory_space<vmem_shared>>
      %dma_wait3A_118 = arith.constant 0 : i32
      %dma_wait3A_119 = tpu.memref_slice %arg12[%add3A_20, %dma_wait3A_118] : memref<10240x128xf32, #tpu.memory_space<vmem_shared>> -> memref<64x128xf32, #tpu.memory_space<vmem_shared>>
      tpu.wait_dma2 semaphore(%run_scoped3A : memref<!tpu.dma_semaphore, #tpu.memory_space<semaphore_mem>>) src(%arg11 : memref<64x128xf32, #tpu.memory_space<vmem>>) dst(%dma_wait3A_119 : memref<64x128xf32, #tpu.memory_space<vmem_shared>>)
      tpu.yield
    }) : () -> ()
    %add3A_21 = arith.constant 576 : i32
    %add3A_22 = arith.addi %mul3A_2, %add3A_21 : i32
    "tpu.region"() ({
      %run_scoped3A = tpu.sem_alloc : memref<!tpu.dma_semaphore, #tpu.memory_space<semaphore_mem>>
      %dma_start3A = arith.constant 0 : i32
      %dma_start3A_113 = tpu.memref_slice %arg12[%add3A_22, %dma_start3A] : memref<10240x128xf32, #tpu.memory_space<vmem_shared>> -> memref<64x128xf32, #tpu.memory_space<vmem_shared>>
      %dma_start3A_114 = arith.constant 0 : i32
      %dma_start3A_115 = tpu.memref_slice %arg12[%add3A_22, %dma_start3A_114] : memref<10240x128xf32, #tpu.memory_space<vmem_shared>> -> memref<64x128xf32, #tpu.memory_space<vmem_shared>>
      tpu.enqueue_dma source(%arg11 : memref<64x128xf32, #tpu.memory_space<vmem>>) target(%dma_start3A_115 : memref<64x128xf32, #tpu.memory_space<vmem_shared>>) target_semaphore(%run_scoped3A : memref<!tpu.dma_semaphore, #tpu.memory_space<semaphore_mem>>)
      %dma_wait3A_116 = arith.constant 0 : i32
      %dma_wait3A_117 = tpu.memref_slice %arg12[%add3A_22, %dma_wait3A_116] : memref<10240x128xf32, #tpu.memory_space<vmem_shared>> -> memref<64x128xf32, #tpu.memory_space<vmem_shared>>
      %dma_wait3A_118 = arith.constant 0 : i32
      %dma_wait3A_119 = tpu.memref_slice %arg12[%add3A_22, %dma_wait3A_118] : memref<10240x128xf32, #tpu.memory_space<vmem_shared>> -> memref<64x128xf32, #tpu.memory_space<vmem_shared>>
      tpu.wait_dma2 semaphore(%run_scoped3A : memref<!tpu.dma_semaphore, #tpu.memory_space<semaphore_mem>>) src(%arg11 : memref<64x128xf32, #tpu.memory_space<vmem>>) dst(%dma_wait3A_119 : memref<64x128xf32, #tpu.memory_space<vmem_shared>>)
      tpu.yield
    }) : () -> ()
    %barrier3A = arith.constant 0 : index
    tpu.barrier barrier_id(%barrier3A)
    %scan3A = arith.constant 0 : i32
    %scan3A_23 = arith.constant 0 : i32
    %scan3A_24 = arith.constant 40 : i32
    %scan3A_25 = arith.addi %scan3A_23, %scan3A_24 : i32
    %scan3A_26 = arith.constant 1 : i32
    %scan3A_27 = scf.for %scan3A_113 = %scan3A_23 to %scan3A_25 step %scan3A_26 iter_args(%scan3A_114 = %scan3A) -> (i32)  : i32 {
      %gt3A = arith.constant 0 : i32
      %gt3A_115 = arith.cmpi sgt, %scan3A_113, %gt3A : i32
      %convert_element_type3A = arith.extui %gt3A_115 : i1 to i32
      %cond3A = arith.constant 0 : i32
      %cond3A_116 = arith.cmpi ne, %convert_element_type3A, %cond3A : i32
      scf.if %cond3A_116 {
        %dma_wait3A_187 = arith.constant 0 : i32
        %dma_wait3A_188 = arith.constant 0 : i32
        %dma_wait3A_189 = tpu.memref_slice %arg8[%dma_wait3A_187, %dma_wait3A_188] : memref<8x128xi32, #tpu.memory_space<vmem>> -> memref<1x128xi32, #tpu.memory_space<vmem>>
        %dma_wait3A_190 = tpu.memref_squeeze %dma_wait3A_189 : memref<1x128xi32, #tpu.memory_space<vmem>> -> memref<128xi32, #tpu.memory_space<vmem>>
        %dma_wait3A_191 = arith.constant 0 : i32
        %dma_wait3A_192 = arith.constant 0 : i32
        %dma_wait3A_193 = tpu.memref_slice %arg12[%dma_wait3A_191, %dma_wait3A_192] : memref<10240x128xf32, #tpu.memory_space<vmem_shared>> -> memref<10240x128xf32, #tpu.memory_space<vmem_shared>>
        tpu.wait_indirect_dma semaphore(%arg15 : memref<!tpu.dma_semaphore, #tpu.memory_space<semaphore_mem>>) src(%arg9 : memref<128x128xf32, #tpu.memory_space<vmem>>) dst(%dma_wait3A_193 : memref<10240x128xf32, #tpu.memory_space<vmem_shared>>)
        %dma_wait3A_194 = arith.constant 1 : i32
        %dma_wait3A_195 = arith.constant 0 : i32
        %dma_wait3A_196 = tpu.memref_slice %arg8[%dma_wait3A_194, %dma_wait3A_195] : memref<8x128xi32, #tpu.memory_space<vmem>> -> memref<1x128xi32, #tpu.memory_space<vmem>>
        %dma_wait3A_197 = tpu.memref_squeeze %dma_wait3A_196 : memref<1x128xi32, #tpu.memory_space<vmem>> -> memref<128xi32, #tpu.memory_space<vmem>>
        %dma_wait3A_198 = arith.constant 0 : i32
        %dma_wait3A_199 = arith.constant 0 : i32
        %dma_wait3A_200 = tpu.memref_slice %arg12[%dma_wait3A_198, %dma_wait3A_199] : memref<10240x128xf32, #tpu.memory_space<vmem_shared>> -> memref<10240x128xf32, #tpu.memory_space<vmem_shared>>
        tpu.wait_indirect_dma semaphore(%arg16 : memref<!tpu.dma_semaphore, #tpu.memory_space<semaphore_mem>>) src(%arg10 : memref<128x128xf32, #tpu.memory_space<vmem>>) dst(%dma_wait3A_200 : memref<10240x128xf32, #tpu.memory_space<vmem_shared>>)
      } else {
      }
      %jit3A = arith.constant 4 : i32
      %eq3A = arith.constant 0 : i32
      %eq3A_117 = arith.cmpi eq, %jit3A, %eq3A : i32
      %jit3A_118 = arith.constant 1 : i32
      %select_n3A = arith.select %eq3A_117, %jit3A_118, %jit3A : i32
      %rem3A = arith.remsi %scan3A_113, %select_n3A : i32
      %ne3A = arith.constant 0 : i32
      %ne3A_119 = arith.cmpi ne, %rem3A, %ne3A : i32
      %lt3A = arith.constant 0 : i32
      %lt3A_120 = arith.cmpi slt, %rem3A, %lt3A : i32
      %lt3A_121 = arith.constant 0 : i32
      %lt3A_122 = arith.cmpi slt, %select_n3A, %lt3A_121 : i32
      %ne3A_123 = arith.xori %lt3A_120, %lt3A_122 : i1
      %and3A = arith.andi %ne3A_123, %ne3A_119 : i1
      %add3A_124 = arith.addi %rem3A, %select_n3A : i32
      %select_n3A_125 = arith.select %and3A, %add3A_124, %rem3A : i32
      %eq3A_126 = arith.constant 0 : i32
      %eq3A_127 = arith.cmpi eq, %select_n3A_125, %eq3A_126 : i32
      %convert_element_type3A_128 = arith.extui %eq3A_127 : i1 to i32
      %cond3A_129 = arith.constant 0 : i32
      %cond3A_130 = arith.cmpi ne, %convert_element_type3A_128, %cond3A_129 : i32
      scf.if %cond3A_130 {
        %mul3A_187 = arith.constant 80 : i32
        %mul3A_188 = arith.muli %add3A, %mul3A_187 : i32
        %jit3A_189 = arith.constant 4 : i32
        %div3A = arith.divsi %scan3A_113, %jit3A_189 : i32
        %sign3A = arith.constant 0 : i32
        %sign3A_190 = arith.cmpi sgt, %scan3A_113, %sign3A : i32
        %sign3A_191 = arith.extui %sign3A_190 : i1 to i32
        %sign3A_192 = arith.constant 0 : i32
        %sign3A_193 = arith.cmpi slt, %scan3A_113, %sign3A_192 : i32
        %sign3A_194 = arith.extui %sign3A_193 : i1 to i32
        %sign3A_195 = arith.subi %sign3A_191, %sign3A_194 : i32
        %sign3A_196 = arith.constant 0 : i32
        %sign3A_197 = arith.cmpi sgt, %jit3A_189, %sign3A_196 : i32
        %sign3A_198 = arith.extui %sign3A_197 : i1 to i32
        %sign3A_199 = arith.constant 0 : i32
        %sign3A_200 = arith.cmpi slt, %jit3A_189, %sign3A_199 : i32
        %sign3A_201 = arith.extui %sign3A_200 : i1 to i32
        %sign3A_202 = arith.subi %sign3A_198, %sign3A_201 : i32
        %ne3A_203 = arith.cmpi ne, %sign3A_195, %sign3A_202 : i32
        %rem3A_204 = arith.remsi %scan3A_113, %jit3A_189 : i32
        %ne3A_205 = arith.constant 0 : i32
        %ne3A_206 = arith.cmpi ne, %rem3A_204, %ne3A_205 : i32
        %and3A_207 = arith.andi %ne3A_203, %ne3A_206 : i1
        %sub3A = arith.constant 1 : i32
        %sub3A_208 = arith.subi %div3A, %sub3A : i32
        %select_n3A_209 = arith.select %and3A_207, %sub3A_208, %div3A : i32
        %mul3A_210 = arith.constant 8 : i32
        %mul3A_211 = arith.muli %select_n3A_209, %mul3A_210 : i32
        %add3A_212 = arith.addi %mul3A_188, %mul3A_211 : i32
        "tpu.region"() ({
          %run_scoped3A = tpu.sem_alloc : memref<!tpu.dma_semaphore, #tpu.memory_space<semaphore_mem>>
          %dma_start3A_213 = arith.constant 0 : i32
          %dma_start3A_214 = tpu.memref_slice %arg3[%add3A_212, %dma_start3A_213] : memref<2560x128xi32, #tpu.memory_space<hbm>> -> memref<8x128xi32, #tpu.memory_space<hbm>>
          %dma_start3A_215 = arith.constant 0 : i32
          %dma_start3A_216 = tpu.memref_slice %arg3[%add3A_212, %dma_start3A_215] : memref<2560x128xi32, #tpu.memory_space<hbm>> -> memref<8x128xi32, #tpu.memory_space<hbm>>
          tpu.enqueue_dma source(%dma_start3A_216 : memref<8x128xi32, #tpu.memory_space<hbm>>) target(%arg7 : memref<8x128xi32, #tpu.memory_space<vmem>>) target_semaphore(%run_scoped3A : memref<!tpu.dma_semaphore, #tpu.memory_space<semaphore_mem>>)
          %dma_wait3A_217 = arith.constant 0 : i32
          %dma_wait3A_218 = tpu.memref_slice %arg3[%add3A_212, %dma_wait3A_217] : memref<2560x128xi32, #tpu.memory_space<hbm>> -> memref<8x128xi32, #tpu.memory_space<hbm>>
          %dma_wait3A_219 = arith.constant 0 : i32
          %dma_wait3A_220 = tpu.memref_slice %arg3[%add3A_212, %dma_wait3A_219] : memref<2560x128xi32, #tpu.memory_space<hbm>> -> memref<8x128xi32, #tpu.memory_space<hbm>>
          tpu.wait_dma2 semaphore(%run_scoped3A : memref<!tpu.dma_semaphore, #tpu.memory_space<semaphore_mem>>) src(%dma_wait3A_220 : memref<8x128xi32, #tpu.memory_space<hbm>>) dst(%arg7 : memref<8x128xi32, #tpu.memory_space<vmem>>)
          tpu.yield
        }) : () -> ()
        "tpu.region"() ({
          %run_scoped3A = tpu.sem_alloc : memref<!tpu.dma_semaphore, #tpu.memory_space<semaphore_mem>>
          %dma_start3A_213 = arith.constant 0 : i32
          %dma_start3A_214 = tpu.memref_slice %arg4[%add3A_212, %dma_start3A_213] : memref<2560x128xi32, #tpu.memory_space<hbm>> -> memref<8x128xi32, #tpu.memory_space<hbm>>
          %dma_start3A_215 = arith.constant 0 : i32
          %dma_start3A_216 = tpu.memref_slice %arg4[%add3A_212, %dma_start3A_215] : memref<2560x128xi32, #tpu.memory_space<hbm>> -> memref<8x128xi32, #tpu.memory_space<hbm>>
          tpu.enqueue_dma source(%dma_start3A_216 : memref<8x128xi32, #tpu.memory_space<hbm>>) target(%arg8 : memref<8x128xi32, #tpu.memory_space<vmem>>) target_semaphore(%run_scoped3A : memref<!tpu.dma_semaphore, #tpu.memory_space<semaphore_mem>>)
          %dma_wait3A_217 = arith.constant 0 : i32
          %dma_wait3A_218 = tpu.memref_slice %arg4[%add3A_212, %dma_wait3A_217] : memref<2560x128xi32, #tpu.memory_space<hbm>> -> memref<8x128xi32, #tpu.memory_space<hbm>>
          %dma_wait3A_219 = arith.constant 0 : i32
          %dma_wait3A_220 = tpu.memref_slice %arg4[%add3A_212, %dma_wait3A_219] : memref<2560x128xi32, #tpu.memory_space<hbm>> -> memref<8x128xi32, #tpu.memory_space<hbm>>
          tpu.wait_dma2 semaphore(%run_scoped3A : memref<!tpu.dma_semaphore, #tpu.memory_space<semaphore_mem>>) src(%dma_wait3A_220 : memref<8x128xi32, #tpu.memory_space<hbm>>) dst(%arg8 : memref<8x128xi32, #tpu.memory_space<vmem>>)
          tpu.yield
        }) : () -> ()
      } else {
      }
      %mul3A_131 = arith.constant 2 : i32
      %mul3A_132 = arith.muli %mul3A_131, %scan3A_113 : i32
      %jit3A_133 = arith.constant 8 : i32
      %eq3A_134 = arith.constant 0 : i32
      %eq3A_135 = arith.cmpi eq, %jit3A_133, %eq3A_134 : i32
      %jit3A_136 = arith.constant 1 : i32
      %select_n3A_137 = arith.select %eq3A_135, %jit3A_136, %jit3A_133 : i32
      %rem3A_138 = arith.remsi %mul3A_132, %select_n3A_137 : i32
      %ne3A_139 = arith.constant 0 : i32
      %ne3A_140 = arith.cmpi ne, %rem3A_138, %ne3A_139 : i32
      %lt3A_141 = arith.constant 0 : i32
      %lt3A_142 = arith.cmpi slt, %rem3A_138, %lt3A_141 : i32
      %lt3A_143 = arith.constant 0 : i32
      %lt3A_144 = arith.cmpi slt, %select_n3A_137, %lt3A_143 : i32
      %ne3A_145 = arith.xori %lt3A_142, %lt3A_144 : i1
      %and3A_146 = arith.andi %ne3A_145, %ne3A_140 : i1
      %add3A_147 = arith.addi %rem3A_138, %select_n3A_137 : i32
      %select_n3A_148 = arith.select %and3A_146, %add3A_147, %rem3A_138 : i32
      %add3A_149 = arith.constant 1 : i32
      %add3A_150 = arith.addi %select_n3A_148, %add3A_149 : i32
      %dma_start3A = arith.constant 0 : i32
      %dma_start3A_151 = tpu.memref_slice %arg7[%select_n3A_148, %dma_start3A] : memref<8x128xi32, #tpu.memory_space<vmem>> -> memref<1x128xi32, #tpu.memory_space<vmem>>
      %dma_start3A_152 = tpu.memref_squeeze %dma_start3A_151 : memref<1x128xi32, #tpu.memory_space<vmem>> -> memref<128xi32, #tpu.memory_space<vmem>>
      %dma_start3A_153 = arith.constant 0 : i32
      %dma_start3A_154 = arith.constant 0 : i32
      %dma_start3A_155 = tpu.memref_slice %arg2[%dma_start3A_153, %dma_start3A_154] : memref<10240x128xf32, #tpu.memory_space<hbm>> -> memref<10240x128xf32, #tpu.memory_space<hbm>>
      tpu.enqueue_indirect_dma source(%dma_start3A_155 : memref<10240x128xf32, #tpu.memory_space<hbm>>) target(%arg9 : memref<128x128xf32, #tpu.memory_space<vmem>>) offsets(%dma_start3A_152 : memref<128xi32, #tpu.memory_space<vmem>>) semaphore(%arg13 : memref<!tpu.dma_semaphore, #tpu.memory_space<semaphore_mem>>)
      %dma_start3A_156 = arith.constant 0 : i32
      %dma_start3A_157 = tpu.memref_slice %arg7[%add3A_150, %dma_start3A_156] : memref<8x128xi32, #tpu.memory_space<vmem>> -> memref<1x128xi32, #tpu.memory_space<vmem>>
      %dma_start3A_158 = tpu.memref_squeeze %dma_start3A_157 : memref<1x128xi32, #tpu.memory_space<vmem>> -> memref<128xi32, #tpu.memory_space<vmem>>
      %dma_start3A_159 = arith.constant 0 : i32
      %dma_start3A_160 = arith.constant 0 : i32
      %dma_start3A_161 = tpu.memref_slice %arg2[%dma_start3A_159, %dma_start3A_160] : memref<10240x128xf32, #tpu.memory_space<hbm>> -> memref<10240x128xf32, #tpu.memory_space<hbm>>
      tpu.enqueue_indirect_dma source(%dma_start3A_161 : memref<10240x128xf32, #tpu.memory_space<hbm>>) target(%arg10 : memref<128x128xf32, #tpu.memory_space<vmem>>) offsets(%dma_start3A_158 : memref<128xi32, #tpu.memory_space<vmem>>) semaphore(%arg14 : memref<!tpu.dma_semaphore, #tpu.memory_space<semaphore_mem>>)
      %dma_wait3A_162 = arith.constant 0 : i32
      %dma_wait3A_163 = tpu.memref_slice %arg7[%select_n3A_148, %dma_wait3A_162] : memref<8x128xi32, #tpu.memory_space<vmem>> -> memref<1x128xi32, #tpu.memory_space<vmem>>
      %dma_wait3A_164 = tpu.memref_squeeze %dma_wait3A_163 : memref<1x128xi32, #tpu.memory_space<vmem>> -> memref<128xi32, #tpu.memory_space<vmem>>
      %dma_wait3A_165 = arith.constant 0 : i32
      %dma_wait3A_166 = arith.constant 0 : i32
      %dma_wait3A_167 = tpu.memref_slice %arg2[%dma_wait3A_165, %dma_wait3A_166] : memref<10240x128xf32, #tpu.memory_space<hbm>> -> memref<10240x128xf32, #tpu.memory_space<hbm>>
      tpu.wait_indirect_dma semaphore(%arg13 : memref<!tpu.dma_semaphore, #tpu.memory_space<semaphore_mem>>) src(%dma_wait3A_167 : memref<10240x128xf32, #tpu.memory_space<hbm>>) dst(%arg9 : memref<128x128xf32, #tpu.memory_space<vmem>>)
      %dma_start3A_168 = arith.constant 0 : i32
      %dma_start3A_169 = tpu.memref_slice %arg8[%select_n3A_148, %dma_start3A_168] : memref<8x128xi32, #tpu.memory_space<vmem>> -> memref<1x128xi32, #tpu.memory_space<vmem>>
      %dma_start3A_170 = tpu.memref_squeeze %dma_start3A_169 : memref<1x128xi32, #tpu.memory_space<vmem>> -> memref<128xi32, #tpu.memory_space<vmem>>
      %dma_start3A_171 = arith.constant 0 : i32
      %dma_start3A_172 = arith.constant 0 : i32
      %dma_start3A_173 = tpu.memref_slice %arg12[%dma_start3A_171, %dma_start3A_172] : memref<10240x128xf32, #tpu.memory_space<vmem_shared>> -> memref<10240x128xf32, #tpu.memory_space<vmem_shared>>
      tpu.enqueue_indirect_dma source(%arg9 : memref<128x128xf32, #tpu.memory_space<vmem>>) target(%dma_start3A_173 : memref<10240x128xf32, #tpu.memory_space<vmem_shared>>) offsets(%dma_start3A_170 : memref<128xi32, #tpu.memory_space<vmem>>) semaphore(%arg15 : memref<!tpu.dma_semaphore, #tpu.memory_space<semaphore_mem>>) {add = true}
      %dma_wait3A_174 = arith.constant 0 : i32
      %dma_wait3A_175 = tpu.memref_slice %arg7[%add3A_150, %dma_wait3A_174] : memref<8x128xi32, #tpu.memory_space<vmem>> -> memref<1x128xi32, #tpu.memory_space<vmem>>
      %dma_wait3A_176 = tpu.memref_squeeze %dma_wait3A_175 : memref<1x128xi32, #tpu.memory_space<vmem>> -> memref<128xi32, #tpu.memory_space<vmem>>
      %dma_wait3A_177 = arith.constant 0 : i32
      %dma_wait3A_178 = arith.constant 0 : i32
      %dma_wait3A_179 = tpu.memref_slice %arg2[%dma_wait3A_177, %dma_wait3A_178] : memref<10240x128xf32, #tpu.memory_space<hbm>> -> memref<10240x128xf32, #tpu.memory_space<hbm>>
      tpu.wait_indirect_dma semaphore(%arg14 : memref<!tpu.dma_semaphore, #tpu.memory_space<semaphore_mem>>) src(%dma_wait3A_179 : memref<10240x128xf32, #tpu.memory_space<hbm>>) dst(%arg10 : memref<128x128xf32, #tpu.memory_space<vmem>>)
      %dma_start3A_180 = arith.constant 0 : i32
      %dma_start3A_181 = tpu.memref_slice %arg8[%add3A_150, %dma_start3A_180] : memref<8x128xi32, #tpu.memory_space<vmem>> -> memref<1x128xi32, #tpu.memory_space<vmem>>
      %dma_start3A_182 = tpu.memref_squeeze %dma_start3A_181 : memref<1x128xi32, #tpu.memory_space<vmem>> -> memref<128xi32, #tpu.memory_space<vmem>>
      %dma_start3A_183 = arith.constant 0 : i32
      %dma_start3A_184 = arith.constant 0 : i32
      %dma_start3A_185 = tpu.memref_slice %arg12[%dma_start3A_183, %dma_start3A_184] : memref<10240x128xf32, #tpu.memory_space<vmem_shared>> -> memref<10240x128xf32, #tpu.memory_space<vmem_shared>>
      tpu.enqueue_indirect_dma source(%arg10 : memref<128x128xf32, #tpu.memory_space<vmem>>) target(%dma_start3A_185 : memref<10240x128xf32, #tpu.memory_space<vmem_shared>>) offsets(%dma_start3A_182 : memref<128xi32, #tpu.memory_space<vmem>>) semaphore(%arg16 : memref<!tpu.dma_semaphore, #tpu.memory_space<semaphore_mem>>) {add = true}
      %scan3A_186 = arith.constant 0 : i32
      scf.yield %scan3A_186 : i32
    }
    %scan3A_28 = arith.constant 40 : i32
    %dma_wait3A = arith.constant 0 : i32
    %dma_wait3A_29 = arith.constant 0 : i32
    %dma_wait3A_30 = tpu.memref_slice %arg8[%dma_wait3A, %dma_wait3A_29] : memref<8x128xi32, #tpu.memory_space<vmem>> -> memref<1x128xi32, #tpu.memory_space<vmem>>
    %dma_wait3A_31 = tpu.memref_squeeze %dma_wait3A_30 : memref<1x128xi32, #tpu.memory_space<vmem>> -> memref<128xi32, #tpu.memory_space<vmem>>
    %dma_wait3A_32 = arith.constant 0 : i32
    %dma_wait3A_33 = arith.constant 0 : i32
    %dma_wait3A_34 = tpu.memref_slice %arg12[%dma_wait3A_32, %dma_wait3A_33] : memref<10240x128xf32, #tpu.memory_space<vmem_shared>> -> memref<10240x128xf32, #tpu.memory_space<vmem_shared>>
    tpu.wait_indirect_dma semaphore(%arg15 : memref<!tpu.dma_semaphore, #tpu.memory_space<semaphore_mem>>) src(%arg9 : memref<128x128xf32, #tpu.memory_space<vmem>>) dst(%dma_wait3A_34 : memref<10240x128xf32, #tpu.memory_space<vmem_shared>>)
    %dma_wait3A_35 = arith.constant 1 : i32
    %dma_wait3A_36 = arith.constant 0 : i32
    %dma_wait3A_37 = tpu.memref_slice %arg8[%dma_wait3A_35, %dma_wait3A_36] : memref<8x128xi32, #tpu.memory_space<vmem>> -> memref<1x128xi32, #tpu.memory_space<vmem>>
    %dma_wait3A_38 = tpu.memref_squeeze %dma_wait3A_37 : memref<1x128xi32, #tpu.memory_space<vmem>> -> memref<128xi32, #tpu.memory_space<vmem>>
    %dma_wait3A_39 = arith.constant 0 : i32
    %dma_wait3A_40 = arith.constant 0 : i32
    %dma_wait3A_41 = tpu.memref_slice %arg12[%dma_wait3A_39, %dma_wait3A_40] : memref<10240x128xf32, #tpu.memory_space<vmem_shared>> -> memref<10240x128xf32, #tpu.memory_space<vmem_shared>>
    tpu.wait_indirect_dma semaphore(%arg16 : memref<!tpu.dma_semaphore, #tpu.memory_space<semaphore_mem>>) src(%arg10 : memref<128x128xf32, #tpu.memory_space<vmem>>) dst(%dma_wait3A_41 : memref<10240x128xf32, #tpu.memory_space<vmem_shared>>)
    %barrier3A_42 = arith.constant 0 : index
    tpu.barrier barrier_id(%barrier3A_42)
    %add3A_43 = arith.constant 0 : i32
    %add3A_44 = arith.addi %mul3A_2, %add3A_43 : i32
    "tpu.region"() ({
      %run_scoped3A = tpu.sem_alloc : memref<!tpu.dma_semaphore, #tpu.memory_space<semaphore_mem>>
      %dma_start3A = arith.constant 0 : i32
      %dma_start3A_113 = tpu.memref_slice %arg12[%add3A_44, %dma_start3A] : memref<10240x128xf32, #tpu.memory_space<vmem_shared>> -> memref<64x128xf32, #tpu.memory_space<vmem_shared>>
      %dma_start3A_114 = arith.constant 0 : i32
      %dma_start3A_115 = tpu.memref_slice %arg12[%add3A_44, %dma_start3A_114] : memref<10240x128xf32, #tpu.memory_space<vmem_shared>> -> memref<64x128xf32, #tpu.memory_space<vmem_shared>>
      tpu.enqueue_dma source(%dma_start3A_115 : memref<64x128xf32, #tpu.memory_space<vmem_shared>>) target(%arg11 : memref<64x128xf32, #tpu.memory_space<vmem>>) target_semaphore(%run_scoped3A : memref<!tpu.dma_semaphore, #tpu.memory_space<semaphore_mem>>)
      %dma_wait3A_116 = arith.constant 0 : i32
      %dma_wait3A_117 = tpu.memref_slice %arg12[%add3A_44, %dma_wait3A_116] : memref<10240x128xf32, #tpu.memory_space<vmem_shared>> -> memref<64x128xf32, #tpu.memory_space<vmem_shared>>
      %dma_wait3A_118 = arith.constant 0 : i32
      %dma_wait3A_119 = tpu.memref_slice %arg12[%add3A_44, %dma_wait3A_118] : memref<10240x128xf32, #tpu.memory_space<vmem_shared>> -> memref<64x128xf32, #tpu.memory_space<vmem_shared>>
      tpu.wait_dma2 semaphore(%run_scoped3A : memref<!tpu.dma_semaphore, #tpu.memory_space<semaphore_mem>>) src(%dma_wait3A_119 : memref<64x128xf32, #tpu.memory_space<vmem_shared>>) dst(%arg11 : memref<64x128xf32, #tpu.memory_space<vmem>>)
      tpu.yield
    }) : () -> ()
    %mul3A_45 = arith.constant 10240 : i32
    %mul3A_46 = arith.muli %arg0, %mul3A_45 : i32
    %add3A_47 = arith.addi %mul3A_46, %mul3A_2 : i32
    %add3A_48 = arith.constant 0 : i32
    %add3A_49 = arith.addi %add3A_47, %add3A_48 : i32
    "tpu.region"() ({
      %run_scoped3A = tpu.sem_alloc : memref<!tpu.dma_semaphore, #tpu.memory_space<semaphore_mem>>
      %dma_start3A = arith.constant 0 : i32
      %dma_start3A_113 = tpu.memref_slice %arg6[%add3A_49, %dma_start3A] : memref<20480x128xf32, #tpu.memory_space<hbm>> -> memref<64x128xf32, #tpu.memory_space<hbm>>
      %dma_start3A_114 = arith.constant 0 : i32
      %dma_start3A_115 = tpu.memref_slice %arg6[%add3A_49, %dma_start3A_114] : memref<20480x128xf32, #tpu.memory_space<hbm>> -> memref<64x128xf32, #tpu.memory_space<hbm>>
      tpu.enqueue_dma source(%arg11 : memref<64x128xf32, #tpu.memory_space<vmem>>) target(%dma_start3A_115 : memref<64x128xf32, #tpu.memory_space<hbm>>) target_semaphore(%run_scoped3A : memref<!tpu.dma_semaphore, #tpu.memory_space<semaphore_mem>>)
      %dma_wait3A_116 = arith.constant 0 : i32
      %dma_wait3A_117 = tpu.memref_slice %arg6[%add3A_49, %dma_wait3A_116] : memref<20480x128xf32, #tpu.memory_space<hbm>> -> memref<64x128xf32, #tpu.memory_space<hbm>>
      %dma_wait3A_118 = arith.constant 0 : i32
      %dma_wait3A_119 = tpu.memref_slice %arg6[%add3A_49, %dma_wait3A_118] : memref<20480x128xf32, #tpu.memory_space<hbm>> -> memref<64x128xf32, #tpu.memory_space<hbm>>
      tpu.wait_dma2 semaphore(%run_scoped3A : memref<!tpu.dma_semaphore, #tpu.memory_space<semaphore_mem>>) src(%arg11 : memref<64x128xf32, #tpu.memory_space<vmem>>) dst(%dma_wait3A_119 : memref<64x128xf32, #tpu.memory_space<hbm>>)
      tpu.yield
    }) : () -> ()
    %add3A_50 = arith.constant 64 : i32
    %add3A_51 = arith.addi %mul3A_2, %add3A_50 : i32
    "tpu.region"() ({
      %run_scoped3A = tpu.sem_alloc : memref<!tpu.dma_semaphore, #tpu.memory_space<semaphore_mem>>
      %dma_start3A = arith.constant 0 : i32
      %dma_start3A_113 = tpu.memref_slice %arg12[%add3A_51, %dma_start3A] : memref<10240x128xf32, #tpu.memory_space<vmem_shared>> -> memref<64x128xf32, #tpu.memory_space<vmem_shared>>
      %dma_start3A_114 = arith.constant 0 : i32
      %dma_start3A_115 = tpu.memref_slice %arg12[%add3A_51, %dma_start3A_114] : memref<10240x128xf32, #tpu.memory_space<vmem_shared>> -> memref<64x128xf32, #tpu.memory_space<vmem_shared>>
      tpu.enqueue_dma source(%dma_start3A_115 : memref<64x128xf32, #tpu.memory_space<vmem_shared>>) target(%arg11 : memref<64x128xf32, #tpu.memory_space<vmem>>) target_semaphore(%run_scoped3A : memref<!tpu.dma_semaphore, #tpu.memory_space<semaphore_mem>>)
      %dma_wait3A_116 = arith.constant 0 : i32
      %dma_wait3A_117 = tpu.memref_slice %arg12[%add3A_51, %dma_wait3A_116] : memref<10240x128xf32, #tpu.memory_space<vmem_shared>> -> memref<64x128xf32, #tpu.memory_space<vmem_shared>>
      %dma_wait3A_118 = arith.constant 0 : i32
      %dma_wait3A_119 = tpu.memref_slice %arg12[%add3A_51, %dma_wait3A_118] : memref<10240x128xf32, #tpu.memory_space<vmem_shared>> -> memref<64x128xf32, #tpu.memory_space<vmem_shared>>
      tpu.wait_dma2 semaphore(%run_scoped3A : memref<!tpu.dma_semaphore, #tpu.memory_space<semaphore_mem>>) src(%dma_wait3A_119 : memref<64x128xf32, #tpu.memory_space<vmem_shared>>) dst(%arg11 : memref<64x128xf32, #tpu.memory_space<vmem>>)
      tpu.yield
    }) : () -> ()
    %mul3A_52 = arith.constant 10240 : i32
    %mul3A_53 = arith.muli %arg0, %mul3A_52 : i32
    %add3A_54 = arith.addi %mul3A_53, %mul3A_2 : i32
    %add3A_55 = arith.constant 64 : i32
    %add3A_56 = arith.addi %add3A_54, %add3A_55 : i32
    "tpu.region"() ({
      %run_scoped3A = tpu.sem_alloc : memref<!tpu.dma_semaphore, #tpu.memory_space<semaphore_mem>>
      %dma_start3A = arith.constant 0 : i32
      %dma_start3A_113 = tpu.memref_slice %arg6[%add3A_56, %dma_start3A] : memref<20480x128xf32, #tpu.memory_space<hbm>> -> memref<64x128xf32, #tpu.memory_space<hbm>>
      %dma_start3A_114 = arith.constant 0 : i32
      %dma_start3A_115 = tpu.memref_slice %arg6[%add3A_56, %dma_start3A_114] : memref<20480x128xf32, #tpu.memory_space<hbm>> -> memref<64x128xf32, #tpu.memory_space<hbm>>
      tpu.enqueue_dma source(%arg11 : memref<64x128xf32, #tpu.memory_space<vmem>>) target(%dma_start3A_115 : memref<64x128xf32, #tpu.memory_space<hbm>>) target_semaphore(%run_scoped3A : memref<!tpu.dma_semaphore, #tpu.memory_space<semaphore_mem>>)
      %dma_wait3A_116 = arith.constant 0 : i32
      %dma_wait3A_117 = tpu.memref_slice %arg6[%add3A_56, %dma_wait3A_116] : memref<20480x128xf32, #tpu.memory_space<hbm>> -> memref<64x128xf32, #tpu.memory_space<hbm>>
      %dma_wait3A_118 = arith.constant 0 : i32
      %dma_wait3A_119 = tpu.memref_slice %arg6[%add3A_56, %dma_wait3A_118] : memref<20480x128xf32, #tpu.memory_space<hbm>> -> memref<64x128xf32, #tpu.memory_space<hbm>>
      tpu.wait_dma2 semaphore(%run_scoped3A : memref<!tpu.dma_semaphore, #tpu.memory_space<semaphore_mem>>) src(%arg11 : memref<64x128xf32, #tpu.memory_space<vmem>>) dst(%dma_wait3A_119 : memref<64x128xf32, #tpu.memory_space<hbm>>)
      tpu.yield
    }) : () -> ()
    %add3A_57 = arith.constant 128 : i32
    %add3A_58 = arith.addi %mul3A_2, %add3A_57 : i32
    "tpu.region"() ({
      %run_scoped3A = tpu.sem_alloc : memref<!tpu.dma_semaphore, #tpu.memory_space<semaphore_mem>>
      %dma_start3A = arith.constant 0 : i32
      %dma_start3A_113 = tpu.memref_slice %arg12[%add3A_58, %dma_start3A] : memref<10240x128xf32, #tpu.memory_space<vmem_shared>> -> memref<64x128xf32, #tpu.memory_space<vmem_shared>>
      %dma_start3A_114 = arith.constant 0 : i32
      %dma_start3A_115 = tpu.memref_slice %arg12[%add3A_58, %dma_start3A_114] : memref<10240x128xf32, #tpu.memory_space<vmem_shared>> -> memref<64x128xf32, #tpu.memory_space<vmem_shared>>
      tpu.enqueue_dma source(%dma_start3A_115 : memref<64x128xf32, #tpu.memory_space<vmem_shared>>) target(%arg11 : memref<64x128xf32, #tpu.memory_space<vmem>>) target_semaphore(%run_scoped3A : memref<!tpu.dma_semaphore, #tpu.memory_space<semaphore_mem>>)
      %dma_wait3A_116 = arith.constant 0 : i32
      %dma_wait3A_117 = tpu.memref_slice %arg12[%add3A_58, %dma_wait3A_116] : memref<10240x128xf32, #tpu.memory_space<vmem_shared>> -> memref<64x128xf32, #tpu.memory_space<vmem_shared>>
      %dma_wait3A_118 = arith.constant 0 : i32
      %dma_wait3A_119 = tpu.memref_slice %arg12[%add3A_58, %dma_wait3A_118] : memref<10240x128xf32, #tpu.memory_space<vmem_shared>> -> memref<64x128xf32, #tpu.memory_space<vmem_shared>>
      tpu.wait_dma2 semaphore(%run_scoped3A : memref<!tpu.dma_semaphore, #tpu.memory_space<semaphore_mem>>) src(%dma_wait3A_119 : memref<64x128xf32, #tpu.memory_space<vmem_shared>>) dst(%arg11 : memref<64x128xf32, #tpu.memory_space<vmem>>)
      tpu.yield
    }) : () -> ()
    %mul3A_59 = arith.constant 10240 : i32
    %mul3A_60 = arith.muli %arg0, %mul3A_59 : i32
    %add3A_61 = arith.addi %mul3A_60, %mul3A_2 : i32
    %add3A_62 = arith.constant 128 : i32
    %add3A_63 = arith.addi %add3A_61, %add3A_62 : i32
    "tpu.region"() ({
      %run_scoped3A = tpu.sem_alloc : memref<!tpu.dma_semaphore, #tpu.memory_space<semaphore_mem>>
      %dma_start3A = arith.constant 0 : i32
      %dma_start3A_113 = tpu.memref_slice %arg6[%add3A_63, %dma_start3A] : memref<20480x128xf32, #tpu.memory_space<hbm>> -> memref<64x128xf32, #tpu.memory_space<hbm>>
      %dma_start3A_114 = arith.constant 0 : i32
      %dma_start3A_115 = tpu.memref_slice %arg6[%add3A_63, %dma_start3A_114] : memref<20480x128xf32, #tpu.memory_space<hbm>> -> memref<64x128xf32, #tpu.memory_space<hbm>>
      tpu.enqueue_dma source(%arg11 : memref<64x128xf32, #tpu.memory_space<vmem>>) target(%dma_start3A_115 : memref<64x128xf32, #tpu.memory_space<hbm>>) target_semaphore(%run_scoped3A : memref<!tpu.dma_semaphore, #tpu.memory_space<semaphore_mem>>)
      %dma_wait3A_116 = arith.constant 0 : i32
      %dma_wait3A_117 = tpu.memref_slice %arg6[%add3A_63, %dma_wait3A_116] : memref<20480x128xf32, #tpu.memory_space<hbm>> -> memref<64x128xf32, #tpu.memory_space<hbm>>
      %dma_wait3A_118 = arith.constant 0 : i32
      %dma_wait3A_119 = tpu.memref_slice %arg6[%add3A_63, %dma_wait3A_118] : memref<20480x128xf32, #tpu.memory_space<hbm>> -> memref<64x128xf32, #tpu.memory_space<hbm>>
      tpu.wait_dma2 semaphore(%run_scoped3A : memref<!tpu.dma_semaphore, #tpu.memory_space<semaphore_mem>>) src(%arg11 : memref<64x128xf32, #tpu.memory_space<vmem>>) dst(%dma_wait3A_119 : memref<64x128xf32, #tpu.memory_space<hbm>>)
      tpu.yield
    }) : () -> ()
    %add3A_64 = arith.constant 192 : i32
    %add3A_65 = arith.addi %mul3A_2, %add3A_64 : i32
    "tpu.region"() ({
      %run_scoped3A = tpu.sem_alloc : memref<!tpu.dma_semaphore, #tpu.memory_space<semaphore_mem>>
      %dma_start3A = arith.constant 0 : i32
      %dma_start3A_113 = tpu.memref_slice %arg12[%add3A_65, %dma_start3A] : memref<10240x128xf32, #tpu.memory_space<vmem_shared>> -> memref<64x128xf32, #tpu.memory_space<vmem_shared>>
      %dma_start3A_114 = arith.constant 0 : i32
      %dma_start3A_115 = tpu.memref_slice %arg12[%add3A_65, %dma_start3A_114] : memref<10240x128xf32, #tpu.memory_space<vmem_shared>> -> memref<64x128xf32, #tpu.memory_space<vmem_shared>>
      tpu.enqueue_dma source(%dma_start3A_115 : memref<64x128xf32, #tpu.memory_space<vmem_shared>>) target(%arg11 : memref<64x128xf32, #tpu.memory_space<vmem>>) target_semaphore(%run_scoped3A : memref<!tpu.dma_semaphore, #tpu.memory_space<semaphore_mem>>)
      %dma_wait3A_116 = arith.constant 0 : i32
      %dma_wait3A_117 = tpu.memref_slice %arg12[%add3A_65, %dma_wait3A_116] : memref<10240x128xf32, #tpu.memory_space<vmem_shared>> -> memref<64x128xf32, #tpu.memory_space<vmem_shared>>
      %dma_wait3A_118 = arith.constant 0 : i32
      %dma_wait3A_119 = tpu.memref_slice %arg12[%add3A_65, %dma_wait3A_118] : memref<10240x128xf32, #tpu.memory_space<vmem_shared>> -> memref<64x128xf32, #tpu.memory_space<vmem_shared>>
      tpu.wait_dma2 semaphore(%run_scoped3A : memref<!tpu.dma_semaphore, #tpu.memory_space<semaphore_mem>>) src(%dma_wait3A_119 : memref<64x128xf32, #tpu.memory_space<vmem_shared>>) dst(%arg11 : memref<64x128xf32, #tpu.memory_space<vmem>>)
      tpu.yield
    }) : () -> ()
    %mul3A_66 = arith.constant 10240 : i32
    %mul3A_67 = arith.muli %arg0, %mul3A_66 : i32
    %add3A_68 = arith.addi %mul3A_67, %mul3A_2 : i32
    %add3A_69 = arith.constant 192 : i32
    %add3A_70 = arith.addi %add3A_68, %add3A_69 : i32
    "tpu.region"() ({
      %run_scoped3A = tpu.sem_alloc : memref<!tpu.dma_semaphore, #tpu.memory_space<semaphore_mem>>
      %dma_start3A = arith.constant 0 : i32
      %dma_start3A_113 = tpu.memref_slice %arg6[%add3A_70, %dma_start3A] : memref<20480x128xf32, #tpu.memory_space<hbm>> -> memref<64x128xf32, #tpu.memory_space<hbm>>
      %dma_start3A_114 = arith.constant 0 : i32
      %dma_start3A_115 = tpu.memref_slice %arg6[%add3A_70, %dma_start3A_114] : memref<20480x128xf32, #tpu.memory_space<hbm>> -> memref<64x128xf32, #tpu.memory_space<hbm>>
      tpu.enqueue_dma source(%arg11 : memref<64x128xf32, #tpu.memory_space<vmem>>) target(%dma_start3A_115 : memref<64x128xf32, #tpu.memory_space<hbm>>) target_semaphore(%run_scoped3A : memref<!tpu.dma_semaphore, #tpu.memory_space<semaphore_mem>>)
      %dma_wait3A_116 = arith.constant 0 : i32
      %dma_wait3A_117 = tpu.memref_slice %arg6[%add3A_70, %dma_wait3A_116] : memref<20480x128xf32, #tpu.memory_space<hbm>> -> memref<64x128xf32, #tpu.memory_space<hbm>>
      %dma_wait3A_118 = arith.constant 0 : i32
      %dma_wait3A_119 = tpu.memref_slice %arg6[%add3A_70, %dma_wait3A_118] : memref<20480x128xf32, #tpu.memory_space<hbm>> -> memref<64x128xf32, #tpu.memory_space<hbm>>
      tpu.wait_dma2 semaphore(%run_scoped3A : memref<!tpu.dma_semaphore, #tpu.memory_space<semaphore_mem>>) src(%arg11 : memref<64x128xf32, #tpu.memory_space<vmem>>) dst(%dma_wait3A_119 : memref<64x128xf32, #tpu.memory_space<hbm>>)
      tpu.yield
    }) : () -> ()
    %add3A_71 = arith.constant 256 : i32
    %add3A_72 = arith.addi %mul3A_2, %add3A_71 : i32
    "tpu.region"() ({
      %run_scoped3A = tpu.sem_alloc : memref<!tpu.dma_semaphore, #tpu.memory_space<semaphore_mem>>
      %dma_start3A = arith.constant 0 : i32
      %dma_start3A_113 = tpu.memref_slice %arg12[%add3A_72, %dma_start3A] : memref<10240x128xf32, #tpu.memory_space<vmem_shared>> -> memref<64x128xf32, #tpu.memory_space<vmem_shared>>
      %dma_start3A_114 = arith.constant 0 : i32
      %dma_start3A_115 = tpu.memref_slice %arg12[%add3A_72, %dma_start3A_114] : memref<10240x128xf32, #tpu.memory_space<vmem_shared>> -> memref<64x128xf32, #tpu.memory_space<vmem_shared>>
      tpu.enqueue_dma source(%dma_start3A_115 : memref<64x128xf32, #tpu.memory_space<vmem_shared>>) target(%arg11 : memref<64x128xf32, #tpu.memory_space<vmem>>) target_semaphore(%run_scoped3A : memref<!tpu.dma_semaphore, #tpu.memory_space<semaphore_mem>>)
      %dma_wait3A_116 = arith.constant 0 : i32
      %dma_wait3A_117 = tpu.memref_slice %arg12[%add3A_72, %dma_wait3A_116] : memref<10240x128xf32, #tpu.memory_space<vmem_shared>> -> memref<64x128xf32, #tpu.memory_space<vmem_shared>>
      %dma_wait3A_118 = arith.constant 0 : i32
      %dma_wait3A_119 = tpu.memref_slice %arg12[%add3A_72, %dma_wait3A_118] : memref<10240x128xf32, #tpu.memory_space<vmem_shared>> -> memref<64x128xf32, #tpu.memory_space<vmem_shared>>
      tpu.wait_dma2 semaphore(%run_scoped3A : memref<!tpu.dma_semaphore, #tpu.memory_space<semaphore_mem>>) src(%dma_wait3A_119 : memref<64x128xf32, #tpu.memory_space<vmem_shared>>) dst(%arg11 : memref<64x128xf32, #tpu.memory_space<vmem>>)
      tpu.yield
    }) : () -> ()
    %mul3A_73 = arith.constant 10240 : i32
    %mul3A_74 = arith.muli %arg0, %mul3A_73 : i32
    %add3A_75 = arith.addi %mul3A_74, %mul3A_2 : i32
    %add3A_76 = arith.constant 256 : i32
    %add3A_77 = arith.addi %add3A_75, %add3A_76 : i32
    "tpu.region"() ({
      %run_scoped3A = tpu.sem_alloc : memref<!tpu.dma_semaphore, #tpu.memory_space<semaphore_mem>>
      %dma_start3A = arith.constant 0 : i32
      %dma_start3A_113 = tpu.memref_slice %arg6[%add3A_77, %dma_start3A] : memref<20480x128xf32, #tpu.memory_space<hbm>> -> memref<64x128xf32, #tpu.memory_space<hbm>>
      %dma_start3A_114 = arith.constant 0 : i32
      %dma_start3A_115 = tpu.memref_slice %arg6[%add3A_77, %dma_start3A_114] : memref<20480x128xf32, #tpu.memory_space<hbm>> -> memref<64x128xf32, #tpu.memory_space<hbm>>
      tpu.enqueue_dma source(%arg11 : memref<64x128xf32, #tpu.memory_space<vmem>>) target(%dma_start3A_115 : memref<64x128xf32, #tpu.memory_space<hbm>>) target_semaphore(%run_scoped3A : memref<!tpu.dma_semaphore, #tpu.memory_space<semaphore_mem>>)
      %dma_wait3A_116 = arith.constant 0 : i32
      %dma_wait3A_117 = tpu.memref_slice %arg6[%add3A_77, %dma_wait3A_116] : memref<20480x128xf32, #tpu.memory_space<hbm>> -> memref<64x128xf32, #tpu.memory_space<hbm>>
      %dma_wait3A_118 = arith.constant 0 : i32
      %dma_wait3A_119 = tpu.memref_slice %arg6[%add3A_77, %dma_wait3A_118] : memref<20480x128xf32, #tpu.memory_space<hbm>> -> memref<64x128xf32, #tpu.memory_space<hbm>>
      tpu.wait_dma2 semaphore(%run_scoped3A : memref<!tpu.dma_semaphore, #tpu.memory_space<semaphore_mem>>) src(%arg11 : memref<64x128xf32, #tpu.memory_space<vmem>>) dst(%dma_wait3A_119 : memref<64x128xf32, #tpu.memory_space<hbm>>)
      tpu.yield
    }) : () -> ()
    %add3A_78 = arith.constant 320 : i32
    %add3A_79 = arith.addi %mul3A_2, %add3A_78 : i32
    "tpu.region"() ({
      %run_scoped3A = tpu.sem_alloc : memref<!tpu.dma_semaphore, #tpu.memory_space<semaphore_mem>>
      %dma_start3A = arith.constant 0 : i32
      %dma_start3A_113 = tpu.memref_slice %arg12[%add3A_79, %dma_start3A] : memref<10240x128xf32, #tpu.memory_space<vmem_shared>> -> memref<64x128xf32, #tpu.memory_space<vmem_shared>>
      %dma_start3A_114 = arith.constant 0 : i32
      %dma_start3A_115 = tpu.memref_slice %arg12[%add3A_79, %dma_start3A_114] : memref<10240x128xf32, #tpu.memory_space<vmem_shared>> -> memref<64x128xf32, #tpu.memory_space<vmem_shared>>
      tpu.enqueue_dma source(%dma_start3A_115 : memref<64x128xf32, #tpu.memory_space<vmem_shared>>) target(%arg11 : memref<64x128xf32, #tpu.memory_space<vmem>>) target_semaphore(%run_scoped3A : memref<!tpu.dma_semaphore, #tpu.memory_space<semaphore_mem>>)
      %dma_wait3A_116 = arith.constant 0 : i32
      %dma_wait3A_117 = tpu.memref_slice %arg12[%add3A_79, %dma_wait3A_116] : memref<10240x128xf32, #tpu.memory_space<vmem_shared>> -> memref<64x128xf32, #tpu.memory_space<vmem_shared>>
      %dma_wait3A_118 = arith.constant 0 : i32
      %dma_wait3A_119 = tpu.memref_slice %arg12[%add3A_79, %dma_wait3A_118] : memref<10240x128xf32, #tpu.memory_space<vmem_shared>> -> memref<64x128xf32, #tpu.memory_space<vmem_shared>>
      tpu.wait_dma2 semaphore(%run_scoped3A : memref<!tpu.dma_semaphore, #tpu.memory_space<semaphore_mem>>) src(%dma_wait3A_119 : memref<64x128xf32, #tpu.memory_space<vmem_shared>>) dst(%arg11 : memref<64x128xf32, #tpu.memory_space<vmem>>)
      tpu.yield
    }) : () -> ()
    %mul3A_80 = arith.constant 10240 : i32
    %mul3A_81 = arith.muli %arg0, %mul3A_80 : i32
    %add3A_82 = arith.addi %mul3A_81, %mul3A_2 : i32
    %add3A_83 = arith.constant 320 : i32
    %add3A_84 = arith.addi %add3A_82, %add3A_83 : i32
    "tpu.region"() ({
      %run_scoped3A = tpu.sem_alloc : memref<!tpu.dma_semaphore, #tpu.memory_space<semaphore_mem>>
      %dma_start3A = arith.constant 0 : i32
      %dma_start3A_113 = tpu.memref_slice %arg6[%add3A_84, %dma_start3A] : memref<20480x128xf32, #tpu.memory_space<hbm>> -> memref<64x128xf32, #tpu.memory_space<hbm>>
      %dma_start3A_114 = arith.constant 0 : i32
      %dma_start3A_115 = tpu.memref_slice %arg6[%add3A_84, %dma_start3A_114] : memref<20480x128xf32, #tpu.memory_space<hbm>> -> memref<64x128xf32, #tpu.memory_space<hbm>>
      tpu.enqueue_dma source(%arg11 : memref<64x128xf32, #tpu.memory_space<vmem>>) target(%dma_start3A_115 : memref<64x128xf32, #tpu.memory_space<hbm>>) target_semaphore(%run_scoped3A : memref<!tpu.dma_semaphore, #tpu.memory_space<semaphore_mem>>)
      %dma_wait3A_116 = arith.constant 0 : i32
      %dma_wait3A_117 = tpu.memref_slice %arg6[%add3A_84, %dma_wait3A_116] : memref<20480x128xf32, #tpu.memory_space<hbm>> -> memref<64x128xf32, #tpu.memory_space<hbm>>
      %dma_wait3A_118 = arith.constant 0 : i32
      %dma_wait3A_119 = tpu.memref_slice %arg6[%add3A_84, %dma_wait3A_118] : memref<20480x128xf32, #tpu.memory_space<hbm>> -> memref<64x128xf32, #tpu.memory_space<hbm>>
      tpu.wait_dma2 semaphore(%run_scoped3A : memref<!tpu.dma_semaphore, #tpu.memory_space<semaphore_mem>>) src(%arg11 : memref<64x128xf32, #tpu.memory_space<vmem>>) dst(%dma_wait3A_119 : memref<64x128xf32, #tpu.memory_space<hbm>>)
      tpu.yield
    }) : () -> ()
    %add3A_85 = arith.constant 384 : i32
    %add3A_86 = arith.addi %mul3A_2, %add3A_85 : i32
    "tpu.region"() ({
      %run_scoped3A = tpu.sem_alloc : memref<!tpu.dma_semaphore, #tpu.memory_space<semaphore_mem>>
      %dma_start3A = arith.constant 0 : i32
      %dma_start3A_113 = tpu.memref_slice %arg12[%add3A_86, %dma_start3A] : memref<10240x128xf32, #tpu.memory_space<vmem_shared>> -> memref<64x128xf32, #tpu.memory_space<vmem_shared>>
      %dma_start3A_114 = arith.constant 0 : i32
      %dma_start3A_115 = tpu.memref_slice %arg12[%add3A_86, %dma_start3A_114] : memref<10240x128xf32, #tpu.memory_space<vmem_shared>> -> memref<64x128xf32, #tpu.memory_space<vmem_shared>>
      tpu.enqueue_dma source(%dma_start3A_115 : memref<64x128xf32, #tpu.memory_space<vmem_shared>>) target(%arg11 : memref<64x128xf32, #tpu.memory_space<vmem>>) target_semaphore(%run_scoped3A : memref<!tpu.dma_semaphore, #tpu.memory_space<semaphore_mem>>)
      %dma_wait3A_116 = arith.constant 0 : i32
      %dma_wait3A_117 = tpu.memref_slice %arg12[%add3A_86, %dma_wait3A_116] : memref<10240x128xf32, #tpu.memory_space<vmem_shared>> -> memref<64x128xf32, #tpu.memory_space<vmem_shared>>
      %dma_wait3A_118 = arith.constant 0 : i32
      %dma_wait3A_119 = tpu.memref_slice %arg12[%add3A_86, %dma_wait3A_118] : memref<10240x128xf32, #tpu.memory_space<vmem_shared>> -> memref<64x128xf32, #tpu.memory_space<vmem_shared>>
      tpu.wait_dma2 semaphore(%run_scoped3A : memref<!tpu.dma_semaphore, #tpu.memory_space<semaphore_mem>>) src(%dma_wait3A_119 : memref<64x128xf32, #tpu.memory_space<vmem_shared>>) dst(%arg11 : memref<64x128xf32, #tpu.memory_space<vmem>>)
      tpu.yield
    }) : () -> ()
    %mul3A_87 = arith.constant 10240 : i32
    %mul3A_88 = arith.muli %arg0, %mul3A_87 : i32
    %add3A_89 = arith.addi %mul3A_88, %mul3A_2 : i32
    %add3A_90 = arith.constant 384 : i32
    %add3A_91 = arith.addi %add3A_89, %add3A_90 : i32
    "tpu.region"() ({
      %run_scoped3A = tpu.sem_alloc : memref<!tpu.dma_semaphore, #tpu.memory_space<semaphore_mem>>
      %dma_start3A = arith.constant 0 : i32
      %dma_start3A_113 = tpu.memref_slice %arg6[%add3A_91, %dma_start3A] : memref<20480x128xf32, #tpu.memory_space<hbm>> -> memref<64x128xf32, #tpu.memory_space<hbm>>
      %dma_start3A_114 = arith.constant 0 : i32
      %dma_start3A_115 = tpu.memref_slice %arg6[%add3A_91, %dma_start3A_114] : memref<20480x128xf32, #tpu.memory_space<hbm>> -> memref<64x128xf32, #tpu.memory_space<hbm>>
      tpu.enqueue_dma source(%arg11 : memref<64x128xf32, #tpu.memory_space<vmem>>) target(%dma_start3A_115 : memref<64x128xf32, #tpu.memory_space<hbm>>) target_semaphore(%run_scoped3A : memref<!tpu.dma_semaphore, #tpu.memory_space<semaphore_mem>>)
      %dma_wait3A_116 = arith.constant 0 : i32
      %dma_wait3A_117 = tpu.memref_slice %arg6[%add3A_91, %dma_wait3A_116] : memref<20480x128xf32, #tpu.memory_space<hbm>> -> memref<64x128xf32, #tpu.memory_space<hbm>>
      %dma_wait3A_118 = arith.constant 0 : i32
      %dma_wait3A_119 = tpu.memref_slice %arg6[%add3A_91, %dma_wait3A_118] : memref<20480x128xf32, #tpu.memory_space<hbm>> -> memref<64x128xf32, #tpu.memory_space<hbm>>
      tpu.wait_dma2 semaphore(%run_scoped3A : memref<!tpu.dma_semaphore, #tpu.memory_space<semaphore_mem>>) src(%arg11 : memref<64x128xf32, #tpu.memory_space<vmem>>) dst(%dma_wait3A_119 : memref<64x128xf32, #tpu.memory_space<hbm>>)
      tpu.yield
    }) : () -> ()
    %add3A_92 = arith.constant 448 : i32
    %add3A_93 = arith.addi %mul3A_2, %add3A_92 : i32
    "tpu.region"() ({
      %run_scoped3A = tpu.sem_alloc : memref<!tpu.dma_semaphore, #tpu.memory_space<semaphore_mem>>
      %dma_start3A = arith.constant 0 : i32
      %dma_start3A_113 = tpu.memref_slice %arg12[%add3A_93, %dma_start3A] : memref<10240x128xf32, #tpu.memory_space<vmem_shared>> -> memref<64x128xf32, #tpu.memory_space<vmem_shared>>
      %dma_start3A_114 = arith.constant 0 : i32
      %dma_start3A_115 = tpu.memref_slice %arg12[%add3A_93, %dma_start3A_114] : memref<10240x128xf32, #tpu.memory_space<vmem_shared>> -> memref<64x128xf32, #tpu.memory_space<vmem_shared>>
      tpu.enqueue_dma source(%dma_start3A_115 : memref<64x128xf32, #tpu.memory_space<vmem_shared>>) target(%arg11 : memref<64x128xf32, #tpu.memory_space<vmem>>) target_semaphore(%run_scoped3A : memref<!tpu.dma_semaphore, #tpu.memory_space<semaphore_mem>>)
      %dma_wait3A_116 = arith.constant 0 : i32
      %dma_wait3A_117 = tpu.memref_slice %arg12[%add3A_93, %dma_wait3A_116] : memref<10240x128xf32, #tpu.memory_space<vmem_shared>> -> memref<64x128xf32, #tpu.memory_space<vmem_shared>>
      %dma_wait3A_118 = arith.constant 0 : i32
      %dma_wait3A_119 = tpu.memref_slice %arg12[%add3A_93, %dma_wait3A_118] : memref<10240x128xf32, #tpu.memory_space<vmem_shared>> -> memref<64x128xf32, #tpu.memory_space<vmem_shared>>
      tpu.wait_dma2 semaphore(%run_scoped3A : memref<!tpu.dma_semaphore, #tpu.memory_space<semaphore_mem>>) src(%dma_wait3A_119 : memref<64x128xf32, #tpu.memory_space<vmem_shared>>) dst(%arg11 : memref<64x128xf32, #tpu.memory_space<vmem>>)
      tpu.yield
    }) : () -> ()
    %mul3A_94 = arith.constant 10240 : i32
    %mul3A_95 = arith.muli %arg0, %mul3A_94 : i32
    %add3A_96 = arith.addi %mul3A_95, %mul3A_2 : i32
    %add3A_97 = arith.constant 448 : i32
    %add3A_98 = arith.addi %add3A_96, %add3A_97 : i32
    "tpu.region"() ({
      %run_scoped3A = tpu.sem_alloc : memref<!tpu.dma_semaphore, #tpu.memory_space<semaphore_mem>>
      %dma_start3A = arith.constant 0 : i32
      %dma_start3A_113 = tpu.memref_slice %arg6[%add3A_98, %dma_start3A] : memref<20480x128xf32, #tpu.memory_space<hbm>> -> memref<64x128xf32, #tpu.memory_space<hbm>>
      %dma_start3A_114 = arith.constant 0 : i32
      %dma_start3A_115 = tpu.memref_slice %arg6[%add3A_98, %dma_start3A_114] : memref<20480x128xf32, #tpu.memory_space<hbm>> -> memref<64x128xf32, #tpu.memory_space<hbm>>
      tpu.enqueue_dma source(%arg11 : memref<64x128xf32, #tpu.memory_space<vmem>>) target(%dma_start3A_115 : memref<64x128xf32, #tpu.memory_space<hbm>>) target_semaphore(%run_scoped3A : memref<!tpu.dma_semaphore, #tpu.memory_space<semaphore_mem>>)
      %dma_wait3A_116 = arith.constant 0 : i32
      %dma_wait3A_117 = tpu.memref_slice %arg6[%add3A_98, %dma_wait3A_116] : memref<20480x128xf32, #tpu.memory_space<hbm>> -> memref<64x128xf32, #tpu.memory_space<hbm>>
      %dma_wait3A_118 = arith.constant 0 : i32
      %dma_wait3A_119 = tpu.memref_slice %arg6[%add3A_98, %dma_wait3A_118] : memref<20480x128xf32, #tpu.memory_space<hbm>> -> memref<64x128xf32, #tpu.memory_space<hbm>>
      tpu.wait_dma2 semaphore(%run_scoped3A : memref<!tpu.dma_semaphore, #tpu.memory_space<semaphore_mem>>) src(%arg11 : memref<64x128xf32, #tpu.memory_space<vmem>>) dst(%dma_wait3A_119 : memref<64x128xf32, #tpu.memory_space<hbm>>)
      tpu.yield
    }) : () -> ()
    %add3A_99 = arith.constant 512 : i32
    %add3A_100 = arith.addi %mul3A_2, %add3A_99 : i32
    "tpu.region"() ({
      %run_scoped3A = tpu.sem_alloc : memref<!tpu.dma_semaphore, #tpu.memory_space<semaphore_mem>>
      %dma_start3A = arith.constant 0 : i32
      %dma_start3A_113 = tpu.memref_slice %arg12[%add3A_100, %dma_start3A] : memref<10240x128xf32, #tpu.memory_space<vmem_shared>> -> memref<64x128xf32, #tpu.memory_space<vmem_shared>>
      %dma_start3A_114 = arith.constant 0 : i32
      %dma_start3A_115 = tpu.memref_slice %arg12[%add3A_100, %dma_start3A_114] : memref<10240x128xf32, #tpu.memory_space<vmem_shared>> -> memref<64x128xf32, #tpu.memory_space<vmem_shared>>
      tpu.enqueue_dma source(%dma_start3A_115 : memref<64x128xf32, #tpu.memory_space<vmem_shared>>) target(%arg11 : memref<64x128xf32, #tpu.memory_space<vmem>>) target_semaphore(%run_scoped3A : memref<!tpu.dma_semaphore, #tpu.memory_space<semaphore_mem>>)
      %dma_wait3A_116 = arith.constant 0 : i32
      %dma_wait3A_117 = tpu.memref_slice %arg12[%add3A_100, %dma_wait3A_116] : memref<10240x128xf32, #tpu.memory_space<vmem_shared>> -> memref<64x128xf32, #tpu.memory_space<vmem_shared>>
      %dma_wait3A_118 = arith.constant 0 : i32
      %dma_wait3A_119 = tpu.memref_slice %arg12[%add3A_100, %dma_wait3A_118] : memref<10240x128xf32, #tpu.memory_space<vmem_shared>> -> memref<64x128xf32, #tpu.memory_space<vmem_shared>>
      tpu.wait_dma2 semaphore(%run_scoped3A : memref<!tpu.dma_semaphore, #tpu.memory_space<semaphore_mem>>) src(%dma_wait3A_119 : memref<64x128xf32, #tpu.memory_space<vmem_shared>>) dst(%arg11 : memref<64x128xf32, #tpu.memory_space<vmem>>)
      tpu.yield
    }) : () -> ()
    %mul3A_101 = arith.constant 10240 : i32
    %mul3A_102 = arith.muli %arg0, %mul3A_101 : i32
    %add3A_103 = arith.addi %mul3A_102, %mul3A_2 : i32
    %add3A_104 = arith.constant 512 : i32
    %add3A_105 = arith.addi %add3A_103, %add3A_104 : i32
    "tpu.region"() ({
      %run_scoped3A = tpu.sem_alloc : memref<!tpu.dma_semaphore, #tpu.memory_space<semaphore_mem>>
      %dma_start3A = arith.constant 0 : i32
      %dma_start3A_113 = tpu.memref_slice %arg6[%add3A_105, %dma_start3A] : memref<20480x128xf32, #tpu.memory_space<hbm>> -> memref<64x128xf32, #tpu.memory_space<hbm>>
      %dma_start3A_114 = arith.constant 0 : i32
      %dma_start3A_115 = tpu.memref_slice %arg6[%add3A_105, %dma_start3A_114] : memref<20480x128xf32, #tpu.memory_space<hbm>> -> memref<64x128xf32, #tpu.memory_space<hbm>>
      tpu.enqueue_dma source(%arg11 : memref<64x128xf32, #tpu.memory_space<vmem>>) target(%dma_start3A_115 : memref<64x128xf32, #tpu.memory_space<hbm>>) target_semaphore(%run_scoped3A : memref<!tpu.dma_semaphore, #tpu.memory_space<semaphore_mem>>)
      %dma_wait3A_116 = arith.constant 0 : i32
      %dma_wait3A_117 = tpu.memref_slice %arg6[%add3A_105, %dma_wait3A_116] : memref<20480x128xf32, #tpu.memory_space<hbm>> -> memref<64x128xf32, #tpu.memory_space<hbm>>
      %dma_wait3A_118 = arith.constant 0 : i32
      %dma_wait3A_119 = tpu.memref_slice %arg6[%add3A_105, %dma_wait3A_118] : memref<20480x128xf32, #tpu.memory_space<hbm>> -> memref<64x128xf32, #tpu.memory_space<hbm>>
      tpu.wait_dma2 semaphore(%run_scoped3A : memref<!tpu.dma_semaphore, #tpu.memory_space<semaphore_mem>>) src(%arg11 : memref<64x128xf32, #tpu.memory_space<vmem>>) dst(%dma_wait3A_119 : memref<64x128xf32, #tpu.memory_space<hbm>>)
      tpu.yield
    }) : () -> ()
    %add3A_106 = arith.constant 576 : i32
    %add3A_107 = arith.addi %mul3A_2, %add3A_106 : i32
    "tpu.region"() ({
      %run_scoped3A = tpu.sem_alloc : memref<!tpu.dma_semaphore, #tpu.memory_space<semaphore_mem>>
      %dma_start3A = arith.constant 0 : i32
      %dma_start3A_113 = tpu.memref_slice %arg12[%add3A_107, %dma_start3A] : memref<10240x128xf32, #tpu.memory_space<vmem_shared>> -> memref<64x128xf32, #tpu.memory_space<vmem_shared>>
      %dma_start3A_114 = arith.constant 0 : i32
      %dma_start3A_115 = tpu.memref_slice %arg12[%add3A_107, %dma_start3A_114] : memref<10240x128xf32, #tpu.memory_space<vmem_shared>> -> memref<64x128xf32, #tpu.memory_space<vmem_shared>>
      tpu.enqueue_dma source(%dma_start3A_115 : memref<64x128xf32, #tpu.memory_space<vmem_shared>>) target(%arg11 : memref<64x128xf32, #tpu.memory_space<vmem>>) target_semaphore(%run_scoped3A : memref<!tpu.dma_semaphore, #tpu.memory_space<semaphore_mem>>)
      %dma_wait3A_116 = arith.constant 0 : i32
      %dma_wait3A_117 = tpu.memref_slice %arg12[%add3A_107, %dma_wait3A_116] : memref<10240x128xf32, #tpu.memory_space<vmem_shared>> -> memref<64x128xf32, #tpu.memory_space<vmem_shared>>
      %dma_wait3A_118 = arith.constant 0 : i32
      %dma_wait3A_119 = tpu.memref_slice %arg12[%add3A_107, %dma_wait3A_118] : memref<10240x128xf32, #tpu.memory_space<vmem_shared>> -> memref<64x128xf32, #tpu.memory_space<vmem_shared>>
      tpu.wait_dma2 semaphore(%run_scoped3A : memref<!tpu.dma_semaphore, #tpu.memory_space<semaphore_mem>>) src(%dma_wait3A_119 : memref<64x128xf32, #tpu.memory_space<vmem_shared>>) dst(%arg11 : memref<64x128xf32, #tpu.memory_space<vmem>>)
      tpu.yield
    }) : () -> ()
    %mul3A_108 = arith.constant 10240 : i32
    %mul3A_109 = arith.muli %arg0, %mul3A_108 : i32
    %add3A_110 = arith.addi %mul3A_109, %mul3A_2 : i32
    %add3A_111 = arith.constant 576 : i32
    %add3A_112 = arith.addi %add3A_110, %add3A_111 : i32
    "tpu.region"() ({
      %run_scoped3A = tpu.sem_alloc : memref<!tpu.dma_semaphore, #tpu.memory_space<semaphore_mem>>
      %dma_start3A = arith.constant 0 : i32
      %dma_start3A_113 = tpu.memref_slice %arg6[%add3A_112, %dma_start3A] : memref<20480x128xf32, #tpu.memory_space<hbm>> -> memref<64x128xf32, #tpu.memory_space<hbm>>
      %dma_start3A_114 = arith.constant 0 : i32
      %dma_start3A_115 = tpu.memref_slice %arg6[%add3A_112, %dma_start3A_114] : memref<20480x128xf32, #tpu.memory_space<hbm>> -> memref<64x128xf32, #tpu.memory_space<hbm>>
      tpu.enqueue_dma source(%arg11 : memref<64x128xf32, #tpu.memory_space<vmem>>) target(%dma_start3A_115 : memref<64x128xf32, #tpu.memory_space<hbm>>) target_semaphore(%run_scoped3A : memref<!tpu.dma_semaphore, #tpu.memory_space<semaphore_mem>>)
      %dma_wait3A_116 = arith.constant 0 : i32
      %dma_wait3A_117 = tpu.memref_slice %arg6[%add3A_112, %dma_wait3A_116] : memref<20480x128xf32, #tpu.memory_space<hbm>> -> memref<64x128xf32, #tpu.memory_space<hbm>>
      %dma_wait3A_118 = arith.constant 0 : i32
      %dma_wait3A_119 = tpu.memref_slice %arg6[%add3A_112, %dma_wait3A_118] : memref<20480x128xf32, #tpu.memory_space<hbm>> -> memref<64x128xf32, #tpu.memory_space<hbm>>
      tpu.wait_dma2 semaphore(%run_scoped3A : memref<!tpu.dma_semaphore, #tpu.memory_space<semaphore_mem>>) src(%arg11 : memref<64x128xf32, #tpu.memory_space<vmem>>) dst(%dma_wait3A_119 : memref<64x128xf32, #tpu.memory_space<hbm>>)
      tpu.yield
    }) : () -> ()
    return
  }
}

module attributes {stable_mosaic.version = 14 : i64} {
  func.func @body(%arg0: i32, %arg1: memref<1024x128xf32, #tpu.memory_space<vmem>>, %arg2: memref<2x1024x128xf32, #tpu.memory_space<vmem>>, %arg3: memref<128x128xf32, #tpu.memory_space<vmem>>, %arg4: memref<1024x128xf32, #tpu.memory_space<vmem>>, %arg5: memref<1024x1xf32, #tpu.memory_space<vmem>>) attributes {dimension_semantics = [#tpu.dimension_semantics<arbitrary>], iteration_bounds = array<i64: 10>, scalar_prefetch = 0 : i64, scratch_operands = 0 : i64, tpu.core_type = #tpu.core_type<tc>, window_params = [{transform_indices = @transform_0, window_bounds = array<i64: 1024, 128>}, {transform_indices = @transform_1, window_bounds = array<i64: 2, 1024, 128>}, {pipeline_mode = #tpu.pipeline_mode<synchronous>, transform_indices = @transform_2, window_bounds = array<i64: 128, 128>}, {transform_indices = @transform_3, window_bounds = array<i64: 1024, 128>}, {transform_indices = @transform_4, window_bounds = array<i64: 1024, 1>}]} {
    %get3A = arith.constant 0 : index
    %get3A_0 = arith.constant 0 : index
    %get3A_1 = arith.constant 0 : index
    %get3A_2 = vector.load %arg2[%get3A, %get3A_0, %get3A_1] : memref<2x1024x128xf32, #tpu.memory_space<vmem>>, vector<1x1024x1xf32>
    %get3A_3 = vector.shape_cast %get3A_2 : vector<1x1024x1xf32> to vector<1024x1xf32>
    %get3A_4 = arith.constant 1 : index
    %get3A_5 = arith.constant 0 : index
    %get3A_6 = arith.constant 0 : index
    %get3A_7 = vector.load %arg2[%get3A_4, %get3A_5, %get3A_6] : memref<2x1024x128xf32, #tpu.memory_space<vmem>>, vector<1x1024x1xf32>
    %get3A_8 = vector.shape_cast %get3A_7 : vector<1x1024x1xf32> to vector<1024x1xf32>
    %add3A = arith.addf %get3A_3, %get3A_8 : vector<1024x1xf32>
    %add3A_9 = arith.constant 1.000000e+00 : f32
    %add3A_10 = vector.broadcast %add3A_9 : f32 to vector<1024x1xf32>
    %add3A_11 = arith.addf %add3A, %add3A_10 : vector<1024x1xf32>
    %mul3A = arith.constant 1024 : i32
    %mul3A_12 = arith.muli %arg0, %mul3A : i32
    %iota3A = tpu.iota {dimensions = array<i32: 0>} : vector<1024x1xi32>
    %add3A_13 = vector.broadcast %mul3A_12 : i32 to vector<1024x1xi32>
    %add3A_14 = arith.addi %add3A_13, %iota3A : vector<1024x1xi32>
    %lt3A = arith.constant 10000 : i32
    %lt3A_15 = vector.broadcast %lt3A : i32 to vector<1024x1xi32>
    %lt3A_16 = arith.cmpi slt, %add3A_14, %lt3A_15 : vector<1024x1xi32>
    %rsqrt3A = math.rsqrt %add3A_11 : vector<1024x1xf32>
    %jit3A = arith.constant 0.000000e+00 : f32
    %broadcast_in_dim3A = vector.broadcast %jit3A : f32 to vector<1024x1xf32>
    %select_n3A = arith.select %lt3A_16, %rsqrt3A, %broadcast_in_dim3A : vector<1024x1xi1>, vector<1024x1xf32>
    %get3A_17 = arith.constant 0 : index
    %get3A_18 = arith.constant 0 : index
    %get3A_19 = vector.load %arg1[%get3A_17, %get3A_18] : memref<1024x128xf32, #tpu.memory_space<vmem>>, vector<1024x128xf32>
    %get3A_20 = arith.constant 0 : index
    %get3A_21 = arith.constant 0 : index
    %get3A_22 = vector.load %arg3[%get3A_20, %get3A_21] : memref<128x128xf32, #tpu.memory_space<vmem>>, vector<128x128xf32>
    %dot_general3A = arith.constant dense<0.000000e+00> : vector<1024x128xf32>
    %dot_general3A_23 = tpu.matmul %get3A_19, %get3A_22, %dot_general3A {dimension_numbers = #tpu.dot_dimension_numbers<[1], [0], [0], [1], [0, 0, 1, 1], [], []>, transpose_lhs_hint = false} : vector<1024x128xf32>, vector<128x128xf32>, vector<1024x128xf32> -> vector<1024x128xf32>
    %mul3A_24 = vector.broadcast %select_n3A : vector<1024x1xf32> to vector<1024x128xf32>
    %mul3A_25 = arith.mulf %dot_general3A_23, %mul3A_24 : vector<1024x128xf32>
    %swap3A = arith.constant 0 : index
    %swap3A_26 = arith.constant 0 : index
    %swap3A_27 = vector.load %arg4[%swap3A, %swap3A_26] : memref<1024x128xf32, #tpu.memory_space<vmem>>, vector<1024x128xf32>
    tpu.vector_store %arg4[%swap3A, %swap3A_26], %mul3A_25 {strides = array<i32>} : memref<1024x128xf32, #tpu.memory_space<vmem>>, vector<1024x128xf32>,
    %swap3A_28 = arith.constant 0 : index
    %swap3A_29 = arith.constant 0 : index
    %swap3A_30 = vector.load %arg5[%swap3A_28, %swap3A_29] : memref<1024x1xf32, #tpu.memory_space<vmem>>, vector<1024x1xf32>
    tpu.vector_store %arg5[%swap3A_28, %swap3A_29], %select_n3A {strides = array<i32>} : memref<1024x1xf32, #tpu.memory_space<vmem>>, vector<1024x1xf32>,
    return
  }
  func.func @transform_0(%arg0: i32) -> (i32, i32) {
    %c0_i32 = arith.constant 0 : i32
    %c0_i32_0 = arith.constant 0 : i32
    return %arg0, %c0_i32 : i32, i32
  }
  func.func @transform_1(%arg0: i32) -> (i32, i32, i32) {
    %c0_i32 = arith.constant 0 : i32
    %c0_i32_0 = arith.constant 0 : i32
    %c0_i32_1 = arith.constant 0 : i32
    return %c0_i32, %arg0, %c0_i32_0 : i32, i32, i32
  }
  func.func @transform_2(%arg0: i32) -> (i32, i32) {
    %c0_i32 = arith.constant 0 : i32
    %c0_i32_0 = arith.constant 0 : i32
    %c0_i32_1 = arith.constant 0 : i32
    return %c0_i32, %c0_i32_0 : i32, i32
  }
  func.func @transform_3(%arg0: i32) -> (i32, i32) {
    %c0_i32 = arith.constant 0 : i32
    %c0_i32_0 = arith.constant 0 : i32
    return %arg0, %c0_i32 : i32, i32
  }
  func.func @transform_4(%arg0: i32) -> (i32, i32) {
    %c0_i32 = arith.constant 0 : i32
    %c0_i32_0 = arith.constant 0 : i32
    return %arg0, %c0_i32 : i32, i32
  }
}

module attributes {stable_mosaic.version = 14 : i64} {
  func.func @body(%arg0: i32, %arg1: memref<2x1024x128xf32, #tpu.memory_space<vmem>>, %arg2: memref<1024x128xf32, #tpu.memory_space<vmem>>, %arg3: memref<1024x1xf32, #tpu.memory_space<vmem>>, %arg4: memref<1x128xf32, #tpu.memory_space<vmem>>, %arg5: memref<128x128xf32, #tpu.memory_space<vmem>>, %arg6: memref<1024x128xf32, #tpu.memory_space<vmem>>) attributes {dimension_semantics = [#tpu.dimension_semantics<arbitrary>], iteration_bounds = array<i64: 10>, scalar_prefetch = 0 : i64, scratch_operands = 0 : i64, tpu.core_type = #tpu.core_type<tc>, window_params = [{transform_indices = @transform_0, window_bounds = array<i64: 2, 1024, 128>}, {transform_indices = @transform_1, window_bounds = array<i64: 1024, 128>}, {transform_indices = @transform_2, window_bounds = array<i64: 1024, 1>}, {pipeline_mode = #tpu.pipeline_mode<synchronous>, transform_indices = @transform_3, window_bounds = array<i64: 1, 128>}, {pipeline_mode = #tpu.pipeline_mode<synchronous>, transform_indices = @transform_4, window_bounds = array<i64: 128, 128>}, {transform_indices = @transform_5, window_bounds = array<i64: 1024, 128>}]} {
    %get3A = arith.constant 0 : index
    %get3A_0 = arith.constant 0 : index
    %get3A_1 = vector.load %arg3[%get3A, %get3A_0] : memref<1024x1xf32, #tpu.memory_space<vmem>>, vector<1024x1xf32>
    %get3A_2 = arith.constant 0 : index
    %get3A_3 = arith.constant 0 : index
    %get3A_4 = arith.constant 0 : index
    %get3A_5 = vector.load %arg1[%get3A_2, %get3A_3, %get3A_4] : memref<2x1024x128xf32, #tpu.memory_space<vmem>>, vector<1x1024x128xf32>
    %get3A_6 = vector.shape_cast %get3A_5 : vector<1x1024x128xf32> to vector<1024x128xf32>
    %get3A_7 = arith.constant 1 : index
    %get3A_8 = arith.constant 0 : index
    %get3A_9 = arith.constant 0 : index
    %get3A_10 = vector.load %arg1[%get3A_7, %get3A_8, %get3A_9] : memref<2x1024x128xf32, #tpu.memory_space<vmem>>, vector<1x1024x128xf32>
    %get3A_11 = vector.shape_cast %get3A_10 : vector<1x1024x128xf32> to vector<1024x128xf32>
    %add3A = arith.addf %get3A_6, %get3A_11 : vector<1024x128xf32>
    %get3A_12 = arith.constant 0 : index
    %get3A_13 = arith.constant 0 : index
    %get3A_14 = vector.load %arg2[%get3A_12, %get3A_13] : memref<1024x128xf32, #tpu.memory_space<vmem>>, vector<1024x128xf32>
    %add3A_15 = arith.addf %add3A, %get3A_14 : vector<1024x128xf32>
    %mul3A = vector.broadcast %get3A_1 : vector<1024x1xf32> to vector<1024x128xf32>
    %mul3A_16 = arith.mulf %add3A_15, %mul3A : vector<1024x128xf32>
    %get3A_17 = arith.constant 0 : index
    %get3A_18 = arith.constant 0 : index
    %get3A_19 = vector.load %arg4[%get3A_17, %get3A_18] : memref<1x128xf32, #tpu.memory_space<vmem>>, vector<1x128xf32>
    %add3A_20 = vector.broadcast %get3A_19 : vector<1x128xf32> to vector<1024x128xf32>
    %add3A_21 = arith.addf %mul3A_16, %add3A_20 : vector<1024x128xf32>
    %tanh3A = math.tanh %add3A_21 : vector<1024x128xf32>
    %get3A_22 = arith.constant 0 : index
    %get3A_23 = arith.constant 0 : index
    %get3A_24 = vector.load %arg5[%get3A_22, %get3A_23] : memref<128x128xf32, #tpu.memory_space<vmem>>, vector<128x128xf32>
    %dot_general3A = arith.constant dense<0.000000e+00> : vector<1024x128xf32>
    %dot_general3A_25 = tpu.matmul %tanh3A, %get3A_24, %dot_general3A {dimension_numbers = #tpu.dot_dimension_numbers<[1], [0], [0], [1], [0, 0, 1, 1], [], []>, transpose_lhs_hint = false} : vector<1024x128xf32>, vector<128x128xf32>, vector<1024x128xf32> -> vector<1024x128xf32>
    %mul3A_26 = vector.broadcast %get3A_1 : vector<1024x1xf32> to vector<1024x128xf32>
    %mul3A_27 = arith.mulf %dot_general3A_25, %mul3A_26 : vector<1024x128xf32>
    %swap3A = arith.constant 0 : index
    %swap3A_28 = arith.constant 0 : index
    %swap3A_29 = vector.load %arg6[%swap3A, %swap3A_28] : memref<1024x128xf32, #tpu.memory_space<vmem>>, vector<1024x128xf32>
    tpu.vector_store %arg6[%swap3A, %swap3A_28], %mul3A_27 {strides = array<i32>} : memref<1024x128xf32, #tpu.memory_space<vmem>>, vector<1024x128xf32>,
    return
  }
  func.func @transform_0(%arg0: i32) -> (i32, i32, i32) {
    %c0_i32 = arith.constant 0 : i32
    %c0_i32_0 = arith.constant 0 : i32
    %c0_i32_1 = arith.constant 0 : i32
    return %c0_i32, %arg0, %c0_i32_0 : i32, i32, i32
  }
  func.func @transform_1(%arg0: i32) -> (i32, i32) {
    %c0_i32 = arith.constant 0 : i32
    %c0_i32_0 = arith.constant 0 : i32
    return %arg0, %c0_i32 : i32, i32
  }
  func.func @transform_2(%arg0: i32) -> (i32, i32) {
    %c0_i32 = arith.constant 0 : i32
    %c0_i32_0 = arith.constant 0 : i32
    return %arg0, %c0_i32 : i32, i32
  }
  func.func @transform_3(%arg0: i32) -> (i32, i32) {
    %c0_i32 = arith.constant 0 : i32
    %c0_i32_0 = arith.constant 0 : i32
    %c0_i32_1 = arith.constant 0 : i32
    return %c0_i32, %c0_i32_0 : i32, i32
  }
  func.func @transform_4(%arg0: i32) -> (i32, i32) {
    %c0_i32 = arith.constant 0 : i32
    %c0_i32_0 = arith.constant 0 : i32
    %c0_i32_1 = arith.constant 0 : i32
    return %c0_i32, %c0_i32_0 : i32, i32
  }
  func.func @transform_5(%arg0: i32) -> (i32, i32) {
    %c0_i32 = arith.constant 0 : i32
    %c0_i32_0 = arith.constant 0 : i32
    return %arg0, %c0_i32 : i32, i32
  }
}

module attributes {stable_mosaic.version = 14 : i64} {
  func.func @body(%arg0: i32, %arg1: memref<2x1024x128xf32, #tpu.memory_space<vmem>>, %arg2: memref<1024x128xf32, #tpu.memory_space<vmem>>, %arg3: memref<1024x1xf32, #tpu.memory_space<vmem>>, %arg4: memref<1x128xf32, #tpu.memory_space<vmem>>, %arg5: memref<128x64xf32, #tpu.memory_space<vmem>>, %arg6: memref<1x64xf32, #tpu.memory_space<vmem>>, %arg7: memref<64x1xf32, #tpu.memory_space<vmem>>, %arg8: memref<1x1xf32, #tpu.memory_space<vmem>>, %arg9: memref<1024x1xf32, #tpu.memory_space<vmem>>) attributes {dimension_semantics = [#tpu.dimension_semantics<arbitrary>], iteration_bounds = array<i64: 10>, scalar_prefetch = 0 : i64, scratch_operands = 0 : i64, tpu.core_type = #tpu.core_type<tc>, window_params = [{transform_indices = @transform_0, window_bounds = array<i64: 2, 1024, 128>}, {transform_indices = @transform_1, window_bounds = array<i64: 1024, 128>}, {transform_indices = @transform_2, window_bounds = array<i64: 1024, 1>}, {pipeline_mode = #tpu.pipeline_mode<synchronous>, transform_indices = @transform_3, window_bounds = array<i64: 1, 128>}, {pipeline_mode = #tpu.pipeline_mode<synchronous>, transform_indices = @transform_4, window_bounds = array<i64: 128, 64>}, {pipeline_mode = #tpu.pipeline_mode<synchronous>, transform_indices = @transform_5, window_bounds = array<i64: 1, 64>}, {pipeline_mode = #tpu.pipeline_mode<synchronous>, transform_indices = @transform_6, window_bounds = array<i64: 64, 1>}, {pipeline_mode = #tpu.pipeline_mode<synchronous>, transform_indices = @transform_7, window_bounds = array<i64: 1, 1>}, {transform_indices = @transform_8, window_bounds = array<i64: 1024, 1>}]} {
    %get3A = arith.constant 0 : index
    %get3A_0 = arith.constant 0 : index
    %get3A_1 = vector.load %arg3[%get3A, %get3A_0] : memref<1024x1xf32, #tpu.memory_space<vmem>>, vector<1024x1xf32>
    %get3A_2 = arith.constant 0 : index
    %get3A_3 = arith.constant 0 : index
    %get3A_4 = arith.constant 0 : index
    %get3A_5 = vector.load %arg1[%get3A_2, %get3A_3, %get3A_4] : memref<2x1024x128xf32, #tpu.memory_space<vmem>>, vector<1x1024x128xf32>
    %get3A_6 = vector.shape_cast %get3A_5 : vector<1x1024x128xf32> to vector<1024x128xf32>
    %get3A_7 = arith.constant 1 : index
    %get3A_8 = arith.constant 0 : index
    %get3A_9 = arith.constant 0 : index
    %get3A_10 = vector.load %arg1[%get3A_7, %get3A_8, %get3A_9] : memref<2x1024x128xf32, #tpu.memory_space<vmem>>, vector<1x1024x128xf32>
    %get3A_11 = vector.shape_cast %get3A_10 : vector<1x1024x128xf32> to vector<1024x128xf32>
    %add3A = arith.addf %get3A_6, %get3A_11 : vector<1024x128xf32>
    %get3A_12 = arith.constant 0 : index
    %get3A_13 = arith.constant 0 : index
    %get3A_14 = vector.load %arg2[%get3A_12, %get3A_13] : memref<1024x128xf32, #tpu.memory_space<vmem>>, vector<1024x128xf32>
    %add3A_15 = arith.addf %add3A, %get3A_14 : vector<1024x128xf32>
    %mul3A = vector.broadcast %get3A_1 : vector<1024x1xf32> to vector<1024x128xf32>
    %mul3A_16 = arith.mulf %add3A_15, %mul3A : vector<1024x128xf32>
    %get3A_17 = arith.constant 0 : index
    %get3A_18 = arith.constant 0 : index
    %get3A_19 = vector.load %arg4[%get3A_17, %get3A_18] : memref<1x128xf32, #tpu.memory_space<vmem>>, vector<1x128xf32>
    %add3A_20 = vector.broadcast %get3A_19 : vector<1x128xf32> to vector<1024x128xf32>
    %add3A_21 = arith.addf %mul3A_16, %add3A_20 : vector<1024x128xf32>
    %tanh3A = math.tanh %add3A_21 : vector<1024x128xf32>
    %get3A_22 = arith.constant 0 : index
    %get3A_23 = arith.constant 0 : index
    %get3A_24 = vector.load %arg5[%get3A_22, %get3A_23] : memref<128x64xf32, #tpu.memory_space<vmem>>, vector<128x64xf32>
    %dot_general3A = arith.constant dense<0.000000e+00> : vector<1024x64xf32>
    %dot_general3A_25 = tpu.matmul %tanh3A, %get3A_24, %dot_general3A {dimension_numbers = #tpu.dot_dimension_numbers<[1], [0], [0], [1], [0, 0, 1, 1], [], []>, transpose_lhs_hint = false} : vector<1024x128xf32>, vector<128x64xf32>, vector<1024x64xf32> -> vector<1024x64xf32>
    %get3A_26 = arith.constant 0 : index
    %get3A_27 = arith.constant 0 : index
    %get3A_28 = vector.load %arg6[%get3A_26, %get3A_27] : memref<1x64xf32, #tpu.memory_space<vmem>>, vector<1x64xf32>
    %add3A_29 = vector.broadcast %get3A_28 : vector<1x64xf32> to vector<1024x64xf32>
    %add3A_30 = arith.addf %dot_general3A_25, %add3A_29 : vector<1024x64xf32>
    %tanh3A_31 = math.tanh %add3A_30 : vector<1024x64xf32>
    %get3A_32 = arith.constant 0 : index
    %get3A_33 = arith.constant 0 : index
    %get3A_34 = vector.load %arg7[%get3A_32, %get3A_33] : memref<64x1xf32, #tpu.memory_space<vmem>>, vector<64x1xf32>
    %dot_general3A_35 = arith.constant dense<0.000000e+00> : vector<1024x1xf32>
    %dot_general3A_36 = tpu.matmul %tanh3A_31, %get3A_34, %dot_general3A_35 {dimension_numbers = #tpu.dot_dimension_numbers<[1], [0], [0], [1], [0, 0, 1, 1], [], []>, transpose_lhs_hint = false} : vector<1024x64xf32>, vector<64x1xf32>, vector<1024x1xf32> -> vector<1024x1xf32>
    %get3A_37 = arith.constant 0 : index
    %get3A_38 = arith.constant 0 : index
    %get3A_39 = vector.load %arg8[%get3A_37, %get3A_38] : memref<1x1xf32, #tpu.memory_space<vmem>>, vector<1x1xf32>
    %add3A_40 = vector.broadcast %get3A_39 : vector<1x1xf32> to vector<1024x1xf32>
    %add3A_41 = arith.addf %dot_general3A_36, %add3A_40 : vector<1024x1xf32>
    %swap3A = arith.constant 0 : index
    %swap3A_42 = arith.constant 0 : index
    %swap3A_43 = vector.load %arg9[%swap3A, %swap3A_42] : memref<1024x1xf32, #tpu.memory_space<vmem>>, vector<1024x1xf32>
    tpu.vector_store %arg9[%swap3A, %swap3A_42], %add3A_41 {strides = array<i32>} : memref<1024x1xf32, #tpu.memory_space<vmem>>, vector<1024x1xf32>,
    return
  }
  func.func @transform_0(%arg0: i32) -> (i32, i32, i32) {
    %c0_i32 = arith.constant 0 : i32
    %c0_i32_0 = arith.constant 0 : i32
    %c0_i32_1 = arith.constant 0 : i32
    return %c0_i32, %arg0, %c0_i32_0 : i32, i32, i32
  }
  func.func @transform_1(%arg0: i32) -> (i32, i32) {
    %c0_i32 = arith.constant 0 : i32
    %c0_i32_0 = arith.constant 0 : i32
    return %arg0, %c0_i32 : i32, i32
  }
  func.func @transform_2(%arg0: i32) -> (i32, i32) {
    %c0_i32 = arith.constant 0 : i32
    %c0_i32_0 = arith.constant 0 : i32
    return %arg0, %c0_i32 : i32, i32
  }
  func.func @transform_3(%arg0: i32) -> (i32, i32) {
    %c0_i32 = arith.constant 0 : i32
    %c0_i32_0 = arith.constant 0 : i32
    %c0_i32_1 = arith.constant 0 : i32
    return %c0_i32, %c0_i32_0 : i32, i32
  }
  func.func @transform_4(%arg0: i32) -> (i32, i32) {
    %c0_i32 = arith.constant 0 : i32
    %c0_i32_0 = arith.constant 0 : i32
    %c0_i32_1 = arith.constant 0 : i32
    return %c0_i32, %c0_i32_0 : i32, i32
  }
  func.func @transform_5(%arg0: i32) -> (i32, i32) {
    %c0_i32 = arith.constant 0 : i32
    %c0_i32_0 = arith.constant 0 : i32
    %c0_i32_1 = arith.constant 0 : i32
    return %c0_i32, %c0_i32_0 : i32, i32
  }
  func.func @transform_6(%arg0: i32) -> (i32, i32) {
    %c0_i32 = arith.constant 0 : i32
    %c0_i32_0 = arith.constant 0 : i32
    %c0_i32_1 = arith.constant 0 : i32
    return %c0_i32, %c0_i32_0 : i32, i32
  }
  func.func @transform_7(%arg0: i32) -> (i32, i32) {
    %c0_i32 = arith.constant 0 : i32
    %c0_i32_0 = arith.constant 0 : i32
    %c0_i32_1 = arith.constant 0 : i32
    return %c0_i32, %c0_i32_0 : i32, i32
  }
  func.func @transform_8(%arg0: i32) -> (i32, i32) {
    %c0_i32 = arith.constant 0 : i32
    %c0_i32_0 = arith.constant 0 : i32
    return %arg0, %c0_i32 : i32, i32
  }
}

</mosaic_0001>

<sc_bundles>
// kernel: kernel.11.cloned.1.call-start
scs
__scs_entry_jumppad:
0x0: {  	(pc) =	sbr.rel $0x88, $3  }
0x1: {  	(tag) =	ssettag $0x0;
	lr =	simm.s32 $0x1  }
0x2: {  	[smem:$0x3F97] =	sst lr;
	_ =	strace $0xD0000000  }
0x3: {  	_ = 	snop  }
0x4: {  	_ = 	snop  }
0x5: {  	_ = 	snop  }
0x6: {  	_ = 	snop  }
0x7: {  	_ = 	snop  }
__scs_overlays_trampoline_lowered:
0x8: {  	[smem:$0x3FA6] =	sst s0  }
0x9: {  	[smem:$0x3FA7] =	sst s1  }
0xa: {  	[smem:$0x3FA8] =	sst s2  }
0xb: {  	[smem:$0x3FA9] =	sst s3  }
0xc: {  	[smem:$0x3FAA] =	sst s4  }
0xd: {  	[smem:$0x3FAB] =	sst s5  }
0xe: {  	[smem:$0x3FAC] =	sst s6  }
0xf: {  	[smem:$0x3FAD] =	sst s7  }
0x10: {  	[smem:$0x3FAE] =	sst s8  }
0x11: {  	[smem:$0x3FAF] =	sst s9;
	s0 =	simm.s32 @!p0 $0x0  }
0x12: {  	s1 =	sld [smem:$0x3F95];
	s0 =	simm.s32 @p0 $0x1  }
0x13: {  	[smem:$0x3FB0] =	sst s0;
	s0 =	simm.s32 @!p1 $0x0  }
0x14: {  	s2 =	sld [smem:$0x3F94];
	s0 =	simm.s32 @p1 $0x1  }
0x15: {  	[smem:$0x3FB1] =	sst s0;
	s0 =	simm.s32 @!p2 $0x0  }
0x16: {  	s3 =	sld [smem:$0x3FDB];
	s0 =	simm.s32 @p2 $0x1  }
0x17: {  	s4 =	simm.s32 $0x1BF5;
	[smem:$0x3FB3] =	sst s0  }
0x18: {  	s0 =	sld [smem:$0x3F96];
	_ =	swait.ge [sflag:s4], $0x0  }
0x19: {  	s7 =	sld [smem:$0x3F97]  }
0x1a: {  	s8 =	sadd.s32 $0xFFFFE003, lr  }
0x1b: {  	s9 =	sadd.s32 $0xFFFFFEF7, lr;
	s5 =	simm.s32 $0xFFFFFFFF;
	p2 =	slt.u32 s8, $0xFFFFF086  }
0x1c: {  	p1 =	slt.u32 s9, $0xF7A;
	s5 =	simm.s32 @!p2 $0x0  }
0x1d: {  	s5 =	simm.s32 @p1 $0x1;
	p0 =	seq.s32 s7, s2  }
0x1e: {  	s7 =	smul.u32 @!p0 $0xF7A, s2;
	p2 =	seq.s32 @!p0 s5, $0x0  }
0x1f: {  	s9 =	smul.u32 $0xF7A, s1;
	s8 =	simm.s32 @!p0 $0x1BF5;
	p2 =	por !p2, p0  }
0x20: {  	[sflag:s8] =	ssyncset.s32 @!p0 $0xFFFFF086;
	s6 =	sadd.s32 @!p0 s3, s7;
	s7 =	simm.s32 @!p0 $0x108  }
0x21: {  	s3 =	sadd.s32 s3, s9;
	s6 =	sadd.s32 @!p0 $0x88, s6;
	s7 =	simm.s32 @p2 $0x1082  }
0x22: {  	[simem:s7], [sflag:s8] =	dma.local @!p0 [hbm:s6], $0xF7A  }
0x23: {  	s9 =	sor.u32 $0xD0000000, s2;
	s6 =	simm.s32 $0x108;
	_ =	swait.ge @!p0 [sflag:s8], $0x0  }
0x24: {  	s3 =	sadd.s32 $0x88, s3;
	s6 =	simm.s32 @!p1 $0x1082;
	[sflag:s4] =	ssyncset.s32 $0xFFFFF086  }
0x25: {  	[simem:s6], [sflag:s4] =	dma.local [hbm:s3], $0xF7A  }
0x26: {  	[smem:$0x3F97] =	sst s1;
	(tag) =	ssettag s2;
	_ =	strace s9  }
0x27: {  	s1 =	sld [smem:$0x3FA7]  }
0x28: {  	s2 =	sld [smem:$0x3FA8]  }
0x29: {  	s4 =	sld [smem:$0x3FAA]  }
0x2a: {  	p0 =	seq.s32 s5, $0x0;
	s5 =	sld [smem:$0x3FAB]  }
0x2b: {  	s6 =	sld [smem:$0x3FAC]  }
0x2c: {  	s7 =	sld [smem:$0x3FAD]  }
0x2d: {  	s3 =	simm.s32 $0x108;
	s8 =	sld [smem:$0x3FAE]  }
0x2e: {  	s3 =	simm.s32 @!p0 $0x1082;
	s9 =	sld [smem:$0x3FAF]  }
0x2f: {  	lr =	sadd.s32 s0, s3;
	s0 =	sld [smem:$0x3FA6]  }
0x30: {  	s3 =	sld [smem:$0x3FA9]  }
0x31: {  	[smem:$0x3FB2] =	sst s10  }
0x32: {  	s10 =	sld [smem:$0x3FB0];
	_ =	sdelay $0x3  }
0x33: {  	p0 =	seq.s32 s10, $0x1;
	s10 =	sld [smem:$0x3FB2];
	_ =	sdelay $0x3  }
0x34: {  	[smem:$0x3FB2] =	sst s10  }
0x35: {  	s10 =	sld [smem:$0x3FB1];
	_ =	sdelay $0x3  }
0x36: {  	p1 =	seq.s32 s10, $0x1;
	s10 =	sld [smem:$0x3FB2];
	_ =	sdelay $0x3  }
0x37: {  	[smem:$0x3FB2] =	sst s10  }
0x38: {  	s10 =	sld [smem:$0x3FB3]  }
0x39: {  	_ = 	snop;
	(pc) =	sbr.ind lr, $3  }
0x3a: {  	_ = 	snop  }
0x3b: {  	_ = 	snop  }
0x3c: {  	p2 =	seq.s32 s10, $0x1;
	s10 =	sld [smem:$0x3FB2]  }
0x3d: {  	_ =	shalt  }
0x3e: {  	_ =	shalt  }
0x3f: {  	_ =	shalt  }
0x40: {  	_ =	shalt  }
0x41: {  	_ =	shalt  }
0x42: {  	_ =	shalt  }
0x43: {  	_ =	shalt  }
0x44: {  	_ =	shalt  }
0x45: {  	_ =	shalt  }
0x46: {  	_ =	shalt  }
0x47: {  	_ =	shalt  }
0x48: {  	_ =	shalt  }
0x49: {  	_ =	shalt  }
0x4a: {  	_ =	shalt  }
0x4b: {  	_ =	shalt  }
0x4c: {  	_ =	shalt  }
0x4d: {  	_ =	shalt  }
0x4e: {  	_ =	shalt  }
0x4f: {  	_ =	shalt  }
0x50: {  	_ =	shalt  }
0x51: {  	_ =	shalt  }
0x52: {  	_ =	shalt  }
0x53: {  	_ =	shalt  }
0x54: {  	_ =	shalt  }
0x55: {  	_ =	shalt  }
0x56: {  	_ =	shalt  }
0x57: {  	_ =	shalt  }
0x58: {  	_ =	shalt  }
0x59: {  	_ =	shalt  }
0x5a: {  	_ =	shalt  }
0x5b: {  	_ =	shalt  }
0x5c: {  	_ =	shalt  }
0x5d: {  	_ =	shalt  }
0x5e: {  	_ =	shalt  }
0x5f: {  	_ =	shalt  }
0x60: {  	_ =	shalt  }
0x61: {  	_ =	shalt  }
0x62: {  	_ =	shalt  }
0x63: {  	_ =	shalt  }
0x64: {  	_ =	shalt  }
0x65: {  	_ =	shalt  }
0x66: {  	_ =	shalt  }
0x67: {  	_ =	shalt  }
0x68: {  	_ =	shalt  }
0x69: {  	_ =	shalt  }
0x6a: {  	_ =	shalt  }
0x6b: {  	_ =	shalt  }
0x6c: {  	_ =	shalt  }
0x6d: {  	_ =	shalt  }
0x6e: {  	_ =	shalt  }
0x6f: {  	_ =	shalt  }
0x70: {  	_ =	shalt  }
0x71: {  	_ =	shalt  }
0x72: {  	_ =	shalt  }
0x73: {  	_ =	shalt  }
0x74: {  	_ =	shalt  }
0x75: {  	_ =	shalt  }
0x76: {  	_ =	shalt  }
0x77: {  	_ =	shalt  }
0x78: {  	_ =	shalt  }
0x79: {  	_ =	shalt  }
0x7a: {  	_ =	shalt  }
0x7b: {  	_ =	shalt  }
0x7c: {  	_ =	shalt  }
0x7d: {  	_ =	shalt  }
0x7e: {  	_ =	shalt  }
0x7f: {  	_ =	shalt  }
0x80: {  	_ =	shalt  }
0x81: {  	_ =	shalt  }
0x82: {  	_ =	shalt  }
0x83: {  	_ =	shalt  }
0x84: {  	_ =	shalt  }
0x85: {  	_ =	shalt  }
0x86: {  	_ =	shalt  }
0x87: {  	_ =	shalt  }
.Lfunc_end0:
.L_simem_size_0:
called_computation.1_lowered:
.L_overlay_start_0:
0x88: {  	s2 =	sld [smem:$0x3FD9]  }
0x89: {  	s3 =	sld [smem:$0x3FFE];
	_ =	sdelay $0x1  }
0x8a: {  	s1 =	srdreg.scid  }
0x8b: {  	s0 =	sand.u32 $0x1, s1  }
0x8c: {  	s17 =	sshll.u32 s0, $0xA;
	s2 =	sadd.s32 s3, s2  }
0x8d: {  	s2 =	sadd.s32 s2, s17  }
0x8e: {  	[smem:$0x3FBE] =	sst s2  }
0x8f: {  	_ = 	snop  }
0x90: {  	s2 =	sld [smem:$0x3FD0];
	(tm) =	ssettm $0x1  }
0x91: {  	s18 =	sld [smem:$0x3FFB];
	_ =	sdelay $0x3  }
0x92: {  	_ =	strace s18  }
0x93: {  	s3 =	sld [smem:$0x3FFC];
	_ =	sdelay $0x3  }
0x94: {  	_ =	strace s3  }
0x95: {  	s3 =	sld [smem:$0x3FFD];
	_ =	sdelay $0x3  }
0x96: {  	_ =	strace s3  }
0x97: {  	_ =	strace $0x8FFFFFFF  }
0x98: {  	s19 =	sld [smem:$0x3FDB];
	_ =	sdelay $0x1  }
0x99: {  	s4 =	simm.s32 $_scs_section_size  }
0x9a: {  	s5 =	simm.s32 $_size__tile_overlayer_lowered;
	s6 =	simm.s32 $_tile_overlayer_lowered  }
0x9b: {  	s22 =	simm.s32 $0x1BFF;
	s21 =	sshll.u32 s6, $0x1;
	s3 =	sadd.s32 s4, s19  }
0x9c: {  	s7 =	simm.s32 $0x0;
	s20 =	sshll.u32 s5, $0x1;
	s5 =	sadd.s32 s21, s3  }
0x9d: {  	[timem:s7], [sflag:s22] =	dma.local [hbm:s5], s20  }
0x9e: {  	_ =	swait.ge [sflag:s22], s20  }
0x9f: {  	s4 =	ssub.s32 $0x0, s20;
	[sflag:s22] =	ssyncset.done $0x0  }
0xa0: {  	[sflag:s22] =	ssyncadd.s32 s4;
	_ =	sdelay $0x1  }
0xa1: {  	s23 =	simm.s32 $0x1B8B  }
0xa2: {  	_ =	swait.ge [sflag:s23], $0x1  }
0xa3: {  	[sflag:s23] =	ssyncset.done $0x0  }
0xa4: {  	s25 =	simm.s32 $0x1B8E;
	s24 =	sld [smem:$0x3FFE];
	[sflag:s23] =	ssyncadd.s32 $0xFFFFFFFF  }
0xa5: {  	s26 =	simm.s32 $execute0_lowered;
	[smem:$0x3FD2] =	sst s25  }
0xa6: {  	s5 =	sshll.u32 s26, $0x1;
	_ =	strace $0x80000049;
	[dreg:$0x1] =	wrdreg $0xFFFFFFFF  }
0xa7: {  	s28 =	simm.s32 $_size_execute0_lowered;
	s3 =	sadd.s32 s3, s5;
	[dreg:$0x0] =	wrdreg $0x0  }
0xa8: {  	s5 =	sshll.u32 s28, $0x1;
	[dreg:$0x2] =	wrdreg s3  }
0xa9: {  	[dreg:$0x3] =	wrdreg s5  }
0xaa: {  	[dreg:$0x4] =	wrdreg $0xC0  }
0xab: {  	_ =	task [dreg:s7], $0x5FFFF  }
0xac: {  	[dreg:$0x1] =	wrdreg $0xFFFFFFFF  }
0xad: {  	[dreg:$0x0] =	wrdreg $0x60  }
0xae: {  	[dreg:$0x2] =	wrdreg s24  }
0xaf: {  	[dreg:$0x3] =	wrdreg s2  }
0xb0: {  	[dreg:$0x4] =	wrdreg $0xA8000  }
0xb1: {  	[dreg:$0x5] =	wrdreg $0x9  }
0xb2: {  	_ =	task.clear_ibuf [dreg:s7], $0x6FFFF;
	_ =	strace $0x90000049  }
0xb3: {  	s29 =	simm.s32 $0x9;
	_ =	strace $0x8000004B  }
0xb4: {  	_ =	swait.ge [sflag:s29], $0x1  }
0xb5: {  	[sflag:s29] =	ssyncadd.s32 $0xFFFFFFFF  }
0xb6: {  	_ =	strace $0x9000004B  }
0xb7: {  	_ =	sfence  }
0xb8: {  	s30 =	sld [smem:$0x0];
	_ =	sdelay $0x2  }
0xb9: {  	s31 =	sshll.u32 s1, $0xD;
	s1 =	sshrl.u32 s1, $0x2  }
0xba: {  	s3 =	sand.u32 $0x4000, s31;
	s1 =	sadd.s32 s1, s30  }
0xbb: {  	s0 =	sor.u32 s3, s0;
	s1 =	sshll.u32 s1, $0x11  }
0xbc: {  	s0 =	sor.u32 s1, s0  }
0xbd: {  	s0 =	sadd.s32 $0x8F2B, s0  }
0xbe: {  	[sflag:s0] =	ssyncadd.remote.s32 $0x1  }
0xbf: {  	_ =	sfence.sel $0xFFFF  }
0xc0: {  	[dreg:$0x0] =	wrdreg $0xFFFFFFFF;
	(pc) =	sbr.abs _section_cstart, $3  }
0xc1: {  	[dreg:$0x1] =	wrdreg $0xFFFFFFFF  }
0xc2: {  	_ =	task.clear_ibuf [dreg:s7], $0x2FFFF;
	_ =	strace $0x9FFFFFFF  }
0xc3: {  	(tm) =	ssettm $0x7FFFFFFF  }
tec
execute0_lowered:
.L_overlay_start_1:
0x0: {  	(tag) =	ssettag $0x1  }
0x1: {  	s0 =	rddreg [dreg:$0x0];
	s10 =	stileid.u32  }
0x2: {  	s1 =	srdreg.scid;
	s2 =	smul.u32 $0x280, s10  }
0x3: {  	s1 =	sand.u32 $0x1, s1;
	s8 =	smul.u32 $0x50000, s10;
	s10 =	sshll.u32 s10, $0x1  }
0x4: {  	s6 =	smul.u32 $0x2800, s1;
	s17 =	ssub.s32 $0x2, s1;
	s1 =	sor.u32 s1, s10  }
0x5: {  	s3 =	rddreg [dreg:$0x2];
	s4 =	simm.s32 $0x0;
	s12 =	smul.u32 $0xA, s1  }
0x6: {  	[smem:$0x7FF] =	sst s4;
	s5 =	sadd.s32 $0x16C00, s0;
	s1 =	smul.u32 $0x500, s1  }
0x7: {  	s7 =	sadd.s32 $0xCC00, s0;
	s2 =	sadd.s32 s2, s6;
	s6 =	sadd.s32 $0x2C00, s0  }
0x8: {  	_ =	strace $0x8000004A;
	s8 =	sshrl.u32 s8, $0x2;
	s30 =	sadd.s32 s6, s1  }
0x9: {  	s26 =	sadd.s32 s8, s3;
	s31 =	sadd.s32 s7, s1;
	[dreg:$0xf] =	wrdreg s30  }
0xa: {  	s2 =	sshll.u32 s2, $0x4;
	s1 =	sadd.s32 $0x10000, s26;
	[dreg:$0x10] =	wrdreg s31  }
0xb: {  	s8 =	sadd.s32 $0x12000, s26;
	s0 =	sadd.s32 s2, s0;
	[dreg:$0x12] =	wrdreg s1  }
0xc: {  	[dreg:$0x13] =	wrdreg s8;
	s18 =	sadd.s32 $0x3EC00, s0  }
0xd: {  	s14 =	simm.s32 $0x80;
	s19 =	sadd.s32 $0x3F000, s0;
	[dreg:$0x4] =	wrdreg s18  }
0xe: {  	s15 =	simm.s32 $0x800;
	s20 =	sadd.s32 $0x3F400, s0;
	[dreg:$0x5] =	wrdreg s19  }
0xf: {  	s16 =	simm.s32 $0x4800;
	s21 =	sadd.s32 $0x3F800, s0;
	[dreg:$0x6] =	wrdreg s20  }
0x10: {  	s9 =	sshrl.u32 s17, $0x1;
	s22 =	sadd.s32 $0x3FC00, s0;
	[dreg:$0x7] =	wrdreg s21  }
0x11: {  	s10 =	sadd.s32 $0x2000, s26;
	s23 =	sadd.s32 $0x40000, s0;
	[dreg:$0x8] =	wrdreg s22  }
0x12: {  	s11 =	sadd.s32 $0x4000, s26;
	s24 =	sadd.s32 $0x40400, s0;
	[dreg:$0x9] =	wrdreg s23  }
0x13: {  	s13 =	sadd.s32 $0x6000, s26;
	s25 =	sadd.s32 $0x40800, s0;
	[dreg:$0xa] =	wrdreg s24  }
0x14: {  	s2 =	ssub.s32 s17, s9;
	s28 =	sadd.s32 $0x40C00, s0;
	[dreg:$0xb] =	wrdreg s25  }
0x15: {  	s17 =	simm.s32 $0x2;
	s0 =	sadd.s32 $0x41000, s0;
	[dreg:$0xc] =	wrdreg s28  }
0x16: {  	s29 =	smax.u32 s2, $0x1;
	s2 =	simm.s32 $0x5;
	[dreg:$0xd] =	wrdreg s0  }
0x17: {  	[dreg:$0xe] =	wrdreg s29;
	s22 =	sadd.s32 $0x8000, s26;
	s23 =	sadd.s32 $0xA000, s26  }
0x18: {  	s24 =	sadd.s32 $0xC000, s26;
	s25 =	sadd.s32 $0xE000, s26;
	s0 =	simm.s32 $0x8800  }
0x19: {  	s18 =	simm.s32 $0x3;
	s19 =	simm.s32 $0x4;
	[dreg:$0x11] =	wrdreg s25  }
0x1a: {  	s20 =	simm.s32 $0x1;
	s21 =	simm.s32 $0x0;
	[dreg:$0x14] =	wrdreg s23  }
.LBB2_1:
0x1b: {  	s9 =	rddreg [dreg:$0x1]  }
0x1c: {  	[tilespmem:s0], [sflag:$0x5] =	stream.linear.gather [hbm4b:s9+s4], $0x2000, $0x38;
	[tilespmem:$0x1E800] =	vst v63  }
0x1d: {  	_ =	swait.ge [sflag:s2], $0x2000  }
0x1e: {  	[sflag:s2] =	ssyncset.done $0x0  }
0x1f: {  	[sflag:s2] =	ssyncadd.s32 $0xFFFFE000  }
0x20: {  	[spmem:s26] =	stream.linear.scatter [tilespmem:s0], [sflag:$0x5], $0x2000, $0x38;
	[tilespmem:$0x1E800] =	vst v63  }
0x21: {  	_ =	swait.ge [sflag:s2], $0x2000  }
0x22: {  	[sflag:s2] =	ssyncset.done $0x0  }
0x23: {  	[sflag:s2] =	ssyncadd.s32 $0xFFFFE000  }
0x24: {  	[spmem:s10] =	stream.linear.scatter [tilespmem:s0], [sflag:$0x5], $0x2000, $0x38;
	[tilespmem:$0x1E800] =	vst v63  }
0x25: {  	_ =	swait.ge [sflag:s2], $0x2000  }
0x26: {  	[sflag:s2] =	ssyncset.done $0x0  }
0x27: {  	[sflag:s2] =	ssyncadd.s32 $0xFFFFE000  }
0x28: {  	[spmem:s11] =	stream.linear.scatter [tilespmem:s0], [sflag:$0x5], $0x2000, $0x38;
	[tilespmem:$0x1E800] =	vst v63  }
0x29: {  	_ =	swait.ge [sflag:s2], $0x2000  }
0x2a: {  	[sflag:s2] =	ssyncset.done $0x0  }
0x2b: {  	[sflag:s2] =	ssyncadd.s32 $0xFFFFE000  }
0x2c: {  	[spmem:s13] =	stream.linear.scatter [tilespmem:s0], [sflag:$0x5], $0x2000, $0x38;
	[tilespmem:$0x1E800] =	vst v63  }
0x2d: {  	_ =	swait.ge [sflag:s2], $0x2000  }
0x2e: {  	[sflag:s2] =	ssyncset.done $0x0  }
0x2f: {  	[sflag:s2] =	ssyncadd.s32 $0xFFFFE000  }
0x30: {  	[spmem:s22] =	stream.linear.scatter [tilespmem:s0], [sflag:$0x5], $0x2000, $0x38;
	[tilespmem:$0x1E800] =	vst v63  }
0x31: {  	_ =	swait.ge [sflag:s2], $0x2000  }
0x32: {  	[sflag:s2] =	ssyncset.done $0x0  }
0x33: {  	[sflag:s2] =	ssyncadd.s32 $0xFFFFE000  }
0x34: {  	[spmem:s23] =	stream.linear.scatter [tilespmem:s0], [sflag:$0x5], $0x2000, $0x38;
	[tilespmem:$0x1E800] =	vst v63  }
0x35: {  	_ =	swait.ge [sflag:s2], $0x2000  }
0x36: {  	[sflag:s2] =	ssyncset.done $0x0  }
0x37: {  	[sflag:s2] =	ssyncadd.s32 $0xFFFFE000  }
0x38: {  	[spmem:s24] =	stream.linear.scatter [tilespmem:s0], [sflag:$0x5], $0x2000, $0x38;
	[tilespmem:$0x1E800] =	vst v63  }
0x39: {  	_ =	swait.ge [sflag:s2], $0x2000  }
0x3a: {  	[sflag:s2] =	ssyncset.done $0x0  }
0x3b: {  	[sflag:s2] =	ssyncadd.s32 $0xFFFFE000  }
0x3c: {  	[spmem:s25] =	stream.linear.scatter [tilespmem:s0], [sflag:$0x5], $0x2000, $0x38;
	[tilespmem:$0x1E800] =	vst v63  }
0x3d: {  	_ =	swait.ge [sflag:s2], $0x2000  }
0x3e: {  	[sflag:s2] =	ssyncset.done $0x0  }
0x3f: {  	s23 =	smov.u32 s1;
	[sflag:s2] =	ssyncadd.s32 $0xFFFFE000  }
0x40: {  	[spmem:s23] =	stream.linear.scatter [tilespmem:s0], [sflag:$0x5], $0x2000, $0x38;
	[tilespmem:$0x1E800] =	vst v63  }
0x41: {  	_ =	swait.ge [sflag:s2], $0x2000  }
0x42: {  	[sflag:s2] =	ssyncset.done $0x0  }
0x43: {  	[sflag:s2] =	ssyncadd.s32 $0xFFFFE000  }
0x44: {  	[spmem:s8] =	stream.linear.scatter [tilespmem:s0], [sflag:$0x5], $0x2000, $0x38;
	[tilespmem:$0x1E800] =	vst v63  }
0x45: {  	_ =	swait.ge [sflag:s2], $0x2000  }
0x46: {  	[sflag:s2] =	ssyncset.done $0x0  }
0x47: {  	[sflag:s2] =	ssyncadd.s32 $0xFFFFE000  }
0x48: {  	[bflag:$0x0] =	sbarrier.arrive $0xFFFF  }
0x49: {  	s8 =	rddreg [dreg:$0xf]  }
0x4a: {  	[tilespmem:s4], [sflag:$0x5] =	stream.linear.gather [hbm4b:s8+s4], $0x400, $0x38;
	[tilespmem:$0x1E800] =	vst v63  }
0x4b: {  	s31 =	smov.u32 s26;
	_ =	swait.ge [sflag:s2], $0x400  }
0x4c: {  	s28 =	smov.u32 s11;
	s26 =	smov.u32 s10;
	[sflag:s2] =	ssyncset.done $0x0  }
0x4d: {  	s11 =	simm.s32 $0x400;
	s10 =	rddreg [dreg:$0x10];
	[sflag:s2] =	ssyncadd.s32 $0xFFFFFC00  }
0x4e: {  	[tilespmem:s11], [sflag:$0x5] =	stream.linear.gather [hbm4b:s10+s4], $0x400, $0x38;
	[tilespmem:$0x1E800] =	vst v63  }
0x4f: {  	_ =	swait.ge [sflag:s2], $0x400  }
0x50: {  	[sflag:s2] =	ssyncset.done $0x0  }
0x51: {  	[sflag:s2] =	ssyncadd.s32 $0xFFFFFC00  }
0x52: {  	[tilespmem:s15], [sflag:$0x1] =	stream.indirect.gather [hbm4b:s5+s14], $0x80, s4, s14, $0xb8;
	[tilespmem:$0x1E800] =	vst v63  }
0x53: {  	_ = 	snop  }
0x54: {  	[tilespmem:s16], [sflag:$0x2] =	stream.indirect.gather [hbm4b:s5+s14], $0x80, s14, s14, $0xb8;
	[tilespmem:$0x1E800] =	vst v63  }
0x55: {  	_ =	swait.ge [sflag:s20], $0x4000  }
0x56: {  	[sflag:s20] =	ssyncset.done $0x0  }
0x57: {  	[sflag:s20] =	ssyncadd.s32 $0xFFFFC000  }
0x58: {  	[spmem:s3] =	stream.indirect.scatter.add.f32 [tilespmem:s15], [sflag:$0x3], $0x80, s11, s14, $0xb8;
	[tilespmem:$0x1E800] =	vst v63  }
0x59: {  	_ =	swait.ge [sflag:s17], $0x4000  }
0x5a: {  	[sflag:s17] =	ssyncset.done $0x0  }
0x5b: {  	s29 =	smov.u32 s13;
	s13 =	simm.s32 $0x480;
	[sflag:s17] =	ssyncadd.s32 $0xFFFFC000  }
0x5c: {  	[spmem:s3] =	stream.indirect.scatter.add.f32 [tilespmem:s16], [sflag:$0x4], $0x80, s13, s14, $0xb8;
	[tilespmem:$0x1E800] =	vst v63  }
0x5d: {  	s30 =	smov.u32 s22;
	s22 =	sand.u32 $0x3, s20;
	_ =	swait.ge [sflag:s18], $0x4000  }
0x5e: {  	p0 =	sne.s32 s22, $0x0;
	[sflag:s18] =	ssyncset.done $0x0  }
0x5f: {  	s13 =	sadd.s32 @!p0 $0x0, s12;
	[sflag:s18] =	ssyncadd.s32 $0xFFFFC000  }
0x60: {  	s22 =	simm.s32 @!p0 $0x5;
	s13 =	sshll.u32 @!p0 s13, $0x7;
	_ =	swait.ge [sflag:s19], $0x4000  }
0x61: {  	s1 =	smov.u32 s24;
	s13 =	sand.u32 @!p0 $0x1FFFFF80, s13;
	[sflag:s19] =	ssyncset.done $0x0  }
0x62: {  	s24 =	simm.s32 @!p0 $0x0;
	s23 =	sadd.s32 @!p0 s6, s13;
	[sflag:s19] =	ssyncadd.s32 $0xFFFFC000  }
0x63: {  	[tilespmem:s24], [sflag:$0x5] =	stream.linear.gather @!p0 [hbm4b:s23+s24], $0x400, $0x38;
	[tilespmem:$0x1E800] =	vst v63  }
0x64: {  	_ =	swait.ge @!p0 [sflag:s22], $0x400  }
0x65: {  	[sflag:s22] =	ssyncset.done @!p0 $0x0  }
0x66: {  	s13 =	sadd.s32 @!p0 s7, s13;
	s23 =	simm.s32 @!p0 $0x400;
	[sflag:s22] =	ssyncadd.s32 @!p0 $0xFFFFFC00  }
0x67: {  	[tilespmem:s23], [sflag:$0x5] =	stream.linear.gather @!p0 [hbm4b:s13+s24], $0x400, $0x38;
	[tilespmem:$0x1E800] =	vst v63  }
0x68: {  	_ =	swait.ge @!p0 [sflag:s22], $0x400  }
0x69: {  	s23 =	simm.s32 $0x100;
	[sflag:s22] =	ssyncset.done @!p0 $0x0  }
0x6a: {  	s13 =	sand.u32 $0x300, s23;
	[sflag:s22] =	ssyncadd.s32 @!p0 $0xFFFFFC00  }
0x6b: {  	[tilespmem:s15], [sflag:$0x1] =	stream.indirect.gather [hbm4b:s5+s14], $0x80, s13, s14, $0xb8;
	[tilespmem:$0x1E800] =	vst v63  }
0x6c: {  	s24 =	sor.u32 $0x80, s13  }
0x6d: {  	[tilespmem:s16], [sflag:$0x2] =	stream.indirect.gather [hbm4b:s5+s14], $0x80, s24, s14, $0xb8;
	[tilespmem:$0x1E800] =	vst v63  }
0x6e: {  	_ =	swait.ge [sflag:s20], $0x4000  }
0x6f: {  	[sflag:s20] =	ssyncset.done $0x0  }
0x70: {  	s25 =	sor.u32 $0x400, s13;
	[sflag:s20] =	ssyncadd.s32 $0xFFFFC000  }
0x71: {  	[spmem:s3] =	stream.indirect.scatter.add.f32 [tilespmem:s15], [sflag:$0x3], $0x80, s25, s14, $0xb8;
	[tilespmem:$0x1E800] =	vst v63  }
0x72: {  	s22 =	simm.s32 $0x200;
	_ =	swait.ge [sflag:s17], $0x4000  }
0x73: {  	s13 =	sor.u32 $0x480, s13;
	s24 =	simm.s32 $0x2;
	[sflag:s17] =	ssyncset.done $0x0  }
0x74: {  	s23 =	sand.u32 $0x3, s24;
	s25 =	simm.s32 $0x3;
	[sflag:s17] =	ssyncadd.s32 $0xFFFFC000  }
.LBB2_2:
0x75: {  	[spmem:s3] =	stream.indirect.scatter.add.f32 [tilespmem:s16], [sflag:$0x4], $0x80, s13, s14, $0xb8;
	[tilespmem:$0x1E800] =	vst v63  }
0x76: {  	s13 =	smov.u32 s25  }
0x77: {  	p1 =	sne.s32 s23, $0x0;
	s23 =	sand.u32 $0x3, s25;
	_ =	swait.ge [sflag:s18], $0x4000  }
0x78: {  	s25 =	sadd.s32 $0x1, s25;
	s24 =	sshrl.u32 @!p1 s24, $0x2;
	[sflag:s18] =	ssyncset.done $0x0  }
0x79: {  	p0 =	sne.s32 s25, $0x28;
	s24 =	sadd.s32 @!p1 s12, s24;
	[sflag:s18] =	ssyncadd.s32 $0xFFFFC000  }
0x7a: {  	s9 =	sshll.u32 @!p1 s24, $0x7;
	s24 =	smov.u32 s13;
	_ =	swait.ge [sflag:s19], $0x4000  }
0x7b: {  	s13 =	simm.s32 @!p1 $0x5;
	s9 =	sand.u32 @!p1 $0x1FFFFF80, s9;
	[sflag:s19] =	ssyncset.done $0x0  }
0x7c: {  	s11 =	simm.s32 @!p1 $0x0;
	s10 =	sadd.s32 @!p1 s6, s9;
	[sflag:s19] =	ssyncadd.s32 $0xFFFFC000  }
0x7d: {  	[tilespmem:s11], [sflag:$0x5] =	stream.linear.gather @!p1 [hbm4b:s10+s11], $0x400, $0x38;
	[tilespmem:$0x1E800] =	vst v63  }
0x7e: {  	s9 =	sadd.s32 @!p1 s7, s9;
	_ =	swait.ge @!p1 [sflag:s13], $0x400  }
0x7f: {  	[sflag:s13] =	ssyncset.done @!p1 $0x0  }
0x80: {  	s10 =	simm.s32 @!p1 $0x400;
	[sflag:s13] =	ssyncadd.s32 @!p1 $0xFFFFFC00  }
0x81: {  	[tilespmem:s10], [sflag:$0x5] =	stream.linear.gather @!p1 [hbm4b:s9+s11], $0x400, $0x38;
	[tilespmem:$0x1E800] =	vst v63  }
0x82: {  	_ =	swait.ge @!p1 [sflag:s13], $0x400  }
0x83: {  	[sflag:s13] =	ssyncset.done @!p1 $0x0  }
0x84: {  	s9 =	sand.u32 $0x300, s22;
	[sflag:s13] =	ssyncadd.s32 @!p1 $0xFFFFFC00  }
0x85: {  	[tilespmem:s15], [sflag:$0x1] =	stream.indirect.gather [hbm4b:s5+s14], $0x80, s9, s14, $0xb8;
	[tilespmem:$0x1E800] =	vst v63  }
0x86: {  	s10 =	sor.u32 $0x80, s9  }
0x87: {  	[tilespmem:s16], [sflag:$0x2] =	stream.indirect.gather [hbm4b:s5+s14], $0x80, s10, s14, $0xb8;
	[tilespmem:$0x1E800] =	vst v63  }
0x88: {  	_ =	swait.ge [sflag:s20], $0x4000  }
0x89: {  	[sflag:s20] =	ssyncset.done $0x0  }
.Ltmp0:
0x8a: {  	s10 =	sor.u32 $0x400, s9;
	[sflag:s20] =	ssyncadd.s32 $0xFFFFC000;
	(pc) =	sbr.rel @p0 .LBB2_2-.Ltmp0, $4  }
0x8b: {  	[spmem:s3] =	stream.indirect.scatter.add.f32 [tilespmem:s15], [sflag:$0x3], $0x80, s10, s14, $0xb8;
	[tilespmem:$0x1E800] =	vst v63  }
0x8c: {  	_ =	swait.ge [sflag:s17], $0x4000  }
0x8d: {  	[sflag:s17] =	ssyncset.done $0x0  }
0x8e: {  	s22 =	sadd.s32 $0x100, s22;
	s13 =	sor.u32 $0x480, s9;
	[sflag:s17] =	ssyncadd.s32 $0xFFFFC000  }
0x8f: {  	[spmem:s3] =	stream.indirect.scatter.add.f32 [tilespmem:s16], [sflag:$0x4], $0x80, s13, s14, $0xb8;
	[tilespmem:$0x1E800] =	vst v63  }
0x90: {  	p0 =	sne.s32 s23, $0x0;
	_ =	swait.ge [sflag:s18], $0x4000  }
0x91: {  	s9 =	sshrl.u32 @!p0 s24, $0x2;
	[sflag:s18] =	ssyncset.done $0x0  }
0x92: {  	s9 =	sadd.s32 @!p0 s12, s9;
	[sflag:s18] =	ssyncadd.s32 $0xFFFFC000  }
0x93: {  	s9 =	sshll.u32 @!p0 s9, $0x7;
	_ =	swait.ge [sflag:s19], $0x4000  }
0x94: {  	s10 =	simm.s32 @!p0 $0x5;
	s9 =	sand.u32 @!p0 $0x1FFFFF80, s9;
	[sflag:s19] =	ssyncset.done $0x0  }
0x95: {  	s13 =	simm.s32 @!p0 $0x0;
	s11 =	sadd.s32 @!p0 s6, s9;
	[sflag:s19] =	ssyncadd.s32 $0xFFFFC000  }
0x96: {  	[tilespmem:s13], [sflag:$0x5] =	stream.linear.gather @!p0 [hbm4b:s11+s13], $0x400, $0x38;
	[tilespmem:$0x1E800] =	vst v63  }
0x97: {  	_ =	swait.ge @!p0 [sflag:s10], $0x400  }
0x98: {  	[sflag:s10] =	ssyncset.done @!p0 $0x0  }
0x99: {  	s9 =	sadd.s32 @!p0 s7, s9;
	s11 =	simm.s32 @!p0 $0x400;
	[sflag:s10] =	ssyncadd.s32 @!p0 $0xFFFFFC00  }
0x9a: {  	[tilespmem:s11], [sflag:$0x5] =	stream.linear.gather @!p0 [hbm4b:s9+s13], $0x400, $0x38;
	[tilespmem:$0x1E800] =	vst v63  }
0x9b: {  	_ =	swait.ge @!p0 [sflag:s10], $0x400  }
0x9c: {  	[sflag:s10] =	ssyncset.done @!p0 $0x0  }
0x9d: {  	s24 =	sand.u32 $0x300, s22;
	[sflag:s10] =	ssyncadd.s32 @!p0 $0xFFFFFC00  }
0x9e: {  	[tilespmem:s15], [sflag:$0x1] =	stream.indirect.gather [hbm4b:s5+s14], $0x80, s24, s14, $0xb8;
	[tilespmem:$0x1E800] =	vst v63  }
0x9f: {  	s25 =	sor.u32 $0x80, s24  }
0xa0: {  	[tilespmem:s16], [sflag:$0x2] =	stream.indirect.gather [hbm4b:s5+s14], $0x80, s25, s14, $0xb8;
	[tilespmem:$0x1E800] =	vst v63  }
0xa1: {  	_ =	swait.ge [sflag:s20], $0x4000  }
0xa2: {  	[sflag:s20] =	ssyncset.done $0x0  }
0xa3: {  	s8 =	sor.u32 $0x400, s24;
	[sflag:s20] =	ssyncadd.s32 $0xFFFFC000  }
0xa4: {  	[spmem:s3] =	stream.indirect.scatter.add.f32 [tilespmem:s15], [sflag:$0x3], $0x80, s8, s14, $0xb8;
	[tilespmem:$0x1E800] =	vst v63  }
0xa5: {  	_ =	swait.ge [sflag:s17], $0x4000  }
0xa6: {  	[sflag:s17] =	ssyncset.done $0x0  }
0xa7: {  	s9 =	sor.u32 $0x480, s24;
	[sflag:s17] =	ssyncadd.s32 $0xFFFFC000  }
0xa8: {  	[spmem:s3] =	stream.indirect.scatter.add.f32 [tilespmem:s16], [sflag:$0x4], $0x80, s9, s14, $0xb8;
	[tilespmem:$0x1E800] =	vst v63  }
0xa9: {  	_ =	swait.ge [sflag:s18], $0x4000  }
0xaa: {  	[sflag:s18] =	ssyncset.done $0x0  }
0xab: {  	[sflag:s18] =	ssyncadd.s32 $0xFFFFC000  }
0xac: {  	_ =	swait.ge [sflag:s19], $0x4000  }
0xad: {  	[sflag:s19] =	ssyncset.done $0x0  }
0xae: {  	[sflag:s19] =	ssyncadd.s32 $0xFFFFC000  }
0xaf: {  	[bflag:$0x0] =	sbarrier.arrive $0xFFFF  }
0xb0: {  	[tilespmem:s0], [sflag:$0x5] =	stream.linear.gather [spmem:s31], $0x2000, $0x38;
	[tilespmem:$0x1E800] =	vst v63  }
0xb1: {  	_ =	swait.ge [sflag:s2], $0x2000  }
0xb2: {  	[sflag:s2] =	ssyncset.done $0x0  }
0xb3: {  	s11 =	rddreg [dreg:$0x4];
	[sflag:s2] =	ssyncadd.s32 $0xFFFFE000  }
0xb4: {  	[hbm4b:s11+s4] =	stream.linear.scatter [tilespmem:s0], [sflag:$0x5], $0x2000, $0x38;
	[tilespmem:$0x1E800] =	vst v63  }
0xb5: {  	_ =	swait.ge [sflag:s2], $0x2000  }
0xb6: {  	[sflag:s2] =	ssyncset.done $0x0  }
0xb7: {  	[sflag:s2] =	ssyncadd.s32 $0xFFFFE000  }
0xb8: {  	[tilespmem:s0], [sflag:$0x5] =	stream.linear.gather [spmem:s26], $0x2000, $0x38;
	[tilespmem:$0x1E800] =	vst v63  }
0xb9: {  	_ =	swait.ge [sflag:s2], $0x2000  }
0xba: {  	[sflag:s2] =	ssyncset.done $0x0  }
0xbb: {  	s13 =	rddreg [dreg:$0x5];
	[sflag:s2] =	ssyncadd.s32 $0xFFFFE000  }
0xbc: {  	[hbm4b:s13+s4] =	stream.linear.scatter [tilespmem:s0], [sflag:$0x5], $0x2000, $0x38;
	[tilespmem:$0x1E800] =	vst v63  }
0xbd: {  	_ =	swait.ge [sflag:s2], $0x2000  }
0xbe: {  	[sflag:s2] =	ssyncset.done $0x0  }
0xbf: {  	[sflag:s2] =	ssyncadd.s32 $0xFFFFE000  }
0xc0: {  	[tilespmem:s0], [sflag:$0x5] =	stream.linear.gather [spmem:s28], $0x2000, $0x38;
	[tilespmem:$0x1E800] =	vst v63  }
0xc1: {  	_ =	swait.ge [sflag:s2], $0x2000  }
0xc2: {  	[sflag:s2] =	ssyncset.done $0x0  }
0xc3: {  	s22 =	rddreg [dreg:$0x6];
	[sflag:s2] =	ssyncadd.s32 $0xFFFFE000  }
0xc4: {  	[hbm4b:s22+s4] =	stream.linear.scatter [tilespmem:s0], [sflag:$0x5], $0x2000, $0x38;
	[tilespmem:$0x1E800] =	vst v63  }
0xc5: {  	_ =	swait.ge [sflag:s2], $0x2000  }
0xc6: {  	[sflag:s2] =	ssyncset.done $0x0  }
0xc7: {  	[sflag:s2] =	ssyncadd.s32 $0xFFFFE000  }
0xc8: {  	[tilespmem:s0], [sflag:$0x5] =	stream.linear.gather [spmem:s29], $0x2000, $0x38;
	[tilespmem:$0x1E800] =	vst v63  }
0xc9: {  	_ =	swait.ge [sflag:s2], $0x2000  }
0xca: {  	[sflag:s2] =	ssyncset.done $0x0  }
0xcb: {  	s23 =	rddreg [dreg:$0x7];
	[sflag:s2] =	ssyncadd.s32 $0xFFFFE000  }
0xcc: {  	[hbm4b:s23+s4] =	stream.linear.scatter [tilespmem:s0], [sflag:$0x5], $0x2000, $0x38;
	[tilespmem:$0x1E800] =	vst v63  }
0xcd: {  	_ =	swait.ge [sflag:s2], $0x2000  }
0xce: {  	[sflag:s2] =	ssyncset.done $0x0  }
0xcf: {  	[sflag:s2] =	ssyncadd.s32 $0xFFFFE000  }
0xd0: {  	[tilespmem:s0], [sflag:$0x5] =	stream.linear.gather [spmem:s30], $0x2000, $0x38;
	[tilespmem:$0x1E800] =	vst v63  }
0xd1: {  	_ =	swait.ge [sflag:s2], $0x2000  }
0xd2: {  	[sflag:s2] =	ssyncset.done $0x0  }
0xd3: {  	s24 =	rddreg [dreg:$0x8];
	[sflag:s2] =	ssyncadd.s32 $0xFFFFE000  }
0xd4: {  	[hbm4b:s24+s4] =	stream.linear.scatter [tilespmem:s0], [sflag:$0x5], $0x2000, $0x38;
	[tilespmem:$0x1E800] =	vst v63  }
0xd5: {  	_ =	swait.ge [sflag:s2], $0x2000  }
0xd6: {  	[sflag:s2] =	ssyncset.done $0x0  }
0xd7: {  	s23 =	rddreg [dreg:$0x14];
	[sflag:s2] =	ssyncadd.s32 $0xFFFFE000  }
0xd8: {  	[tilespmem:s0], [sflag:$0x5] =	stream.linear.gather [spmem:s23], $0x2000, $0x38;
	[tilespmem:$0x1E800] =	vst v63  }
0xd9: {  	_ =	swait.ge [sflag:s2], $0x2000  }
0xda: {  	[sflag:s2] =	ssyncset.done $0x0  }
0xdb: {  	s25 =	rddreg [dreg:$0x9];
	[sflag:s2] =	ssyncadd.s32 $0xFFFFE000  }
0xdc: {  	[hbm4b:s25+s4] =	stream.linear.scatter [tilespmem:s0], [sflag:$0x5], $0x2000, $0x38;
	[tilespmem:$0x1E800] =	vst v63  }
0xdd: {  	_ =	swait.ge [sflag:s2], $0x2000  }
0xde: {  	[sflag:s2] =	ssyncset.done $0x0  }
0xdf: {  	[sflag:s2] =	ssyncadd.s32 $0xFFFFE000  }
0xe0: {  	[tilespmem:s0], [sflag:$0x5] =	stream.linear.gather [spmem:s1], $0x2000, $0x38;
	[tilespmem:$0x1E800] =	vst v63  }
0xe1: {  	_ =	swait.ge [sflag:s2], $0x2000  }
0xe2: {  	[sflag:s2] =	ssyncset.done $0x0  }
0xe3: {  	s10 =	smov.u32 s26;
	s26 =	rddreg [dreg:$0xa];
	[sflag:s2] =	ssyncadd.s32 $0xFFFFE000  }
0xe4: {  	[hbm4b:s26+s4] =	stream.linear.scatter [tilespmem:s0], [sflag:$0x5], $0x2000, $0x38;
	[tilespmem:$0x1E800] =	vst v63  }
0xe5: {  	_ =	swait.ge [sflag:s2], $0x2000  }
0xe6: {  	[sflag:s2] =	ssyncset.done $0x0  }
0xe7: {  	s25 =	rddreg [dreg:$0x11];
	[sflag:s2] =	ssyncadd.s32 $0xFFFFE000  }
0xe8: {  	[tilespmem:s0], [sflag:$0x5] =	stream.linear.gather [spmem:s25], $0x2000, $0x38;
	[tilespmem:$0x1E800] =	vst v63  }
0xe9: {  	_ =	swait.ge [sflag:s2], $0x2000  }
0xea: {  	[sflag:s2] =	ssyncset.done $0x0  }
0xeb: {  	s11 =	smov.u32 s28;
	s28 =	rddreg [dreg:$0xb];
	[sflag:s2] =	ssyncadd.s32 $0xFFFFE000  }
0xec: {  	[hbm4b:s28+s4] =	stream.linear.scatter [tilespmem:s0], [sflag:$0x5], $0x2000, $0x38;
	[tilespmem:$0x1E800] =	vst v63  }
0xed: {  	_ =	swait.ge [sflag:s2], $0x2000  }
0xee: {  	[sflag:s2] =	ssyncset.done $0x0  }
0xef: {  	s24 =	smov.u32 s1;
	s1 =	rddreg [dreg:$0x12];
	[sflag:s2] =	ssyncadd.s32 $0xFFFFE000  }
0xf0: {  	[tilespmem:s0], [sflag:$0x5] =	stream.linear.gather [spmem:s1], $0x2000, $0x38;
	[tilespmem:$0x1E800] =	vst v63  }
0xf1: {  	_ =	swait.ge [sflag:s2], $0x2000  }
0xf2: {  	[sflag:s2] =	ssyncset.done $0x0  }
0xf3: {  	s13 =	smov.u32 s29;
	s29 =	rddreg [dreg:$0xc];
	[sflag:s2] =	ssyncadd.s32 $0xFFFFE000  }
0xf4: {  	[hbm4b:s29+s4] =	stream.linear.scatter [tilespmem:s0], [sflag:$0x5], $0x2000, $0x38;
	[tilespmem:$0x1E800] =	vst v63  }
0xf5: {  	_ =	swait.ge [sflag:s2], $0x2000  }
0xf6: {  	[sflag:s2] =	ssyncset.done $0x0  }
0xf7: {  	s8 =	rddreg [dreg:$0x13];
	[sflag:s2] =	ssyncadd.s32 $0xFFFFE000  }
0xf8: {  	[tilespmem:s0], [sflag:$0x5] =	stream.linear.gather [spmem:s8], $0x2000, $0x38;
	[tilespmem:$0x1E800] =	vst v63  }
0xf9: {  	_ =	swait.ge [sflag:s2], $0x2000  }
0xfa: {  	[sflag:s2] =	ssyncset.done $0x0  }
0xfb: {  	s22 =	smov.u32 s30;
	s30 =	rddreg [dreg:$0xd];
	[sflag:s2] =	ssyncadd.s32 $0xFFFFE000  }
0xfc: {  	[hbm4b:s30+s4] =	stream.linear.scatter [tilespmem:s0], [sflag:$0x5], $0x2000, $0x38;
	[tilespmem:$0x1E800] =	vst v63  }
0xfd: {  	_ =	swait.ge [sflag:s2], $0x2000  }
0xfe: {  	s21 =	sadd.s32 $0x1, s21;
	s26 =	smov.u32 s31;
	s31 =	rddreg [dreg:$0xe]  }
0xff: {  	p0 =	sne.s32 s21, s31  }
.Ltmp1:
0x100: {  	_ = 	snop;
	(pc) =	sbr.rel @p0 .LBB2_1-.Ltmp1, $3  }
0x101: {  	_ =	sdelay $0x1  }
0x102: {  	[sflag:s2] =	ssyncset.done $0x0  }
0x103: {  	[sflag:s2] =	ssyncadd.s32 $0xFFFFE000  }
0x104: {  	_ =	sfence.sel $0x180000  }
0x105: {  	[bflag:$0x0] =	sbarrier.arrive $0xFFFF  }
0x106: {  	_ =	strace $0x9000004A  }
0x107: {  	s0 =	stileid.u32;
	[bflag:$0x2] =	sbarrier.arrive $0xFFFF  }
0x108: {  	p0 =	sne.s32 s0, $0x0;
	s0 =	rddreg [dreg:$0x3]  }
0x109: {  	s0 =	sadd.s32 @!p0 $0x100000, s0  }
0x10a: {  	[sflag:s0] =	ssyncadd.tile.s32 @!p0 $0x1;
	_ =	shalt  }
.Lfunc_end2:
_tile_overlayer_lowered:
.L_overlay_start_2:
0x10b: {  	(tag) =	ssettag $0x2  }
0x10c: {  	s0 =	rddreg [dreg:$0x0];
	s2 =	stileid.u32  }
0x10d: {  	s1 =	rddreg [dreg:$0x1];
	p0 =	sne.s32 s2, $0x0  }
0x10e: {  	s3 =	rddreg [dreg:$0x2];
	[bflag:$0x3] =	sbarrier.arrive $0xFFFF;
	s2 =	simm.s32 @!p0 $0x1C05  }
0x10f: {  	[timem:s3], [sflag:s2] =	dma.local @!p0 [hbm:s0], s1  }
0x110: {  	s0 =	simm.s32 @!p0 $0x5  }
0x111: {  	_ =	swait.ge @!p0 [sflag:s0], s1  }
0x112: {  	s1 =	ssub.s32 @!p0 $0x0, s1;
	[sflag:s0] =	ssyncset.done @!p0 $0x0  }
0x113: {  	[sflag:s0] =	ssyncadd.s32 @!p0 s1  }
0x114: {  	[bflag:$0x3] =	sbarrier.arrive $0xFFFF  }
0x115: {  	_ =	shalt  }

// kernel: kernel.14.cloned.1.call-start
scs
__scs_entry_jumppad:
0x0: {  	(pc) =	sbr.rel $0x88, $3  }
0x1: {  	(tag) =	ssettag $0x0;
	lr =	simm.s32 $0x1  }
0x2: {  	[smem:$0x3F97] =	sst lr;
	_ =	strace $0xD0000000  }
0x3: {  	_ = 	snop  }
0x4: {  	_ = 	snop  }
0x5: {  	_ = 	snop  }
0x6: {  	_ = 	snop  }
0x7: {  	_ = 	snop  }
__scs_overlays_trampoline_lowered:
0x8: {  	[smem:$0x3FA6] =	sst s0  }
0x9: {  	[smem:$0x3FA7] =	sst s1  }
0xa: {  	[smem:$0x3FA8] =	sst s2  }
0xb: {  	[smem:$0x3FA9] =	sst s3  }
0xc: {  	[smem:$0x3FAA] =	sst s4  }
0xd: {  	[smem:$0x3FAB] =	sst s5  }
0xe: {  	[smem:$0x3FAC] =	sst s6  }
0xf: {  	[smem:$0x3FAD] =	sst s7  }
0x10: {  	[smem:$0x3FAE] =	sst s8  }
0x11: {  	[smem:$0x3FAF] =	sst s9;
	s0 =	simm.s32 @!p0 $0x0  }
0x12: {  	s1 =	sld [smem:$0x3F95];
	s0 =	simm.s32 @p0 $0x1  }
0x13: {  	[smem:$0x3FB0] =	sst s0;
	s0 =	simm.s32 @!p1 $0x0  }
0x14: {  	s2 =	sld [smem:$0x3F94];
	s0 =	simm.s32 @p1 $0x1  }
0x15: {  	[smem:$0x3FB1] =	sst s0;
	s0 =	simm.s32 @!p2 $0x0  }
0x16: {  	s3 =	sld [smem:$0x3FDB];
	s0 =	simm.s32 @p2 $0x1  }
0x17: {  	s4 =	simm.s32 $0x1BF5;
	[smem:$0x3FB3] =	sst s0  }
0x18: {  	s0 =	sld [smem:$0x3F96];
	_ =	swait.ge [sflag:s4], $0x0  }
0x19: {  	s7 =	sld [smem:$0x3F97]  }
0x1a: {  	s8 =	sadd.s32 $0xFFFFE003, lr  }
0x1b: {  	s9 =	sadd.s32 $0xFFFFFEF7, lr;
	s5 =	simm.s32 $0xFFFFFFFF;
	p2 =	slt.u32 s8, $0xFFFFF086  }
0x1c: {  	p1 =	slt.u32 s9, $0xF7A;
	s5 =	simm.s32 @!p2 $0x0  }
0x1d: {  	s5 =	simm.s32 @p1 $0x1;
	p0 =	seq.s32 s7, s2  }
0x1e: {  	s7 =	smul.u32 @!p0 $0xF7A, s2;
	p2 =	seq.s32 @!p0 s5, $0x0  }
0x1f: {  	s9 =	smul.u32 $0xF7A, s1;
	s8 =	simm.s32 @!p0 $0x1BF5;
	p2 =	por !p2, p0  }
0x20: {  	[sflag:s8] =	ssyncset.s32 @!p0 $0xFFFFF086;
	s6 =	sadd.s32 @!p0 s3, s7;
	s7 =	simm.s32 @!p0 $0x108  }
0x21: {  	s3 =	sadd.s32 s3, s9;
	s6 =	sadd.s32 @!p0 $0x88, s6;
	s7 =	simm.s32 @p2 $0x1082  }
0x22: {  	[simem:s7], [sflag:s8] =	dma.local @!p0 [hbm:s6], $0xF7A  }
0x23: {  	s9 =	sor.u32 $0xD0000000, s2;
	s6 =	simm.s32 $0x108;
	_ =	swait.ge @!p0 [sflag:s8], $0x0  }
0x24: {  	s3 =	sadd.s32 $0x88, s3;
	s6 =	simm.s32 @!p1 $0x1082;
	[sflag:s4] =	ssyncset.s32 $0xFFFFF086  }
0x25: {  	[simem:s6], [sflag:s4] =	dma.local [hbm:s3], $0xF7A  }
0x26: {  	[smem:$0x3F97] =	sst s1;
	(tag) =	ssettag s2;
	_ =	strace s9  }
0x27: {  	s1 =	sld [smem:$0x3FA7]  }
0x28: {  	s2 =	sld [smem:$0x3FA8]  }
0x29: {  	s4 =	sld [smem:$0x3FAA]  }
0x2a: {  	p0 =	seq.s32 s5, $0x0;
	s5 =	sld [smem:$0x3FAB]  }
0x2b: {  	s6 =	sld [smem:$0x3FAC]  }
0x2c: {  	s7 =	sld [smem:$0x3FAD]  }
0x2d: {  	s3 =	simm.s32 $0x108;
	s8 =	sld [smem:$0x3FAE]  }
0x2e: {  	s3 =	simm.s32 @!p0 $0x1082;
	s9 =	sld [smem:$0x3FAF]  }
0x2f: {  	lr =	sadd.s32 s0, s3;
	s0 =	sld [smem:$0x3FA6]  }
0x30: {  	s3 =	sld [smem:$0x3FA9]  }
0x31: {  	[smem:$0x3FB2] =	sst s10  }
0x32: {  	s10 =	sld [smem:$0x3FB0];
	_ =	sdelay $0x3  }
0x33: {  	p0 =	seq.s32 s10, $0x1;
	s10 =	sld [smem:$0x3FB2];
	_ =	sdelay $0x3  }
0x34: {  	[smem:$0x3FB2] =	sst s10  }
0x35: {  	s10 =	sld [smem:$0x3FB1];
	_ =	sdelay $0x3  }
0x36: {  	p1 =	seq.s32 s10, $0x1;
	s10 =	sld [smem:$0x3FB2];
	_ =	sdelay $0x3  }
0x37: {  	[smem:$0x3FB2] =	sst s10  }
0x38: {  	s10 =	sld [smem:$0x3FB3]  }
0x39: {  	_ = 	snop;
	(pc) =	sbr.ind lr, $3  }
0x3a: {  	_ = 	snop  }
0x3b: {  	_ = 	snop  }
0x3c: {  	p2 =	seq.s32 s10, $0x1;
	s10 =	sld [smem:$0x3FB2]  }
0x3d: {  	_ =	shalt  }
0x3e: {  	_ =	shalt  }
0x3f: {  	_ =	shalt  }
0x40: {  	_ =	shalt  }
0x41: {  	_ =	shalt  }
0x42: {  	_ =	shalt  }
0x43: {  	_ =	shalt  }
0x44: {  	_ =	shalt  }
0x45: {  	_ =	shalt  }
0x46: {  	_ =	shalt  }
0x47: {  	_ =	shalt  }
0x48: {  	_ =	shalt  }
0x49: {  	_ =	shalt  }
0x4a: {  	_ =	shalt  }
0x4b: {  	_ =	shalt  }
0x4c: {  	_ =	shalt  }
0x4d: {  	_ =	shalt  }
0x4e: {  	_ =	shalt  }
0x4f: {  	_ =	shalt  }
0x50: {  	_ =	shalt  }
0x51: {  	_ =	shalt  }
0x52: {  	_ =	shalt  }
0x53: {  	_ =	shalt  }
0x54: {  	_ =	shalt  }
0x55: {  	_ =	shalt  }
0x56: {  	_ =	shalt  }
0x57: {  	_ =	shalt  }
0x58: {  	_ =	shalt  }
0x59: {  	_ =	shalt  }
0x5a: {  	_ =	shalt  }
0x5b: {  	_ =	shalt  }
0x5c: {  	_ =	shalt  }
0x5d: {  	_ =	shalt  }
0x5e: {  	_ =	shalt  }
0x5f: {  	_ =	shalt  }
0x60: {  	_ =	shalt  }
0x61: {  	_ =	shalt  }
0x62: {  	_ =	shalt  }
0x63: {  	_ =	shalt  }
0x64: {  	_ =	shalt  }
0x65: {  	_ =	shalt  }
0x66: {  	_ =	shalt  }
0x67: {  	_ =	shalt  }
0x68: {  	_ =	shalt  }
0x69: {  	_ =	shalt  }
0x6a: {  	_ =	shalt  }
0x6b: {  	_ =	shalt  }
0x6c: {  	_ =	shalt  }
0x6d: {  	_ =	shalt  }
0x6e: {  	_ =	shalt  }
0x6f: {  	_ =	shalt  }
0x70: {  	_ =	shalt  }
0x71: {  	_ =	shalt  }
0x72: {  	_ =	shalt  }
0x73: {  	_ =	shalt  }
0x74: {  	_ =	shalt  }
0x75: {  	_ =	shalt  }
0x76: {  	_ =	shalt  }
0x77: {  	_ =	shalt  }
0x78: {  	_ =	shalt  }
0x79: {  	_ =	shalt  }
0x7a: {  	_ =	shalt  }
0x7b: {  	_ =	shalt  }
0x7c: {  	_ =	shalt  }
0x7d: {  	_ =	shalt  }
0x7e: {  	_ =	shalt  }
0x7f: {  	_ =	shalt  }
0x80: {  	_ =	shalt  }
0x81: {  	_ =	shalt  }
0x82: {  	_ =	shalt  }
0x83: {  	_ =	shalt  }
0x84: {  	_ =	shalt  }
0x85: {  	_ =	shalt  }
0x86: {  	_ =	shalt  }
0x87: {  	_ =	shalt  }
.Lfunc_end0:
.L_simem_size_0:
called_computation.2_lowered:
.L_overlay_start_0:
0x88: {  	s2 =	sld [smem:$0x3FD9]  }
0x89: {  	s3 =	sld [smem:$0x3FFE];
	_ =	sdelay $0x1  }
0x8a: {  	s1 =	srdreg.scid  }
0x8b: {  	s0 =	sand.u32 $0x1, s1  }
0x8c: {  	s17 =	sshll.u32 s0, $0xA;
	s2 =	sadd.s32 s3, s2  }
0x8d: {  	s2 =	sadd.s32 s2, s17  }
0x8e: {  	[smem:$0x3FBE] =	sst s2  }
0x8f: {  	_ = 	snop  }
0x90: {  	s2 =	sld [smem:$0x3FD0];
	(tm) =	ssettm $0x1  }
0x91: {  	s18 =	sld [smem:$0x3FFB];
	_ =	sdelay $0x3  }
0x92: {  	_ =	strace s18  }
0x93: {  	s3 =	sld [smem:$0x3FFC];
	_ =	sdelay $0x3  }
0x94: {  	_ =	strace s3  }
0x95: {  	s3 =	sld [smem:$0x3FFD];
	_ =	sdelay $0x3  }
0x96: {  	_ =	strace s3  }
0x97: {  	_ =	strace $0x8FFFFFFF  }
0x98: {  	s19 =	sld [smem:$0x3FDB];
	_ =	sdelay $0x1  }
0x99: {  	s4 =	simm.s32 $_scs_section_size  }
0x9a: {  	s5 =	simm.s32 $_size__tile_overlayer_lowered;
	s6 =	simm.s32 $_tile_overlayer_lowered  }
0x9b: {  	s22 =	simm.s32 $0x1BFF;
	s21 =	sshll.u32 s6, $0x1;
	s3 =	sadd.s32 s4, s19  }
0x9c: {  	s7 =	simm.s32 $0x0;
	s20 =	sshll.u32 s5, $0x1;
	s5 =	sadd.s32 s21, s3  }
0x9d: {  	[timem:s7], [sflag:s22] =	dma.local [hbm:s5], s20  }
0x9e: {  	_ =	swait.ge [sflag:s22], s20  }
0x9f: {  	s4 =	ssub.s32 $0x0, s20;
	[sflag:s22] =	ssyncset.done $0x0  }
0xa0: {  	[sflag:s22] =	ssyncadd.s32 s4;
	_ =	sdelay $0x1  }
0xa1: {  	s23 =	simm.s32 $0x1B8B  }
0xa2: {  	_ =	swait.ge [sflag:s23], $0x1  }
0xa3: {  	[sflag:s23] =	ssyncset.done $0x0  }
0xa4: {  	s25 =	simm.s32 $0x1B8E;
	s24 =	sld [smem:$0x3FFE];
	[sflag:s23] =	ssyncadd.s32 $0xFFFFFFFF  }
0xa5: {  	s26 =	simm.s32 $execute0_lowered;
	[smem:$0x3FD2] =	sst s25  }
0xa6: {  	s5 =	sshll.u32 s26, $0x1;
	_ =	strace $0x8000004C;
	[dreg:$0x1] =	wrdreg $0xFFFFFFFF  }
0xa7: {  	s28 =	simm.s32 $_size_execute0_lowered;
	s3 =	sadd.s32 s3, s5;
	[dreg:$0x0] =	wrdreg $0x0  }
0xa8: {  	s5 =	sshll.u32 s28, $0x1;
	[dreg:$0x2] =	wrdreg s3  }
0xa9: {  	[dreg:$0x3] =	wrdreg s5  }
0xaa: {  	[dreg:$0x4] =	wrdreg $0xC0  }
0xab: {  	_ =	task [dreg:s7], $0x5FFFF  }
0xac: {  	[dreg:$0x1] =	wrdreg $0xFFFFFFFF  }
0xad: {  	[dreg:$0x0] =	wrdreg $0x60  }
0xae: {  	[dreg:$0x2] =	wrdreg s24  }
0xaf: {  	[dreg:$0x3] =	wrdreg s2  }
0xb0: {  	[dreg:$0x4] =	wrdreg $0xA8000  }
0xb1: {  	[dreg:$0x5] =	wrdreg $0x9  }
0xb2: {  	_ =	task.clear_ibuf [dreg:s7], $0x6FFFF;
	_ =	strace $0x9000004C  }
0xb3: {  	s29 =	simm.s32 $0x9;
	_ =	strace $0x8000004E  }
0xb4: {  	_ =	swait.ge [sflag:s29], $0x1  }
0xb5: {  	[sflag:s29] =	ssyncadd.s32 $0xFFFFFFFF  }
0xb6: {  	_ =	strace $0x9000004E  }
0xb7: {  	_ =	sfence  }
0xb8: {  	s30 =	sld [smem:$0x0];
	_ =	sdelay $0x2  }
0xb9: {  	s31 =	sshll.u32 s1, $0xD;
	s1 =	sshrl.u32 s1, $0x2  }
0xba: {  	s3 =	sand.u32 $0x4000, s31;
	s1 =	sadd.s32 s1, s30  }
0xbb: {  	s0 =	sor.u32 s3, s0;
	s1 =	sshll.u32 s1, $0x11  }
0xbc: {  	s0 =	sor.u32 s1, s0  }
0xbd: {  	s0 =	sadd.s32 $0x8F2B, s0  }
0xbe: {  	[sflag:s0] =	ssyncadd.remote.s32 $0x1  }
0xbf: {  	_ =	sfence.sel $0xFFFF  }
0xc0: {  	[dreg:$0x0] =	wrdreg $0xFFFFFFFF;
	(pc) =	sbr.abs _section_cstart, $3  }
0xc1: {  	[dreg:$0x1] =	wrdreg $0xFFFFFFFF  }
0xc2: {  	_ =	task.clear_ibuf [dreg:s7], $0x2FFFF;
	_ =	strace $0x9FFFFFFF  }
0xc3: {  	(tm) =	ssettm $0x7FFFFFFF  }
tec
execute0_lowered:
.L_overlay_start_1:
0x0: {  	(tag) =	ssettag $0x1  }
0x1: {  	s0 =	rddreg [dreg:$0x0];
	s10 =	stileid.u32  }
0x2: {  	s1 =	srdreg.scid;
	s2 =	smul.u32 $0x280, s10  }
0x3: {  	s1 =	sand.u32 $0x1, s1;
	s8 =	smul.u32 $0x50000, s10;
	s10 =	sshll.u32 s10, $0x1  }
0x4: {  	s6 =	smul.u32 $0x2800, s1;
	s17 =	ssub.s32 $0x2, s1;
	s1 =	sor.u32 s1, s10  }
0x5: {  	s3 =	rddreg [dreg:$0x2];
	s4 =	simm.s32 $0x0;
	s12 =	smul.u32 $0xA, s1  }
0x6: {  	[smem:$0x7FF] =	sst s4;
	s5 =	sadd.s32 $0x16C00, s0;
	s1 =	smul.u32 $0x500, s1  }
0x7: {  	s7 =	sadd.s32 $0xCC00, s0;
	s2 =	sadd.s32 s2, s6;
	s6 =	sadd.s32 $0x2C00, s0  }
0x8: {  	_ =	strace $0x8000004D;
	s8 =	sshrl.u32 s8, $0x2;
	s30 =	sadd.s32 s6, s1  }
0x9: {  	s26 =	sadd.s32 s8, s3;
	s31 =	sadd.s32 s7, s1;
	[dreg:$0xf] =	wrdreg s30  }
0xa: {  	s2 =	sshll.u32 s2, $0x4;
	s1 =	sadd.s32 $0x10000, s26;
	[dreg:$0x10] =	wrdreg s31  }
0xb: {  	s8 =	sadd.s32 $0x12000, s26;
	s0 =	sadd.s32 s2, s0;
	[dreg:$0x12] =	wrdreg s1  }
0xc: {  	[dreg:$0x13] =	wrdreg s8;
	s18 =	sadd.s32 $0x3EC00, s0  }
0xd: {  	s14 =	simm.s32 $0x80;
	s19 =	sadd.s32 $0x3F000, s0;
	[dreg:$0x4] =	wrdreg s18  }
0xe: {  	s15 =	simm.s32 $0x800;
	s20 =	sadd.s32 $0x3F400, s0;
	[dreg:$0x5] =	wrdreg s19  }
0xf: {  	s16 =	simm.s32 $0x4800;
	s21 =	sadd.s32 $0x3F800, s0;
	[dreg:$0x6] =	wrdreg s20  }
0x10: {  	s9 =	sshrl.u32 s17, $0x1;
	s22 =	sadd.s32 $0x3FC00, s0;
	[dreg:$0x7] =	wrdreg s21  }
0x11: {  	s10 =	sadd.s32 $0x2000, s26;
	s23 =	sadd.s32 $0x40000, s0;
	[dreg:$0x8] =	wrdreg s22  }
0x12: {  	s11 =	sadd.s32 $0x4000, s26;
	s24 =	sadd.s32 $0x40400, s0;
	[dreg:$0x9] =	wrdreg s23  }
0x13: {  	s13 =	sadd.s32 $0x6000, s26;
	s25 =	sadd.s32 $0x40800, s0;
	[dreg:$0xa] =	wrdreg s24  }
0x14: {  	s2 =	ssub.s32 s17, s9;
	s28 =	sadd.s32 $0x40C00, s0;
	[dreg:$0xb] =	wrdreg s25  }
0x15: {  	s17 =	simm.s32 $0x2;
	s0 =	sadd.s32 $0x41000, s0;
	[dreg:$0xc] =	wrdreg s28  }
0x16: {  	s29 =	smax.u32 s2, $0x1;
	s2 =	simm.s32 $0x5;
	[dreg:$0xd] =	wrdreg s0  }
0x17: {  	[dreg:$0xe] =	wrdreg s29;
	s22 =	sadd.s32 $0x8000, s26;
	s23 =	sadd.s32 $0xA000, s26  }
0x18: {  	s24 =	sadd.s32 $0xC000, s26;
	s25 =	sadd.s32 $0xE000, s26;
	s0 =	simm.s32 $0x8800  }
0x19: {  	s18 =	simm.s32 $0x3;
	s19 =	simm.s32 $0x4;
	[dreg:$0x11] =	wrdreg s25  }
0x1a: {  	s20 =	simm.s32 $0x1;
	s21 =	simm.s32 $0x0;
	[dreg:$0x14] =	wrdreg s23  }
.LBB2_1:
0x1b: {  	s9 =	rddreg [dreg:$0x1]  }
0x1c: {  	[tilespmem:s0], [sflag:$0x5] =	stream.linear.gather [hbm4b:s9+s4], $0x2000, $0x38;
	[tilespmem:$0x1E800] =	vst v63  }
0x1d: {  	_ =	swait.ge [sflag:s2], $0x2000  }
0x1e: {  	[sflag:s2] =	ssyncset.done $0x0  }
0x1f: {  	[sflag:s2] =	ssyncadd.s32 $0xFFFFE000  }
0x20: {  	[spmem:s26] =	stream.linear.scatter [tilespmem:s0], [sflag:$0x5], $0x2000, $0x38;
	[tilespmem:$0x1E800] =	vst v63  }
0x21: {  	_ =	swait.ge [sflag:s2], $0x2000  }
0x22: {  	[sflag:s2] =	ssyncset.done $0x0  }
0x23: {  	[sflag:s2] =	ssyncadd.s32 $0xFFFFE000  }
0x24: {  	[spmem:s10] =	stream.linear.scatter [tilespmem:s0], [sflag:$0x5], $0x2000, $0x38;
	[tilespmem:$0x1E800] =	vst v63  }
0x25: {  	_ =	swait.ge [sflag:s2], $0x2000  }
0x26: {  	[sflag:s2] =	ssyncset.done $0x0  }
0x27: {  	[sflag:s2] =	ssyncadd.s32 $0xFFFFE000  }
0x28: {  	[spmem:s11] =	stream.linear.scatter [tilespmem:s0], [sflag:$0x5], $0x2000, $0x38;
	[tilespmem:$0x1E800] =	vst v63  }
0x29: {  	_ =	swait.ge [sflag:s2], $0x2000  }
0x2a: {  	[sflag:s2] =	ssyncset.done $0x0  }
0x2b: {  	[sflag:s2] =	ssyncadd.s32 $0xFFFFE000  }
0x2c: {  	[spmem:s13] =	stream.linear.scatter [tilespmem:s0], [sflag:$0x5], $0x2000, $0x38;
	[tilespmem:$0x1E800] =	vst v63  }
0x2d: {  	_ =	swait.ge [sflag:s2], $0x2000  }
0x2e: {  	[sflag:s2] =	ssyncset.done $0x0  }
0x2f: {  	[sflag:s2] =	ssyncadd.s32 $0xFFFFE000  }
0x30: {  	[spmem:s22] =	stream.linear.scatter [tilespmem:s0], [sflag:$0x5], $0x2000, $0x38;
	[tilespmem:$0x1E800] =	vst v63  }
0x31: {  	_ =	swait.ge [sflag:s2], $0x2000  }
0x32: {  	[sflag:s2] =	ssyncset.done $0x0  }
0x33: {  	[sflag:s2] =	ssyncadd.s32 $0xFFFFE000  }
0x34: {  	[spmem:s23] =	stream.linear.scatter [tilespmem:s0], [sflag:$0x5], $0x2000, $0x38;
	[tilespmem:$0x1E800] =	vst v63  }
0x35: {  	_ =	swait.ge [sflag:s2], $0x2000  }
0x36: {  	[sflag:s2] =	ssyncset.done $0x0  }
0x37: {  	[sflag:s2] =	ssyncadd.s32 $0xFFFFE000  }
0x38: {  	[spmem:s24] =	stream.linear.scatter [tilespmem:s0], [sflag:$0x5], $0x2000, $0x38;
	[tilespmem:$0x1E800] =	vst v63  }
0x39: {  	_ =	swait.ge [sflag:s2], $0x2000  }
0x3a: {  	[sflag:s2] =	ssyncset.done $0x0  }
0x3b: {  	[sflag:s2] =	ssyncadd.s32 $0xFFFFE000  }
0x3c: {  	[spmem:s25] =	stream.linear.scatter [tilespmem:s0], [sflag:$0x5], $0x2000, $0x38;
	[tilespmem:$0x1E800] =	vst v63  }
0x3d: {  	_ =	swait.ge [sflag:s2], $0x2000  }
0x3e: {  	[sflag:s2] =	ssyncset.done $0x0  }
0x3f: {  	s23 =	smov.u32 s1;
	[sflag:s2] =	ssyncadd.s32 $0xFFFFE000  }
0x40: {  	[spmem:s23] =	stream.linear.scatter [tilespmem:s0], [sflag:$0x5], $0x2000, $0x38;
	[tilespmem:$0x1E800] =	vst v63  }
0x41: {  	_ =	swait.ge [sflag:s2], $0x2000  }
0x42: {  	[sflag:s2] =	ssyncset.done $0x0  }
0x43: {  	[sflag:s2] =	ssyncadd.s32 $0xFFFFE000  }
0x44: {  	[spmem:s8] =	stream.linear.scatter [tilespmem:s0], [sflag:$0x5], $0x2000, $0x38;
	[tilespmem:$0x1E800] =	vst v63  }
0x45: {  	_ =	swait.ge [sflag:s2], $0x2000  }
0x46: {  	[sflag:s2] =	ssyncset.done $0x0  }
0x47: {  	[sflag:s2] =	ssyncadd.s32 $0xFFFFE000  }
0x48: {  	[bflag:$0x0] =	sbarrier.arrive $0xFFFF  }
0x49: {  	s8 =	rddreg [dreg:$0xf]  }
0x4a: {  	[tilespmem:s4], [sflag:$0x5] =	stream.linear.gather [hbm4b:s8+s4], $0x400, $0x38;
	[tilespmem:$0x1E800] =	vst v63  }
0x4b: {  	s31 =	smov.u32 s26;
	_ =	swait.ge [sflag:s2], $0x400  }
0x4c: {  	s28 =	smov.u32 s11;
	s26 =	smov.u32 s10;
	[sflag:s2] =	ssyncset.done $0x0  }
0x4d: {  	s11 =	simm.s32 $0x400;
	s10 =	rddreg [dreg:$0x10];
	[sflag:s2] =	ssyncadd.s32 $0xFFFFFC00  }
0x4e: {  	[tilespmem:s11], [sflag:$0x5] =	stream.linear.gather [hbm4b:s10+s4], $0x400, $0x38;
	[tilespmem:$0x1E800] =	vst v63  }
0x4f: {  	_ =	swait.ge [sflag:s2], $0x400  }
0x50: {  	[sflag:s2] =	ssyncset.done $0x0  }
0x51: {  	[sflag:s2] =	ssyncadd.s32 $0xFFFFFC00  }
0x52: {  	[tilespmem:s15], [sflag:$0x1] =	stream.indirect.gather [hbm4b:s5+s14], $0x80, s4, s14, $0xb8;
	[tilespmem:$0x1E800] =	vst v63  }
0x53: {  	_ = 	snop  }
0x54: {  	[tilespmem:s16], [sflag:$0x2] =	stream.indirect.gather [hbm4b:s5+s14], $0x80, s14, s14, $0xb8;
	[tilespmem:$0x1E800] =	vst v63  }
0x55: {  	_ =	swait.ge [sflag:s20], $0x4000  }
0x56: {  	[sflag:s20] =	ssyncset.done $0x0  }
0x57: {  	[sflag:s20] =	ssyncadd.s32 $0xFFFFC000  }
0x58: {  	[spmem:s3] =	stream.indirect.scatter.add.f32 [tilespmem:s15], [sflag:$0x3], $0x80, s11, s14, $0xb8;
	[tilespmem:$0x1E800] =	vst v63  }
0x59: {  	_ =	swait.ge [sflag:s17], $0x4000  }
0x5a: {  	[sflag:s17] =	ssyncset.done $0x0  }
0x5b: {  	s29 =	smov.u32 s13;
	s13 =	simm.s32 $0x480;
	[sflag:s17] =	ssyncadd.s32 $0xFFFFC000  }
0x5c: {  	[spmem:s3] =	stream.indirect.scatter.add.f32 [tilespmem:s16], [sflag:$0x4], $0x80, s13, s14, $0xb8;
	[tilespmem:$0x1E800] =	vst v63  }
0x5d: {  	s30 =	smov.u32 s22;
	s22 =	sand.u32 $0x3, s20;
	_ =	swait.ge [sflag:s18], $0x4000  }
0x5e: {  	p0 =	sne.s32 s22, $0x0;
	[sflag:s18] =	ssyncset.done $0x0  }
0x5f: {  	s13 =	sadd.s32 @!p0 $0x0, s12;
	[sflag:s18] =	ssyncadd.s32 $0xFFFFC000  }
0x60: {  	s22 =	simm.s32 @!p0 $0x5;
	s13 =	sshll.u32 @!p0 s13, $0x7;
	_ =	swait.ge [sflag:s19], $0x4000  }
0x61: {  	s1 =	smov.u32 s24;
	s13 =	sand.u32 @!p0 $0x1FFFFF80, s13;
	[sflag:s19] =	ssyncset.done $0x0  }
0x62: {  	s24 =	simm.s32 @!p0 $0x0;
	s23 =	sadd.s32 @!p0 s6, s13;
	[sflag:s19] =	ssyncadd.s32 $0xFFFFC000  }
0x63: {  	[tilespmem:s24], [sflag:$0x5] =	stream.linear.gather @!p0 [hbm4b:s23+s24], $0x400, $0x38;
	[tilespmem:$0x1E800] =	vst v63  }
0x64: {  	_ =	swait.ge @!p0 [sflag:s22], $0x400  }
0x65: {  	[sflag:s22] =	ssyncset.done @!p0 $0x0  }
0x66: {  	s13 =	sadd.s32 @!p0 s7, s13;
	s23 =	simm.s32 @!p0 $0x400;
	[sflag:s22] =	ssyncadd.s32 @!p0 $0xFFFFFC00  }
0x67: {  	[tilespmem:s23], [sflag:$0x5] =	stream.linear.gather @!p0 [hbm4b:s13+s24], $0x400, $0x38;
	[tilespmem:$0x1E800] =	vst v63  }
0x68: {  	_ =	swait.ge @!p0 [sflag:s22], $0x400  }
0x69: {  	s23 =	simm.s32 $0x100;
	[sflag:s22] =	ssyncset.done @!p0 $0x0  }
0x6a: {  	s13 =	sand.u32 $0x300, s23;
	[sflag:s22] =	ssyncadd.s32 @!p0 $0xFFFFFC00  }
0x6b: {  	[tilespmem:s15], [sflag:$0x1] =	stream.indirect.gather [hbm4b:s5+s14], $0x80, s13, s14, $0xb8;
	[tilespmem:$0x1E800] =	vst v63  }
0x6c: {  	s24 =	sor.u32 $0x80, s13  }
0x6d: {  	[tilespmem:s16], [sflag:$0x2] =	stream.indirect.gather [hbm4b:s5+s14], $0x80, s24, s14, $0xb8;
	[tilespmem:$0x1E800] =	vst v63  }
0x6e: {  	_ =	swait.ge [sflag:s20], $0x4000  }
0x6f: {  	[sflag:s20] =	ssyncset.done $0x0  }
0x70: {  	s25 =	sor.u32 $0x400, s13;
	[sflag:s20] =	ssyncadd.s32 $0xFFFFC000  }
0x71: {  	[spmem:s3] =	stream.indirect.scatter.add.f32 [tilespmem:s15], [sflag:$0x3], $0x80, s25, s14, $0xb8;
	[tilespmem:$0x1E800] =	vst v63  }
0x72: {  	s22 =	simm.s32 $0x200;
	_ =	swait.ge [sflag:s17], $0x4000  }
0x73: {  	s13 =	sor.u32 $0x480, s13;
	s24 =	simm.s32 $0x2;
	[sflag:s17] =	ssyncset.done $0x0  }
0x74: {  	s23 =	sand.u32 $0x3, s24;
	s25 =	simm.s32 $0x3;
	[sflag:s17] =	ssyncadd.s32 $0xFFFFC000  }
.LBB2_2:
0x75: {  	[spmem:s3] =	stream.indirect.scatter.add.f32 [tilespmem:s16], [sflag:$0x4], $0x80, s13, s14, $0xb8;
	[tilespmem:$0x1E800] =	vst v63  }
0x76: {  	s13 =	smov.u32 s25  }
0x77: {  	p1 =	sne.s32 s23, $0x0;
	s23 =	sand.u32 $0x3, s25;
	_ =	swait.ge [sflag:s18], $0x4000  }
0x78: {  	s25 =	sadd.s32 $0x1, s25;
	s24 =	sshrl.u32 @!p1 s24, $0x2;
	[sflag:s18] =	ssyncset.done $0x0  }
0x79: {  	p0 =	sne.s32 s25, $0x28;
	s24 =	sadd.s32 @!p1 s12, s24;
	[sflag:s18] =	ssyncadd.s32 $0xFFFFC000  }
0x7a: {  	s9 =	sshll.u32 @!p1 s24, $0x7;
	s24 =	smov.u32 s13;
	_ =	swait.ge [sflag:s19], $0x4000  }
0x7b: {  	s13 =	simm.s32 @!p1 $0x5;
	s9 =	sand.u32 @!p1 $0x1FFFFF80, s9;
	[sflag:s19] =	ssyncset.done $0x0  }
0x7c: {  	s11 =	simm.s32 @!p1 $0x0;
	s10 =	sadd.s32 @!p1 s6, s9;
	[sflag:s19] =	ssyncadd.s32 $0xFFFFC000  }
0x7d: {  	[tilespmem:s11], [sflag:$0x5] =	stream.linear.gather @!p1 [hbm4b:s10+s11], $0x400, $0x38;
	[tilespmem:$0x1E800] =	vst v63  }
0x7e: {  	s9 =	sadd.s32 @!p1 s7, s9;
	_ =	swait.ge @!p1 [sflag:s13], $0x400  }
0x7f: {  	[sflag:s13] =	ssyncset.done @!p1 $0x0  }
0x80: {  	s10 =	simm.s32 @!p1 $0x400;
	[sflag:s13] =	ssyncadd.s32 @!p1 $0xFFFFFC00  }
0x81: {  	[tilespmem:s10], [sflag:$0x5] =	stream.linear.gather @!p1 [hbm4b:s9+s11], $0x400, $0x38;
	[tilespmem:$0x1E800] =	vst v63  }
0x82: {  	_ =	swait.ge @!p1 [sflag:s13], $0x400  }
0x83: {  	[sflag:s13] =	ssyncset.done @!p1 $0x0  }
0x84: {  	s9 =	sand.u32 $0x300, s22;
	[sflag:s13] =	ssyncadd.s32 @!p1 $0xFFFFFC00  }
0x85: {  	[tilespmem:s15], [sflag:$0x1] =	stream.indirect.gather [hbm4b:s5+s14], $0x80, s9, s14, $0xb8;
	[tilespmem:$0x1E800] =	vst v63  }
0x86: {  	s10 =	sor.u32 $0x80, s9  }
0x87: {  	[tilespmem:s16], [sflag:$0x2] =	stream.indirect.gather [hbm4b:s5+s14], $0x80, s10, s14, $0xb8;
	[tilespmem:$0x1E800] =	vst v63  }
0x88: {  	_ =	swait.ge [sflag:s20], $0x4000  }
0x89: {  	[sflag:s20] =	ssyncset.done $0x0  }
.Ltmp0:
0x8a: {  	s10 =	sor.u32 $0x400, s9;
	[sflag:s20] =	ssyncadd.s32 $0xFFFFC000;
	(pc) =	sbr.rel @p0 .LBB2_2-.Ltmp0, $4  }
0x8b: {  	[spmem:s3] =	stream.indirect.scatter.add.f32 [tilespmem:s15], [sflag:$0x3], $0x80, s10, s14, $0xb8;
	[tilespmem:$0x1E800] =	vst v63  }
0x8c: {  	_ =	swait.ge [sflag:s17], $0x4000  }
0x8d: {  	[sflag:s17] =	ssyncset.done $0x0  }
0x8e: {  	s22 =	sadd.s32 $0x100, s22;
	s13 =	sor.u32 $0x480, s9;
	[sflag:s17] =	ssyncadd.s32 $0xFFFFC000  }
0x8f: {  	[spmem:s3] =	stream.indirect.scatter.add.f32 [tilespmem:s16], [sflag:$0x4], $0x80, s13, s14, $0xb8;
	[tilespmem:$0x1E800] =	vst v63  }
0x90: {  	p0 =	sne.s32 s23, $0x0;
	_ =	swait.ge [sflag:s18], $0x4000  }
0x91: {  	s9 =	sshrl.u32 @!p0 s24, $0x2;
	[sflag:s18] =	ssyncset.done $0x0  }
0x92: {  	s9 =	sadd.s32 @!p0 s12, s9;
	[sflag:s18] =	ssyncadd.s32 $0xFFFFC000  }
0x93: {  	s9 =	sshll.u32 @!p0 s9, $0x7;
	_ =	swait.ge [sflag:s19], $0x4000  }
0x94: {  	s10 =	simm.s32 @!p0 $0x5;
	s9 =	sand.u32 @!p0 $0x1FFFFF80, s9;
	[sflag:s19] =	ssyncset.done $0x0  }
0x95: {  	s13 =	simm.s32 @!p0 $0x0;
	s11 =	sadd.s32 @!p0 s6, s9;
	[sflag:s19] =	ssyncadd.s32 $0xFFFFC000  }
0x96: {  	[tilespmem:s13], [sflag:$0x5] =	stream.linear.gather @!p0 [hbm4b:s11+s13], $0x400, $0x38;
	[tilespmem:$0x1E800] =	vst v63  }
0x97: {  	_ =	swait.ge @!p0 [sflag:s10], $0x400  }
0x98: {  	[sflag:s10] =	ssyncset.done @!p0 $0x0  }
0x99: {  	s9 =	sadd.s32 @!p0 s7, s9;
	s11 =	simm.s32 @!p0 $0x400;
	[sflag:s10] =	ssyncadd.s32 @!p0 $0xFFFFFC00  }
0x9a: {  	[tilespmem:s11], [sflag:$0x5] =	stream.linear.gather @!p0 [hbm4b:s9+s13], $0x400, $0x38;
	[tilespmem:$0x1E800] =	vst v63  }
0x9b: {  	_ =	swait.ge @!p0 [sflag:s10], $0x400  }
0x9c: {  	[sflag:s10] =	ssyncset.done @!p0 $0x0  }
0x9d: {  	s24 =	sand.u32 $0x300, s22;
	[sflag:s10] =	ssyncadd.s32 @!p0 $0xFFFFFC00  }
0x9e: {  	[tilespmem:s15], [sflag:$0x1] =	stream.indirect.gather [hbm4b:s5+s14], $0x80, s24, s14, $0xb8;
	[tilespmem:$0x1E800] =	vst v63  }
0x9f: {  	s25 =	sor.u32 $0x80, s24  }
0xa0: {  	[tilespmem:s16], [sflag:$0x2] =	stream.indirect.gather [hbm4b:s5+s14], $0x80, s25, s14, $0xb8;
	[tilespmem:$0x1E800] =	vst v63  }
0xa1: {  	_ =	swait.ge [sflag:s20], $0x4000  }
0xa2: {  	[sflag:s20] =	ssyncset.done $0x0  }
0xa3: {  	s8 =	sor.u32 $0x400, s24;
	[sflag:s20] =	ssyncadd.s32 $0xFFFFC000  }
0xa4: {  	[spmem:s3] =	stream.indirect.scatter.add.f32 [tilespmem:s15], [sflag:$0x3], $0x80, s8, s14, $0xb8;
	[tilespmem:$0x1E800] =	vst v63  }
0xa5: {  	_ =	swait.ge [sflag:s17], $0x4000  }
0xa6: {  	[sflag:s17] =	ssyncset.done $0x0  }
0xa7: {  	s9 =	sor.u32 $0x480, s24;
	[sflag:s17] =	ssyncadd.s32 $0xFFFFC000  }
0xa8: {  	[spmem:s3] =	stream.indirect.scatter.add.f32 [tilespmem:s16], [sflag:$0x4], $0x80, s9, s14, $0xb8;
	[tilespmem:$0x1E800] =	vst v63  }
0xa9: {  	_ =	swait.ge [sflag:s18], $0x4000  }
0xaa: {  	[sflag:s18] =	ssyncset.done $0x0  }
0xab: {  	[sflag:s18] =	ssyncadd.s32 $0xFFFFC000  }
0xac: {  	_ =	swait.ge [sflag:s19], $0x4000  }
0xad: {  	[sflag:s19] =	ssyncset.done $0x0  }
0xae: {  	[sflag:s19] =	ssyncadd.s32 $0xFFFFC000  }
0xaf: {  	[bflag:$0x0] =	sbarrier.arrive $0xFFFF  }
0xb0: {  	[tilespmem:s0], [sflag:$0x5] =	stream.linear.gather [spmem:s31], $0x2000, $0x38;
	[tilespmem:$0x1E800] =	vst v63  }
0xb1: {  	_ =	swait.ge [sflag:s2], $0x2000  }
0xb2: {  	[sflag:s2] =	ssyncset.done $0x0  }
0xb3: {  	s11 =	rddreg [dreg:$0x4];
	[sflag:s2] =	ssyncadd.s32 $0xFFFFE000  }
0xb4: {  	[hbm4b:s11+s4] =	stream.linear.scatter [tilespmem:s0], [sflag:$0x5], $0x2000, $0x38;
	[tilespmem:$0x1E800] =	vst v63  }
0xb5: {  	_ =	swait.ge [sflag:s2], $0x2000  }
0xb6: {  	[sflag:s2] =	ssyncset.done $0x0  }
0xb7: {  	[sflag:s2] =	ssyncadd.s32 $0xFFFFE000  }
0xb8: {  	[tilespmem:s0], [sflag:$0x5] =	stream.linear.gather [spmem:s26], $0x2000, $0x38;
	[tilespmem:$0x1E800] =	vst v63  }
0xb9: {  	_ =	swait.ge [sflag:s2], $0x2000  }
0xba: {  	[sflag:s2] =	ssyncset.done $0x0  }
0xbb: {  	s13 =	rddreg [dreg:$0x5];
	[sflag:s2] =	ssyncadd.s32 $0xFFFFE000  }
0xbc: {  	[hbm4b:s13+s4] =	stream.linear.scatter [tilespmem:s0], [sflag:$0x5], $0x2000, $0x38;
	[tilespmem:$0x1E800] =	vst v63  }
0xbd: {  	_ =	swait.ge [sflag:s2], $0x2000  }
0xbe: {  	[sflag:s2] =	ssyncset.done $0x0  }
0xbf: {  	[sflag:s2] =	ssyncadd.s32 $0xFFFFE000  }
0xc0: {  	[tilespmem:s0], [sflag:$0x5] =	stream.linear.gather [spmem:s28], $0x2000, $0x38;
	[tilespmem:$0x1E800] =	vst v63  }
0xc1: {  	_ =	swait.ge [sflag:s2], $0x2000  }
0xc2: {  	[sflag:s2] =	ssyncset.done $0x0  }
0xc3: {  	s22 =	rddreg [dreg:$0x6];
	[sflag:s2] =	ssyncadd.s32 $0xFFFFE000  }
0xc4: {  	[hbm4b:s22+s4] =	stream.linear.scatter [tilespmem:s0], [sflag:$0x5], $0x2000, $0x38;
	[tilespmem:$0x1E800] =	vst v63  }
0xc5: {  	_ =	swait.ge [sflag:s2], $0x2000  }
0xc6: {  	[sflag:s2] =	ssyncset.done $0x0  }
0xc7: {  	[sflag:s2] =	ssyncadd.s32 $0xFFFFE000  }
0xc8: {  	[tilespmem:s0], [sflag:$0x5] =	stream.linear.gather [spmem:s29], $0x2000, $0x38;
	[tilespmem:$0x1E800] =	vst v63  }
0xc9: {  	_ =	swait.ge [sflag:s2], $0x2000  }
0xca: {  	[sflag:s2] =	ssyncset.done $0x0  }
0xcb: {  	s23 =	rddreg [dreg:$0x7];
	[sflag:s2] =	ssyncadd.s32 $0xFFFFE000  }
0xcc: {  	[hbm4b:s23+s4] =	stream.linear.scatter [tilespmem:s0], [sflag:$0x5], $0x2000, $0x38;
	[tilespmem:$0x1E800] =	vst v63  }
0xcd: {  	_ =	swait.ge [sflag:s2], $0x2000  }
0xce: {  	[sflag:s2] =	ssyncset.done $0x0  }
0xcf: {  	[sflag:s2] =	ssyncadd.s32 $0xFFFFE000  }
0xd0: {  	[tilespmem:s0], [sflag:$0x5] =	stream.linear.gather [spmem:s30], $0x2000, $0x38;
	[tilespmem:$0x1E800] =	vst v63  }
0xd1: {  	_ =	swait.ge [sflag:s2], $0x2000  }
0xd2: {  	[sflag:s2] =	ssyncset.done $0x0  }
0xd3: {  	s24 =	rddreg [dreg:$0x8];
	[sflag:s2] =	ssyncadd.s32 $0xFFFFE000  }
0xd4: {  	[hbm4b:s24+s4] =	stream.linear.scatter [tilespmem:s0], [sflag:$0x5], $0x2000, $0x38;
	[tilespmem:$0x1E800] =	vst v63  }
0xd5: {  	_ =	swait.ge [sflag:s2], $0x2000  }
0xd6: {  	[sflag:s2] =	ssyncset.done $0x0  }
0xd7: {  	s23 =	rddreg [dreg:$0x14];
	[sflag:s2] =	ssyncadd.s32 $0xFFFFE000  }
0xd8: {  	[tilespmem:s0], [sflag:$0x5] =	stream.linear.gather [spmem:s23], $0x2000, $0x38;
	[tilespmem:$0x1E800] =	vst v63  }
0xd9: {  	_ =	swait.ge [sflag:s2], $0x2000  }
0xda: {  	[sflag:s2] =	ssyncset.done $0x0  }
0xdb: {  	s25 =	rddreg [dreg:$0x9];
	[sflag:s2] =	ssyncadd.s32 $0xFFFFE000  }
0xdc: {  	[hbm4b:s25+s4] =	stream.linear.scatter [tilespmem:s0], [sflag:$0x5], $0x2000, $0x38;
	[tilespmem:$0x1E800] =	vst v63  }
0xdd: {  	_ =	swait.ge [sflag:s2], $0x2000  }
0xde: {  	[sflag:s2] =	ssyncset.done $0x0  }
0xdf: {  	[sflag:s2] =	ssyncadd.s32 $0xFFFFE000  }
0xe0: {  	[tilespmem:s0], [sflag:$0x5] =	stream.linear.gather [spmem:s1], $0x2000, $0x38;
	[tilespmem:$0x1E800] =	vst v63  }
0xe1: {  	_ =	swait.ge [sflag:s2], $0x2000  }
0xe2: {  	[sflag:s2] =	ssyncset.done $0x0  }
0xe3: {  	s10 =	smov.u32 s26;
	s26 =	rddreg [dreg:$0xa];
	[sflag:s2] =	ssyncadd.s32 $0xFFFFE000  }
0xe4: {  	[hbm4b:s26+s4] =	stream.linear.scatter [tilespmem:s0], [sflag:$0x5], $0x2000, $0x38;
	[tilespmem:$0x1E800] =	vst v63  }
0xe5: {  	_ =	swait.ge [sflag:s2], $0x2000  }
0xe6: {  	[sflag:s2] =	ssyncset.done $0x0  }
0xe7: {  	s25 =	rddreg [dreg:$0x11];
	[sflag:s2] =	ssyncadd.s32 $0xFFFFE000  }
0xe8: {  	[tilespmem:s0], [sflag:$0x5] =	stream.linear.gather [spmem:s25], $0x2000, $0x38;
	[tilespmem:$0x1E800] =	vst v63  }
0xe9: {  	_ =	swait.ge [sflag:s2], $0x2000  }
0xea: {  	[sflag:s2] =	ssyncset.done $0x0  }
0xeb: {  	s11 =	smov.u32 s28;
	s28 =	rddreg [dreg:$0xb];
	[sflag:s2] =	ssyncadd.s32 $0xFFFFE000  }
0xec: {  	[hbm4b:s28+s4] =	stream.linear.scatter [tilespmem:s0], [sflag:$0x5], $0x2000, $0x38;
	[tilespmem:$0x1E800] =	vst v63  }
0xed: {  	_ =	swait.ge [sflag:s2], $0x2000  }
0xee: {  	[sflag:s2] =	ssyncset.done $0x0  }
0xef: {  	s24 =	smov.u32 s1;
	s1 =	rddreg [dreg:$0x12];
	[sflag:s2] =	ssyncadd.s32 $0xFFFFE000  }
0xf0: {  	[tilespmem:s0], [sflag:$0x5] =	stream.linear.gather [spmem:s1], $0x2000, $0x38;
	[tilespmem:$0x1E800] =	vst v63  }
0xf1: {  	_ =	swait.ge [sflag:s2], $0x2000  }
0xf2: {  	[sflag:s2] =	ssyncset.done $0x0  }
0xf3: {  	s13 =	smov.u32 s29;
	s29 =	rddreg [dreg:$0xc];
	[sflag:s2] =	ssyncadd.s32 $0xFFFFE000  }
0xf4: {  	[hbm4b:s29+s4] =	stream.linear.scatter [tilespmem:s0], [sflag:$0x5], $0x2000, $0x38;
	[tilespmem:$0x1E800] =	vst v63  }
0xf5: {  	_ =	swait.ge [sflag:s2], $0x2000  }
0xf6: {  	[sflag:s2] =	ssyncset.done $0x0  }
0xf7: {  	s8 =	rddreg [dreg:$0x13];
	[sflag:s2] =	ssyncadd.s32 $0xFFFFE000  }
0xf8: {  	[tilespmem:s0], [sflag:$0x5] =	stream.linear.gather [spmem:s8], $0x2000, $0x38;
	[tilespmem:$0x1E800] =	vst v63  }
0xf9: {  	_ =	swait.ge [sflag:s2], $0x2000  }
0xfa: {  	[sflag:s2] =	ssyncset.done $0x0  }
0xfb: {  	s22 =	smov.u32 s30;
	s30 =	rddreg [dreg:$0xd];
	[sflag:s2] =	ssyncadd.s32 $0xFFFFE000  }
0xfc: {  	[hbm4b:s30+s4] =	stream.linear.scatter [tilespmem:s0], [sflag:$0x5], $0x2000, $0x38;
	[tilespmem:$0x1E800] =	vst v63  }
0xfd: {  	_ =	swait.ge [sflag:s2], $0x2000  }
0xfe: {  	s21 =	sadd.s32 $0x1, s21;
	s26 =	smov.u32 s31;
	s31 =	rddreg [dreg:$0xe]  }
0xff: {  	p0 =	sne.s32 s21, s31  }
.Ltmp1:
0x100: {  	_ = 	snop;
	(pc) =	sbr.rel @p0 .LBB2_1-.Ltmp1, $3  }
0x101: {  	_ =	sdelay $0x1  }
0x102: {  	[sflag:s2] =	ssyncset.done $0x0  }
0x103: {  	[sflag:s2] =	ssyncadd.s32 $0xFFFFE000  }
0x104: {  	_ =	sfence.sel $0x180000  }
0x105: {  	[bflag:$0x0] =	sbarrier.arrive $0xFFFF  }
0x106: {  	_ =	strace $0x9000004D  }
0x107: {  	s0 =	stileid.u32;
	[bflag:$0x2] =	sbarrier.arrive $0xFFFF  }
0x108: {  	p0 =	sne.s32 s0, $0x0;
	s0 =	rddreg [dreg:$0x3]  }
0x109: {  	s0 =	sadd.s32 @!p0 $0x100000, s0  }
0x10a: {  	[sflag:s0] =	ssyncadd.tile.s32 @!p0 $0x1;
	_ =	shalt  }
.Lfunc_end2:
_tile_overlayer_lowered:
.L_overlay_start_2:
0x10b: {  	(tag) =	ssettag $0x2  }
0x10c: {  	s0 =	rddreg [dreg:$0x0];
	s2 =	stileid.u32  }
0x10d: {  	s1 =	rddreg [dreg:$0x1];
	p0 =	sne.s32 s2, $0x0  }
0x10e: {  	s3 =	rddreg [dreg:$0x2];
	[bflag:$0x3] =	sbarrier.arrive $0xFFFF;
	s2 =	simm.s32 @!p0 $0x1C05  }
0x10f: {  	[timem:s3], [sflag:s2] =	dma.local @!p0 [hbm:s0], s1  }
0x110: {  	s0 =	simm.s32 @!p0 $0x5  }
0x111: {  	_ =	swait.ge @!p0 [sflag:s0], s1  }
0x112: {  	s1 =	ssub.s32 @!p0 $0x0, s1;
	[sflag:s0] =	ssyncset.done @!p0 $0x0  }
0x113: {  	[sflag:s0] =	ssyncadd.s32 @!p0 s1  }
0x114: {  	[bflag:$0x3] =	sbarrier.arrive $0xFFFF  }
0x115: {  	_ =	shalt  }

// kernel: kernel.8.cloned.1.call-start
scs
__scs_entry_jumppad:
0x0: {  	(pc) =	sbr.rel $0x88, $3  }
0x1: {  	(tag) =	ssettag $0x0;
	lr =	simm.s32 $0x1  }
0x2: {  	[smem:$0x3F97] =	sst lr;
	_ =	strace $0xD0000000  }
0x3: {  	_ = 	snop  }
0x4: {  	_ = 	snop  }
0x5: {  	_ = 	snop  }
0x6: {  	_ = 	snop  }
0x7: {  	_ = 	snop  }
__scs_overlays_trampoline_lowered:
0x8: {  	[smem:$0x3FA6] =	sst s0  }
0x9: {  	[smem:$0x3FA7] =	sst s1  }
0xa: {  	[smem:$0x3FA8] =	sst s2  }
0xb: {  	[smem:$0x3FA9] =	sst s3  }
0xc: {  	[smem:$0x3FAA] =	sst s4  }
0xd: {  	[smem:$0x3FAB] =	sst s5  }
0xe: {  	[smem:$0x3FAC] =	sst s6  }
0xf: {  	[smem:$0x3FAD] =	sst s7  }
0x10: {  	[smem:$0x3FAE] =	sst s8  }
0x11: {  	[smem:$0x3FAF] =	sst s9;
	s0 =	simm.s32 @!p0 $0x0  }
0x12: {  	s1 =	sld [smem:$0x3F95];
	s0 =	simm.s32 @p0 $0x1  }
0x13: {  	[smem:$0x3FB0] =	sst s0;
	s0 =	simm.s32 @!p1 $0x0  }
0x14: {  	s2 =	sld [smem:$0x3F94];
	s0 =	simm.s32 @p1 $0x1  }
0x15: {  	[smem:$0x3FB1] =	sst s0;
	s0 =	simm.s32 @!p2 $0x0  }
0x16: {  	s3 =	sld [smem:$0x3FDB];
	s0 =	simm.s32 @p2 $0x1  }
0x17: {  	s4 =	simm.s32 $0x1BF5;
	[smem:$0x3FB3] =	sst s0  }
0x18: {  	s0 =	sld [smem:$0x3F96];
	_ =	swait.ge [sflag:s4], $0x0  }
0x19: {  	s7 =	sld [smem:$0x3F97]  }
0x1a: {  	s8 =	sadd.s32 $0xFFFFE003, lr  }
0x1b: {  	s9 =	sadd.s32 $0xFFFFFEF7, lr;
	s5 =	simm.s32 $0xFFFFFFFF;
	p2 =	slt.u32 s8, $0xFFFFF086  }
0x1c: {  	p1 =	slt.u32 s9, $0xF7A;
	s5 =	simm.s32 @!p2 $0x0  }
0x1d: {  	s5 =	simm.s32 @p1 $0x1;
	p0 =	seq.s32 s7, s2  }
0x1e: {  	s7 =	smul.u32 @!p0 $0xF7A, s2;
	p2 =	seq.s32 @!p0 s5, $0x0  }
0x1f: {  	s9 =	smul.u32 $0xF7A, s1;
	s8 =	simm.s32 @!p0 $0x1BF5;
	p2 =	por !p2, p0  }
0x20: {  	[sflag:s8] =	ssyncset.s32 @!p0 $0xFFFFF086;
	s6 =	sadd.s32 @!p0 s3, s7;
	s7 =	simm.s32 @!p0 $0x108  }
0x21: {  	s3 =	sadd.s32 s3, s9;
	s6 =	sadd.s32 @!p0 $0x88, s6;
	s7 =	simm.s32 @p2 $0x1082  }
0x22: {  	[simem:s7], [sflag:s8] =	dma.local @!p0 [hbm:s6], $0xF7A  }
0x23: {  	s9 =	sor.u32 $0xD0000000, s2;
	s6 =	simm.s32 $0x108;
	_ =	swait.ge @!p0 [sflag:s8], $0x0  }
0x24: {  	s3 =	sadd.s32 $0x88, s3;
	s6 =	simm.s32 @!p1 $0x1082;
	[sflag:s4] =	ssyncset.s32 $0xFFFFF086  }
0x25: {  	[simem:s6], [sflag:s4] =	dma.local [hbm:s3], $0xF7A  }
0x26: {  	[smem:$0x3F97] =	sst s1;
	(tag) =	ssettag s2;
	_ =	strace s9  }
0x27: {  	s1 =	sld [smem:$0x3FA7]  }
0x28: {  	s2 =	sld [smem:$0x3FA8]  }
0x29: {  	s4 =	sld [smem:$0x3FAA]  }
0x2a: {  	p0 =	seq.s32 s5, $0x0;
	s5 =	sld [smem:$0x3FAB]  }
0x2b: {  	s6 =	sld [smem:$0x3FAC]  }
0x2c: {  	s7 =	sld [smem:$0x3FAD]  }
0x2d: {  	s3 =	simm.s32 $0x108;
	s8 =	sld [smem:$0x3FAE]  }
0x2e: {  	s3 =	simm.s32 @!p0 $0x1082;
	s9 =	sld [smem:$0x3FAF]  }
0x2f: {  	lr =	sadd.s32 s0, s3;
	s0 =	sld [smem:$0x3FA6]  }
0x30: {  	s3 =	sld [smem:$0x3FA9]  }
0x31: {  	[smem:$0x3FB2] =	sst s10  }
0x32: {  	s10 =	sld [smem:$0x3FB0];
	_ =	sdelay $0x3  }
0x33: {  	p0 =	seq.s32 s10, $0x1;
	s10 =	sld [smem:$0x3FB2];
	_ =	sdelay $0x3  }
0x34: {  	[smem:$0x3FB2] =	sst s10  }
0x35: {  	s10 =	sld [smem:$0x3FB1];
	_ =	sdelay $0x3  }
0x36: {  	p1 =	seq.s32 s10, $0x1;
	s10 =	sld [smem:$0x3FB2];
	_ =	sdelay $0x3  }
0x37: {  	[smem:$0x3FB2] =	sst s10  }
0x38: {  	s10 =	sld [smem:$0x3FB3]  }
0x39: {  	_ = 	snop;
	(pc) =	sbr.ind lr, $3  }
0x3a: {  	_ = 	snop  }
0x3b: {  	_ = 	snop  }
0x3c: {  	p2 =	seq.s32 s10, $0x1;
	s10 =	sld [smem:$0x3FB2]  }
0x3d: {  	_ =	shalt  }
0x3e: {  	_ =	shalt  }
0x3f: {  	_ =	shalt  }
0x40: {  	_ =	shalt  }
0x41: {  	_ =	shalt  }
0x42: {  	_ =	shalt  }
0x43: {  	_ =	shalt  }
0x44: {  	_ =	shalt  }
0x45: {  	_ =	shalt  }
0x46: {  	_ =	shalt  }
0x47: {  	_ =	shalt  }
0x48: {  	_ =	shalt  }
0x49: {  	_ =	shalt  }
0x4a: {  	_ =	shalt  }
0x4b: {  	_ =	shalt  }
0x4c: {  	_ =	shalt  }
0x4d: {  	_ =	shalt  }
0x4e: {  	_ =	shalt  }
0x4f: {  	_ =	shalt  }
0x50: {  	_ =	shalt  }
0x51: {  	_ =	shalt  }
0x52: {  	_ =	shalt  }
0x53: {  	_ =	shalt  }
0x54: {  	_ =	shalt  }
0x55: {  	_ =	shalt  }
0x56: {  	_ =	shalt  }
0x57: {  	_ =	shalt  }
0x58: {  	_ =	shalt  }
0x59: {  	_ =	shalt  }
0x5a: {  	_ =	shalt  }
0x5b: {  	_ =	shalt  }
0x5c: {  	_ =	shalt  }
0x5d: {  	_ =	shalt  }
0x5e: {  	_ =	shalt  }
0x5f: {  	_ =	shalt  }
0x60: {  	_ =	shalt  }
0x61: {  	_ =	shalt  }
0x62: {  	_ =	shalt  }
0x63: {  	_ =	shalt  }
0x64: {  	_ =	shalt  }
0x65: {  	_ =	shalt  }
0x66: {  	_ =	shalt  }
0x67: {  	_ =	shalt  }
0x68: {  	_ =	shalt  }
0x69: {  	_ =	shalt  }
0x6a: {  	_ =	shalt  }
0x6b: {  	_ =	shalt  }
0x6c: {  	_ =	shalt  }
0x6d: {  	_ =	shalt  }
0x6e: {  	_ =	shalt  }
0x6f: {  	_ =	shalt  }
0x70: {  	_ =	shalt  }
0x71: {  	_ =	shalt  }
0x72: {  	_ =	shalt  }
0x73: {  	_ =	shalt  }
0x74: {  	_ =	shalt  }
0x75: {  	_ =	shalt  }
0x76: {  	_ =	shalt  }
0x77: {  	_ =	shalt  }
0x78: {  	_ =	shalt  }
0x79: {  	_ =	shalt  }
0x7a: {  	_ =	shalt  }
0x7b: {  	_ =	shalt  }
0x7c: {  	_ =	shalt  }
0x7d: {  	_ =	shalt  }
0x7e: {  	_ =	shalt  }
0x7f: {  	_ =	shalt  }
0x80: {  	_ =	shalt  }
0x81: {  	_ =	shalt  }
0x82: {  	_ =	shalt  }
0x83: {  	_ =	shalt  }
0x84: {  	_ =	shalt  }
0x85: {  	_ =	shalt  }
0x86: {  	_ =	shalt  }
0x87: {  	_ =	shalt  }
.Lfunc_end0:
.L_simem_size_0:
called_computation_lowered:
.L_overlay_start_0:
0x88: {  	s2 =	sld [smem:$0x3FD9]  }
0x89: {  	s3 =	sld [smem:$0x3FFE];
	_ =	sdelay $0x1  }
0x8a: {  	s1 =	srdreg.scid  }
0x8b: {  	s0 =	sand.u32 $0x1, s1  }
0x8c: {  	s17 =	sshll.u32 s0, $0xA;
	s2 =	sadd.s32 s3, s2  }
0x8d: {  	s2 =	sadd.s32 s2, s17  }
0x8e: {  	[smem:$0x3FBE] =	sst s2  }
0x8f: {  	_ = 	snop  }
0x90: {  	s2 =	sld [smem:$0x3FD0];
	(tm) =	ssettm $0x1  }
0x91: {  	s18 =	sld [smem:$0x3FFB];
	_ =	sdelay $0x3  }
0x92: {  	_ =	strace s18  }
0x93: {  	s3 =	sld [smem:$0x3FFC];
	_ =	sdelay $0x3  }
0x94: {  	_ =	strace s3  }
0x95: {  	s3 =	sld [smem:$0x3FFD];
	_ =	sdelay $0x3  }
0x96: {  	_ =	strace s3  }
0x97: {  	_ =	strace $0x8FFFFFFF  }
0x98: {  	s19 =	sld [smem:$0x3FDB];
	_ =	sdelay $0x1  }
0x99: {  	s4 =	simm.s32 $_scs_section_size  }
0x9a: {  	s5 =	simm.s32 $_size__tile_overlayer_lowered;
	s6 =	simm.s32 $_tile_overlayer_lowered  }
0x9b: {  	s22 =	simm.s32 $0x1BFF;
	s21 =	sshll.u32 s6, $0x1;
	s3 =	sadd.s32 s4, s19  }
0x9c: {  	s7 =	simm.s32 $0x0;
	s20 =	sshll.u32 s5, $0x1;
	s5 =	sadd.s32 s21, s3  }
0x9d: {  	[timem:s7], [sflag:s22] =	dma.local [hbm:s5], s20  }
0x9e: {  	_ =	swait.ge [sflag:s22], s20  }
0x9f: {  	s4 =	ssub.s32 $0x0, s20;
	[sflag:s22] =	ssyncset.done $0x0  }
0xa0: {  	[sflag:s22] =	ssyncadd.s32 s4;
	_ =	sdelay $0x1  }
0xa1: {  	s23 =	simm.s32 $0x1B8B  }
0xa2: {  	_ =	swait.ge [sflag:s23], $0x1  }
0xa3: {  	[sflag:s23] =	ssyncset.done $0x0  }
0xa4: {  	s25 =	simm.s32 $0x1B8E;
	s24 =	sld [smem:$0x3FFE];
	[sflag:s23] =	ssyncadd.s32 $0xFFFFFFFF  }
0xa5: {  	s26 =	simm.s32 $execute0_lowered;
	[smem:$0x3FD2] =	sst s25  }
0xa6: {  	s5 =	sshll.u32 s26, $0x1;
	_ =	strace $0x80000046;
	[dreg:$0x1] =	wrdreg $0xFFFFFFFF  }
0xa7: {  	s28 =	simm.s32 $_size_execute0_lowered;
	s3 =	sadd.s32 s3, s5;
	[dreg:$0x0] =	wrdreg $0x0  }
0xa8: {  	s5 =	sshll.u32 s28, $0x1;
	[dreg:$0x2] =	wrdreg s3  }
0xa9: {  	[dreg:$0x3] =	wrdreg s5  }
0xaa: {  	[dreg:$0x4] =	wrdreg $0xC0  }
0xab: {  	_ =	task [dreg:s7], $0x5FFFF  }
0xac: {  	[dreg:$0x1] =	wrdreg $0xFFFFFFFF  }
0xad: {  	[dreg:$0x0] =	wrdreg $0x60  }
0xae: {  	[dreg:$0x2] =	wrdreg s24  }
0xaf: {  	[dreg:$0x3] =	wrdreg s2  }
0xb0: {  	[dreg:$0x4] =	wrdreg $0x64000  }
0xb1: {  	[dreg:$0x5] =	wrdreg $0x9  }
0xb2: {  	_ =	task.clear_ibuf [dreg:s7], $0x6FFFF;
	_ =	strace $0x90000046  }
0xb3: {  	s29 =	simm.s32 $0x9;
	_ =	strace $0x80000048  }
0xb4: {  	_ =	swait.ge [sflag:s29], $0x1  }
0xb5: {  	[sflag:s29] =	ssyncadd.s32 $0xFFFFFFFF  }
0xb6: {  	_ =	strace $0x90000048  }
0xb7: {  	_ =	sfence  }
0xb8: {  	s30 =	sld [smem:$0x0];
	_ =	sdelay $0x2  }
0xb9: {  	s31 =	sshll.u32 s1, $0xD;
	s1 =	sshrl.u32 s1, $0x2  }
0xba: {  	s3 =	sand.u32 $0x4000, s31;
	s1 =	sadd.s32 s1, s30  }
0xbb: {  	s0 =	sor.u32 s3, s0;
	s1 =	sshll.u32 s1, $0x11  }
0xbc: {  	s0 =	sor.u32 s1, s0  }
0xbd: {  	s0 =	sadd.s32 $0x8F2B, s0  }
0xbe: {  	[sflag:s0] =	ssyncadd.remote.s32 $0x1  }
0xbf: {  	_ =	sfence.sel $0xFFFF  }
0xc0: {  	[dreg:$0x0] =	wrdreg $0xFFFFFFFF;
	(pc) =	sbr.abs _section_cstart, $3  }
0xc1: {  	[dreg:$0x1] =	wrdreg $0xFFFFFFFF  }
0xc2: {  	_ =	task.clear_ibuf [dreg:s7], $0x2FFFF;
	_ =	strace $0x9FFFFFFF  }
0xc3: {  	(tm) =	ssettm $0x7FFFFFFF  }
tec
execute0_lowered:
.L_overlay_start_1:
0x0: {  	(tag) =	ssettag $0x1  }
0x1: {  	s0 =	rddreg [dreg:$0x0]  }
0x2: {  	s1 =	srdreg.scid;
	s8 =	stileid.u32  }
0x3: {  	s3 =	rddreg [dreg:$0x2];
	s4 =	simm.s32 $0x0;
	s31 =	simm.s32 $0x3  }
0x4: {  	s14 =	simm.s32 $0x400;
	s15 =	simm.s32 $0x0;
	s2 =	smul.u32 $0x280, s8  }
0x5: {  	s1 =	sand.u32 $0x1, s1;
	[smem:$0x7FF] =	sst s4;
	s6 =	smul.u32 $0x50000, s8  }
0x6: {  	s7 =	sadd.s32 $0x16C00, s0;
	s8 =	sshll.u32 s8, $0x1;
	s5 =	smul.u32 $0x2800, s1  }
0x7: {  	_ =	strace $0x80000047;
	[dreg:$0x4] =	wrdreg s7;
	s16 =	ssub.s32 $0x2, s1  }
0x8: {  	s1 =	sor.u32 s1, s8;
	s17 =	sshrl.u32 s16, $0x1;
	s2 =	sadd.s32 s2, s5  }
0x9: {  	s6 =	sshrl.u32 s6, $0x2;
	s13 =	smul.u32 $0xA, s1;
	s2 =	sshll.u32 s2, $0x4  }
0xa: {  	s1 =	smul.u32 $0x500, s1;
	s5 =	sadd.s32 $0xCC00, s0;
	s0 =	sadd.s32 s2, s0  }
0xb: {  	s7 =	sadd.s32 s6, s3;
	s6 =	simm.s32 $0x2;
	s18 =	sadd.s32 $0x17400, s0  }
0xc: {  	s8 =	sadd.s32 $0x2000, s7;
	s19 =	sadd.s32 $0x17800, s0;
	[dreg:$0x5] =	wrdreg s18  }
0xd: {  	s9 =	sadd.s32 $0x4000, s7;
	s20 =	sadd.s32 $0x17C00, s0;
	[dreg:$0x6] =	wrdreg s19  }
0xe: {  	s10 =	sadd.s32 $0x6000, s7;
	s21 =	sadd.s32 $0x18000, s0;
	[dreg:$0x7] =	wrdreg s20  }
0xf: {  	s11 =	sadd.s32 $0x8000, s7;
	s22 =	sadd.s32 $0x18400, s0;
	[dreg:$0x8] =	wrdreg s21  }
0x10: {  	s12 =	sadd.s32 $0xA000, s7;
	s23 =	sadd.s32 $0x18800, s0;
	[dreg:$0x9] =	wrdreg s22  }
0x11: {  	s28 =	sadd.s32 $0xE000, s7;
	s24 =	sadd.s32 $0x18C00, s0;
	[dreg:$0xa] =	wrdreg s23  }
0x12: {  	s29 =	sadd.s32 $0x10000, s7;
	s25 =	sadd.s32 $0x19000, s0;
	[dreg:$0xb] =	wrdreg s24  }
0x13: {  	s30 =	sadd.s32 $0x12000, s7;
	s26 =	sadd.s32 $0x19400, s0;
	[dreg:$0xc] =	wrdreg s25  }
0x14: {  	s2 =	ssub.s32 s16, s17;
	[dreg:$0xd] =	wrdreg s26;
	s23 =	sadd.s32 $0x19800, s0  }
0x15: {  	s24 =	smax.u32 s2, $0x1;
	s25 =	sadd.s32 s5, s1;
	s26 =	sadd.s32 $0xC000, s7  }
0x16: {  	s1 =	simm.s32 $0x4400;
	s0 =	simm.s32 $0x80;
	s2 =	simm.s32 $0x1  }
.LBB2_1:
0x17: {  	s16 =	rddreg [dreg:$0x4]  }
0x18: {  	[tilespmem:s14], [sflag:$0x3] =	stream.linear.gather [hbm4b:s16+s4], $0x4000, $0x38;
	[tilespmem:$0x1A400] =	vst v63  }
0x19: {  	_ =	swait.ge [sflag:s31], $0x4000  }
0x1a: {  	[sflag:s31] =	ssyncset.done $0x0  }
0x1b: {  	[sflag:s31] =	ssyncadd.s32 $0xFFFFC000  }
0x1c: {  	s20 =	rddreg [dreg:$0x1]  }
0x1d: {  	[tilespmem:s1], [sflag:$0x3] =	stream.linear.gather [hbm4b:s20+s4], $0x2000, $0x38;
	[tilespmem:$0x1A400] =	vst v63  }
0x1e: {  	_ =	swait.ge [sflag:s31], $0x2000  }
0x1f: {  	[sflag:s31] =	ssyncset.done $0x0  }
0x20: {  	[sflag:s31] =	ssyncadd.s32 $0xFFFFE000  }
0x21: {  	[spmem:s7] =	stream.linear.scatter [tilespmem:s1], [sflag:$0x3], $0x2000, $0x38;
	[tilespmem:$0x1A400] =	vst v63  }
0x22: {  	_ =	swait.ge [sflag:s31], $0x2000  }
0x23: {  	[sflag:s31] =	ssyncset.done $0x0  }
0x24: {  	[sflag:s31] =	ssyncadd.s32 $0xFFFFE000  }
0x25: {  	[spmem:s8] =	stream.linear.scatter [tilespmem:s1], [sflag:$0x3], $0x2000, $0x38;
	[tilespmem:$0x1A400] =	vst v63  }
0x26: {  	_ =	swait.ge [sflag:s31], $0x2000  }
0x27: {  	[sflag:s31] =	ssyncset.done $0x0  }
0x28: {  	[sflag:s31] =	ssyncadd.s32 $0xFFFFE000  }
0x29: {  	[spmem:s9] =	stream.linear.scatter [tilespmem:s1], [sflag:$0x3], $0x2000, $0x38;
	[tilespmem:$0x1A400] =	vst v63  }
0x2a: {  	_ =	swait.ge [sflag:s31], $0x2000  }
0x2b: {  	[sflag:s31] =	ssyncset.done $0x0  }
0x2c: {  	[sflag:s31] =	ssyncadd.s32 $0xFFFFE000  }
0x2d: {  	[spmem:s10] =	stream.linear.scatter [tilespmem:s1], [sflag:$0x3], $0x2000, $0x38;
	[tilespmem:$0x1A400] =	vst v63  }
0x2e: {  	_ =	swait.ge [sflag:s31], $0x2000  }
0x2f: {  	[sflag:s31] =	ssyncset.done $0x0  }
0x30: {  	[sflag:s31] =	ssyncadd.s32 $0xFFFFE000  }
0x31: {  	[spmem:s11] =	stream.linear.scatter [tilespmem:s1], [sflag:$0x3], $0x2000, $0x38;
	[tilespmem:$0x1A400] =	vst v63  }
0x32: {  	_ =	swait.ge [sflag:s31], $0x2000  }
0x33: {  	[sflag:s31] =	ssyncset.done $0x0  }
0x34: {  	[sflag:s31] =	ssyncadd.s32 $0xFFFFE000  }
0x35: {  	[spmem:s12] =	stream.linear.scatter [tilespmem:s1], [sflag:$0x3], $0x2000, $0x38;
	[tilespmem:$0x1A400] =	vst v63  }
0x36: {  	_ =	swait.ge [sflag:s31], $0x2000  }
0x37: {  	[sflag:s31] =	ssyncset.done $0x0  }
0x38: {  	[sflag:s31] =	ssyncadd.s32 $0xFFFFE000  }
0x39: {  	[spmem:s26] =	stream.linear.scatter [tilespmem:s1], [sflag:$0x3], $0x2000, $0x38;
	[tilespmem:$0x1A400] =	vst v63  }
0x3a: {  	_ =	swait.ge [sflag:s31], $0x2000  }
0x3b: {  	[sflag:s31] =	ssyncset.done $0x0  }
0x3c: {  	[sflag:s31] =	ssyncadd.s32 $0xFFFFE000  }
0x3d: {  	[spmem:s28] =	stream.linear.scatter [tilespmem:s1], [sflag:$0x3], $0x2000, $0x38;
	[tilespmem:$0x1A400] =	vst v63  }
0x3e: {  	_ =	swait.ge [sflag:s31], $0x2000  }
0x3f: {  	[sflag:s31] =	ssyncset.done $0x0  }
0x40: {  	[sflag:s31] =	ssyncadd.s32 $0xFFFFE000  }
0x41: {  	[spmem:s29] =	stream.linear.scatter [tilespmem:s1], [sflag:$0x3], $0x2000, $0x38;
	[tilespmem:$0x1A400] =	vst v63  }
0x42: {  	_ =	swait.ge [sflag:s31], $0x2000  }
0x43: {  	[sflag:s31] =	ssyncset.done $0x0  }
0x44: {  	[sflag:s31] =	ssyncadd.s32 $0xFFFFE000  }
0x45: {  	[spmem:s30] =	stream.linear.scatter [tilespmem:s1], [sflag:$0x3], $0x2000, $0x38;
	[tilespmem:$0x1A400] =	vst v63  }
0x46: {  	_ =	swait.ge [sflag:s31], $0x2000  }
0x47: {  	[sflag:s31] =	ssyncset.done $0x0  }
0x48: {  	[sflag:s31] =	ssyncadd.s32 $0xFFFFE000  }
0x49: {  	[bflag:$0x0] =	sbarrier.arrive $0xFFFF  }
0x4a: {  	[tilespmem:s4], [sflag:$0x3] =	stream.linear.gather [hbm4b:s25+s4], $0x400, $0x38;
	[tilespmem:$0x1A400] =	vst v63  }
0x4b: {  	_ =	swait.ge [sflag:s31], $0x400  }
0x4c: {  	[sflag:s31] =	ssyncset.done $0x0  }
0x4d: {  	[sflag:s31] =	ssyncadd.s32 $0xFFFFFC00  }
0x4e: {  	[spmem:s3] =	stream.indirect.scatter.add.f32 [tilespmem:s14], [sflag:$0x1], $0x80, s4, s0, $0xb8;
	[tilespmem:$0x1A400] =	vst v63  }
0x4f: {  	_ = 	snop  }
0x50: {  	[spmem:s3] =	stream.indirect.scatter.add.f32 [tilespmem:s14], [sflag:$0x2], $0x80, s0, s0, $0xb8;
	[tilespmem:$0x1A400] =	vst v63  }
0x51: {  	s21 =	sand.u32 $0x3, s2;
	_ =	swait.ge [sflag:s2], $0x4000  }
0x52: {  	p0 =	sne.s32 s21, $0x0;
	[sflag:s2] =	ssyncset.done $0x0  }
0x53: {  	s16 =	sadd.s32 @!p0 $0x0, s13;
	[sflag:s2] =	ssyncadd.s32 $0xFFFFC000  }
0x54: {  	s16 =	sshll.u32 @!p0 s16, $0x7;
	_ =	swait.ge [sflag:s6], $0x4000  }
0x55: {  	s17 =	simm.s32 @!p0 $0x3;
	s16 =	sand.u32 @!p0 $0x1FFFFF80, s16;
	[sflag:s6] =	ssyncset.done $0x0  }
0x56: {  	s18 =	simm.s32 @!p0 $0x0;
	s16 =	sadd.s32 @!p0 s5, s16;
	[sflag:s6] =	ssyncadd.s32 $0xFFFFC000  }
0x57: {  	[tilespmem:s18], [sflag:$0x3] =	stream.linear.gather @!p0 [hbm4b:s16+s18], $0x400, $0x38;
	[tilespmem:$0x1A400] =	vst v63  }
0x58: {  	_ =	swait.ge @!p0 [sflag:s17], $0x400  }
0x59: {  	s22 =	simm.s32 $0x100;
	s19 =	simm.s32 $0x3;
	[sflag:s17] =	ssyncset.done @!p0 $0x0  }
0x5a: {  	s18 =	simm.s32 $0x2;
	s16 =	sand.u32 $0x300, s22;
	[sflag:s17] =	ssyncadd.s32 @!p0 $0xFFFFFC00  }
0x5b: {  	[spmem:s3] =	stream.indirect.scatter.add.f32 [tilespmem:s14], [sflag:$0x1], $0x80, s16, s0, $0xb8;
	[tilespmem:$0x1A400] =	vst v63  }
0x5c: {  	s20 =	sor.u32 $0x80, s16;
	s17 =	sand.u32 $0x3, s18;
	s16 =	simm.s32 $0x800  }
.LBB2_2:
0x5d: {  	[spmem:s3] =	stream.indirect.scatter.add.f32 [tilespmem:s14], [sflag:$0x2], $0x80, s20, s0, $0xb8;
	[tilespmem:$0x1A400] =	vst v63  }
0x5e: {  	s20 =	smov.u32 s19  }
0x5f: {  	p0 =	sne.s32 s17, $0x0;
	s17 =	sand.u32 $0x3, s19;
	_ =	swait.ge [sflag:s2], $0x4000  }
0x60: {  	s19 =	sadd.s32 $0x1, s19;
	s18 =	sshrl.u32 @!p0 s18, $0x2;
	[sflag:s2] =	ssyncset.done $0x0  }
0x61: {  	p1 =	sne.s32 s19, $0x28;
	s18 =	sadd.s32 @!p0 s13, s18;
	[sflag:s2] =	ssyncadd.s32 $0xFFFFC000  }
0x62: {  	s21 =	sshll.u32 @!p0 s18, $0x7;
	s18 =	smov.u32 s20;
	_ =	swait.ge [sflag:s6], $0x4000  }
0x63: {  	s20 =	sand.u32 @!p0 $0x1FFFFF80, s21;
	s21 =	simm.s32 @!p0 $0x3;
	[sflag:s6] =	ssyncset.done $0x0  }
0x64: {  	s22 =	simm.s32 @!p0 $0x0;
	s20 =	sadd.s32 @!p0 s5, s20;
	[sflag:s6] =	ssyncadd.s32 $0xFFFFC000  }
0x65: {  	[tilespmem:s22], [sflag:$0x3] =	stream.linear.gather @!p0 [hbm4b:s20+s22], $0x400, $0x38;
	[tilespmem:$0x1A400] =	vst v63  }
.Ltmp0:
0x66: {  	_ =	swait.ge @!p0 [sflag:s21], $0x400;
	(pc) =	sbr.rel @p1 .LBB2_2-.Ltmp0, $4  }
0x67: {  	s20 =	sshrl.u32 s16, $0x2;
	[sflag:s21] =	ssyncset.done @!p0 $0x0  }
0x68: {  	s20 =	sand.u32 $0x300, s20;
	[sflag:s21] =	ssyncadd.s32 @!p0 $0xFFFFFC00  }
0x69: {  	[spmem:s3] =	stream.indirect.scatter.add.f32 [tilespmem:s14], [sflag:$0x1], $0x80, s20, s0, $0xb8;
	[tilespmem:$0x1A400] =	vst v63  }
0x6a: {  	s16 =	sadd.s32 $0x400, s16;
	s20 =	sor.u32 $0x80, s20  }
0x6b: {  	[spmem:s3] =	stream.indirect.scatter.add.f32 [tilespmem:s14], [sflag:$0x2], $0x80, s20, s0, $0xb8;
	[tilespmem:$0x1A400] =	vst v63  }
0x6c: {  	p0 =	sne.s32 s17, $0x0;
	_ =	swait.ge [sflag:s2], $0x4000  }
0x6d: {  	s17 =	sshrl.u32 @!p0 s18, $0x2;
	[sflag:s2] =	ssyncset.done $0x0  }
0x6e: {  	s17 =	sadd.s32 @!p0 s13, s17;
	[sflag:s2] =	ssyncadd.s32 $0xFFFFC000  }
0x6f: {  	s17 =	sshll.u32 @!p0 s17, $0x7;
	_ =	swait.ge [sflag:s6], $0x4000  }
0x70: {  	s17 =	sand.u32 @!p0 $0x1FFFFF80, s17;
	[sflag:s6] =	ssyncset.done $0x0  }
0x71: {  	s18 =	simm.s32 @!p0 $0x0;
	s17 =	sadd.s32 @!p0 s5, s17;
	[sflag:s6] =	ssyncadd.s32 $0xFFFFC000  }
0x72: {  	[tilespmem:s18], [sflag:$0x3] =	stream.linear.gather @!p0 [hbm4b:s17+s18], $0x400, $0x38;
	[tilespmem:$0x1A400] =	vst v63  }
0x73: {  	s17 =	simm.s32 @!p0 $0x3  }
0x74: {  	_ =	swait.ge @!p0 [sflag:s17], $0x400  }
0x75: {  	s16 =	sshrl.u32 s16, $0x2;
	[sflag:s17] =	ssyncset.done @!p0 $0x0  }
0x76: {  	s16 =	sand.u32 $0x300, s16;
	[sflag:s17] =	ssyncadd.s32 @!p0 $0xFFFFFC00  }
0x77: {  	[spmem:s3] =	stream.indirect.scatter.add.f32 [tilespmem:s14], [sflag:$0x1], $0x80, s16, s0, $0xb8;
	[tilespmem:$0x1A400] =	vst v63  }
0x78: {  	s16 =	sor.u32 $0x80, s16  }
0x79: {  	[spmem:s3] =	stream.indirect.scatter.add.f32 [tilespmem:s14], [sflag:$0x2], $0x80, s16, s0, $0xb8;
	[tilespmem:$0x1A400] =	vst v63  }
0x7a: {  	_ =	swait.ge [sflag:s2], $0x4000  }
0x7b: {  	[sflag:s2] =	ssyncset.done $0x0  }
0x7c: {  	[sflag:s2] =	ssyncadd.s32 $0xFFFFC000  }
0x7d: {  	_ =	swait.ge [sflag:s6], $0x4000  }
0x7e: {  	[sflag:s6] =	ssyncset.done $0x0  }
0x7f: {  	[sflag:s6] =	ssyncadd.s32 $0xFFFFC000  }
0x80: {  	[bflag:$0x0] =	sbarrier.arrive $0xFFFF  }
0x81: {  	[tilespmem:s1], [sflag:$0x3] =	stream.linear.gather [spmem:s7], $0x2000, $0x38;
	[tilespmem:$0x1A400] =	vst v63  }
0x82: {  	_ =	swait.ge [sflag:s31], $0x2000  }
0x83: {  	[sflag:s31] =	ssyncset.done $0x0  }
0x84: {  	s20 =	rddreg [dreg:$0x5];
	[sflag:s31] =	ssyncadd.s32 $0xFFFFE000  }
0x85: {  	[hbm4b:s20+s4] =	stream.linear.scatter [tilespmem:s1], [sflag:$0x3], $0x2000, $0x38;
	[tilespmem:$0x1A400] =	vst v63  }
0x86: {  	_ =	swait.ge [sflag:s31], $0x2000  }
0x87: {  	[sflag:s31] =	ssyncset.done $0x0  }
0x88: {  	[sflag:s31] =	ssyncadd.s32 $0xFFFFE000  }
0x89: {  	[tilespmem:s1], [sflag:$0x3] =	stream.linear.gather [spmem:s8], $0x2000, $0x38;
	[tilespmem:$0x1A400] =	vst v63  }
0x8a: {  	_ =	swait.ge [sflag:s31], $0x2000  }
0x8b: {  	[sflag:s31] =	ssyncset.done $0x0  }
0x8c: {  	s21 =	rddreg [dreg:$0x6];
	[sflag:s31] =	ssyncadd.s32 $0xFFFFE000  }
0x8d: {  	[hbm4b:s21+s4] =	stream.linear.scatter [tilespmem:s1], [sflag:$0x3], $0x2000, $0x38;
	[tilespmem:$0x1A400] =	vst v63  }
0x8e: {  	_ =	swait.ge [sflag:s31], $0x2000  }
0x8f: {  	[sflag:s31] =	ssyncset.done $0x0  }
0x90: {  	[sflag:s31] =	ssyncadd.s32 $0xFFFFE000  }
0x91: {  	[tilespmem:s1], [sflag:$0x3] =	stream.linear.gather [spmem:s9], $0x2000, $0x38;
	[tilespmem:$0x1A400] =	vst v63  }
0x92: {  	_ =	swait.ge [sflag:s31], $0x2000  }
0x93: {  	[sflag:s31] =	ssyncset.done $0x0  }
0x94: {  	s22 =	rddreg [dreg:$0x7];
	[sflag:s31] =	ssyncadd.s32 $0xFFFFE000  }
0x95: {  	[hbm4b:s22+s4] =	stream.linear.scatter [tilespmem:s1], [sflag:$0x3], $0x2000, $0x38;
	[tilespmem:$0x1A400] =	vst v63  }
0x96: {  	_ =	swait.ge [sflag:s31], $0x2000  }
0x97: {  	[sflag:s31] =	ssyncset.done $0x0  }
0x98: {  	[sflag:s31] =	ssyncadd.s32 $0xFFFFE000  }
0x99: {  	[tilespmem:s1], [sflag:$0x3] =	stream.linear.gather [spmem:s10], $0x2000, $0x38;
	[tilespmem:$0x1A400] =	vst v63  }
0x9a: {  	_ =	swait.ge [sflag:s31], $0x2000  }
0x9b: {  	[sflag:s31] =	ssyncset.done $0x0  }
0x9c: {  	s17 =	rddreg [dreg:$0x8];
	[sflag:s31] =	ssyncadd.s32 $0xFFFFE000  }
0x9d: {  	[hbm4b:s17+s4] =	stream.linear.scatter [tilespmem:s1], [sflag:$0x3], $0x2000, $0x38;
	[tilespmem:$0x1A400] =	vst v63  }
0x9e: {  	_ =	swait.ge [sflag:s31], $0x2000  }
0x9f: {  	[sflag:s31] =	ssyncset.done $0x0  }
0xa0: {  	[sflag:s31] =	ssyncadd.s32 $0xFFFFE000  }
0xa1: {  	[tilespmem:s1], [sflag:$0x3] =	stream.linear.gather [spmem:s11], $0x2000, $0x38;
	[tilespmem:$0x1A400] =	vst v63  }
0xa2: {  	_ =	swait.ge [sflag:s31], $0x2000  }
0xa3: {  	[sflag:s31] =	ssyncset.done $0x0  }
0xa4: {  	s18 =	rddreg [dreg:$0x9];
	[sflag:s31] =	ssyncadd.s32 $0xFFFFE000  }
0xa5: {  	[hbm4b:s18+s4] =	stream.linear.scatter [tilespmem:s1], [sflag:$0x3], $0x2000, $0x38;
	[tilespmem:$0x1A400] =	vst v63  }
0xa6: {  	_ =	swait.ge [sflag:s31], $0x2000  }
0xa7: {  	[sflag:s31] =	ssyncset.done $0x0  }
0xa8: {  	[sflag:s31] =	ssyncadd.s32 $0xFFFFE000  }
0xa9: {  	[tilespmem:s1], [sflag:$0x3] =	stream.linear.gather [spmem:s12], $0x2000, $0x38;
	[tilespmem:$0x1A400] =	vst v63  }
0xaa: {  	_ =	swait.ge [sflag:s31], $0x2000  }
0xab: {  	[sflag:s31] =	ssyncset.done $0x0  }
0xac: {  	s19 =	rddreg [dreg:$0xa];
	[sflag:s31] =	ssyncadd.s32 $0xFFFFE000  }
0xad: {  	[hbm4b:s19+s4] =	stream.linear.scatter [tilespmem:s1], [sflag:$0x3], $0x2000, $0x38;
	[tilespmem:$0x1A400] =	vst v63  }
0xae: {  	_ =	swait.ge [sflag:s31], $0x2000  }
0xaf: {  	[sflag:s31] =	ssyncset.done $0x0  }
0xb0: {  	[sflag:s31] =	ssyncadd.s32 $0xFFFFE000  }
0xb1: {  	[tilespmem:s1], [sflag:$0x3] =	stream.linear.gather [spmem:s26], $0x2000, $0x38;
	[tilespmem:$0x1A400] =	vst v63  }
0xb2: {  	_ =	swait.ge [sflag:s31], $0x2000  }
0xb3: {  	[sflag:s31] =	ssyncset.done $0x0  }
0xb4: {  	s20 =	rddreg [dreg:$0xb];
	[sflag:s31] =	ssyncadd.s32 $0xFFFFE000  }
0xb5: {  	[hbm4b:s20+s4] =	stream.linear.scatter [tilespmem:s1], [sflag:$0x3], $0x2000, $0x38;
	[tilespmem:$0x1A400] =	vst v63  }
0xb6: {  	_ =	swait.ge [sflag:s31], $0x2000  }
0xb7: {  	[sflag:s31] =	ssyncset.done $0x0  }
0xb8: {  	[sflag:s31] =	ssyncadd.s32 $0xFFFFE000  }
0xb9: {  	[tilespmem:s1], [sflag:$0x3] =	stream.linear.gather [spmem:s28], $0x2000, $0x38;
	[tilespmem:$0x1A400] =	vst v63  }
0xba: {  	_ =	swait.ge [sflag:s31], $0x2000  }
0xbb: {  	[sflag:s31] =	ssyncset.done $0x0  }
0xbc: {  	s21 =	rddreg [dreg:$0xc];
	[sflag:s31] =	ssyncadd.s32 $0xFFFFE000  }
0xbd: {  	[hbm4b:s21+s4] =	stream.linear.scatter [tilespmem:s1], [sflag:$0x3], $0x2000, $0x38;
	[tilespmem:$0x1A400] =	vst v63  }
0xbe: {  	_ =	swait.ge [sflag:s31], $0x2000  }
0xbf: {  	[sflag:s31] =	ssyncset.done $0x0  }
0xc0: {  	[sflag:s31] =	ssyncadd.s32 $0xFFFFE000  }
0xc1: {  	[tilespmem:s1], [sflag:$0x3] =	stream.linear.gather [spmem:s29], $0x2000, $0x38;
	[tilespmem:$0x1A400] =	vst v63  }
0xc2: {  	_ =	swait.ge [sflag:s31], $0x2000  }
0xc3: {  	[sflag:s31] =	ssyncset.done $0x0  }
0xc4: {  	s22 =	rddreg [dreg:$0xd];
	[sflag:s31] =	ssyncadd.s32 $0xFFFFE000  }
0xc5: {  	[hbm4b:s22+s4] =	stream.linear.scatter [tilespmem:s1], [sflag:$0x3], $0x2000, $0x38;
	[tilespmem:$0x1A400] =	vst v63  }
0xc6: {  	_ =	swait.ge [sflag:s31], $0x2000  }
0xc7: {  	[sflag:s31] =	ssyncset.done $0x0  }
0xc8: {  	[sflag:s31] =	ssyncadd.s32 $0xFFFFE000  }
0xc9: {  	[tilespmem:s1], [sflag:$0x3] =	stream.linear.gather [spmem:s30], $0x2000, $0x38;
	[tilespmem:$0x1A400] =	vst v63  }
0xca: {  	s15 =	sadd.s32 $0x1, s15;
	_ =	swait.ge [sflag:s31], $0x2000  }
0xcb: {  	p0 =	sne.s32 s15, s24;
	[sflag:s31] =	ssyncset.done $0x0  }
.Ltmp1:
0xcc: {  	[sflag:s31] =	ssyncadd.s32 $0xFFFFE000;
	(pc) =	sbr.rel @p0 .LBB2_1-.Ltmp1, $4  }
0xcd: {  	[hbm4b:s23+s4] =	stream.linear.scatter [tilespmem:s1], [sflag:$0x3], $0x2000, $0x38;
	[tilespmem:$0x1A400] =	vst v63  }
0xce: {  	_ =	swait.ge [sflag:s31], $0x2000  }
0xcf: {  	[sflag:s31] =	ssyncset.done $0x0  }
0xd0: {  	[sflag:s31] =	ssyncadd.s32 $0xFFFFE000  }
0xd1: {  	_ =	sfence.sel $0x180000  }
0xd2: {  	[bflag:$0x0] =	sbarrier.arrive $0xFFFF  }
0xd3: {  	_ =	strace $0x90000047  }
0xd4: {  	s0 =	stileid.u32;
	[bflag:$0x2] =	sbarrier.arrive $0xFFFF  }
0xd5: {  	p0 =	sne.s32 s0, $0x0;
	s0 =	rddreg [dreg:$0x3]  }
0xd6: {  	s0 =	sadd.s32 @!p0 $0x100000, s0  }
0xd7: {  	[sflag:s0] =	ssyncadd.tile.s32 @!p0 $0x1;
	_ =	shalt  }
.Lfunc_end2:
_tile_overlayer_lowered:
.L_overlay_start_2:
0xd8: {  	(tag) =	ssettag $0x2  }
0xd9: {  	s0 =	rddreg [dreg:$0x0];
	s2 =	stileid.u32  }
0xda: {  	s1 =	rddreg [dreg:$0x1];
	p0 =	sne.s32 s2, $0x0  }
0xdb: {  	s3 =	rddreg [dreg:$0x2];
	[bflag:$0x3] =	sbarrier.arrive $0xFFFF;
	s2 =	simm.s32 @!p0 $0x1C03  }
0xdc: {  	[timem:s3], [sflag:s2] =	dma.local @!p0 [hbm:s0], s1  }
0xdd: {  	s0 =	simm.s32 @!p0 $0x3  }
0xde: {  	_ =	swait.ge @!p0 [sflag:s0], s1  }
0xdf: {  	s1 =	ssub.s32 @!p0 $0x0, s1;
	[sflag:s0] =	ssyncset.done @!p0 $0x0  }
0xe0: {  	[sflag:s0] =	ssyncadd.s32 @!p0 s1  }
0xe1: {  	[bflag:$0x3] =	sbarrier.arrive $0xFFFF  }
0xe2: {  	_ =	shalt  }

</sc_bundles>
